<compile_context>
chip_gen: v7x
topology: tpu7x:2x2x1
jax: 0.10.2.dev20260603
libtpu: 0.0.44.dev20260713+nightly
codegen_flags: <defaults>
</compile_context>

<pallas_src>
import jax
import jax.numpy as jnp
from jax import lax
from jax.experimental import pallas as pl
from jax.experimental.pallas import tpu as pltpu
from jax.experimental.pallas import tpu_sc as plsc

NC, NS, L = 2, 16, 16
NW = NC * NS
BLK = 128
CB = 16
B = CB * BLK
GPB = BLK // L
ROWW = 8


def _build(E, N):
    assert E % B == 0
    nblk = E // BLK
    chunks = E // B
    T = (chunks + NW - 1) // NW
    T2 = (T + 1) // 2

    mesh = plsc.VectorSubcoreMesh(core_axis_name="c", subcore_axis_name="s")

    def body(pos_hbm, bond_hbm, pbc_hbm, lat_hbm, out_hbm,
             bond0, bond1, posi0, posj0, posi1, posj1,
             pbc0, pbc1, o0, o1, lat_v,
             sb0, sb1, sg0, sg1, sp0, sp1, sw0, sw1):
        bondb, posib, posjb = [bond0, bond1], [posi0, posi1], [posj0, posj1]
        pbcb, outb = [pbc0, pbc1], [o0, o1]
        sb, sg, sp, sw = [sb0, sb1], [sg0, sg1], [sp0, sp1], [sw0, sw1]

        wid = lax.axis_index("s") * NC + lax.axis_index("c")
        iota = lax.iota(jnp.int32, L)
        pltpu.sync_copy(lat_hbm, lat_v)
        lb = [[plsc.load_gather(lat_v, [(3 * k + d) * L + iota])
               for d in range(3)] for k in range(3)]
        dvecs = [jnp.full((L,), d, jnp.int32) for d in range(3)]

        def bond_sl(c):
            return bond_hbm.at[pl.ds(c * 2 * CB, 2 * CB)]

        def pbc_sl(c):
            return pbc_hbm.at[pl.ds(c * 3 * CB, 3 * CB)]

        def out_sl(c):
            return out_hbm.at[pl.ds(c * 4 * CB, 4 * CB)]

        def fire_bond(c, p):
            @pl.when(c < chunks)
            def _():
                pltpu.async_copy(bond_sl(c), bondb[p], sb[p])

        def wait_bond(c, p):
            @pl.when(c < chunks)
            def _():
                pltpu.make_async_copy(bond_sl(c), bondb[p], sb[p]).wait()

        def fire_pbc(c, p):
            @pl.when(c < chunks)
            def _():
                pltpu.async_copy(pbc_sl(c), pbcb[p], sp[p])

        def wait_pbc(c, p):
            @pl.when(c < chunks)
            def _():
                pltpu.make_async_copy(pbc_sl(c), pbcb[p], sp[p]).wait()

        def fire_gathers(c, p):
            @pl.when(c < chunks)
            def _():
                for b in range(CB):
                    sl = pl.ds(b * BLK, BLK)
                    pltpu.async_copy(
                        pos_hbm.at[bondb[p].at[2 * b]], posib[p].at[sl], sg[p])
                    pltpu.async_copy(
                        pos_hbm.at[bondb[p].at[2 * b + 1]], posjb[p].at[sl], sg[p])

        def wait_gathers(c, p):
            @pl.when(c < chunks)
            def _():
                for b in range(CB):
                    sl = pl.ds(b * BLK, BLK)
                    pltpu.make_async_copy(
                        pos_hbm.at[bondb[p].at[2 * b]], posib[p].at[sl], sg[p]).wait()
                    pltpu.make_async_copy(
                        pos_hbm.at[bondb[p].at[2 * b + 1]], posjb[p].at[sl], sg[p]).wait()

        def fire_write(c, p):
            @pl.when(c < chunks)
            def _():
                pltpu.async_copy(outb[p], out_sl(c), sw[p])

        def wait_write(c, p):
            @pl.when((c >= 0) & (c < chunks))
            def _():
                pltpu.make_async_copy(outb[p], out_sl(c), sw[p]).wait()

        def compute(c, p):
            @pl.when(c < chunks)
            def _():
                pbc_v, posi, posj, out_v = pbcb[p], posib[p], posjb[p], outb[p]

                def blk_body(g, cr):
                    rp = 3 * g
                    ro = 4 * g
                    for u in range(GPB):
                        ev = g * BLK + u * L + iota
                        pk = [pbc_v[rp + k, pl.ds(u * L, L)] for k in range(3)]
                        for d in range(3):
                            pi = plsc.load_gather(posi, [ev, dvecs[d]])
                            pj = plsc.load_gather(posj, [ev, dvecs[d]])
                            off = (pk[0] * lb[0][d] + pk[1] * lb[1][d]
                                   + pk[2] * lb[2][d])
                            out_v[ro + d, pl.ds(u * L, L)] = pj - pi + off
                    return cr

                lax.fori_loop(0, CB, blk_body, 0)

        fire_bond(wid, 0)
        fire_bond(NW + wid, 1)
        fire_pbc(wid, 0)
        wait_bond(wid, 0)
        fire_gathers(wid, 0)

        def pair(i, carry):
            for half in range(2):
                k = 2 * i + half
                p, q = half, 1 - half
                c0 = k * NW + wid
                c1 = c0 + NW
                c2 = c1 + NW
                cm2 = c0 - 2 * NW
                wait_gathers(c0, p)
                wait_bond(c1, q)
                fire_gathers(c1, q)
                fire_bond(c2, p)
                wait_pbc(c0, p)
                wait_write(cm2, p)
                compute(c0, p)
                fire_write(c0, p)
                fire_pbc(c1, q)
            return carry

        lax.fori_loop(0, T2, pair, 0)

        for k in (2 * T2 - 2, 2 * T2 - 1):
            wait_write(k * NW + wid, k % 2)

    return pl.kernel(
        body,
        out_type=jax.ShapeDtypeStruct((4 * nblk, BLK), jnp.float32),
        mesh=mesh,
        compiler_params=pltpu.CompilerParams(
            needs_layout_passes=False, use_tc_tiling_on_sc=False),
        scratch_types=[
            pltpu.VMEM((2 * CB, BLK), jnp.int32),
            pltpu.VMEM((2 * CB, BLK), jnp.int32),
            pltpu.VMEM((B, ROWW), jnp.float32),
            pltpu.VMEM((B, ROWW), jnp.float32),
            pltpu.VMEM((B, ROWW), jnp.float32),
            pltpu.VMEM((B, ROWW), jnp.float32),
            pltpu.VMEM((3 * CB, BLK), jnp.float32),
            pltpu.VMEM((3 * CB, BLK), jnp.float32),
            pltpu.VMEM((4 * CB, BLK), jnp.float32),
            pltpu.VMEM((4 * CB, BLK), jnp.float32),
            pltpu.VMEM((9 * L,), jnp.float32),
            pltpu.SemaphoreType.DMA,
            pltpu.SemaphoreType.DMA,
            pltpu.SemaphoreType.DMA,
            pltpu.SemaphoreType.DMA,
            pltpu.SemaphoreType.DMA,
            pltpu.SemaphoreType.DMA,
            pltpu.SemaphoreType.DMA,
            pltpu.SemaphoreType.DMA,
        ],
    )


def kernel(atom_positions, bond_atom_indices, pbc_offsets, lattice):
    E = bond_atom_indices.shape[0]
    N = atom_positions.shape[0]
    nblk = E // BLK
    pos8 = jnp.pad(atom_positions, ((0, 0), (0, ROWW - 3)))
    bond2 = (bond_atom_indices.astype(jnp.int32)
             .reshape(nblk, BLK, 2).transpose(0, 2, 1).reshape(2 * nblk, BLK))
    pbc2 = pbc_offsets.reshape(nblk, BLK, 3).transpose(0, 2, 1).reshape(3 * nblk, BLK)
    latb = jnp.broadcast_to(lattice.reshape(9)[:, None], (9, L)).reshape(9 * L)
    fn = _build(E, N)
    out4 = fn(pos8, bond2, pbc2, latb)
    return (out4.reshape(nblk, 4, BLK)[:, :3, :]
            .transpose(0, 2, 1).reshape(E, 3))

# --- scband reference (transcript-rebuilt; emitter-appended) ---
"""Pipeline reference for scband-pair-vector-53558242181353 (READ-ONLY COPY).

The authoritative reference and input builder live on the scoring server;
editing this copy changes nothing except your own understanding.
"""

import jax, jax.numpy as jnp
import numpy as np

N_NODES = 100000
N_EDGES = 6400000


def setup_inputs(seed: int = 0) -> dict:
    key = jax.random.key(seed)
    k1, k2, k3, k4 = jax.random.split(key, 4)
    atom_positions = jax.random.normal(k1, (N_NODES, 3), dtype=jnp.float32)
    bond_atom_indices = jax.random.randint(k2, (N_EDGES, 2), 0, N_NODES).astype(jnp.int64)
    pbc_offsets = jax.random.normal(k3, (N_EDGES, 3), dtype=jnp.float32)
    lattice = jax.random.normal(k4, (3, 3), dtype=jnp.float32)
    return {
        "atom_positions": atom_positions,
        "bond_atom_indices": bond_atom_indices,
        "pbc_offsets": pbc_offsets,
        "lattice": lattice,
    }


def reference(atom_positions, bond_atom_indices, pbc_offsets, lattice):
    # get_pair_vector_from_graph: pair vector = r_j + offset @ lattice - r_i
    pos_j = jnp.take(atom_positions, bond_atom_indices[:, 1], axis=0)
    pos_i = jnp.take(atom_positions, bond_atom_indices[:, 0], axis=0)
    offset_cart = pbc_offsets @ lattice
    return pos_j + offset_cart - pos_i

if __name__ == "__main__":
    import jax
    _d = setup_inputs()
    print(jax.jit(kernel)(*tuple(_d.values())))

</pallas_src>

<mosaic_0001>
#map = affine_map<(d0, d1) -> (0, 0)>
#map1 = affine_map<(d0, d1) -> (0)>
module attributes {stable_mosaic.version = 14 : i64} {
  func.func @body(%arg0: i32, %arg1: i32, %arg2: memref<100000x8xf32, #tpu.memory_space<hbm>>, %arg3: memref<100000x128xi32, #tpu.memory_space<hbm>>, %arg4: memref<150000x128xf32, #tpu.memory_space<hbm>>, %arg5: memref<144xf32, #tpu.memory_space<hbm>>, %arg6: memref<200000x128xf32, #tpu.memory_space<hbm>>, %arg7: memref<32x128xi32, #tpu.memory_space<vmem>>, %arg8: memref<32x128xi32, #tpu.memory_space<vmem>>, %arg9: memref<2048x8xf32, #tpu.memory_space<vmem>>, %arg10: memref<2048x8xf32, #tpu.memory_space<vmem>>, %arg11: memref<2048x8xf32, #tpu.memory_space<vmem>>, %arg12: memref<2048x8xf32, #tpu.memory_space<vmem>>, %arg13: memref<48x128xf32, #tpu.memory_space<vmem>>, %arg14: memref<48x128xf32, #tpu.memory_space<vmem>>, %arg15: memref<64x128xf32, #tpu.memory_space<vmem>>, %arg16: memref<64x128xf32, #tpu.memory_space<vmem>>, %arg17: memref<144xf32, #tpu.memory_space<vmem>>, %arg18: memref<!tpu.dma_semaphore, #tpu.memory_space<semaphore_mem>>, %arg19: memref<!tpu.dma_semaphore, #tpu.memory_space<semaphore_mem>>, %arg20: memref<!tpu.dma_semaphore, #tpu.memory_space<semaphore_mem>>, %arg21: memref<!tpu.dma_semaphore, #tpu.memory_space<semaphore_mem>>, %arg22: memref<!tpu.dma_semaphore, #tpu.memory_space<semaphore_mem>>, %arg23: memref<!tpu.dma_semaphore, #tpu.memory_space<semaphore_mem>>, %arg24: memref<!tpu.dma_semaphore, #tpu.memory_space<semaphore_mem>>, %arg25: memref<!tpu.dma_semaphore, #tpu.memory_space<semaphore_mem>>) attributes {dimension_semantics = [#tpu.dimension_semantics<core_parallel>, #tpu.dimension_semantics<subcore_parallel>], iteration_bounds = array<i64: 2, 16>, scalar_prefetch = 0 : i64, scratch_operands = 19 : i64, tpu.core_type = #tpu.core_type<sc_vector_subcore>, window_params = [{transform_indices = #map}, {transform_indices = #map}, {transform_indices = #map}, {transform_indices = #map1}, {transform_indices = #map}]} {
    %mul3A = arith.constant 2 : i32
    %mul3A_0 = arith.muli %arg1, %mul3A : i32
    %add3A = arith.addi %mul3A_0, %arg0 : i32
    %iota3A = tpu.iota {dimensions = array<i32: 0>} : vector<16xi32>
    "tpu.region"() ({
      %run_scoped3A = tpu.sem_alloc : memref<!tpu.dma_semaphore, #tpu.memory_space<semaphore_mem>>
      tpu.enqueue_dma source(%arg5 : memref<144xf32, #tpu.memory_space<hbm>>) target(%arg17 : memref<144xf32, #tpu.memory_space<vmem>>) target_semaphore(%run_scoped3A : memref<!tpu.dma_semaphore, #tpu.memory_space<semaphore_mem>>)
      tpu.wait_dma2 semaphore(%run_scoped3A : memref<!tpu.dma_semaphore, #tpu.memory_space<semaphore_mem>>) src(%arg5 : memref<144xf32, #tpu.memory_space<hbm>>) dst(%arg17 : memref<144xf32, #tpu.memory_space<vmem>>)
      tpu.yield
    }) : () -> ()
    %add3A_1 = arith.constant 0 : i32
    %add3A_2 = vector.broadcast %add3A_1 : i32 to vector<16xi32>
    %add3A_3 = arith.addi %add3A_2, %iota3A : vector<16xi32>
    %gather3A = tpu.vector_load_idx %arg17[%add3A_3] : memref<144xf32, #tpu.memory_space<vmem>>[vector<16xi32>], vector<16xf32>,
    %add3A_4 = arith.constant 16 : i32
    %add3A_5 = vector.broadcast %add3A_4 : i32 to vector<16xi32>
    %add3A_6 = arith.addi %add3A_5, %iota3A : vector<16xi32>
    %gather3A_7 = tpu.vector_load_idx %arg17[%add3A_6] : memref<144xf32, #tpu.memory_space<vmem>>[vector<16xi32>], vector<16xf32>,
    %add3A_8 = arith.constant 32 : i32
    %add3A_9 = vector.broadcast %add3A_8 : i32 to vector<16xi32>
    %add3A_10 = arith.addi %add3A_9, %iota3A : vector<16xi32>
    %gather3A_11 = tpu.vector_load_idx %arg17[%add3A_10] : memref<144xf32, #tpu.memory_space<vmem>>[vector<16xi32>], vector<16xf32>,
    %add3A_12 = arith.constant 48 : i32
    %add3A_13 = vector.broadcast %add3A_12 : i32 to vector<16xi32>
    %add3A_14 = arith.addi %add3A_13, %iota3A : vector<16xi32>
    %gather3A_15 = tpu.vector_load_idx %arg17[%add3A_14] : memref<144xf32, #tpu.memory_space<vmem>>[vector<16xi32>], vector<16xf32>,
    %add3A_16 = arith.constant 64 : i32
    %add3A_17 = vector.broadcast %add3A_16 : i32 to vector<16xi32>
    %add3A_18 = arith.addi %add3A_17, %iota3A : vector<16xi32>
    %gather3A_19 = tpu.vector_load_idx %arg17[%add3A_18] : memref<144xf32, #tpu.memory_space<vmem>>[vector<16xi32>], vector<16xf32>,
    %add3A_20 = arith.constant 80 : i32
    %add3A_21 = vector.broadcast %add3A_20 : i32 to vector<16xi32>
    %add3A_22 = arith.addi %add3A_21, %iota3A : vector<16xi32>
    %gather3A_23 = tpu.vector_load_idx %arg17[%add3A_22] : memref<144xf32, #tpu.memory_space<vmem>>[vector<16xi32>], vector<16xf32>,
    %add3A_24 = arith.constant 96 : i32
    %add3A_25 = vector.broadcast %add3A_24 : i32 to vector<16xi32>
    %add3A_26 = arith.addi %add3A_25, %iota3A : vector<16xi32>
    %gather3A_27 = tpu.vector_load_idx %arg17[%add3A_26] : memref<144xf32, #tpu.memory_space<vmem>>[vector<16xi32>], vector<16xf32>,
    %add3A_28 = arith.constant 112 : i32
    %add3A_29 = vector.broadcast %add3A_28 : i32 to vector<16xi32>
    %add3A_30 = arith.addi %add3A_29, %iota3A : vector<16xi32>
    %gather3A_31 = tpu.vector_load_idx %arg17[%add3A_30] : memref<144xf32, #tpu.memory_space<vmem>>[vector<16xi32>], vector<16xf32>,
    %add3A_32 = arith.constant 128 : i32
    %add3A_33 = vector.broadcast %add3A_32 : i32 to vector<16xi32>
    %add3A_34 = arith.addi %add3A_33, %iota3A : vector<16xi32>
    %gather3A_35 = tpu.vector_load_idx %arg17[%add3A_34] : memref<144xf32, #tpu.memory_space<vmem>>[vector<16xi32>], vector<16xf32>,
    %broadcast_in_dim3A = arith.constant 0 : i32
    %broadcast_in_dim3A_36 = vector.broadcast %broadcast_in_dim3A : i32 to vector<16xi32>
    %broadcast_in_dim3A_37 = arith.constant 1 : i32
    %broadcast_in_dim3A_38 = vector.broadcast %broadcast_in_dim3A_37 : i32 to vector<16xi32>
    %broadcast_in_dim3A_39 = arith.constant 2 : i32
    %broadcast_in_dim3A_40 = vector.broadcast %broadcast_in_dim3A_39 : i32 to vector<16xi32>
    %lt3A = arith.constant 3125 : i32
    %lt3A_41 = arith.cmpi slt, %add3A, %lt3A : i32
    %convert_element_type3A = arith.extui %lt3A_41 : i1 to i32
    %cond3A = arith.constant 0 : i32
    %cond3A_42 = arith.cmpi ne, %convert_element_type3A, %cond3A : i32
    scf.if %cond3A_42 {
      %mul3A_88 = arith.constant 2 : i32
      %mul3A_89 = arith.muli %add3A, %mul3A_88 : i32
      %mul3A_90 = arith.constant 16 : i32
      %mul3A_91 = arith.muli %mul3A_89, %mul3A_90 : i32
      %dma_start3A = arith.constant 0 : i32
      %dma_start3A_92 = tpu.memref_slice %arg3[%mul3A_91, %dma_start3A] : memref<100000x128xi32, #tpu.memory_space<hbm>> -> memref<32x128xi32, #tpu.memory_space<hbm>>
      %dma_start3A_93 = arith.constant 0 : i32
      %dma_start3A_94 = tpu.memref_slice %arg3[%mul3A_91, %dma_start3A_93] : memref<100000x128xi32, #tpu.memory_space<hbm>> -> memref<32x128xi32, #tpu.memory_space<hbm>>
      tpu.enqueue_dma source(%dma_start3A_94 : memref<32x128xi32, #tpu.memory_space<hbm>>) target(%arg7 : memref<32x128xi32, #tpu.memory_space<vmem>>) target_semaphore(%arg18 : memref<!tpu.dma_semaphore, #tpu.memory_space<semaphore_mem>>)
    } else {
    }
    %add3A_43 = arith.constant 32 : i32
    %add3A_44 = arith.addi %add3A_43, %add3A : i32
    %lt3A_45 = arith.constant 3125 : i32
    %lt3A_46 = arith.cmpi slt, %add3A_44, %lt3A_45 : i32
    %convert_element_type3A_47 = arith.extui %lt3A_46 : i1 to i32
    %cond3A_48 = arith.constant 0 : i32
    %cond3A_49 = arith.cmpi ne, %convert_element_type3A_47, %cond3A_48 : i32
    scf.if %cond3A_49 {
      %mul3A_88 = arith.constant 2 : i32
      %mul3A_89 = arith.muli %add3A_44, %mul3A_88 : i32
      %mul3A_90 = arith.constant 16 : i32
      %mul3A_91 = arith.muli %mul3A_89, %mul3A_90 : i32
      %dma_start3A = arith.constant 0 : i32
      %dma_start3A_92 = tpu.memref_slice %arg3[%mul3A_91, %dma_start3A] : memref<100000x128xi32, #tpu.memory_space<hbm>> -> memref<32x128xi32, #tpu.memory_space<hbm>>
      %dma_start3A_93 = arith.constant 0 : i32
      %dma_start3A_94 = tpu.memref_slice %arg3[%mul3A_91, %dma_start3A_93] : memref<100000x128xi32, #tpu.memory_space<hbm>> -> memref<32x128xi32, #tpu.memory_space<hbm>>
      tpu.enqueue_dma source(%dma_start3A_94 : memref<32x128xi32, #tpu.memory_space<hbm>>) target(%arg8 : memref<32x128xi32, #tpu.memory_space<vmem>>) target_semaphore(%arg19 : memref<!tpu.dma_semaphore, #tpu.memory_space<semaphore_mem>>)
    } else {
    }
    %lt3A_50 = arith.constant 3125 : i32
    %lt3A_51 = arith.cmpi slt, %add3A, %lt3A_50 : i32
    %convert_element_type3A_52 = arith.extui %lt3A_51 : i1 to i32
    %cond3A_53 = arith.constant 0 : i32
    %cond3A_54 = arith.cmpi ne, %convert_element_type3A_52, %cond3A_53 : i32
    scf.if %cond3A_54 {
      %mul3A_88 = arith.constant 3 : i32
      %mul3A_89 = arith.muli %add3A, %mul3A_88 : i32
      %mul3A_90 = arith.constant 16 : i32
      %mul3A_91 = arith.muli %mul3A_89, %mul3A_90 : i32
      %dma_start3A = arith.constant 0 : i32
      %dma_start3A_92 = tpu.memref_slice %arg4[%mul3A_91, %dma_start3A] : memref<150000x128xf32, #tpu.memory_space<hbm>> -> memref<48x128xf32, #tpu.memory_space<hbm>>
      %dma_start3A_93 = arith.constant 0 : i32
      %dma_start3A_94 = tpu.memref_slice %arg4[%mul3A_91, %dma_start3A_93] : memref<150000x128xf32, #tpu.memory_space<hbm>> -> memref<48x128xf32, #tpu.memory_space<hbm>>
      tpu.enqueue_dma source(%dma_start3A_94 : memref<48x128xf32, #tpu.memory_space<hbm>>) target(%arg13 : memref<48x128xf32, #tpu.memory_space<vmem>>) target_semaphore(%arg22 : memref<!tpu.dma_semaphore, #tpu.memory_space<semaphore_mem>>)
    } else {
    }
    %lt3A_55 = arith.constant 3125 : i32
    %lt3A_56 = arith.cmpi slt, %add3A, %lt3A_55 : i32
    %convert_element_type3A_57 = arith.extui %lt3A_56 : i1 to i32
    %cond3A_58 = arith.constant 0 : i32
    %cond3A_59 = arith.cmpi ne, %convert_element_type3A_57, %cond3A_58 : i32
    scf.if %cond3A_59 {
      %mul3A_88 = arith.constant 2 : i32
      %mul3A_89 = arith.muli %add3A, %mul3A_88 : i32
      %mul3A_90 = arith.constant 16 : i32
      %mul3A_91 = arith.muli %mul3A_89, %mul3A_90 : i32
      %dma_wait3A = arith.constant 0 : i32
      %dma_wait3A_92 = tpu.memref_slice %arg3[%mul3A_91, %dma_wait3A] : memref<100000x128xi32, #tpu.memory_space<hbm>> -> memref<32x128xi32, #tpu.memory_space<hbm>>
      %dma_wait3A_93 = arith.constant 0 : i32
      %dma_wait3A_94 = tpu.memref_slice %arg3[%mul3A_91, %dma_wait3A_93] : memref<100000x128xi32, #tpu.memory_space<hbm>> -> memref<32x128xi32, #tpu.memory_space<hbm>>
      tpu.wait_dma2 semaphore(%arg18 : memref<!tpu.dma_semaphore, #tpu.memory_space<semaphore_mem>>) src(%dma_wait3A_94 : memref<32x128xi32, #tpu.memory_space<hbm>>) dst(%arg7 : memref<32x128xi32, #tpu.memory_space<vmem>>)
    } else {
    }
    %lt3A_60 = arith.constant 3125 : i32
    %lt3A_61 = arith.cmpi slt, %add3A, %lt3A_60 : i32
    %convert_element_type3A_62 = arith.extui %lt3A_61 : i1 to i32
    %cond3A_63 = arith.constant 0 : i32
    %cond3A_64 = arith.cmpi ne, %convert_element_type3A_62, %cond3A_63 : i32
    scf.if %cond3A_64 {
      %dma_start3A = arith.constant 0 : i32
      %dma_start3A_88 = arith.constant 0 : i32
      %dma_start3A_89 = arith.constant 0 : i32
      %dma_start3A_90 = tpu.memref_slice %arg9[%dma_start3A_88, %dma_start3A_89] : memref<2048x8xf32, #tpu.memory_space<vmem>> -> memref<128x8xf32, #tpu.memory_space<vmem>>
      %dma_start3A_91 = arith.constant 0 : i32
      %dma_start3A_92 = tpu.memref_slice %arg7[%dma_start3A, %dma_start3A_91] : memref<32x128xi32, #tpu.memory_space<vmem>> -> memref<1x128xi32, #tpu.memory_space<vmem>>
      %dma_start3A_93 = tpu.memref_squeeze %dma_start3A_92 : memref<1x128xi32, #tpu.memory_space<vmem>> -> memref<128xi32, #tpu.memory_space<vmem>>
      %dma_start3A_94 = arith.constant 0 : i32
      %dma_start3A_95 = arith.constant 0 : i32
      %dma_start3A_96 = tpu.memref_slice %arg2[%dma_start3A_94, %dma_start3A_95] : memref<100000x8xf32, #tpu.memory_space<hbm>> -> memref<100000x8xf32, #tpu.memory_space<hbm>>
      tpu.enqueue_indirect_dma source(%dma_start3A_96 : memref<100000x8xf32, #tpu.memory_space<hbm>>) target(%dma_start3A_90 : memref<128x8xf32, #tpu.memory_space<vmem>>) offsets(%dma_start3A_93 : memref<128xi32, #tpu.memory_space<vmem>>) semaphore(%arg20 : memref<!tpu.dma_semaphore, #tpu.memory_space<semaphore_mem>>)
      %dma_start3A_97 = arith.constant 1 : i32
      %dma_start3A_98 = arith.constant 0 : i32
      %dma_start3A_99 = arith.constant 0 : i32
      %dma_start3A_100 = tpu.memref_slice %arg10[%dma_start3A_98, %dma_start3A_99] : memref<2048x8xf32, #tpu.memory_space<vmem>> -> memref<128x8xf32, #tpu.memory_space<vmem>>
      %dma_start3A_101 = arith.constant 0 : i32
      %dma_start3A_102 = tpu.memref_slice %arg7[%dma_start3A_97, %dma_start3A_101] : memref<32x128xi32, #tpu.memory_space<vmem>> -> memref<1x128xi32, #tpu.memory_space<vmem>>
      %dma_start3A_103 = tpu.memref_squeeze %dma_start3A_102 : memref<1x128xi32, #tpu.memory_space<vmem>> -> memref<128xi32, #tpu.memory_space<vmem>>
      %dma_start3A_104 = arith.constant 0 : i32
      %dma_start3A_105 = arith.constant 0 : i32
      %dma_start3A_106 = tpu.memref_slice %arg2[%dma_start3A_104, %dma_start3A_105] : memref<100000x8xf32, #tpu.memory_space<hbm>> -> memref<100000x8xf32, #tpu.memory_space<hbm>>
      tpu.enqueue_indirect_dma source(%dma_start3A_106 : memref<100000x8xf32, #tpu.memory_space<hbm>>) target(%dma_start3A_100 : memref<128x8xf32, #tpu.memory_space<vmem>>) offsets(%dma_start3A_103 : memref<128xi32, #tpu.memory_space<vmem>>) semaphore(%arg20 : memref<!tpu.dma_semaphore, #tpu.memory_space<semaphore_mem>>)
      %dma_start3A_107 = arith.constant 2 : i32
      %dma_start3A_108 = arith.constant 128 : i32
      %dma_start3A_109 = arith.constant 0 : i32
      %dma_start3A_110 = tpu.memref_slice %arg9[%dma_start3A_108, %dma_start3A_109] : memref<2048x8xf32, #tpu.memory_space<vmem>> -> memref<128x8xf32, #tpu.memory_space<vmem>>
      %dma_start3A_111 = arith.constant 0 : i32
      %dma_start3A_112 = tpu.memref_slice %arg7[%dma_start3A_107, %dma_start3A_111] : memref<32x128xi32, #tpu.memory_space<vmem>> -> memref<1x128xi32, #tpu.memory_space<vmem>>
      %dma_start3A_113 = tpu.memref_squeeze %dma_start3A_112 : memref<1x128xi32, #tpu.memory_space<vmem>> -> memref<128xi32, #tpu.memory_space<vmem>>
      %dma_start3A_114 = arith.constant 0 : i32
      %dma_start3A_115 = arith.constant 0 : i32
      %dma_start3A_116 = tpu.memref_slice %arg2[%dma_start3A_114, %dma_start3A_115] : memref<100000x8xf32, #tpu.memory_space<hbm>> -> memref<100000x8xf32, #tpu.memory_space<hbm>>
      tpu.enqueue_indirect_dma source(%dma_start3A_116 : memref<100000x8xf32, #tpu.memory_space<hbm>>) target(%dma_start3A_110 : memref<128x8xf32, #tpu.memory_space<vmem>>) offsets(%dma_start3A_113 : memref<128xi32, #tpu.memory_space<vmem>>) semaphore(%arg20 : memref<!tpu.dma_semaphore, #tpu.memory_space<semaphore_mem>>)
      %dma_start3A_117 = arith.constant 3 : i32
      %dma_start3A_118 = arith.constant 128 : i32
      %dma_start3A_119 = arith.constant 0 : i32
      %dma_start3A_120 = tpu.memref_slice %arg10[%dma_start3A_118, %dma_start3A_119] : memref<2048x8xf32, #tpu.memory_space<vmem>> -> memref<128x8xf32, #tpu.memory_space<vmem>>
      %dma_start3A_121 = arith.constant 0 : i32
      %dma_start3A_122 = tpu.memref_slice %arg7[%dma_start3A_117, %dma_start3A_121] : memref<32x128xi32, #tpu.memory_space<vmem>> -> memref<1x128xi32, #tpu.memory_space<vmem>>
      %dma_start3A_123 = tpu.memref_squeeze %dma_start3A_122 : memref<1x128xi32, #tpu.memory_space<vmem>> -> memref<128xi32, #tpu.memory_space<vmem>>
      %dma_start3A_124 = arith.constant 0 : i32
      %dma_start3A_125 = arith.constant 0 : i32
      %dma_start3A_126 = tpu.memref_slice %arg2[%dma_start3A_124, %dma_start3A_125] : memref<100000x8xf32, #tpu.memory_space<hbm>> -> memref<100000x8xf32, #tpu.memory_space<hbm>>
      tpu.enqueue_indirect_dma source(%dma_start3A_126 : memref<100000x8xf32, #tpu.memory_space<hbm>>) target(%dma_start3A_120 : memref<128x8xf32, #tpu.memory_space<vmem>>) offsets(%dma_start3A_123 : memref<128xi32, #tpu.memory_space<vmem>>) semaphore(%arg20 : memref<!tpu.dma_semaphore, #tpu.memory_space<semaphore_mem>>)
      %dma_start3A_127 = arith.constant 4 : i32
      %dma_start3A_128 = arith.constant 256 : i32
      %dma_start3A_129 = arith.constant 0 : i32
      %dma_start3A_130 = tpu.memref_slice %arg9[%dma_start3A_128, %dma_start3A_129] : memref<2048x8xf32, #tpu.memory_space<vmem>> -> memref<128x8xf32, #tpu.memory_space<vmem>>
      %dma_start3A_131 = arith.constant 0 : i32
      %dma_start3A_132 = tpu.memref_slice %arg7[%dma_start3A_127, %dma_start3A_131] : memref<32x128xi32, #tpu.memory_space<vmem>> -> memref<1x128xi32, #tpu.memory_space<vmem>>
      %dma_start3A_133 = tpu.memref_squeeze %dma_start3A_132 : memref<1x128xi32, #tpu.memory_space<vmem>> -> memref<128xi32, #tpu.memory_space<vmem>>
      %dma_start3A_134 = arith.constant 0 : i32
      %dma_start3A_135 = arith.constant 0 : i32
      %dma_start3A_136 = tpu.memref_slice %arg2[%dma_start3A_134, %dma_start3A_135] : memref<100000x8xf32, #tpu.memory_space<hbm>> -> memref<100000x8xf32, #tpu.memory_space<hbm>>
      tpu.enqueue_indirect_dma source(%dma_start3A_136 : memref<100000x8xf32, #tpu.memory_space<hbm>>) target(%dma_start3A_130 : memref<128x8xf32, #tpu.memory_space<vmem>>) offsets(%dma_start3A_133 : memref<128xi32, #tpu.memory_space<vmem>>) semaphore(%arg20 : memref<!tpu.dma_semaphore, #tpu.memory_space<semaphore_mem>>)
      %dma_start3A_137 = arith.constant 5 : i32
      %dma_start3A_138 = arith.constant 256 : i32
      %dma_start3A_139 = arith.constant 0 : i32
      %dma_start3A_140 = tpu.memref_slice %arg10[%dma_start3A_138, %dma_start3A_139] : memref<2048x8xf32, #tpu.memory_space<vmem>> -> memref<128x8xf32, #tpu.memory_space<vmem>>
      %dma_start3A_141 = arith.constant 0 : i32
      %dma_start3A_142 = tpu.memref_slice %arg7[%dma_start3A_137, %dma_start3A_141] : memref<32x128xi32, #tpu.memory_space<vmem>> -> memref<1x128xi32, #tpu.memory_space<vmem>>
      %dma_start3A_143 = tpu.memref_squeeze %dma_start3A_142 : memref<1x128xi32, #tpu.memory_space<vmem>> -> memref<128xi32, #tpu.memory_space<vmem>>
      %dma_start3A_144 = arith.constant 0 : i32
      %dma_start3A_145 = arith.constant 0 : i32
      %dma_start3A_146 = tpu.memref_slice %arg2[%dma_start3A_144, %dma_start3A_145] : memref<100000x8xf32, #tpu.memory_space<hbm>> -> memref<100000x8xf32, #tpu.memory_space<hbm>>
      tpu.enqueue_indirect_dma source(%dma_start3A_146 : memref<100000x8xf32, #tpu.memory_space<hbm>>) target(%dma_start3A_140 : memref<128x8xf32, #tpu.memory_space<vmem>>) offsets(%dma_start3A_143 : memref<128xi32, #tpu.memory_space<vmem>>) semaphore(%arg20 : memref<!tpu.dma_semaphore, #tpu.memory_space<semaphore_mem>>)
      %dma_start3A_147 = arith.constant 6 : i32
      %dma_start3A_148 = arith.constant 384 : i32
      %dma_start3A_149 = arith.constant 0 : i32
      %dma_start3A_150 = tpu.memref_slice %arg9[%dma_start3A_148, %dma_start3A_149] : memref<2048x8xf32, #tpu.memory_space<vmem>> -> memref<128x8xf32, #tpu.memory_space<vmem>>
      %dma_start3A_151 = arith.constant 0 : i32
      %dma_start3A_152 = tpu.memref_slice %arg7[%dma_start3A_147, %dma_start3A_151] : memref<32x128xi32, #tpu.memory_space<vmem>> -> memref<1x128xi32, #tpu.memory_space<vmem>>
      %dma_start3A_153 = tpu.memref_squeeze %dma_start3A_152 : memref<1x128xi32, #tpu.memory_space<vmem>> -> memref<128xi32, #tpu.memory_space<vmem>>
      %dma_start3A_154 = arith.constant 0 : i32
      %dma_start3A_155 = arith.constant 0 : i32
      %dma_start3A_156 = tpu.memref_slice %arg2[%dma_start3A_154, %dma_start3A_155] : memref<100000x8xf32, #tpu.memory_space<hbm>> -> memref<100000x8xf32, #tpu.memory_space<hbm>>
      tpu.enqueue_indirect_dma source(%dma_start3A_156 : memref<100000x8xf32, #tpu.memory_space<hbm>>) target(%dma_start3A_150 : memref<128x8xf32, #tpu.memory_space<vmem>>) offsets(%dma_start3A_153 : memref<128xi32, #tpu.memory_space<vmem>>) semaphore(%arg20 : memref<!tpu.dma_semaphore, #tpu.memory_space<semaphore_mem>>)
      %dma_start3A_157 = arith.constant 7 : i32
      %dma_start3A_158 = arith.constant 384 : i32
      %dma_start3A_159 = arith.constant 0 : i32
      %dma_start3A_160 = tpu.memref_slice %arg10[%dma_start3A_158, %dma_start3A_159] : memref<2048x8xf32, #tpu.memory_space<vmem>> -> memref<128x8xf32, #tpu.memory_space<vmem>>
      %dma_start3A_161 = arith.constant 0 : i32
      %dma_start3A_162 = tpu.memref_slice %arg7[%dma_start3A_157, %dma_start3A_161] : memref<32x128xi32, #tpu.memory_space<vmem>> -> memref<1x128xi32, #tpu.memory_space<vmem>>
      %dma_start3A_163 = tpu.memref_squeeze %dma_start3A_162 : memref<1x128xi32, #tpu.memory_space<vmem>> -> memref<128xi32, #tpu.memory_space<vmem>>
      %dma_start3A_164 = arith.constant 0 : i32
      %dma_start3A_165 = arith.constant 0 : i32
      %dma_start3A_166 = tpu.memref_slice %arg2[%dma_start3A_164, %dma_start3A_165] : memref<100000x8xf32, #tpu.memory_space<hbm>> -> memref<100000x8xf32, #tpu.memory_space<hbm>>
      tpu.enqueue_indirect_dma source(%dma_start3A_166 : memref<100000x8xf32, #tpu.memory_space<hbm>>) target(%dma_start3A_160 : memref<128x8xf32, #tpu.memory_space<vmem>>) offsets(%dma_start3A_163 : memref<128xi32, #tpu.memory_space<vmem>>) semaphore(%arg20 : memref<!tpu.dma_semaphore, #tpu.memory_space<semaphore_mem>>)
      %dma_start3A_167 = arith.constant 8 : i32
      %dma_start3A_168 = arith.constant 512 : i32
      %dma_start3A_169 = arith.constant 0 : i32
      %dma_start3A_170 = tpu.memref_slice %arg9[%dma_start3A_168, %dma_start3A_169] : memref<2048x8xf32, #tpu.memory_space<vmem>> -> memref<128x8xf32, #tpu.memory_space<vmem>>
      %dma_start3A_171 = arith.constant 0 : i32
      %dma_start3A_172 = tpu.memref_slice %arg7[%dma_start3A_167, %dma_start3A_171] : memref<32x128xi32, #tpu.memory_space<vmem>> -> memref<1x128xi32, #tpu.memory_space<vmem>>
      %dma_start3A_173 = tpu.memref_squeeze %dma_start3A_172 : memref<1x128xi32, #tpu.memory_space<vmem>> -> memref<128xi32, #tpu.memory_space<vmem>>
      %dma_start3A_174 = arith.constant 0 : i32
      %dma_start3A_175 = arith.constant 0 : i32
      %dma_start3A_176 = tpu.memref_slice %arg2[%dma_start3A_174, %dma_start3A_175] : memref<100000x8xf32, #tpu.memory_space<hbm>> -> memref<100000x8xf32, #tpu.memory_space<hbm>>
      tpu.enqueue_indirect_dma source(%dma_start3A_176 : memref<100000x8xf32, #tpu.memory_space<hbm>>) target(%dma_start3A_170 : memref<128x8xf32, #tpu.memory_space<vmem>>) offsets(%dma_start3A_173 : memref<128xi32, #tpu.memory_space<vmem>>) semaphore(%arg20 : memref<!tpu.dma_semaphore, #tpu.memory_space<semaphore_mem>>)
      %dma_start3A_177 = arith.constant 9 : i32
      %dma_start3A_178 = arith.constant 512 : i32
      %dma_start3A_179 = arith.constant 0 : i32
      %dma_start3A_180 = tpu.memref_slice %arg10[%dma_start3A_178, %dma_start3A_179] : memref<2048x8xf32, #tpu.memory_space<vmem>> -> memref<128x8xf32, #tpu.memory_space<vmem>>
      %dma_start3A_181 = arith.constant 0 : i32
      %dma_start3A_182 = tpu.memref_slice %arg7[%dma_start3A_177, %dma_start3A_181] : memref<32x128xi32, #tpu.memory_space<vmem>> -> memref<1x128xi32, #tpu.memory_space<vmem>>
      %dma_start3A_183 = tpu.memref_squeeze %dma_start3A_182 : memref<1x128xi32, #tpu.memory_space<vmem>> -> memref<128xi32, #tpu.memory_space<vmem>>
      %dma_start3A_184 = arith.constant 0 : i32
      %dma_start3A_185 = arith.constant 0 : i32
      %dma_start3A_186 = tpu.memref_slice %arg2[%dma_start3A_184, %dma_start3A_185] : memref<100000x8xf32, #tpu.memory_space<hbm>> -> memref<100000x8xf32, #tpu.memory_space<hbm>>
      tpu.enqueue_indirect_dma source(%dma_start3A_186 : memref<100000x8xf32, #tpu.memory_space<hbm>>) target(%dma_start3A_180 : memref<128x8xf32, #tpu.memory_space<vmem>>) offsets(%dma_start3A_183 : memref<128xi32, #tpu.memory_space<vmem>>) semaphore(%arg20 : memref<!tpu.dma_semaphore, #tpu.memory_space<semaphore_mem>>)
      %dma_start3A_187 = arith.constant 10 : i32
      %dma_start3A_188 = arith.constant 640 : i32
      %dma_start3A_189 = arith.constant 0 : i32
      %dma_start3A_190 = tpu.memref_slice %arg9[%dma_start3A_188, %dma_start3A_189] : memref<2048x8xf32, #tpu.memory_space<vmem>> -> memref<128x8xf32, #tpu.memory_space<vmem>>
      %dma_start3A_191 = arith.constant 0 : i32
      %dma_start3A_192 = tpu.memref_slice %arg7[%dma_start3A_187, %dma_start3A_191] : memref<32x128xi32, #tpu.memory_space<vmem>> -> memref<1x128xi32, #tpu.memory_space<vmem>>
      %dma_start3A_193 = tpu.memref_squeeze %dma_start3A_192 : memref<1x128xi32, #tpu.memory_space<vmem>> -> memref<128xi32, #tpu.memory_space<vmem>>
      %dma_start3A_194 = arith.constant 0 : i32
      %dma_start3A_195 = arith.constant 0 : i32
      %dma_start3A_196 = tpu.memref_slice %arg2[%dma_start3A_194, %dma_start3A_195] : memref<100000x8xf32, #tpu.memory_space<hbm>> -> memref<100000x8xf32, #tpu.memory_space<hbm>>
      tpu.enqueue_indirect_dma source(%dma_start3A_196 : memref<100000x8xf32, #tpu.memory_space<hbm>>) target(%dma_start3A_190 : memref<128x8xf32, #tpu.memory_space<vmem>>) offsets(%dma_start3A_193 : memref<128xi32, #tpu.memory_space<vmem>>) semaphore(%arg20 : memref<!tpu.dma_semaphore, #tpu.memory_space<semaphore_mem>>)
      %dma_start3A_197 = arith.constant 11 : i32
      %dma_start3A_198 = arith.constant 640 : i32
      %dma_start3A_199 = arith.constant 0 : i32
      %dma_start3A_200 = tpu.memref_slice %arg10[%dma_start3A_198, %dma_start3A_199] : memref<2048x8xf32, #tpu.memory_space<vmem>> -> memref<128x8xf32, #tpu.memory_space<vmem>>
      %dma_start3A_201 = arith.constant 0 : i32
      %dma_start3A_202 = tpu.memref_slice %arg7[%dma_start3A_197, %dma_start3A_201] : memref<32x128xi32, #tpu.memory_space<vmem>> -> memref<1x128xi32, #tpu.memory_space<vmem>>
      %dma_start3A_203 = tpu.memref_squeeze %dma_start3A_202 : memref<1x128xi32, #tpu.memory_space<vmem>> -> memref<128xi32, #tpu.memory_space<vmem>>
      %dma_start3A_204 = arith.constant 0 : i32
      %dma_start3A_205 = arith.constant 0 : i32
      %dma_start3A_206 = tpu.memref_slice %arg2[%dma_start3A_204, %dma_start3A_205] : memref<100000x8xf32, #tpu.memory_space<hbm>> -> memref<100000x8xf32, #tpu.memory_space<hbm>>
      tpu.enqueue_indirect_dma source(%dma_start3A_206 : memref<100000x8xf32, #tpu.memory_space<hbm>>) target(%dma_start3A_200 : memref<128x8xf32, #tpu.memory_space<vmem>>) offsets(%dma_start3A_203 : memref<128xi32, #tpu.memory_space<vmem>>) semaphore(%arg20 : memref<!tpu.dma_semaphore, #tpu.memory_space<semaphore_mem>>)
      %dma_start3A_207 = arith.constant 12 : i32
      %dma_start3A_208 = arith.constant 768 : i32
      %dma_start3A_209 = arith.constant 0 : i32
      %dma_start3A_210 = tpu.memref_slice %arg9[%dma_start3A_208, %dma_start3A_209] : memref<2048x8xf32, #tpu.memory_space<vmem>> -> memref<128x8xf32, #tpu.memory_space<vmem>>
      %dma_start3A_211 = arith.constant 0 : i32
      %dma_start3A_212 = tpu.memref_slice %arg7[%dma_start3A_207, %dma_start3A_211] : memref<32x128xi32, #tpu.memory_space<vmem>> -> memref<1x128xi32, #tpu.memory_space<vmem>>
      %dma_start3A_213 = tpu.memref_squeeze %dma_start3A_212 : memref<1x128xi32, #tpu.memory_space<vmem>> -> memref<128xi32, #tpu.memory_space<vmem>>
      %dma_start3A_214 = arith.constant 0 : i32
      %dma_start3A_215 = arith.constant 0 : i32
      %dma_start3A_216 = tpu.memref_slice %arg2[%dma_start3A_214, %dma_start3A_215] : memref<100000x8xf32, #tpu.memory_space<hbm>> -> memref<100000x8xf32, #tpu.memory_space<hbm>>
      tpu.enqueue_indirect_dma source(%dma_start3A_216 : memref<100000x8xf32, #tpu.memory_space<hbm>>) target(%dma_start3A_210 : memref<128x8xf32, #tpu.memory_space<vmem>>) offsets(%dma_start3A_213 : memref<128xi32, #tpu.memory_space<vmem>>) semaphore(%arg20 : memref<!tpu.dma_semaphore, #tpu.memory_space<semaphore_mem>>)
      %dma_start3A_217 = arith.constant 13 : i32
      %dma_start3A_218 = arith.constant 768 : i32
      %dma_start3A_219 = arith.constant 0 : i32
      %dma_start3A_220 = tpu.memref_slice %arg10[%dma_start3A_218, %dma_start3A_219] : memref<2048x8xf32, #tpu.memory_space<vmem>> -> memref<128x8xf32, #tpu.memory_space<vmem>>
      %dma_start3A_221 = arith.constant 0 : i32
      %dma_start3A_222 = tpu.memref_slice %arg7[%dma_start3A_217, %dma_start3A_221] : memref<32x128xi32, #tpu.memory_space<vmem>> -> memref<1x128xi32, #tpu.memory_space<vmem>>
      %dma_start3A_223 = tpu.memref_squeeze %dma_start3A_222 : memref<1x128xi32, #tpu.memory_space<vmem>> -> memref<128xi32, #tpu.memory_space<vmem>>
      %dma_start3A_224 = arith.constant 0 : i32
      %dma_start3A_225 = arith.constant 0 : i32
      %dma_start3A_226 = tpu.memref_slice %arg2[%dma_start3A_224, %dma_start3A_225] : memref<100000x8xf32, #tpu.memory_space<hbm>> -> memref<100000x8xf32, #tpu.memory_space<hbm>>
      tpu.enqueue_indirect_dma source(%dma_start3A_226 : memref<100000x8xf32, #tpu.memory_space<hbm>>) target(%dma_start3A_220 : memref<128x8xf32, #tpu.memory_space<vmem>>) offsets(%dma_start3A_223 : memref<128xi32, #tpu.memory_space<vmem>>) semaphore(%arg20 : memref<!tpu.dma_semaphore, #tpu.memory_space<semaphore_mem>>)
      %dma_start3A_227 = arith.constant 14 : i32
      %dma_start3A_228 = arith.constant 896 : i32
      %dma_start3A_229 = arith.constant 0 : i32
      %dma_start3A_230 = tpu.memref_slice %arg9[%dma_start3A_228, %dma_start3A_229] : memref<2048x8xf32, #tpu.memory_space<vmem>> -> memref<128x8xf32, #tpu.memory_space<vmem>>
      %dma_start3A_231 = arith.constant 0 : i32
      %dma_start3A_232 = tpu.memref_slice %arg7[%dma_start3A_227, %dma_start3A_231] : memref<32x128xi32, #tpu.memory_space<vmem>> -> memref<1x128xi32, #tpu.memory_space<vmem>>
      %dma_start3A_233 = tpu.memref_squeeze %dma_start3A_232 : memref<1x128xi32, #tpu.memory_space<vmem>> -> memref<128xi32, #tpu.memory_space<vmem>>
      %dma_start3A_234 = arith.constant 0 : i32
      %dma_start3A_235 = arith.constant 0 : i32
      %dma_start3A_236 = tpu.memref_slice %arg2[%dma_start3A_234, %dma_start3A_235] : memref<100000x8xf32, #tpu.memory_space<hbm>> -> memref<100000x8xf32, #tpu.memory_space<hbm>>
      tpu.enqueue_indirect_dma source(%dma_start3A_236 : memref<100000x8xf32, #tpu.memory_space<hbm>>) target(%dma_start3A_230 : memref<128x8xf32, #tpu.memory_space<vmem>>) offsets(%dma_start3A_233 : memref<128xi32, #tpu.memory_space<vmem>>) semaphore(%arg20 : memref<!tpu.dma_semaphore, #tpu.memory_space<semaphore_mem>>)
      %dma_start3A_237 = arith.constant 15 : i32
      %dma_start3A_238 = arith.constant 896 : i32
      %dma_start3A_239 = arith.constant 0 : i32
      %dma_start3A_240 = tpu.memref_slice %arg10[%dma_start3A_238, %dma_start3A_239] : memref<2048x8xf32, #tpu.memory_space<vmem>> -> memref<128x8xf32, #tpu.memory_space<vmem>>
      %dma_start3A_241 = arith.constant 0 : i32
      %dma_start3A_242 = tpu.memref_slice %arg7[%dma_start3A_237, %dma_start3A_241] : memref<32x128xi32, #tpu.memory_space<vmem>> -> memref<1x128xi32, #tpu.memory_space<vmem>>
      %dma_start3A_243 = tpu.memref_squeeze %dma_start3A_242 : memref<1x128xi32, #tpu.memory_space<vmem>> -> memref<128xi32, #tpu.memory_space<vmem>>
      %dma_start3A_244 = arith.constant 0 : i32
      %dma_start3A_245 = arith.constant 0 : i32
      %dma_start3A_246 = tpu.memref_slice %arg2[%dma_start3A_244, %dma_start3A_245] : memref<100000x8xf32, #tpu.memory_space<hbm>> -> memref<100000x8xf32, #tpu.memory_space<hbm>>
      tpu.enqueue_indirect_dma source(%dma_start3A_246 : memref<100000x8xf32, #tpu.memory_space<hbm>>) target(%dma_start3A_240 : memref<128x8xf32, #tpu.memory_space<vmem>>) offsets(%dma_start3A_243 : memref<128xi32, #tpu.memory_space<vmem>>) semaphore(%arg20 : memref<!tpu.dma_semaphore, #tpu.memory_space<semaphore_mem>>)
      %dma_start3A_247 = arith.constant 16 : i32
      %dma_start3A_248 = arith.constant 1024 : i32
      %dma_start3A_249 = arith.constant 0 : i32
      %dma_start3A_250 = tpu.memref_slice %arg9[%dma_start3A_248, %dma_start3A_249] : memref<2048x8xf32, #tpu.memory_space<vmem>> -> memref<128x8xf32, #tpu.memory_space<vmem>>
      %dma_start3A_251 = arith.constant 0 : i32
      %dma_start3A_252 = tpu.memref_slice %arg7[%dma_start3A_247, %dma_start3A_251] : memref<32x128xi32, #tpu.memory_space<vmem>> -> memref<1x128xi32, #tpu.memory_space<vmem>>
      %dma_start3A_253 = tpu.memref_squeeze %dma_start3A_252 : memref<1x128xi32, #tpu.memory_space<vmem>> -> memref<128xi32, #tpu.memory_space<vmem>>
      %dma_start3A_254 = arith.constant 0 : i32
      %dma_start3A_255 = arith.constant 0 : i32
      %dma_start3A_256 = tpu.memref_slice %arg2[%dma_start3A_254, %dma_start3A_255] : memref<100000x8xf32, #tpu.memory_space<hbm>> -> memref<100000x8xf32, #tpu.memory_space<hbm>>
      tpu.enqueue_indirect_dma source(%dma_start3A_256 : memref<100000x8xf32, #tpu.memory_space<hbm>>) target(%dma_start3A_250 : memref<128x8xf32, #tpu.memory_space<vmem>>) offsets(%dma_start3A_253 : memref<128xi32, #tpu.memory_space<vmem>>) semaphore(%arg20 : memref<!tpu.dma_semaphore, #tpu.memory_space<semaphore_mem>>)
      %dma_start3A_257 = arith.constant 17 : i32
      %dma_start3A_258 = arith.constant 1024 : i32
      %dma_start3A_259 = arith.constant 0 : i32
      %dma_start3A_260 = tpu.memref_slice %arg10[%dma_start3A_258, %dma_start3A_259] : memref<2048x8xf32, #tpu.memory_space<vmem>> -> memref<128x8xf32, #tpu.memory_space<vmem>>
      %dma_start3A_261 = arith.constant 0 : i32
      %dma_start3A_262 = tpu.memref_slice %arg7[%dma_start3A_257, %dma_start3A_261] : memref<32x128xi32, #tpu.memory_space<vmem>> -> memref<1x128xi32, #tpu.memory_space<vmem>>
      %dma_start3A_263 = tpu.memref_squeeze %dma_start3A_262 : memref<1x128xi32, #tpu.memory_space<vmem>> -> memref<128xi32, #tpu.memory_space<vmem>>
      %dma_start3A_264 = arith.constant 0 : i32
      %dma_start3A_265 = arith.constant 0 : i32
      %dma_start3A_266 = tpu.memref_slice %arg2[%dma_start3A_264, %dma_start3A_265] : memref<100000x8xf32, #tpu.memory_space<hbm>> -> memref<100000x8xf32, #tpu.memory_space<hbm>>
      tpu.enqueue_indirect_dma source(%dma_start3A_266 : memref<100000x8xf32, #tpu.memory_space<hbm>>) target(%dma_start3A_260 : memref<128x8xf32, #tpu.memory_space<vmem>>) offsets(%dma_start3A_263 : memref<128xi32, #tpu.memory_space<vmem>>) semaphore(%arg20 : memref<!tpu.dma_semaphore, #tpu.memory_space<semaphore_mem>>)
      %dma_start3A_267 = arith.constant 18 : i32
      %dma_start3A_268 = arith.constant 1152 : i32
      %dma_start3A_269 = arith.constant 0 : i32
      %dma_start3A_270 = tpu.memref_slice %arg9[%dma_start3A_268, %dma_start3A_269] : memref<2048x8xf32, #tpu.memory_space<vmem>> -> memref<128x8xf32, #tpu.memory_space<vmem>>
      %dma_start3A_271 = arith.constant 0 : i32
      %dma_start3A_272 = tpu.memref_slice %arg7[%dma_start3A_267, %dma_start3A_271] : memref<32x128xi32, #tpu.memory_space<vmem>> -> memref<1x128xi32, #tpu.memory_space<vmem>>
      %dma_start3A_273 = tpu.memref_squeeze %dma_start3A_272 : memref<1x128xi32, #tpu.memory_space<vmem>> -> memref<128xi32, #tpu.memory_space<vmem>>
      %dma_start3A_274 = arith.constant 0 : i32
      %dma_start3A_275 = arith.constant 0 : i32
      %dma_start3A_276 = tpu.memref_slice %arg2[%dma_start3A_274, %dma_start3A_275] : memref<100000x8xf32, #tpu.memory_space<hbm>> -> memref<100000x8xf32, #tpu.memory_space<hbm>>
      tpu.enqueue_indirect_dma source(%dma_start3A_276 : memref<100000x8xf32, #tpu.memory_space<hbm>>) target(%dma_start3A_270 : memref<128x8xf32, #tpu.memory_space<vmem>>) offsets(%dma_start3A_273 : memref<128xi32, #tpu.memory_space<vmem>>) semaphore(%arg20 : memref<!tpu.dma_semaphore, #tpu.memory_space<semaphore_mem>>)
      %dma_start3A_277 = arith.constant 19 : i32
      %dma_start3A_278 = arith.constant 1152 : i32
      %dma_start3A_279 = arith.constant 0 : i32
      %dma_start3A_280 = tpu.memref_slice %arg10[%dma_start3A_278, %dma_start3A_279] : memref<2048x8xf32, #tpu.memory_space<vmem>> -> memref<128x8xf32, #tpu.memory_space<vmem>>
      %dma_start3A_281 = arith.constant 0 : i32
      %dma_start3A_282 = tpu.memref_slice %arg7[%dma_start3A_277, %dma_start3A_281] : memref<32x128xi32, #tpu.memory_space<vmem>> -> memref<1x128xi32, #tpu.memory_space<vmem>>
      %dma_start3A_283 = tpu.memref_squeeze %dma_start3A_282 : memref<1x128xi32, #tpu.memory_space<vmem>> -> memref<128xi32, #tpu.memory_space<vmem>>
      %dma_start3A_284 = arith.constant 0 : i32
      %dma_start3A_285 = arith.constant 0 : i32
      %dma_start3A_286 = tpu.memref_slice %arg2[%dma_start3A_284, %dma_start3A_285] : memref<100000x8xf32, #tpu.memory_space<hbm>> -> memref<100000x8xf32, #tpu.memory_space<hbm>>
      tpu.enqueue_indirect_dma source(%dma_start3A_286 : memref<100000x8xf32, #tpu.memory_space<hbm>>) target(%dma_start3A_280 : memref<128x8xf32, #tpu.memory_space<vmem>>) offsets(%dma_start3A_283 : memref<128xi32, #tpu.memory_space<vmem>>) semaphore(%arg20 : memref<!tpu.dma_semaphore, #tpu.memory_space<semaphore_mem>>)
      %dma_start3A_287 = arith.constant 20 : i32
      %dma_start3A_288 = arith.constant 1280 : i32
      %dma_start3A_289 = arith.constant 0 : i32
      %dma_start3A_290 = tpu.memref_slice %arg9[%dma_start3A_288, %dma_start3A_289] : memref<2048x8xf32, #tpu.memory_space<vmem>> -> memref<128x8xf32, #tpu.memory_space<vmem>>
      %dma_start3A_291 = arith.constant 0 : i32
      %dma_start3A_292 = tpu.memref_slice %arg7[%dma_start3A_287, %dma_start3A_291] : memref<32x128xi32, #tpu.memory_space<vmem>> -> memref<1x128xi32, #tpu.memory_space<vmem>>
      %dma_start3A_293 = tpu.memref_squeeze %dma_start3A_292 : memref<1x128xi32, #tpu.memory_space<vmem>> -> memref<128xi32, #tpu.memory_space<vmem>>
      %dma_start3A_294 = arith.constant 0 : i32
      %dma_start3A_295 = arith.constant 0 : i32
      %dma_start3A_296 = tpu.memref_slice %arg2[%dma_start3A_294, %dma_start3A_295] : memref<100000x8xf32, #tpu.memory_space<hbm>> -> memref<100000x8xf32, #tpu.memory_space<hbm>>
      tpu.enqueue_indirect_dma source(%dma_start3A_296 : memref<100000x8xf32, #tpu.memory_space<hbm>>) target(%dma_start3A_290 : memref<128x8xf32, #tpu.memory_space<vmem>>) offsets(%dma_start3A_293 : memref<128xi32, #tpu.memory_space<vmem>>) semaphore(%arg20 : memref<!tpu.dma_semaphore, #tpu.memory_space<semaphore_mem>>)
      %dma_start3A_297 = arith.constant 21 : i32
      %dma_start3A_298 = arith.constant 1280 : i32
      %dma_start3A_299 = arith.constant 0 : i32
      %dma_start3A_300 = tpu.memref_slice %arg10[%dma_start3A_298, %dma_start3A_299] : memref<2048x8xf32, #tpu.memory_space<vmem>> -> memref<128x8xf32, #tpu.memory_space<vmem>>
      %dma_start3A_301 = arith.constant 0 : i32
      %dma_start3A_302 = tpu.memref_slice %arg7[%dma_start3A_297, %dma_start3A_301] : memref<32x128xi32, #tpu.memory_space<vmem>> -> memref<1x128xi32, #tpu.memory_space<vmem>>
      %dma_start3A_303 = tpu.memref_squeeze %dma_start3A_302 : memref<1x128xi32, #tpu.memory_space<vmem>> -> memref<128xi32, #tpu.memory_space<vmem>>
      %dma_start3A_304 = arith.constant 0 : i32
      %dma_start3A_305 = arith.constant 0 : i32
      %dma_start3A_306 = tpu.memref_slice %arg2[%dma_start3A_304, %dma_start3A_305] : memref<100000x8xf32, #tpu.memory_space<hbm>> -> memref<100000x8xf32, #tpu.memory_space<hbm>>
      tpu.enqueue_indirect_dma source(%dma_start3A_306 : memref<100000x8xf32, #tpu.memory_space<hbm>>) target(%dma_start3A_300 : memref<128x8xf32, #tpu.memory_space<vmem>>) offsets(%dma_start3A_303 : memref<128xi32, #tpu.memory_space<vmem>>) semaphore(%arg20 : memref<!tpu.dma_semaphore, #tpu.memory_space<semaphore_mem>>)
      %dma_start3A_307 = arith.constant 22 : i32
      %dma_start3A_308 = arith.constant 1408 : i32
      %dma_start3A_309 = arith.constant 0 : i32
      %dma_start3A_310 = tpu.memref_slice %arg9[%dma_start3A_308, %dma_start3A_309] : memref<2048x8xf32, #tpu.memory_space<vmem>> -> memref<128x8xf32, #tpu.memory_space<vmem>>
      %dma_start3A_311 = arith.constant 0 : i32
      %dma_start3A_312 = tpu.memref_slice %arg7[%dma_start3A_307, %dma_start3A_311] : memref<32x128xi32, #tpu.memory_space<vmem>> -> memref<1x128xi32, #tpu.memory_space<vmem>>
      %dma_start3A_313 = tpu.memref_squeeze %dma_start3A_312 : memref<1x128xi32, #tpu.memory_space<vmem>> -> memref<128xi32, #tpu.memory_space<vmem>>
      %dma_start3A_314 = arith.constant 0 : i32
      %dma_start3A_315 = arith.constant 0 : i32
      %dma_start3A_316 = tpu.memref_slice %arg2[%dma_start3A_314, %dma_start3A_315] : memref<100000x8xf32, #tpu.memory_space<hbm>> -> memref<100000x8xf32, #tpu.memory_space<hbm>>
      tpu.enqueue_indirect_dma source(%dma_start3A_316 : memref<100000x8xf32, #tpu.memory_space<hbm>>) target(%dma_start3A_310 : memref<128x8xf32, #tpu.memory_space<vmem>>) offsets(%dma_start3A_313 : memref<128xi32, #tpu.memory_space<vmem>>) semaphore(%arg20 : memref<!tpu.dma_semaphore, #tpu.memory_space<semaphore_mem>>)
      %dma_start3A_317 = arith.constant 23 : i32
      %dma_start3A_318 = arith.constant 1408 : i32
      %dma_start3A_319 = arith.constant 0 : i32
      %dma_start3A_320 = tpu.memref_slice %arg10[%dma_start3A_318, %dma_start3A_319] : memref<2048x8xf32, #tpu.memory_space<vmem>> -> memref<128x8xf32, #tpu.memory_space<vmem>>
      %dma_start3A_321 = arith.constant 0 : i32
      %dma_start3A_322 = tpu.memref_slice %arg7[%dma_start3A_317, %dma_start3A_321] : memref<32x128xi32, #tpu.memory_space<vmem>> -> memref<1x128xi32, #tpu.memory_space<vmem>>
      %dma_start3A_323 = tpu.memref_squeeze %dma_start3A_322 : memref<1x128xi32, #tpu.memory_space<vmem>> -> memref<128xi32, #tpu.memory_space<vmem>>
      %dma_start3A_324 = arith.constant 0 : i32
      %dma_start3A_325 = arith.constant 0 : i32
      %dma_start3A_326 = tpu.memref_slice %arg2[%dma_start3A_324, %dma_start3A_325] : memref<100000x8xf32, #tpu.memory_space<hbm>> -> memref<100000x8xf32, #tpu.memory_space<hbm>>
      tpu.enqueue_indirect_dma source(%dma_start3A_326 : memref<100000x8xf32, #tpu.memory_space<hbm>>) target(%dma_start3A_320 : memref<128x8xf32, #tpu.memory_space<vmem>>) offsets(%dma_start3A_323 : memref<128xi32, #tpu.memory_space<vmem>>) semaphore(%arg20 : memref<!tpu.dma_semaphore, #tpu.memory_space<semaphore_mem>>)
      %dma_start3A_327 = arith.constant 24 : i32
      %dma_start3A_328 = arith.constant 1536 : i32
      %dma_start3A_329 = arith.constant 0 : i32
      %dma_start3A_330 = tpu.memref_slice %arg9[%dma_start3A_328, %dma_start3A_329] : memref<2048x8xf32, #tpu.memory_space<vmem>> -> memref<128x8xf32, #tpu.memory_space<vmem>>
      %dma_start3A_331 = arith.constant 0 : i32
      %dma_start3A_332 = tpu.memref_slice %arg7[%dma_start3A_327, %dma_start3A_331] : memref<32x128xi32, #tpu.memory_space<vmem>> -> memref<1x128xi32, #tpu.memory_space<vmem>>
      %dma_start3A_333 = tpu.memref_squeeze %dma_start3A_332 : memref<1x128xi32, #tpu.memory_space<vmem>> -> memref<128xi32, #tpu.memory_space<vmem>>
      %dma_start3A_334 = arith.constant 0 : i32
      %dma_start3A_335 = arith.constant 0 : i32
      %dma_start3A_336 = tpu.memref_slice %arg2[%dma_start3A_334, %dma_start3A_335] : memref<100000x8xf32, #tpu.memory_space<hbm>> -> memref<100000x8xf32, #tpu.memory_space<hbm>>
      tpu.enqueue_indirect_dma source(%dma_start3A_336 : memref<100000x8xf32, #tpu.memory_space<hbm>>) target(%dma_start3A_330 : memref<128x8xf32, #tpu.memory_space<vmem>>) offsets(%dma_start3A_333 : memref<128xi32, #tpu.memory_space<vmem>>) semaphore(%arg20 : memref<!tpu.dma_semaphore, #tpu.memory_space<semaphore_mem>>)
      %dma_start3A_337 = arith.constant 25 : i32
      %dma_start3A_338 = arith.constant 1536 : i32
      %dma_start3A_339 = arith.constant 0 : i32
      %dma_start3A_340 = tpu.memref_slice %arg10[%dma_start3A_338, %dma_start3A_339] : memref<2048x8xf32, #tpu.memory_space<vmem>> -> memref<128x8xf32, #tpu.memory_space<vmem>>
      %dma_start3A_341 = arith.constant 0 : i32
      %dma_start3A_342 = tpu.memref_slice %arg7[%dma_start3A_337, %dma_start3A_341] : memref<32x128xi32, #tpu.memory_space<vmem>> -> memref<1x128xi32, #tpu.memory_space<vmem>>
      %dma_start3A_343 = tpu.memref_squeeze %dma_start3A_342 : memref<1x128xi32, #tpu.memory_space<vmem>> -> memref<128xi32, #tpu.memory_space<vmem>>
      %dma_start3A_344 = arith.constant 0 : i32
      %dma_start3A_345 = arith.constant 0 : i32
      %dma_start3A_346 = tpu.memref_slice %arg2[%dma_start3A_344, %dma_start3A_345] : memref<100000x8xf32, #tpu.memory_space<hbm>> -> memref<100000x8xf32, #tpu.memory_space<hbm>>
      tpu.enqueue_indirect_dma source(%dma_start3A_346 : memref<100000x8xf32, #tpu.memory_space<hbm>>) target(%dma_start3A_340 : memref<128x8xf32, #tpu.memory_space<vmem>>) offsets(%dma_start3A_343 : memref<128xi32, #tpu.memory_space<vmem>>) semaphore(%arg20 : memref<!tpu.dma_semaphore, #tpu.memory_space<semaphore_mem>>)
      %dma_start3A_347 = arith.constant 26 : i32
      %dma_start3A_348 = arith.constant 1664 : i32
      %dma_start3A_349 = arith.constant 0 : i32
      %dma_start3A_350 = tpu.memref_slice %arg9[%dma_start3A_348, %dma_start3A_349] : memref<2048x8xf32, #tpu.memory_space<vmem>> -> memref<128x8xf32, #tpu.memory_space<vmem>>
      %dma_start3A_351 = arith.constant 0 : i32
      %dma_start3A_352 = tpu.memref_slice %arg7[%dma_start3A_347, %dma_start3A_351] : memref<32x128xi32, #tpu.memory_space<vmem>> -> memref<1x128xi32, #tpu.memory_space<vmem>>
      %dma_start3A_353 = tpu.memref_squeeze %dma_start3A_352 : memref<1x128xi32, #tpu.memory_space<vmem>> -> memref<128xi32, #tpu.memory_space<vmem>>
      %dma_start3A_354 = arith.constant 0 : i32
      %dma_start3A_355 = arith.constant 0 : i32
      %dma_start3A_356 = tpu.memref_slice %arg2[%dma_start3A_354, %dma_start3A_355] : memref<100000x8xf32, #tpu.memory_space<hbm>> -> memref<100000x8xf32, #tpu.memory_space<hbm>>
      tpu.enqueue_indirect_dma source(%dma_start3A_356 : memref<100000x8xf32, #tpu.memory_space<hbm>>) target(%dma_start3A_350 : memref<128x8xf32, #tpu.memory_space<vmem>>) offsets(%dma_start3A_353 : memref<128xi32, #tpu.memory_space<vmem>>) semaphore(%arg20 : memref<!tpu.dma_semaphore, #tpu.memory_space<semaphore_mem>>)
      %dma_start3A_357 = arith.constant 27 : i32
      %dma_start3A_358 = arith.constant 1664 : i32
      %dma_start3A_359 = arith.constant 0 : i32
      %dma_start3A_360 = tpu.memref_slice %arg10[%dma_start3A_358, %dma_start3A_359] : memref<2048x8xf32, #tpu.memory_space<vmem>> -> memref<128x8xf32, #tpu.memory_space<vmem>>
      %dma_start3A_361 = arith.constant 0 : i32
      %dma_start3A_362 = tpu.memref_slice %arg7[%dma_start3A_357, %dma_start3A_361] : memref<32x128xi32, #tpu.memory_space<vmem>> -> memref<1x128xi32, #tpu.memory_space<vmem>>
      %dma_start3A_363 = tpu.memref_squeeze %dma_start3A_362 : memref<1x128xi32, #tpu.memory_space<vmem>> -> memref<128xi32, #tpu.memory_space<vmem>>
      %dma_start3A_364 = arith.constant 0 : i32
      %dma_start3A_365 = arith.constant 0 : i32
      %dma_start3A_366 = tpu.memref_slice %arg2[%dma_start3A_364, %dma_start3A_365] : memref<100000x8xf32, #tpu.memory_space<hbm>> -> memref<100000x8xf32, #tpu.memory_space<hbm>>
      tpu.enqueue_indirect_dma source(%dma_start3A_366 : memref<100000x8xf32, #tpu.memory_space<hbm>>) target(%dma_start3A_360 : memref<128x8xf32, #tpu.memory_space<vmem>>) offsets(%dma_start3A_363 : memref<128xi32, #tpu.memory_space<vmem>>) semaphore(%arg20 : memref<!tpu.dma_semaphore, #tpu.memory_space<semaphore_mem>>)
      %dma_start3A_367 = arith.constant 28 : i32
      %dma_start3A_368 = arith.constant 1792 : i32
      %dma_start3A_369 = arith.constant 0 : i32
      %dma_start3A_370 = tpu.memref_slice %arg9[%dma_start3A_368, %dma_start3A_369] : memref<2048x8xf32, #tpu.memory_space<vmem>> -> memref<128x8xf32, #tpu.memory_space<vmem>>
      %dma_start3A_371 = arith.constant 0 : i32
      %dma_start3A_372 = tpu.memref_slice %arg7[%dma_start3A_367, %dma_start3A_371] : memref<32x128xi32, #tpu.memory_space<vmem>> -> memref<1x128xi32, #tpu.memory_space<vmem>>
      %dma_start3A_373 = tpu.memref_squeeze %dma_start3A_372 : memref<1x128xi32, #tpu.memory_space<vmem>> -> memref<128xi32, #tpu.memory_space<vmem>>
      %dma_start3A_374 = arith.constant 0 : i32
      %dma_start3A_375 = arith.constant 0 : i32
      %dma_start3A_376 = tpu.memref_slice %arg2[%dma_start3A_374, %dma_start3A_375] : memref<100000x8xf32, #tpu.memory_space<hbm>> -> memref<100000x8xf32, #tpu.memory_space<hbm>>
      tpu.enqueue_indirect_dma source(%dma_start3A_376 : memref<100000x8xf32, #tpu.memory_space<hbm>>) target(%dma_start3A_370 : memref<128x8xf32, #tpu.memory_space<vmem>>) offsets(%dma_start3A_373 : memref<128xi32, #tpu.memory_space<vmem>>) semaphore(%arg20 : memref<!tpu.dma_semaphore, #tpu.memory_space<semaphore_mem>>)
      %dma_start3A_377 = arith.constant 29 : i32
      %dma_start3A_378 = arith.constant 1792 : i32
      %dma_start3A_379 = arith.constant 0 : i32
      %dma_start3A_380 = tpu.memref_slice %arg10[%dma_start3A_378, %dma_start3A_379] : memref<2048x8xf32, #tpu.memory_space<vmem>> -> memref<128x8xf32, #tpu.memory_space<vmem>>
      %dma_start3A_381 = arith.constant 0 : i32
      %dma_start3A_382 = tpu.memref_slice %arg7[%dma_start3A_377, %dma_start3A_381] : memref<32x128xi32, #tpu.memory_space<vmem>> -> memref<1x128xi32, #tpu.memory_space<vmem>>
      %dma_start3A_383 = tpu.memref_squeeze %dma_start3A_382 : memref<1x128xi32, #tpu.memory_space<vmem>> -> memref<128xi32, #tpu.memory_space<vmem>>
      %dma_start3A_384 = arith.constant 0 : i32
      %dma_start3A_385 = arith.constant 0 : i32
      %dma_start3A_386 = tpu.memref_slice %arg2[%dma_start3A_384, %dma_start3A_385] : memref<100000x8xf32, #tpu.memory_space<hbm>> -> memref<100000x8xf32, #tpu.memory_space<hbm>>
      tpu.enqueue_indirect_dma source(%dma_start3A_386 : memref<100000x8xf32, #tpu.memory_space<hbm>>) target(%dma_start3A_380 : memref<128x8xf32, #tpu.memory_space<vmem>>) offsets(%dma_start3A_383 : memref<128xi32, #tpu.memory_space<vmem>>) semaphore(%arg20 : memref<!tpu.dma_semaphore, #tpu.memory_space<semaphore_mem>>)
      %dma_start3A_387 = arith.constant 30 : i32
      %dma_start3A_388 = arith.constant 1920 : i32
      %dma_start3A_389 = arith.constant 0 : i32
      %dma_start3A_390 = tpu.memref_slice %arg9[%dma_start3A_388, %dma_start3A_389] : memref<2048x8xf32, #tpu.memory_space<vmem>> -> memref<128x8xf32, #tpu.memory_space<vmem>>
      %dma_start3A_391 = arith.constant 0 : i32
      %dma_start3A_392 = tpu.memref_slice %arg7[%dma_start3A_387, %dma_start3A_391] : memref<32x128xi32, #tpu.memory_space<vmem>> -> memref<1x128xi32, #tpu.memory_space<vmem>>
      %dma_start3A_393 = tpu.memref_squeeze %dma_start3A_392 : memref<1x128xi32, #tpu.memory_space<vmem>> -> memref<128xi32, #tpu.memory_space<vmem>>
      %dma_start3A_394 = arith.constant 0 : i32
      %dma_start3A_395 = arith.constant 0 : i32
      %dma_start3A_396 = tpu.memref_slice %arg2[%dma_start3A_394, %dma_start3A_395] : memref<100000x8xf32, #tpu.memory_space<hbm>> -> memref<100000x8xf32, #tpu.memory_space<hbm>>
      tpu.enqueue_indirect_dma source(%dma_start3A_396 : memref<100000x8xf32, #tpu.memory_space<hbm>>) target(%dma_start3A_390 : memref<128x8xf32, #tpu.memory_space<vmem>>) offsets(%dma_start3A_393 : memref<128xi32, #tpu.memory_space<vmem>>) semaphore(%arg20 : memref<!tpu.dma_semaphore, #tpu.memory_space<semaphore_mem>>)
      %dma_start3A_397 = arith.constant 31 : i32
      %dma_start3A_398 = arith.constant 1920 : i32
      %dma_start3A_399 = arith.constant 0 : i32
      %dma_start3A_400 = tpu.memref_slice %arg10[%dma_start3A_398, %dma_start3A_399] : memref<2048x8xf32, #tpu.memory_space<vmem>> -> memref<128x8xf32, #tpu.memory_space<vmem>>
      %dma_start3A_401 = arith.constant 0 : i32
      %dma_start3A_402 = tpu.memref_slice %arg7[%dma_start3A_397, %dma_start3A_401] : memref<32x128xi32, #tpu.memory_space<vmem>> -> memref<1x128xi32, #tpu.memory_space<vmem>>
      %dma_start3A_403 = tpu.memref_squeeze %dma_start3A_402 : memref<1x128xi32, #tpu.memory_space<vmem>> -> memref<128xi32, #tpu.memory_space<vmem>>
      %dma_start3A_404 = arith.constant 0 : i32
      %dma_start3A_405 = arith.constant 0 : i32
      %dma_start3A_406 = tpu.memref_slice %arg2[%dma_start3A_404, %dma_start3A_405] : memref<100000x8xf32, #tpu.memory_space<hbm>> -> memref<100000x8xf32, #tpu.memory_space<hbm>>
      tpu.enqueue_indirect_dma source(%dma_start3A_406 : memref<100000x8xf32, #tpu.memory_space<hbm>>) target(%dma_start3A_400 : memref<128x8xf32, #tpu.memory_space<vmem>>) offsets(%dma_start3A_403 : memref<128xi32, #tpu.memory_space<vmem>>) semaphore(%arg20 : memref<!tpu.dma_semaphore, #tpu.memory_space<semaphore_mem>>)
    } else {
    }
    %scan3A = arith.constant 0 : i32
    %scan3A_65 = arith.constant 0 : i32
    %scan3A_66 = arith.constant 49 : i32
    %scan3A_67 = arith.addi %scan3A_65, %scan3A_66 : i32
    %scan3A_68 = arith.constant 1 : i32
    scf.for %scan3A_88 = %scan3A_65 to %scan3A_67 step %scan3A_68  : i32 {
      %mul3A_89 = arith.constant 2 : i32
      %mul3A_90 = arith.muli %mul3A_89, %scan3A_88 : i32
      %add3A_91 = arith.constant 0 : i32
      %add3A_92 = arith.addi %mul3A_90, %add3A_91 : i32
      %mul3A_93 = arith.constant 32 : i32
      %mul3A_94 = arith.muli %add3A_92, %mul3A_93 : i32
      %add3A_95 = arith.addi %mul3A_94, %add3A : i32
      %add3A_96 = arith.constant 32 : i32
      %add3A_97 = arith.addi %add3A_95, %add3A_96 : i32
      %add3A_98 = arith.constant 32 : i32
      %add3A_99 = arith.addi %add3A_97, %add3A_98 : i32
      %sub3A = arith.constant 64 : i32
      %sub3A_100 = arith.subi %add3A_95, %sub3A : i32
      %lt3A_101 = arith.constant 3125 : i32
      %lt3A_102 = arith.cmpi slt, %add3A_95, %lt3A_101 : i32
      %convert_element_type3A_103 = arith.extui %lt3A_102 : i1 to i32
      %cond3A_104 = arith.constant 0 : i32
      %cond3A_105 = arith.cmpi ne, %convert_element_type3A_103, %cond3A_104 : i32
      scf.if %cond3A_105 {
        %dma_wait3A = arith.constant 0 : i32
        %dma_wait3A_210 = arith.constant 0 : i32
        %dma_wait3A_211 = arith.constant 0 : i32
        %dma_wait3A_212 = tpu.memref_slice %arg9[%dma_wait3A_210, %dma_wait3A_211] : memref<2048x8xf32, #tpu.memory_space<vmem>> -> memref<128x8xf32, #tpu.memory_space<vmem>>
        %dma_wait3A_213 = arith.constant 0 : i32
        %dma_wait3A_214 = tpu.memref_slice %arg7[%dma_wait3A, %dma_wait3A_213] : memref<32x128xi32, #tpu.memory_space<vmem>> -> memref<1x128xi32, #tpu.memory_space<vmem>>
        %dma_wait3A_215 = tpu.memref_squeeze %dma_wait3A_214 : memref<1x128xi32, #tpu.memory_space<vmem>> -> memref<128xi32, #tpu.memory_space<vmem>>
        %dma_wait3A_216 = arith.constant 0 : i32
        %dma_wait3A_217 = arith.constant 0 : i32
        %dma_wait3A_218 = tpu.memref_slice %arg2[%dma_wait3A_216, %dma_wait3A_217] : memref<100000x8xf32, #tpu.memory_space<hbm>> -> memref<100000x8xf32, #tpu.memory_space<hbm>>
        tpu.wait_indirect_dma semaphore(%arg20 : memref<!tpu.dma_semaphore, #tpu.memory_space<semaphore_mem>>) src(%dma_wait3A_218 : memref<100000x8xf32, #tpu.memory_space<hbm>>) dst(%dma_wait3A_212 : memref<128x8xf32, #tpu.memory_space<vmem>>)
        %dma_wait3A_219 = arith.constant 1 : i32
        %dma_wait3A_220 = arith.constant 0 : i32
        %dma_wait3A_221 = arith.constant 0 : i32
        %dma_wait3A_222 = tpu.memref_slice %arg10[%dma_wait3A_220, %dma_wait3A_221] : memref<2048x8xf32, #tpu.memory_space<vmem>> -> memref<128x8xf32, #tpu.memory_space<vmem>>
        %dma_wait3A_223 = arith.constant 0 : i32
        %dma_wait3A_224 = tpu.memref_slice %arg7[%dma_wait3A_219, %dma_wait3A_223] : memref<32x128xi32, #tpu.memory_space<vmem>> -> memref<1x128xi32, #tpu.memory_space<vmem>>
        %dma_wait3A_225 = tpu.memref_squeeze %dma_wait3A_224 : memref<1x128xi32, #tpu.memory_space<vmem>> -> memref<128xi32, #tpu.memory_space<vmem>>
        %dma_wait3A_226 = arith.constant 0 : i32
        %dma_wait3A_227 = arith.constant 0 : i32
        %dma_wait3A_228 = tpu.memref_slice %arg2[%dma_wait3A_226, %dma_wait3A_227] : memref<100000x8xf32, #tpu.memory_space<hbm>> -> memref<100000x8xf32, #tpu.memory_space<hbm>>
        tpu.wait_indirect_dma semaphore(%arg20 : memref<!tpu.dma_semaphore, #tpu.memory_space<semaphore_mem>>) src(%dma_wait3A_228 : memref<100000x8xf32, #tpu.memory_space<hbm>>) dst(%dma_wait3A_222 : memref<128x8xf32, #tpu.memory_space<vmem>>)
        %dma_wait3A_229 = arith.constant 2 : i32
        %dma_wait3A_230 = arith.constant 128 : i32
        %dma_wait3A_231 = arith.constant 0 : i32
        %dma_wait3A_232 = tpu.memref_slice %arg9[%dma_wait3A_230, %dma_wait3A_231] : memref<2048x8xf32, #tpu.memory_space<vmem>> -> memref<128x8xf32, #tpu.memory_space<vmem>>
        %dma_wait3A_233 = arith.constant 0 : i32
        %dma_wait3A_234 = tpu.memref_slice %arg7[%dma_wait3A_229, %dma_wait3A_233] : memref<32x128xi32, #tpu.memory_space<vmem>> -> memref<1x128xi32, #tpu.memory_space<vmem>>
        %dma_wait3A_235 = tpu.memref_squeeze %dma_wait3A_234 : memref<1x128xi32, #tpu.memory_space<vmem>> -> memref<128xi32, #tpu.memory_space<vmem>>
        %dma_wait3A_236 = arith.constant 0 : i32
        %dma_wait3A_237 = arith.constant 0 : i32
        %dma_wait3A_238 = tpu.memref_slice %arg2[%dma_wait3A_236, %dma_wait3A_237] : memref<100000x8xf32, #tpu.memory_space<hbm>> -> memref<100000x8xf32, #tpu.memory_space<hbm>>
        tpu.wait_indirect_dma semaphore(%arg20 : memref<!tpu.dma_semaphore, #tpu.memory_space<semaphore_mem>>) src(%dma_wait3A_238 : memref<100000x8xf32, #tpu.memory_space<hbm>>) dst(%dma_wait3A_232 : memref<128x8xf32, #tpu.memory_space<vmem>>)
        %dma_wait3A_239 = arith.constant 3 : i32
        %dma_wait3A_240 = arith.constant 128 : i32
        %dma_wait3A_241 = arith.constant 0 : i32
        %dma_wait3A_242 = tpu.memref_slice %arg10[%dma_wait3A_240, %dma_wait3A_241] : memref<2048x8xf32, #tpu.memory_space<vmem>> -> memref<128x8xf32, #tpu.memory_space<vmem>>
        %dma_wait3A_243 = arith.constant 0 : i32
        %dma_wait3A_244 = tpu.memref_slice %arg7[%dma_wait3A_239, %dma_wait3A_243] : memref<32x128xi32, #tpu.memory_space<vmem>> -> memref<1x128xi32, #tpu.memory_space<vmem>>
        %dma_wait3A_245 = tpu.memref_squeeze %dma_wait3A_244 : memref<1x128xi32, #tpu.memory_space<vmem>> -> memref<128xi32, #tpu.memory_space<vmem>>
        %dma_wait3A_246 = arith.constant 0 : i32
        %dma_wait3A_247 = arith.constant 0 : i32
        %dma_wait3A_248 = tpu.memref_slice %arg2[%dma_wait3A_246, %dma_wait3A_247] : memref<100000x8xf32, #tpu.memory_space<hbm>> -> memref<100000x8xf32, #tpu.memory_space<hbm>>
        tpu.wait_indirect_dma semaphore(%arg20 : memref<!tpu.dma_semaphore, #tpu.memory_space<semaphore_mem>>) src(%dma_wait3A_248 : memref<100000x8xf32, #tpu.memory_space<hbm>>) dst(%dma_wait3A_242 : memref<128x8xf32, #tpu.memory_space<vmem>>)
        %dma_wait3A_249 = arith.constant 4 : i32
        %dma_wait3A_250 = arith.constant 256 : i32
        %dma_wait3A_251 = arith.constant 0 : i32
        %dma_wait3A_252 = tpu.memref_slice %arg9[%dma_wait3A_250, %dma_wait3A_251] : memref<2048x8xf32, #tpu.memory_space<vmem>> -> memref<128x8xf32, #tpu.memory_space<vmem>>
        %dma_wait3A_253 = arith.constant 0 : i32
        %dma_wait3A_254 = tpu.memref_slice %arg7[%dma_wait3A_249, %dma_wait3A_253] : memref<32x128xi32, #tpu.memory_space<vmem>> -> memref<1x128xi32, #tpu.memory_space<vmem>>
        %dma_wait3A_255 = tpu.memref_squeeze %dma_wait3A_254 : memref<1x128xi32, #tpu.memory_space<vmem>> -> memref<128xi32, #tpu.memory_space<vmem>>
        %dma_wait3A_256 = arith.constant 0 : i32
        %dma_wait3A_257 = arith.constant 0 : i32
        %dma_wait3A_258 = tpu.memref_slice %arg2[%dma_wait3A_256, %dma_wait3A_257] : memref<100000x8xf32, #tpu.memory_space<hbm>> -> memref<100000x8xf32, #tpu.memory_space<hbm>>
        tpu.wait_indirect_dma semaphore(%arg20 : memref<!tpu.dma_semaphore, #tpu.memory_space<semaphore_mem>>) src(%dma_wait3A_258 : memref<100000x8xf32, #tpu.memory_space<hbm>>) dst(%dma_wait3A_252 : memref<128x8xf32, #tpu.memory_space<vmem>>)
        %dma_wait3A_259 = arith.constant 5 : i32
        %dma_wait3A_260 = arith.constant 256 : i32
        %dma_wait3A_261 = arith.constant 0 : i32
        %dma_wait3A_262 = tpu.memref_slice %arg10[%dma_wait3A_260, %dma_wait3A_261] : memref<2048x8xf32, #tpu.memory_space<vmem>> -> memref<128x8xf32, #tpu.memory_space<vmem>>
        %dma_wait3A_263 = arith.constant 0 : i32
        %dma_wait3A_264 = tpu.memref_slice %arg7[%dma_wait3A_259, %dma_wait3A_263] : memref<32x128xi32, #tpu.memory_space<vmem>> -> memref<1x128xi32, #tpu.memory_space<vmem>>
        %dma_wait3A_265 = tpu.memref_squeeze %dma_wait3A_264 : memref<1x128xi32, #tpu.memory_space<vmem>> -> memref<128xi32, #tpu.memory_space<vmem>>
        %dma_wait3A_266 = arith.constant 0 : i32
        %dma_wait3A_267 = arith.constant 0 : i32
        %dma_wait3A_268 = tpu.memref_slice %arg2[%dma_wait3A_266, %dma_wait3A_267] : memref<100000x8xf32, #tpu.memory_space<hbm>> -> memref<100000x8xf32, #tpu.memory_space<hbm>>
        tpu.wait_indirect_dma semaphore(%arg20 : memref<!tpu.dma_semaphore, #tpu.memory_space<semaphore_mem>>) src(%dma_wait3A_268 : memref<100000x8xf32, #tpu.memory_space<hbm>>) dst(%dma_wait3A_262 : memref<128x8xf32, #tpu.memory_space<vmem>>)
        %dma_wait3A_269 = arith.constant 6 : i32
        %dma_wait3A_270 = arith.constant 384 : i32
        %dma_wait3A_271 = arith.constant 0 : i32
        %dma_wait3A_272 = tpu.memref_slice %arg9[%dma_wait3A_270, %dma_wait3A_271] : memref<2048x8xf32, #tpu.memory_space<vmem>> -> memref<128x8xf32, #tpu.memory_space<vmem>>
        %dma_wait3A_273 = arith.constant 0 : i32
        %dma_wait3A_274 = tpu.memref_slice %arg7[%dma_wait3A_269, %dma_wait3A_273] : memref<32x128xi32, #tpu.memory_space<vmem>> -> memref<1x128xi32, #tpu.memory_space<vmem>>
        %dma_wait3A_275 = tpu.memref_squeeze %dma_wait3A_274 : memref<1x128xi32, #tpu.memory_space<vmem>> -> memref<128xi32, #tpu.memory_space<vmem>>
        %dma_wait3A_276 = arith.constant 0 : i32
        %dma_wait3A_277 = arith.constant 0 : i32
        %dma_wait3A_278 = tpu.memref_slice %arg2[%dma_wait3A_276, %dma_wait3A_277] : memref<100000x8xf32, #tpu.memory_space<hbm>> -> memref<100000x8xf32, #tpu.memory_space<hbm>>
        tpu.wait_indirect_dma semaphore(%arg20 : memref<!tpu.dma_semaphore, #tpu.memory_space<semaphore_mem>>) src(%dma_wait3A_278 : memref<100000x8xf32, #tpu.memory_space<hbm>>) dst(%dma_wait3A_272 : memref<128x8xf32, #tpu.memory_space<vmem>>)
        %dma_wait3A_279 = arith.constant 7 : i32
        %dma_wait3A_280 = arith.constant 384 : i32
        %dma_wait3A_281 = arith.constant 0 : i32
        %dma_wait3A_282 = tpu.memref_slice %arg10[%dma_wait3A_280, %dma_wait3A_281] : memref<2048x8xf32, #tpu.memory_space<vmem>> -> memref<128x8xf32, #tpu.memory_space<vmem>>
        %dma_wait3A_283 = arith.constant 0 : i32
        %dma_wait3A_284 = tpu.memref_slice %arg7[%dma_wait3A_279, %dma_wait3A_283] : memref<32x128xi32, #tpu.memory_space<vmem>> -> memref<1x128xi32, #tpu.memory_space<vmem>>
        %dma_wait3A_285 = tpu.memref_squeeze %dma_wait3A_284 : memref<1x128xi32, #tpu.memory_space<vmem>> -> memref<128xi32, #tpu.memory_space<vmem>>
        %dma_wait3A_286 = arith.constant 0 : i32
        %dma_wait3A_287 = arith.constant 0 : i32
        %dma_wait3A_288 = tpu.memref_slice %arg2[%dma_wait3A_286, %dma_wait3A_287] : memref<100000x8xf32, #tpu.memory_space<hbm>> -> memref<100000x8xf32, #tpu.memory_space<hbm>>
        tpu.wait_indirect_dma semaphore(%arg20 : memref<!tpu.dma_semaphore, #tpu.memory_space<semaphore_mem>>) src(%dma_wait3A_288 : memref<100000x8xf32, #tpu.memory_space<hbm>>) dst(%dma_wait3A_282 : memref<128x8xf32, #tpu.memory_space<vmem>>)
        %dma_wait3A_289 = arith.constant 8 : i32
        %dma_wait3A_290 = arith.constant 512 : i32
        %dma_wait3A_291 = arith.constant 0 : i32
        %dma_wait3A_292 = tpu.memref_slice %arg9[%dma_wait3A_290, %dma_wait3A_291] : memref<2048x8xf32, #tpu.memory_space<vmem>> -> memref<128x8xf32, #tpu.memory_space<vmem>>
        %dma_wait3A_293 = arith.constant 0 : i32
        %dma_wait3A_294 = tpu.memref_slice %arg7[%dma_wait3A_289, %dma_wait3A_293] : memref<32x128xi32, #tpu.memory_space<vmem>> -> memref<1x128xi32, #tpu.memory_space<vmem>>
        %dma_wait3A_295 = tpu.memref_squeeze %dma_wait3A_294 : memref<1x128xi32, #tpu.memory_space<vmem>> -> memref<128xi32, #tpu.memory_space<vmem>>
        %dma_wait3A_296 = arith.constant 0 : i32
        %dma_wait3A_297 = arith.constant 0 : i32
        %dma_wait3A_298 = tpu.memref_slice %arg2[%dma_wait3A_296, %dma_wait3A_297] : memref<100000x8xf32, #tpu.memory_space<hbm>> -> memref<100000x8xf32, #tpu.memory_space<hbm>>
        tpu.wait_indirect_dma semaphore(%arg20 : memref<!tpu.dma_semaphore, #tpu.memory_space<semaphore_mem>>) src(%dma_wait3A_298 : memref<100000x8xf32, #tpu.memory_space<hbm>>) dst(%dma_wait3A_292 : memref<128x8xf32, #tpu.memory_space<vmem>>)
        %dma_wait3A_299 = arith.constant 9 : i32
        %dma_wait3A_300 = arith.constant 512 : i32
        %dma_wait3A_301 = arith.constant 0 : i32
        %dma_wait3A_302 = tpu.memref_slice %arg10[%dma_wait3A_300, %dma_wait3A_301] : memref<2048x8xf32, #tpu.memory_space<vmem>> -> memref<128x8xf32, #tpu.memory_space<vmem>>
        %dma_wait3A_303 = arith.constant 0 : i32
        %dma_wait3A_304 = tpu.memref_slice %arg7[%dma_wait3A_299, %dma_wait3A_303] : memref<32x128xi32, #tpu.memory_space<vmem>> -> memref<1x128xi32, #tpu.memory_space<vmem>>
        %dma_wait3A_305 = tpu.memref_squeeze %dma_wait3A_304 : memref<1x128xi32, #tpu.memory_space<vmem>> -> memref<128xi32, #tpu.memory_space<vmem>>
        %dma_wait3A_306 = arith.constant 0 : i32
        %dma_wait3A_307 = arith.constant 0 : i32
        %dma_wait3A_308 = tpu.memref_slice %arg2[%dma_wait3A_306, %dma_wait3A_307] : memref<100000x8xf32, #tpu.memory_space<hbm>> -> memref<100000x8xf32, #tpu.memory_space<hbm>>
        tpu.wait_indirect_dma semaphore(%arg20 : memref<!tpu.dma_semaphore, #tpu.memory_space<semaphore_mem>>) src(%dma_wait3A_308 : memref<100000x8xf32, #tpu.memory_space<hbm>>) dst(%dma_wait3A_302 : memref<128x8xf32, #tpu.memory_space<vmem>>)
        %dma_wait3A_309 = arith.constant 10 : i32
        %dma_wait3A_310 = arith.constant 640 : i32
        %dma_wait3A_311 = arith.constant 0 : i32
        %dma_wait3A_312 = tpu.memref_slice %arg9[%dma_wait3A_310, %dma_wait3A_311] : memref<2048x8xf32, #tpu.memory_space<vmem>> -> memref<128x8xf32, #tpu.memory_space<vmem>>
        %dma_wait3A_313 = arith.constant 0 : i32
        %dma_wait3A_314 = tpu.memref_slice %arg7[%dma_wait3A_309, %dma_wait3A_313] : memref<32x128xi32, #tpu.memory_space<vmem>> -> memref<1x128xi32, #tpu.memory_space<vmem>>
        %dma_wait3A_315 = tpu.memref_squeeze %dma_wait3A_314 : memref<1x128xi32, #tpu.memory_space<vmem>> -> memref<128xi32, #tpu.memory_space<vmem>>
        %dma_wait3A_316 = arith.constant 0 : i32
        %dma_wait3A_317 = arith.constant 0 : i32
        %dma_wait3A_318 = tpu.memref_slice %arg2[%dma_wait3A_316, %dma_wait3A_317] : memref<100000x8xf32, #tpu.memory_space<hbm>> -> memref<100000x8xf32, #tpu.memory_space<hbm>>
        tpu.wait_indirect_dma semaphore(%arg20 : memref<!tpu.dma_semaphore, #tpu.memory_space<semaphore_mem>>) src(%dma_wait3A_318 : memref<100000x8xf32, #tpu.memory_space<hbm>>) dst(%dma_wait3A_312 : memref<128x8xf32, #tpu.memory_space<vmem>>)
        %dma_wait3A_319 = arith.constant 11 : i32
        %dma_wait3A_320 = arith.constant 640 : i32
        %dma_wait3A_321 = arith.constant 0 : i32
        %dma_wait3A_322 = tpu.memref_slice %arg10[%dma_wait3A_320, %dma_wait3A_321] : memref<2048x8xf32, #tpu.memory_space<vmem>> -> memref<128x8xf32, #tpu.memory_space<vmem>>
        %dma_wait3A_323 = arith.constant 0 : i32
        %dma_wait3A_324 = tpu.memref_slice %arg7[%dma_wait3A_319, %dma_wait3A_323] : memref<32x128xi32, #tpu.memory_space<vmem>> -> memref<1x128xi32, #tpu.memory_space<vmem>>
        %dma_wait3A_325 = tpu.memref_squeeze %dma_wait3A_324 : memref<1x128xi32, #tpu.memory_space<vmem>> -> memref<128xi32, #tpu.memory_space<vmem>>
        %dma_wait3A_326 = arith.constant 0 : i32
        %dma_wait3A_327 = arith.constant 0 : i32
        %dma_wait3A_328 = tpu.memref_slice %arg2[%dma_wait3A_326, %dma_wait3A_327] : memref<100000x8xf32, #tpu.memory_space<hbm>> -> memref<100000x8xf32, #tpu.memory_space<hbm>>
        tpu.wait_indirect_dma semaphore(%arg20 : memref<!tpu.dma_semaphore, #tpu.memory_space<semaphore_mem>>) src(%dma_wait3A_328 : memref<100000x8xf32, #tpu.memory_space<hbm>>) dst(%dma_wait3A_322 : memref<128x8xf32, #tpu.memory_space<vmem>>)
        %dma_wait3A_329 = arith.constant 12 : i32
        %dma_wait3A_330 = arith.constant 768 : i32
        %dma_wait3A_331 = arith.constant 0 : i32
        %dma_wait3A_332 = tpu.memref_slice %arg9[%dma_wait3A_330, %dma_wait3A_331] : memref<2048x8xf32, #tpu.memory_space<vmem>> -> memref<128x8xf32, #tpu.memory_space<vmem>>
        %dma_wait3A_333 = arith.constant 0 : i32
        %dma_wait3A_334 = tpu.memref_slice %arg7[%dma_wait3A_329, %dma_wait3A_333] : memref<32x128xi32, #tpu.memory_space<vmem>> -> memref<1x128xi32, #tpu.memory_space<vmem>>
        %dma_wait3A_335 = tpu.memref_squeeze %dma_wait3A_334 : memref<1x128xi32, #tpu.memory_space<vmem>> -> memref<128xi32, #tpu.memory_space<vmem>>
        %dma_wait3A_336 = arith.constant 0 : i32
        %dma_wait3A_337 = arith.constant 0 : i32
        %dma_wait3A_338 = tpu.memref_slice %arg2[%dma_wait3A_336, %dma_wait3A_337] : memref<100000x8xf32, #tpu.memory_space<hbm>> -> memref<100000x8xf32, #tpu.memory_space<hbm>>
        tpu.wait_indirect_dma semaphore(%arg20 : memref<!tpu.dma_semaphore, #tpu.memory_space<semaphore_mem>>) src(%dma_wait3A_338 : memref<100000x8xf32, #tpu.memory_space<hbm>>) dst(%dma_wait3A_332 : memref<128x8xf32, #tpu.memory_space<vmem>>)
        %dma_wait3A_339 = arith.constant 13 : i32
        %dma_wait3A_340 = arith.constant 768 : i32
        %dma_wait3A_341 = arith.constant 0 : i32
        %dma_wait3A_342 = tpu.memref_slice %arg10[%dma_wait3A_340, %dma_wait3A_341] : memref<2048x8xf32, #tpu.memory_space<vmem>> -> memref<128x8xf32, #tpu.memory_space<vmem>>
        %dma_wait3A_343 = arith.constant 0 : i32
        %dma_wait3A_344 = tpu.memref_slice %arg7[%dma_wait3A_339, %dma_wait3A_343] : memref<32x128xi32, #tpu.memory_space<vmem>> -> memref<1x128xi32, #tpu.memory_space<vmem>>
        %dma_wait3A_345 = tpu.memref_squeeze %dma_wait3A_344 : memref<1x128xi32, #tpu.memory_space<vmem>> -> memref<128xi32, #tpu.memory_space<vmem>>
        %dma_wait3A_346 = arith.constant 0 : i32
        %dma_wait3A_347 = arith.constant 0 : i32
        %dma_wait3A_348 = tpu.memref_slice %arg2[%dma_wait3A_346, %dma_wait3A_347] : memref<100000x8xf32, #tpu.memory_space<hbm>> -> memref<100000x8xf32, #tpu.memory_space<hbm>>
        tpu.wait_indirect_dma semaphore(%arg20 : memref<!tpu.dma_semaphore, #tpu.memory_space<semaphore_mem>>) src(%dma_wait3A_348 : memref<100000x8xf32, #tpu.memory_space<hbm>>) dst(%dma_wait3A_342 : memref<128x8xf32, #tpu.memory_space<vmem>>)
        %dma_wait3A_349 = arith.constant 14 : i32
        %dma_wait3A_350 = arith.constant 896 : i32
        %dma_wait3A_351 = arith.constant 0 : i32
        %dma_wait3A_352 = tpu.memref_slice %arg9[%dma_wait3A_350, %dma_wait3A_351] : memref<2048x8xf32, #tpu.memory_space<vmem>> -> memref<128x8xf32, #tpu.memory_space<vmem>>
        %dma_wait3A_353 = arith.constant 0 : i32
        %dma_wait3A_354 = tpu.memref_slice %arg7[%dma_wait3A_349, %dma_wait3A_353] : memref<32x128xi32, #tpu.memory_space<vmem>> -> memref<1x128xi32, #tpu.memory_space<vmem>>
        %dma_wait3A_355 = tpu.memref_squeeze %dma_wait3A_354 : memref<1x128xi32, #tpu.memory_space<vmem>> -> memref<128xi32, #tpu.memory_space<vmem>>
        %dma_wait3A_356 = arith.constant 0 : i32
        %dma_wait3A_357 = arith.constant 0 : i32
        %dma_wait3A_358 = tpu.memref_slice %arg2[%dma_wait3A_356, %dma_wait3A_357] : memref<100000x8xf32, #tpu.memory_space<hbm>> -> memref<100000x8xf32, #tpu.memory_space<hbm>>
        tpu.wait_indirect_dma semaphore(%arg20 : memref<!tpu.dma_semaphore, #tpu.memory_space<semaphore_mem>>) src(%dma_wait3A_358 : memref<100000x8xf32, #tpu.memory_space<hbm>>) dst(%dma_wait3A_352 : memref<128x8xf32, #tpu.memory_space<vmem>>)
        %dma_wait3A_359 = arith.constant 15 : i32
        %dma_wait3A_360 = arith.constant 896 : i32
        %dma_wait3A_361 = arith.constant 0 : i32
        %dma_wait3A_362 = tpu.memref_slice %arg10[%dma_wait3A_360, %dma_wait3A_361] : memref<2048x8xf32, #tpu.memory_space<vmem>> -> memref<128x8xf32, #tpu.memory_space<vmem>>
        %dma_wait3A_363 = arith.constant 0 : i32
        %dma_wait3A_364 = tpu.memref_slice %arg7[%dma_wait3A_359, %dma_wait3A_363] : memref<32x128xi32, #tpu.memory_space<vmem>> -> memref<1x128xi32, #tpu.memory_space<vmem>>
        %dma_wait3A_365 = tpu.memref_squeeze %dma_wait3A_364 : memref<1x128xi32, #tpu.memory_space<vmem>> -> memref<128xi32, #tpu.memory_space<vmem>>
        %dma_wait3A_366 = arith.constant 0 : i32
        %dma_wait3A_367 = arith.constant 0 : i32
        %dma_wait3A_368 = tpu.memref_slice %arg2[%dma_wait3A_366, %dma_wait3A_367] : memref<100000x8xf32, #tpu.memory_space<hbm>> -> memref<100000x8xf32, #tpu.memory_space<hbm>>
        tpu.wait_indirect_dma semaphore(%arg20 : memref<!tpu.dma_semaphore, #tpu.memory_space<semaphore_mem>>) src(%dma_wait3A_368 : memref<100000x8xf32, #tpu.memory_space<hbm>>) dst(%dma_wait3A_362 : memref<128x8xf32, #tpu.memory_space<vmem>>)
        %dma_wait3A_369 = arith.constant 16 : i32
        %dma_wait3A_370 = arith.constant 1024 : i32
        %dma_wait3A_371 = arith.constant 0 : i32
        %dma_wait3A_372 = tpu.memref_slice %arg9[%dma_wait3A_370, %dma_wait3A_371] : memref<2048x8xf32, #tpu.memory_space<vmem>> -> memref<128x8xf32, #tpu.memory_space<vmem>>
        %dma_wait3A_373 = arith.constant 0 : i32
        %dma_wait3A_374 = tpu.memref_slice %arg7[%dma_wait3A_369, %dma_wait3A_373] : memref<32x128xi32, #tpu.memory_space<vmem>> -> memref<1x128xi32, #tpu.memory_space<vmem>>
        %dma_wait3A_375 = tpu.memref_squeeze %dma_wait3A_374 : memref<1x128xi32, #tpu.memory_space<vmem>> -> memref<128xi32, #tpu.memory_space<vmem>>
        %dma_wait3A_376 = arith.constant 0 : i32
        %dma_wait3A_377 = arith.constant 0 : i32
        %dma_wait3A_378 = tpu.memref_slice %arg2[%dma_wait3A_376, %dma_wait3A_377] : memref<100000x8xf32, #tpu.memory_space<hbm>> -> memref<100000x8xf32, #tpu.memory_space<hbm>>
        tpu.wait_indirect_dma semaphore(%arg20 : memref<!tpu.dma_semaphore, #tpu.memory_space<semaphore_mem>>) src(%dma_wait3A_378 : memref<100000x8xf32, #tpu.memory_space<hbm>>) dst(%dma_wait3A_372 : memref<128x8xf32, #tpu.memory_space<vmem>>)
        %dma_wait3A_379 = arith.constant 17 : i32
        %dma_wait3A_380 = arith.constant 1024 : i32
        %dma_wait3A_381 = arith.constant 0 : i32
        %dma_wait3A_382 = tpu.memref_slice %arg10[%dma_wait3A_380, %dma_wait3A_381] : memref<2048x8xf32, #tpu.memory_space<vmem>> -> memref<128x8xf32, #tpu.memory_space<vmem>>
        %dma_wait3A_383 = arith.constant 0 : i32
        %dma_wait3A_384 = tpu.memref_slice %arg7[%dma_wait3A_379, %dma_wait3A_383] : memref<32x128xi32, #tpu.memory_space<vmem>> -> memref<1x128xi32, #tpu.memory_space<vmem>>
        %dma_wait3A_385 = tpu.memref_squeeze %dma_wait3A_384 : memref<1x128xi32, #tpu.memory_space<vmem>> -> memref<128xi32, #tpu.memory_space<vmem>>
        %dma_wait3A_386 = arith.constant 0 : i32
        %dma_wait3A_387 = arith.constant 0 : i32
        %dma_wait3A_388 = tpu.memref_slice %arg2[%dma_wait3A_386, %dma_wait3A_387] : memref<100000x8xf32, #tpu.memory_space<hbm>> -> memref<100000x8xf32, #tpu.memory_space<hbm>>
        tpu.wait_indirect_dma semaphore(%arg20 : memref<!tpu.dma_semaphore, #tpu.memory_space<semaphore_mem>>) src(%dma_wait3A_388 : memref<100000x8xf32, #tpu.memory_space<hbm>>) dst(%dma_wait3A_382 : memref<128x8xf32, #tpu.memory_space<vmem>>)
        %dma_wait3A_389 = arith.constant 18 : i32
        %dma_wait3A_390 = arith.constant 1152 : i32
        %dma_wait3A_391 = arith.constant 0 : i32
        %dma_wait3A_392 = tpu.memref_slice %arg9[%dma_wait3A_390, %dma_wait3A_391] : memref<2048x8xf32, #tpu.memory_space<vmem>> -> memref<128x8xf32, #tpu.memory_space<vmem>>
        %dma_wait3A_393 = arith.constant 0 : i32
        %dma_wait3A_394 = tpu.memref_slice %arg7[%dma_wait3A_389, %dma_wait3A_393] : memref<32x128xi32, #tpu.memory_space<vmem>> -> memref<1x128xi32, #tpu.memory_space<vmem>>
        %dma_wait3A_395 = tpu.memref_squeeze %dma_wait3A_394 : memref<1x128xi32, #tpu.memory_space<vmem>> -> memref<128xi32, #tpu.memory_space<vmem>>
        %dma_wait3A_396 = arith.constant 0 : i32
        %dma_wait3A_397 = arith.constant 0 : i32
        %dma_wait3A_398 = tpu.memref_slice %arg2[%dma_wait3A_396, %dma_wait3A_397] : memref<100000x8xf32, #tpu.memory_space<hbm>> -> memref<100000x8xf32, #tpu.memory_space<hbm>>
        tpu.wait_indirect_dma semaphore(%arg20 : memref<!tpu.dma_semaphore, #tpu.memory_space<semaphore_mem>>) src(%dma_wait3A_398 : memref<100000x8xf32, #tpu.memory_space<hbm>>) dst(%dma_wait3A_392 : memref<128x8xf32, #tpu.memory_space<vmem>>)
        %dma_wait3A_399 = arith.constant 19 : i32
        %dma_wait3A_400 = arith.constant 1152 : i32
        %dma_wait3A_401 = arith.constant 0 : i32
        %dma_wait3A_402 = tpu.memref_slice %arg10[%dma_wait3A_400, %dma_wait3A_401] : memref<2048x8xf32, #tpu.memory_space<vmem>> -> memref<128x8xf32, #tpu.memory_space<vmem>>
        %dma_wait3A_403 = arith.constant 0 : i32
        %dma_wait3A_404 = tpu.memref_slice %arg7[%dma_wait3A_399, %dma_wait3A_403] : memref<32x128xi32, #tpu.memory_space<vmem>> -> memref<1x128xi32, #tpu.memory_space<vmem>>
        %dma_wait3A_405 = tpu.memref_squeeze %dma_wait3A_404 : memref<1x128xi32, #tpu.memory_space<vmem>> -> memref<128xi32, #tpu.memory_space<vmem>>
        %dma_wait3A_406 = arith.constant 0 : i32
        %dma_wait3A_407 = arith.constant 0 : i32
        %dma_wait3A_408 = tpu.memref_slice %arg2[%dma_wait3A_406, %dma_wait3A_407] : memref<100000x8xf32, #tpu.memory_space<hbm>> -> memref<100000x8xf32, #tpu.memory_space<hbm>>
        tpu.wait_indirect_dma semaphore(%arg20 : memref<!tpu.dma_semaphore, #tpu.memory_space<semaphore_mem>>) src(%dma_wait3A_408 : memref<100000x8xf32, #tpu.memory_space<hbm>>) dst(%dma_wait3A_402 : memref<128x8xf32, #tpu.memory_space<vmem>>)
        %dma_wait3A_409 = arith.constant 20 : i32
        %dma_wait3A_410 = arith.constant 1280 : i32
        %dma_wait3A_411 = arith.constant 0 : i32
        %dma_wait3A_412 = tpu.memref_slice %arg9[%dma_wait3A_410, %dma_wait3A_411] : memref<2048x8xf32, #tpu.memory_space<vmem>> -> memref<128x8xf32, #tpu.memory_space<vmem>>
        %dma_wait3A_413 = arith.constant 0 : i32
        %dma_wait3A_414 = tpu.memref_slice %arg7[%dma_wait3A_409, %dma_wait3A_413] : memref<32x128xi32, #tpu.memory_space<vmem>> -> memref<1x128xi32, #tpu.memory_space<vmem>>
        %dma_wait3A_415 = tpu.memref_squeeze %dma_wait3A_414 : memref<1x128xi32, #tpu.memory_space<vmem>> -> memref<128xi32, #tpu.memory_space<vmem>>
        %dma_wait3A_416 = arith.constant 0 : i32
        %dma_wait3A_417 = arith.constant 0 : i32
        %dma_wait3A_418 = tpu.memref_slice %arg2[%dma_wait3A_416, %dma_wait3A_417] : memref<100000x8xf32, #tpu.memory_space<hbm>> -> memref<100000x8xf32, #tpu.memory_space<hbm>>
        tpu.wait_indirect_dma semaphore(%arg20 : memref<!tpu.dma_semaphore, #tpu.memory_space<semaphore_mem>>) src(%dma_wait3A_418 : memref<100000x8xf32, #tpu.memory_space<hbm>>) dst(%dma_wait3A_412 : memref<128x8xf32, #tpu.memory_space<vmem>>)
        %dma_wait3A_419 = arith.constant 21 : i32
        %dma_wait3A_420 = arith.constant 1280 : i32
        %dma_wait3A_421 = arith.constant 0 : i32
        %dma_wait3A_422 = tpu.memref_slice %arg10[%dma_wait3A_420, %dma_wait3A_421] : memref<2048x8xf32, #tpu.memory_space<vmem>> -> memref<128x8xf32, #tpu.memory_space<vmem>>
        %dma_wait3A_423 = arith.constant 0 : i32
        %dma_wait3A_424 = tpu.memref_slice %arg7[%dma_wait3A_419, %dma_wait3A_423] : memref<32x128xi32, #tpu.memory_space<vmem>> -> memref<1x128xi32, #tpu.memory_space<vmem>>
        %dma_wait3A_425 = tpu.memref_squeeze %dma_wait3A_424 : memref<1x128xi32, #tpu.memory_space<vmem>> -> memref<128xi32, #tpu.memory_space<vmem>>
        %dma_wait3A_426 = arith.constant 0 : i32
        %dma_wait3A_427 = arith.constant 0 : i32
        %dma_wait3A_428 = tpu.memref_slice %arg2[%dma_wait3A_426, %dma_wait3A_427] : memref<100000x8xf32, #tpu.memory_space<hbm>> -> memref<100000x8xf32, #tpu.memory_space<hbm>>
        tpu.wait_indirect_dma semaphore(%arg20 : memref<!tpu.dma_semaphore, #tpu.memory_space<semaphore_mem>>) src(%dma_wait3A_428 : memref<100000x8xf32, #tpu.memory_space<hbm>>) dst(%dma_wait3A_422 : memref<128x8xf32, #tpu.memory_space<vmem>>)
        %dma_wait3A_429 = arith.constant 22 : i32
        %dma_wait3A_430 = arith.constant 1408 : i32
        %dma_wait3A_431 = arith.constant 0 : i32
        %dma_wait3A_432 = tpu.memref_slice %arg9[%dma_wait3A_430, %dma_wait3A_431] : memref<2048x8xf32, #tpu.memory_space<vmem>> -> memref<128x8xf32, #tpu.memory_space<vmem>>
        %dma_wait3A_433 = arith.constant 0 : i32
        %dma_wait3A_434 = tpu.memref_slice %arg7[%dma_wait3A_429, %dma_wait3A_433] : memref<32x128xi32, #tpu.memory_space<vmem>> -> memref<1x128xi32, #tpu.memory_space<vmem>>
        %dma_wait3A_435 = tpu.memref_squeeze %dma_wait3A_434 : memref<1x128xi32, #tpu.memory_space<vmem>> -> memref<128xi32, #tpu.memory_space<vmem>>
        %dma_wait3A_436 = arith.constant 0 : i32
        %dma_wait3A_437 = arith.constant 0 : i32
        %dma_wait3A_438 = tpu.memref_slice %arg2[%dma_wait3A_436, %dma_wait3A_437] : memref<100000x8xf32, #tpu.memory_space<hbm>> -> memref<100000x8xf32, #tpu.memory_space<hbm>>
        tpu.wait_indirect_dma semaphore(%arg20 : memref<!tpu.dma_semaphore, #tpu.memory_space<semaphore_mem>>) src(%dma_wait3A_438 : memref<100000x8xf32, #tpu.memory_space<hbm>>) dst(%dma_wait3A_432 : memref<128x8xf32, #tpu.memory_space<vmem>>)
        %dma_wait3A_439 = arith.constant 23 : i32
        %dma_wait3A_440 = arith.constant 1408 : i32
        %dma_wait3A_441 = arith.constant 0 : i32
        %dma_wait3A_442 = tpu.memref_slice %arg10[%dma_wait3A_440, %dma_wait3A_441] : memref<2048x8xf32, #tpu.memory_space<vmem>> -> memref<128x8xf32, #tpu.memory_space<vmem>>
        %dma_wait3A_443 = arith.constant 0 : i32
        %dma_wait3A_444 = tpu.memref_slice %arg7[%dma_wait3A_439, %dma_wait3A_443] : memref<32x128xi32, #tpu.memory_space<vmem>> -> memref<1x128xi32, #tpu.memory_space<vmem>>
        %dma_wait3A_445 = tpu.memref_squeeze %dma_wait3A_444 : memref<1x128xi32, #tpu.memory_space<vmem>> -> memref<128xi32, #tpu.memory_space<vmem>>
        %dma_wait3A_446 = arith.constant 0 : i32
        %dma_wait3A_447 = arith.constant 0 : i32
        %dma_wait3A_448 = tpu.memref_slice %arg2[%dma_wait3A_446, %dma_wait3A_447] : memref<100000x8xf32, #tpu.memory_space<hbm>> -> memref<100000x8xf32, #tpu.memory_space<hbm>>
        tpu.wait_indirect_dma semaphore(%arg20 : memref<!tpu.dma_semaphore, #tpu.memory_space<semaphore_mem>>) src(%dma_wait3A_448 : memref<100000x8xf32, #tpu.memory_space<hbm>>) dst(%dma_wait3A_442 : memref<128x8xf32, #tpu.memory_space<vmem>>)
        %dma_wait3A_449 = arith.constant 24 : i32
        %dma_wait3A_450 = arith.constant 1536 : i32
        %dma_wait3A_451 = arith.constant 0 : i32
        %dma_wait3A_452 = tpu.memref_slice %arg9[%dma_wait3A_450, %dma_wait3A_451] : memref<2048x8xf32, #tpu.memory_space<vmem>> -> memref<128x8xf32, #tpu.memory_space<vmem>>
        %dma_wait3A_453 = arith.constant 0 : i32
        %dma_wait3A_454 = tpu.memref_slice %arg7[%dma_wait3A_449, %dma_wait3A_453] : memref<32x128xi32, #tpu.memory_space<vmem>> -> memref<1x128xi32, #tpu.memory_space<vmem>>
        %dma_wait3A_455 = tpu.memref_squeeze %dma_wait3A_454 : memref<1x128xi32, #tpu.memory_space<vmem>> -> memref<128xi32, #tpu.memory_space<vmem>>
        %dma_wait3A_456 = arith.constant 0 : i32
        %dma_wait3A_457 = arith.constant 0 : i32
        %dma_wait3A_458 = tpu.memref_slice %arg2[%dma_wait3A_456, %dma_wait3A_457] : memref<100000x8xf32, #tpu.memory_space<hbm>> -> memref<100000x8xf32, #tpu.memory_space<hbm>>
        tpu.wait_indirect_dma semaphore(%arg20 : memref<!tpu.dma_semaphore, #tpu.memory_space<semaphore_mem>>) src(%dma_wait3A_458 : memref<100000x8xf32, #tpu.memory_space<hbm>>) dst(%dma_wait3A_452 : memref<128x8xf32, #tpu.memory_space<vmem>>)
        %dma_wait3A_459 = arith.constant 25 : i32
        %dma_wait3A_460 = arith.constant 1536 : i32
        %dma_wait3A_461 = arith.constant 0 : i32
        %dma_wait3A_462 = tpu.memref_slice %arg10[%dma_wait3A_460, %dma_wait3A_461] : memref<2048x8xf32, #tpu.memory_space<vmem>> -> memref<128x8xf32, #tpu.memory_space<vmem>>
        %dma_wait3A_463 = arith.constant 0 : i32
        %dma_wait3A_464 = tpu.memref_slice %arg7[%dma_wait3A_459, %dma_wait3A_463] : memref<32x128xi32, #tpu.memory_space<vmem>> -> memref<1x128xi32, #tpu.memory_space<vmem>>
        %dma_wait3A_465 = tpu.memref_squeeze %dma_wait3A_464 : memref<1x128xi32, #tpu.memory_space<vmem>> -> memref<128xi32, #tpu.memory_space<vmem>>
        %dma_wait3A_466 = arith.constant 0 : i32
        %dma_wait3A_467 = arith.constant 0 : i32
        %dma_wait3A_468 = tpu.memref_slice %arg2[%dma_wait3A_466, %dma_wait3A_467] : memref<100000x8xf32, #tpu.memory_space<hbm>> -> memref<100000x8xf32, #tpu.memory_space<hbm>>
        tpu.wait_indirect_dma semaphore(%arg20 : memref<!tpu.dma_semaphore, #tpu.memory_space<semaphore_mem>>) src(%dma_wait3A_468 : memref<100000x8xf32, #tpu.memory_space<hbm>>) dst(%dma_wait3A_462 : memref<128x8xf32, #tpu.memory_space<vmem>>)
        %dma_wait3A_469 = arith.constant 26 : i32
        %dma_wait3A_470 = arith.constant 1664 : i32
        %dma_wait3A_471 = arith.constant 0 : i32
        %dma_wait3A_472 = tpu.memref_slice %arg9[%dma_wait3A_470, %dma_wait3A_471] : memref<2048x8xf32, #tpu.memory_space<vmem>> -> memref<128x8xf32, #tpu.memory_space<vmem>>
        %dma_wait3A_473 = arith.constant 0 : i32
        %dma_wait3A_474 = tpu.memref_slice %arg7[%dma_wait3A_469, %dma_wait3A_473] : memref<32x128xi32, #tpu.memory_space<vmem>> -> memref<1x128xi32, #tpu.memory_space<vmem>>
        %dma_wait3A_475 = tpu.memref_squeeze %dma_wait3A_474 : memref<1x128xi32, #tpu.memory_space<vmem>> -> memref<128xi32, #tpu.memory_space<vmem>>
        %dma_wait3A_476 = arith.constant 0 : i32
        %dma_wait3A_477 = arith.constant 0 : i32
        %dma_wait3A_478 = tpu.memref_slice %arg2[%dma_wait3A_476, %dma_wait3A_477] : memref<100000x8xf32, #tpu.memory_space<hbm>> -> memref<100000x8xf32, #tpu.memory_space<hbm>>
        tpu.wait_indirect_dma semaphore(%arg20 : memref<!tpu.dma_semaphore, #tpu.memory_space<semaphore_mem>>) src(%dma_wait3A_478 : memref<100000x8xf32, #tpu.memory_space<hbm>>) dst(%dma_wait3A_472 : memref<128x8xf32, #tpu.memory_space<vmem>>)
        %dma_wait3A_479 = arith.constant 27 : i32
        %dma_wait3A_480 = arith.constant 1664 : i32
        %dma_wait3A_481 = arith.constant 0 : i32
        %dma_wait3A_482 = tpu.memref_slice %arg10[%dma_wait3A_480, %dma_wait3A_481] : memref<2048x8xf32, #tpu.memory_space<vmem>> -> memref<128x8xf32, #tpu.memory_space<vmem>>
        %dma_wait3A_483 = arith.constant 0 : i32
        %dma_wait3A_484 = tpu.memref_slice %arg7[%dma_wait3A_479, %dma_wait3A_483] : memref<32x128xi32, #tpu.memory_space<vmem>> -> memref<1x128xi32, #tpu.memory_space<vmem>>
        %dma_wait3A_485 = tpu.memref_squeeze %dma_wait3A_484 : memref<1x128xi32, #tpu.memory_space<vmem>> -> memref<128xi32, #tpu.memory_space<vmem>>
        %dma_wait3A_486 = arith.constant 0 : i32
        %dma_wait3A_487 = arith.constant 0 : i32
        %dma_wait3A_488 = tpu.memref_slice %arg2[%dma_wait3A_486, %dma_wait3A_487] : memref<100000x8xf32, #tpu.memory_space<hbm>> -> memref<100000x8xf32, #tpu.memory_space<hbm>>
        tpu.wait_indirect_dma semaphore(%arg20 : memref<!tpu.dma_semaphore, #tpu.memory_space<semaphore_mem>>) src(%dma_wait3A_488 : memref<100000x8xf32, #tpu.memory_space<hbm>>) dst(%dma_wait3A_482 : memref<128x8xf32, #tpu.memory_space<vmem>>)
        %dma_wait3A_489 = arith.constant 28 : i32
        %dma_wait3A_490 = arith.constant 1792 : i32
        %dma_wait3A_491 = arith.constant 0 : i32
        %dma_wait3A_492 = tpu.memref_slice %arg9[%dma_wait3A_490, %dma_wait3A_491] : memref<2048x8xf32, #tpu.memory_space<vmem>> -> memref<128x8xf32, #tpu.memory_space<vmem>>
        %dma_wait3A_493 = arith.constant 0 : i32
        %dma_wait3A_494 = tpu.memref_slice %arg7[%dma_wait3A_489, %dma_wait3A_493] : memref<32x128xi32, #tpu.memory_space<vmem>> -> memref<1x128xi32, #tpu.memory_space<vmem>>
        %dma_wait3A_495 = tpu.memref_squeeze %dma_wait3A_494 : memref<1x128xi32, #tpu.memory_space<vmem>> -> memref<128xi32, #tpu.memory_space<vmem>>
        %dma_wait3A_496 = arith.constant 0 : i32
        %dma_wait3A_497 = arith.constant 0 : i32
        %dma_wait3A_498 = tpu.memref_slice %arg2[%dma_wait3A_496, %dma_wait3A_497] : memref<100000x8xf32, #tpu.memory_space<hbm>> -> memref<100000x8xf32, #tpu.memory_space<hbm>>
        tpu.wait_indirect_dma semaphore(%arg20 : memref<!tpu.dma_semaphore, #tpu.memory_space<semaphore_mem>>) src(%dma_wait3A_498 : memref<100000x8xf32, #tpu.memory_space<hbm>>) dst(%dma_wait3A_492 : memref<128x8xf32, #tpu.memory_space<vmem>>)
        %dma_wait3A_499 = arith.constant 29 : i32
        %dma_wait3A_500 = arith.constant 1792 : i32
        %dma_wait3A_501 = arith.constant 0 : i32
        %dma_wait3A_502 = tpu.memref_slice %arg10[%dma_wait3A_500, %dma_wait3A_501] : memref<2048x8xf32, #tpu.memory_space<vmem>> -> memref<128x8xf32, #tpu.memory_space<vmem>>
        %dma_wait3A_503 = arith.constant 0 : i32
        %dma_wait3A_504 = tpu.memref_slice %arg7[%dma_wait3A_499, %dma_wait3A_503] : memref<32x128xi32, #tpu.memory_space<vmem>> -> memref<1x128xi32, #tpu.memory_space<vmem>>
        %dma_wait3A_505 = tpu.memref_squeeze %dma_wait3A_504 : memref<1x128xi32, #tpu.memory_space<vmem>> -> memref<128xi32, #tpu.memory_space<vmem>>
        %dma_wait3A_506 = arith.constant 0 : i32
        %dma_wait3A_507 = arith.constant 0 : i32
        %dma_wait3A_508 = tpu.memref_slice %arg2[%dma_wait3A_506, %dma_wait3A_507] : memref<100000x8xf32, #tpu.memory_space<hbm>> -> memref<100000x8xf32, #tpu.memory_space<hbm>>
        tpu.wait_indirect_dma semaphore(%arg20 : memref<!tpu.dma_semaphore, #tpu.memory_space<semaphore_mem>>) src(%dma_wait3A_508 : memref<100000x8xf32, #tpu.memory_space<hbm>>) dst(%dma_wait3A_502 : memref<128x8xf32, #tpu.memory_space<vmem>>)
        %dma_wait3A_509 = arith.constant 30 : i32
        %dma_wait3A_510 = arith.constant 1920 : i32
        %dma_wait3A_511 = arith.constant 0 : i32
        %dma_wait3A_512 = tpu.memref_slice %arg9[%dma_wait3A_510, %dma_wait3A_511] : memref<2048x8xf32, #tpu.memory_space<vmem>> -> memref<128x8xf32, #tpu.memory_space<vmem>>
        %dma_wait3A_513 = arith.constant 0 : i32
        %dma_wait3A_514 = tpu.memref_slice %arg7[%dma_wait3A_509, %dma_wait3A_513] : memref<32x128xi32, #tpu.memory_space<vmem>> -> memref<1x128xi32, #tpu.memory_space<vmem>>
        %dma_wait3A_515 = tpu.memref_squeeze %dma_wait3A_514 : memref<1x128xi32, #tpu.memory_space<vmem>> -> memref<128xi32, #tpu.memory_space<vmem>>
        %dma_wait3A_516 = arith.constant 0 : i32
        %dma_wait3A_517 = arith.constant 0 : i32
        %dma_wait3A_518 = tpu.memref_slice %arg2[%dma_wait3A_516, %dma_wait3A_517] : memref<100000x8xf32, #tpu.memory_space<hbm>> -> memref<100000x8xf32, #tpu.memory_space<hbm>>
        tpu.wait_indirect_dma semaphore(%arg20 : memref<!tpu.dma_semaphore, #tpu.memory_space<semaphore_mem>>) src(%dma_wait3A_518 : memref<100000x8xf32, #tpu.memory_space<hbm>>) dst(%dma_wait3A_512 : memref<128x8xf32, #tpu.memory_space<vmem>>)
        %dma_wait3A_519 = arith.constant 31 : i32
        %dma_wait3A_520 = arith.constant 1920 : i32
        %dma_wait3A_521 = arith.constant 0 : i32
        %dma_wait3A_522 = tpu.memref_slice %arg10[%dma_wait3A_520, %dma_wait3A_521] : memref<2048x8xf32, #tpu.memory_space<vmem>> -> memref<128x8xf32, #tpu.memory_space<vmem>>
        %dma_wait3A_523 = arith.constant 0 : i32
        %dma_wait3A_524 = tpu.memref_slice %arg7[%dma_wait3A_519, %dma_wait3A_523] : memref<32x128xi32, #tpu.memory_space<vmem>> -> memref<1x128xi32, #tpu.memory_space<vmem>>
        %dma_wait3A_525 = tpu.memref_squeeze %dma_wait3A_524 : memref<1x128xi32, #tpu.memory_space<vmem>> -> memref<128xi32, #tpu.memory_space<vmem>>
        %dma_wait3A_526 = arith.constant 0 : i32
        %dma_wait3A_527 = arith.constant 0 : i32
        %dma_wait3A_528 = tpu.memref_slice %arg2[%dma_wait3A_526, %dma_wait3A_527] : memref<100000x8xf32, #tpu.memory_space<hbm>> -> memref<100000x8xf32, #tpu.memory_space<hbm>>
        tpu.wait_indirect_dma semaphore(%arg20 : memref<!tpu.dma_semaphore, #tpu.memory_space<semaphore_mem>>) src(%dma_wait3A_528 : memref<100000x8xf32, #tpu.memory_space<hbm>>) dst(%dma_wait3A_522 : memref<128x8xf32, #tpu.memory_space<vmem>>)
      } else {
      }
      %lt3A_106 = arith.constant 3125 : i32
      %lt3A_107 = arith.cmpi slt, %add3A_97, %lt3A_106 : i32
      %convert_element_type3A_108 = arith.extui %lt3A_107 : i1 to i32
      %cond3A_109 = arith.constant 0 : i32
      %cond3A_110 = arith.cmpi ne, %convert_element_type3A_108, %cond3A_109 : i32
      scf.if %cond3A_110 {
        %mul3A_210 = arith.constant 2 : i32
        %mul3A_211 = arith.muli %add3A_97, %mul3A_210 : i32
        %mul3A_212 = arith.constant 16 : i32
        %mul3A_213 = arith.muli %mul3A_211, %mul3A_212 : i32
        %dma_wait3A = arith.constant 0 : i32
        %dma_wait3A_214 = tpu.memref_slice %arg3[%mul3A_213, %dma_wait3A] : memref<100000x128xi32, #tpu.memory_space<hbm>> -> memref<32x128xi32, #tpu.memory_space<hbm>>
        %dma_wait3A_215 = arith.constant 0 : i32
        %dma_wait3A_216 = tpu.memref_slice %arg3[%mul3A_213, %dma_wait3A_215] : memref<100000x128xi32, #tpu.memory_space<hbm>> -> memref<32x128xi32, #tpu.memory_space<hbm>>
        tpu.wait_dma2 semaphore(%arg19 : memref<!tpu.dma_semaphore, #tpu.memory_space<semaphore_mem>>) src(%dma_wait3A_216 : memref<32x128xi32, #tpu.memory_space<hbm>>) dst(%arg8 : memref<32x128xi32, #tpu.memory_space<vmem>>)
      } else {
      }
      %lt3A_111 = arith.constant 3125 : i32
      %lt3A_112 = arith.cmpi slt, %add3A_97, %lt3A_111 : i32
      %convert_element_type3A_113 = arith.extui %lt3A_112 : i1 to i32
      %cond3A_114 = arith.constant 0 : i32
      %cond3A_115 = arith.cmpi ne, %convert_element_type3A_113, %cond3A_114 : i32
      scf.if %cond3A_115 {
        %dma_start3A = arith.constant 0 : i32
        %dma_start3A_210 = arith.constant 0 : i32
        %dma_start3A_211 = arith.constant 0 : i32
        %dma_start3A_212 = tpu.memref_slice %arg11[%dma_start3A_210, %dma_start3A_211] : memref<2048x8xf32, #tpu.memory_space<vmem>> -> memref<128x8xf32, #tpu.memory_space<vmem>>
        %dma_start3A_213 = arith.constant 0 : i32
        %dma_start3A_214 = tpu.memref_slice %arg8[%dma_start3A, %dma_start3A_213] : memref<32x128xi32, #tpu.memory_space<vmem>> -> memref<1x128xi32, #tpu.memory_space<vmem>>
        %dma_start3A_215 = tpu.memref_squeeze %dma_start3A_214 : memref<1x128xi32, #tpu.memory_space<vmem>> -> memref<128xi32, #tpu.memory_space<vmem>>
        %dma_start3A_216 = arith.constant 0 : i32
        %dma_start3A_217 = arith.constant 0 : i32
        %dma_start3A_218 = tpu.memref_slice %arg2[%dma_start3A_216, %dma_start3A_217] : memref<100000x8xf32, #tpu.memory_space<hbm>> -> memref<100000x8xf32, #tpu.memory_space<hbm>>
        tpu.enqueue_indirect_dma source(%dma_start3A_218 : memref<100000x8xf32, #tpu.memory_space<hbm>>) target(%dma_start3A_212 : memref<128x8xf32, #tpu.memory_space<vmem>>) offsets(%dma_start3A_215 : memref<128xi32, #tpu.memory_space<vmem>>) semaphore(%arg21 : memref<!tpu.dma_semaphore, #tpu.memory_space<semaphore_mem>>)
        %dma_start3A_219 = arith.constant 1 : i32
        %dma_start3A_220 = arith.constant 0 : i32
        %dma_start3A_221 = arith.constant 0 : i32
        %dma_start3A_222 = tpu.memref_slice %arg12[%dma_start3A_220, %dma_start3A_221] : memref<2048x8xf32, #tpu.memory_space<vmem>> -> memref<128x8xf32, #tpu.memory_space<vmem>>
        %dma_start3A_223 = arith.constant 0 : i32
        %dma_start3A_224 = tpu.memref_slice %arg8[%dma_start3A_219, %dma_start3A_223] : memref<32x128xi32, #tpu.memory_space<vmem>> -> memref<1x128xi32, #tpu.memory_space<vmem>>
        %dma_start3A_225 = tpu.memref_squeeze %dma_start3A_224 : memref<1x128xi32, #tpu.memory_space<vmem>> -> memref<128xi32, #tpu.memory_space<vmem>>
        %dma_start3A_226 = arith.constant 0 : i32
        %dma_start3A_227 = arith.constant 0 : i32
        %dma_start3A_228 = tpu.memref_slice %arg2[%dma_start3A_226, %dma_start3A_227] : memref<100000x8xf32, #tpu.memory_space<hbm>> -> memref<100000x8xf32, #tpu.memory_space<hbm>>
        tpu.enqueue_indirect_dma source(%dma_start3A_228 : memref<100000x8xf32, #tpu.memory_space<hbm>>) target(%dma_start3A_222 : memref<128x8xf32, #tpu.memory_space<vmem>>) offsets(%dma_start3A_225 : memref<128xi32, #tpu.memory_space<vmem>>) semaphore(%arg21 : memref<!tpu.dma_semaphore, #tpu.memory_space<semaphore_mem>>)
        %dma_start3A_229 = arith.constant 2 : i32
        %dma_start3A_230 = arith.constant 128 : i32
        %dma_start3A_231 = arith.constant 0 : i32
        %dma_start3A_232 = tpu.memref_slice %arg11[%dma_start3A_230, %dma_start3A_231] : memref<2048x8xf32, #tpu.memory_space<vmem>> -> memref<128x8xf32, #tpu.memory_space<vmem>>
        %dma_start3A_233 = arith.constant 0 : i32
        %dma_start3A_234 = tpu.memref_slice %arg8[%dma_start3A_229, %dma_start3A_233] : memref<32x128xi32, #tpu.memory_space<vmem>> -> memref<1x128xi32, #tpu.memory_space<vmem>>
        %dma_start3A_235 = tpu.memref_squeeze %dma_start3A_234 : memref<1x128xi32, #tpu.memory_space<vmem>> -> memref<128xi32, #tpu.memory_space<vmem>>
        %dma_start3A_236 = arith.constant 0 : i32
        %dma_start3A_237 = arith.constant 0 : i32
        %dma_start3A_238 = tpu.memref_slice %arg2[%dma_start3A_236, %dma_start3A_237] : memref<100000x8xf32, #tpu.memory_space<hbm>> -> memref<100000x8xf32, #tpu.memory_space<hbm>>
        tpu.enqueue_indirect_dma source(%dma_start3A_238 : memref<100000x8xf32, #tpu.memory_space<hbm>>) target(%dma_start3A_232 : memref<128x8xf32, #tpu.memory_space<vmem>>) offsets(%dma_start3A_235 : memref<128xi32, #tpu.memory_space<vmem>>) semaphore(%arg21 : memref<!tpu.dma_semaphore, #tpu.memory_space<semaphore_mem>>)
        %dma_start3A_239 = arith.constant 3 : i32
        %dma_start3A_240 = arith.constant 128 : i32
        %dma_start3A_241 = arith.constant 0 : i32
        %dma_start3A_242 = tpu.memref_slice %arg12[%dma_start3A_240, %dma_start3A_241] : memref<2048x8xf32, #tpu.memory_space<vmem>> -> memref<128x8xf32, #tpu.memory_space<vmem>>
        %dma_start3A_243 = arith.constant 0 : i32
        %dma_start3A_244 = tpu.memref_slice %arg8[%dma_start3A_239, %dma_start3A_243] : memref<32x128xi32, #tpu.memory_space<vmem>> -> memref<1x128xi32, #tpu.memory_space<vmem>>
        %dma_start3A_245 = tpu.memref_squeeze %dma_start3A_244 : memref<1x128xi32, #tpu.memory_space<vmem>> -> memref<128xi32, #tpu.memory_space<vmem>>
        %dma_start3A_246 = arith.constant 0 : i32
        %dma_start3A_247 = arith.constant 0 : i32
        %dma_start3A_248 = tpu.memref_slice %arg2[%dma_start3A_246, %dma_start3A_247] : memref<100000x8xf32, #tpu.memory_space<hbm>> -> memref<100000x8xf32, #tpu.memory_space<hbm>>
        tpu.enqueue_indirect_dma source(%dma_start3A_248 : memref<100000x8xf32, #tpu.memory_space<hbm>>) target(%dma_start3A_242 : memref<128x8xf32, #tpu.memory_space<vmem>>) offsets(%dma_start3A_245 : memref<128xi32, #tpu.memory_space<vmem>>) semaphore(%arg21 : memref<!tpu.dma_semaphore, #tpu.memory_space<semaphore_mem>>)
        %dma_start3A_249 = arith.constant 4 : i32
        %dma_start3A_250 = arith.constant 256 : i32
        %dma_start3A_251 = arith.constant 0 : i32
        %dma_start3A_252 = tpu.memref_slice %arg11[%dma_start3A_250, %dma_start3A_251] : memref<2048x8xf32, #tpu.memory_space<vmem>> -> memref<128x8xf32, #tpu.memory_space<vmem>>
        %dma_start3A_253 = arith.constant 0 : i32
        %dma_start3A_254 = tpu.memref_slice %arg8[%dma_start3A_249, %dma_start3A_253] : memref<32x128xi32, #tpu.memory_space<vmem>> -> memref<1x128xi32, #tpu.memory_space<vmem>>
        %dma_start3A_255 = tpu.memref_squeeze %dma_start3A_254 : memref<1x128xi32, #tpu.memory_space<vmem>> -> memref<128xi32, #tpu.memory_space<vmem>>
        %dma_start3A_256 = arith.constant 0 : i32
        %dma_start3A_257 = arith.constant 0 : i32
        %dma_start3A_258 = tpu.memref_slice %arg2[%dma_start3A_256, %dma_start3A_257] : memref<100000x8xf32, #tpu.memory_space<hbm>> -> memref<100000x8xf32, #tpu.memory_space<hbm>>
        tpu.enqueue_indirect_dma source(%dma_start3A_258 : memref<100000x8xf32, #tpu.memory_space<hbm>>) target(%dma_start3A_252 : memref<128x8xf32, #tpu.memory_space<vmem>>) offsets(%dma_start3A_255 : memref<128xi32, #tpu.memory_space<vmem>>) semaphore(%arg21 : memref<!tpu.dma_semaphore, #tpu.memory_space<semaphore_mem>>)
        %dma_start3A_259 = arith.constant 5 : i32
        %dma_start3A_260 = arith.constant 256 : i32
        %dma_start3A_261 = arith.constant 0 : i32
        %dma_start3A_262 = tpu.memref_slice %arg12[%dma_start3A_260, %dma_start3A_261] : memref<2048x8xf32, #tpu.memory_space<vmem>> -> memref<128x8xf32, #tpu.memory_space<vmem>>
        %dma_start3A_263 = arith.constant 0 : i32
        %dma_start3A_264 = tpu.memref_slice %arg8[%dma_start3A_259, %dma_start3A_263] : memref<32x128xi32, #tpu.memory_space<vmem>> -> memref<1x128xi32, #tpu.memory_space<vmem>>
        %dma_start3A_265 = tpu.memref_squeeze %dma_start3A_264 : memref<1x128xi32, #tpu.memory_space<vmem>> -> memref<128xi32, #tpu.memory_space<vmem>>
        %dma_start3A_266 = arith.constant 0 : i32
        %dma_start3A_267 = arith.constant 0 : i32
        %dma_start3A_268 = tpu.memref_slice %arg2[%dma_start3A_266, %dma_start3A_267] : memref<100000x8xf32, #tpu.memory_space<hbm>> -> memref<100000x8xf32, #tpu.memory_space<hbm>>
        tpu.enqueue_indirect_dma source(%dma_start3A_268 : memref<100000x8xf32, #tpu.memory_space<hbm>>) target(%dma_start3A_262 : memref<128x8xf32, #tpu.memory_space<vmem>>) offsets(%dma_start3A_265 : memref<128xi32, #tpu.memory_space<vmem>>) semaphore(%arg21 : memref<!tpu.dma_semaphore, #tpu.memory_space<semaphore_mem>>)
        %dma_start3A_269 = arith.constant 6 : i32
        %dma_start3A_270 = arith.constant 384 : i32
        %dma_start3A_271 = arith.constant 0 : i32
        %dma_start3A_272 = tpu.memref_slice %arg11[%dma_start3A_270, %dma_start3A_271] : memref<2048x8xf32, #tpu.memory_space<vmem>> -> memref<128x8xf32, #tpu.memory_space<vmem>>
        %dma_start3A_273 = arith.constant 0 : i32
        %dma_start3A_274 = tpu.memref_slice %arg8[%dma_start3A_269, %dma_start3A_273] : memref<32x128xi32, #tpu.memory_space<vmem>> -> memref<1x128xi32, #tpu.memory_space<vmem>>
        %dma_start3A_275 = tpu.memref_squeeze %dma_start3A_274 : memref<1x128xi32, #tpu.memory_space<vmem>> -> memref<128xi32, #tpu.memory_space<vmem>>
        %dma_start3A_276 = arith.constant 0 : i32
        %dma_start3A_277 = arith.constant 0 : i32
        %dma_start3A_278 = tpu.memref_slice %arg2[%dma_start3A_276, %dma_start3A_277] : memref<100000x8xf32, #tpu.memory_space<hbm>> -> memref<100000x8xf32, #tpu.memory_space<hbm>>
        tpu.enqueue_indirect_dma source(%dma_start3A_278 : memref<100000x8xf32, #tpu.memory_space<hbm>>) target(%dma_start3A_272 : memref<128x8xf32, #tpu.memory_space<vmem>>) offsets(%dma_start3A_275 : memref<128xi32, #tpu.memory_space<vmem>>) semaphore(%arg21 : memref<!tpu.dma_semaphore, #tpu.memory_space<semaphore_mem>>)
        %dma_start3A_279 = arith.constant 7 : i32
        %dma_start3A_280 = arith.constant 384 : i32
        %dma_start3A_281 = arith.constant 0 : i32
        %dma_start3A_282 = tpu.memref_slice %arg12[%dma_start3A_280, %dma_start3A_281] : memref<2048x8xf32, #tpu.memory_space<vmem>> -> memref<128x8xf32, #tpu.memory_space<vmem>>
        %dma_start3A_283 = arith.constant 0 : i32
        %dma_start3A_284 = tpu.memref_slice %arg8[%dma_start3A_279, %dma_start3A_283] : memref<32x128xi32, #tpu.memory_space<vmem>> -> memref<1x128xi32, #tpu.memory_space<vmem>>
        %dma_start3A_285 = tpu.memref_squeeze %dma_start3A_284 : memref<1x128xi32, #tpu.memory_space<vmem>> -> memref<128xi32, #tpu.memory_space<vmem>>
        %dma_start3A_286 = arith.constant 0 : i32
        %dma_start3A_287 = arith.constant 0 : i32
        %dma_start3A_288 = tpu.memref_slice %arg2[%dma_start3A_286, %dma_start3A_287] : memref<100000x8xf32, #tpu.memory_space<hbm>> -> memref<100000x8xf32, #tpu.memory_space<hbm>>
        tpu.enqueue_indirect_dma source(%dma_start3A_288 : memref<100000x8xf32, #tpu.memory_space<hbm>>) target(%dma_start3A_282 : memref<128x8xf32, #tpu.memory_space<vmem>>) offsets(%dma_start3A_285 : memref<128xi32, #tpu.memory_space<vmem>>) semaphore(%arg21 : memref<!tpu.dma_semaphore, #tpu.memory_space<semaphore_mem>>)
        %dma_start3A_289 = arith.constant 8 : i32
        %dma_start3A_290 = arith.constant 512 : i32
        %dma_start3A_291 = arith.constant 0 : i32
        %dma_start3A_292 = tpu.memref_slice %arg11[%dma_start3A_290, %dma_start3A_291] : memref<2048x8xf32, #tpu.memory_space<vmem>> -> memref<128x8xf32, #tpu.memory_space<vmem>>
        %dma_start3A_293 = arith.constant 0 : i32
        %dma_start3A_294 = tpu.memref_slice %arg8[%dma_start3A_289, %dma_start3A_293] : memref<32x128xi32, #tpu.memory_space<vmem>> -> memref<1x128xi32, #tpu.memory_space<vmem>>
        %dma_start3A_295 = tpu.memref_squeeze %dma_start3A_294 : memref<1x128xi32, #tpu.memory_space<vmem>> -> memref<128xi32, #tpu.memory_space<vmem>>
        %dma_start3A_296 = arith.constant 0 : i32
        %dma_start3A_297 = arith.constant 0 : i32
        %dma_start3A_298 = tpu.memref_slice %arg2[%dma_start3A_296, %dma_start3A_297] : memref<100000x8xf32, #tpu.memory_space<hbm>> -> memref<100000x8xf32, #tpu.memory_space<hbm>>
        tpu.enqueue_indirect_dma source(%dma_start3A_298 : memref<100000x8xf32, #tpu.memory_space<hbm>>) target(%dma_start3A_292 : memref<128x8xf32, #tpu.memory_space<vmem>>) offsets(%dma_start3A_295 : memref<128xi32, #tpu.memory_space<vmem>>) semaphore(%arg21 : memref<!tpu.dma_semaphore, #tpu.memory_space<semaphore_mem>>)
        %dma_start3A_299 = arith.constant 9 : i32
        %dma_start3A_300 = arith.constant 512 : i32
        %dma_start3A_301 = arith.constant 0 : i32
        %dma_start3A_302 = tpu.memref_slice %arg12[%dma_start3A_300, %dma_start3A_301] : memref<2048x8xf32, #tpu.memory_space<vmem>> -> memref<128x8xf32, #tpu.memory_space<vmem>>
        %dma_start3A_303 = arith.constant 0 : i32
        %dma_start3A_304 = tpu.memref_slice %arg8[%dma_start3A_299, %dma_start3A_303] : memref<32x128xi32, #tpu.memory_space<vmem>> -> memref<1x128xi32, #tpu.memory_space<vmem>>
        %dma_start3A_305 = tpu.memref_squeeze %dma_start3A_304 : memref<1x128xi32, #tpu.memory_space<vmem>> -> memref<128xi32, #tpu.memory_space<vmem>>
        %dma_start3A_306 = arith.constant 0 : i32
        %dma_start3A_307 = arith.constant 0 : i32
        %dma_start3A_308 = tpu.memref_slice %arg2[%dma_start3A_306, %dma_start3A_307] : memref<100000x8xf32, #tpu.memory_space<hbm>> -> memref<100000x8xf32, #tpu.memory_space<hbm>>
        tpu.enqueue_indirect_dma source(%dma_start3A_308 : memref<100000x8xf32, #tpu.memory_space<hbm>>) target(%dma_start3A_302 : memref<128x8xf32, #tpu.memory_space<vmem>>) offsets(%dma_start3A_305 : memref<128xi32, #tpu.memory_space<vmem>>) semaphore(%arg21 : memref<!tpu.dma_semaphore, #tpu.memory_space<semaphore_mem>>)
        %dma_start3A_309 = arith.constant 10 : i32
        %dma_start3A_310 = arith.constant 640 : i32
        %dma_start3A_311 = arith.constant 0 : i32
        %dma_start3A_312 = tpu.memref_slice %arg11[%dma_start3A_310, %dma_start3A_311] : memref<2048x8xf32, #tpu.memory_space<vmem>> -> memref<128x8xf32, #tpu.memory_space<vmem>>
        %dma_start3A_313 = arith.constant 0 : i32
        %dma_start3A_314 = tpu.memref_slice %arg8[%dma_start3A_309, %dma_start3A_313] : memref<32x128xi32, #tpu.memory_space<vmem>> -> memref<1x128xi32, #tpu.memory_space<vmem>>
        %dma_start3A_315 = tpu.memref_squeeze %dma_start3A_314 : memref<1x128xi32, #tpu.memory_space<vmem>> -> memref<128xi32, #tpu.memory_space<vmem>>
        %dma_start3A_316 = arith.constant 0 : i32
        %dma_start3A_317 = arith.constant 0 : i32
        %dma_start3A_318 = tpu.memref_slice %arg2[%dma_start3A_316, %dma_start3A_317] : memref<100000x8xf32, #tpu.memory_space<hbm>> -> memref<100000x8xf32, #tpu.memory_space<hbm>>
        tpu.enqueue_indirect_dma source(%dma_start3A_318 : memref<100000x8xf32, #tpu.memory_space<hbm>>) target(%dma_start3A_312 : memref<128x8xf32, #tpu.memory_space<vmem>>) offsets(%dma_start3A_315 : memref<128xi32, #tpu.memory_space<vmem>>) semaphore(%arg21 : memref<!tpu.dma_semaphore, #tpu.memory_space<semaphore_mem>>)
        %dma_start3A_319 = arith.constant 11 : i32
        %dma_start3A_320 = arith.constant 640 : i32
        %dma_start3A_321 = arith.constant 0 : i32
        %dma_start3A_322 = tpu.memref_slice %arg12[%dma_start3A_320, %dma_start3A_321] : memref<2048x8xf32, #tpu.memory_space<vmem>> -> memref<128x8xf32, #tpu.memory_space<vmem>>
        %dma_start3A_323 = arith.constant 0 : i32
        %dma_start3A_324 = tpu.memref_slice %arg8[%dma_start3A_319, %dma_start3A_323] : memref<32x128xi32, #tpu.memory_space<vmem>> -> memref<1x128xi32, #tpu.memory_space<vmem>>
        %dma_start3A_325 = tpu.memref_squeeze %dma_start3A_324 : memref<1x128xi32, #tpu.memory_space<vmem>> -> memref<128xi32, #tpu.memory_space<vmem>>
        %dma_start3A_326 = arith.constant 0 : i32
        %dma_start3A_327 = arith.constant 0 : i32
        %dma_start3A_328 = tpu.memref_slice %arg2[%dma_start3A_326, %dma_start3A_327] : memref<100000x8xf32, #tpu.memory_space<hbm>> -> memref<100000x8xf32, #tpu.memory_space<hbm>>
        tpu.enqueue_indirect_dma source(%dma_start3A_328 : memref<100000x8xf32, #tpu.memory_space<hbm>>) target(%dma_start3A_322 : memref<128x8xf32, #tpu.memory_space<vmem>>) offsets(%dma_start3A_325 : memref<128xi32, #tpu.memory_space<vmem>>) semaphore(%arg21 : memref<!tpu.dma_semaphore, #tpu.memory_space<semaphore_mem>>)
        %dma_start3A_329 = arith.constant 12 : i32
        %dma_start3A_330 = arith.constant 768 : i32
        %dma_start3A_331 = arith.constant 0 : i32
        %dma_start3A_332 = tpu.memref_slice %arg11[%dma_start3A_330, %dma_start3A_331] : memref<2048x8xf32, #tpu.memory_space<vmem>> -> memref<128x8xf32, #tpu.memory_space<vmem>>
        %dma_start3A_333 = arith.constant 0 : i32
        %dma_start3A_334 = tpu.memref_slice %arg8[%dma_start3A_329, %dma_start3A_333] : memref<32x128xi32, #tpu.memory_space<vmem>> -> memref<1x128xi32, #tpu.memory_space<vmem>>
        %dma_start3A_335 = tpu.memref_squeeze %dma_start3A_334 : memref<1x128xi32, #tpu.memory_space<vmem>> -> memref<128xi32, #tpu.memory_space<vmem>>
        %dma_start3A_336 = arith.constant 0 : i32
        %dma_start3A_337 = arith.constant 0 : i32
        %dma_start3A_338 = tpu.memref_slice %arg2[%dma_start3A_336, %dma_start3A_337] : memref<100000x8xf32, #tpu.memory_space<hbm>> -> memref<100000x8xf32, #tpu.memory_space<hbm>>
        tpu.enqueue_indirect_dma source(%dma_start3A_338 : memref<100000x8xf32, #tpu.memory_space<hbm>>) target(%dma_start3A_332 : memref<128x8xf32, #tpu.memory_space<vmem>>) offsets(%dma_start3A_335 : memref<128xi32, #tpu.memory_space<vmem>>) semaphore(%arg21 : memref<!tpu.dma_semaphore, #tpu.memory_space<semaphore_mem>>)
        %dma_start3A_339 = arith.constant 13 : i32
        %dma_start3A_340 = arith.constant 768 : i32
        %dma_start3A_341 = arith.constant 0 : i32
        %dma_start3A_342 = tpu.memref_slice %arg12[%dma_start3A_340, %dma_start3A_341] : memref<2048x8xf32, #tpu.memory_space<vmem>> -> memref<128x8xf32, #tpu.memory_space<vmem>>
        %dma_start3A_343 = arith.constant 0 : i32
        %dma_start3A_344 = tpu.memref_slice %arg8[%dma_start3A_339, %dma_start3A_343] : memref<32x128xi32, #tpu.memory_space<vmem>> -> memref<1x128xi32, #tpu.memory_space<vmem>>
        %dma_start3A_345 = tpu.memref_squeeze %dma_start3A_344 : memref<1x128xi32, #tpu.memory_space<vmem>> -> memref<128xi32, #tpu.memory_space<vmem>>
        %dma_start3A_346 = arith.constant 0 : i32
        %dma_start3A_347 = arith.constant 0 : i32
        %dma_start3A_348 = tpu.memref_slice %arg2[%dma_start3A_346, %dma_start3A_347] : memref<100000x8xf32, #tpu.memory_space<hbm>> -> memref<100000x8xf32, #tpu.memory_space<hbm>>
        tpu.enqueue_indirect_dma source(%dma_start3A_348 : memref<100000x8xf32, #tpu.memory_space<hbm>>) target(%dma_start3A_342 : memref<128x8xf32, #tpu.memory_space<vmem>>) offsets(%dma_start3A_345 : memref<128xi32, #tpu.memory_space<vmem>>) semaphore(%arg21 : memref<!tpu.dma_semaphore, #tpu.memory_space<semaphore_mem>>)
        %dma_start3A_349 = arith.constant 14 : i32
        %dma_start3A_350 = arith.constant 896 : i32
        %dma_start3A_351 = arith.constant 0 : i32
        %dma_start3A_352 = tpu.memref_slice %arg11[%dma_start3A_350, %dma_start3A_351] : memref<2048x8xf32, #tpu.memory_space<vmem>> -> memref<128x8xf32, #tpu.memory_space<vmem>>
        %dma_start3A_353 = arith.constant 0 : i32
        %dma_start3A_354 = tpu.memref_slice %arg8[%dma_start3A_349, %dma_start3A_353] : memref<32x128xi32, #tpu.memory_space<vmem>> -> memref<1x128xi32, #tpu.memory_space<vmem>>
        %dma_start3A_355 = tpu.memref_squeeze %dma_start3A_354 : memref<1x128xi32, #tpu.memory_space<vmem>> -> memref<128xi32, #tpu.memory_space<vmem>>
        %dma_start3A_356 = arith.constant 0 : i32
        %dma_start3A_357 = arith.constant 0 : i32
        %dma_start3A_358 = tpu.memref_slice %arg2[%dma_start3A_356, %dma_start3A_357] : memref<100000x8xf32, #tpu.memory_space<hbm>> -> memref<100000x8xf32, #tpu.memory_space<hbm>>
        tpu.enqueue_indirect_dma source(%dma_start3A_358 : memref<100000x8xf32, #tpu.memory_space<hbm>>) target(%dma_start3A_352 : memref<128x8xf32, #tpu.memory_space<vmem>>) offsets(%dma_start3A_355 : memref<128xi32, #tpu.memory_space<vmem>>) semaphore(%arg21 : memref<!tpu.dma_semaphore, #tpu.memory_space<semaphore_mem>>)
        %dma_start3A_359 = arith.constant 15 : i32
        %dma_start3A_360 = arith.constant 896 : i32
        %dma_start3A_361 = arith.constant 0 : i32
        %dma_start3A_362 = tpu.memref_slice %arg12[%dma_start3A_360, %dma_start3A_361] : memref<2048x8xf32, #tpu.memory_space<vmem>> -> memref<128x8xf32, #tpu.memory_space<vmem>>
        %dma_start3A_363 = arith.constant 0 : i32
        %dma_start3A_364 = tpu.memref_slice %arg8[%dma_start3A_359, %dma_start3A_363] : memref<32x128xi32, #tpu.memory_space<vmem>> -> memref<1x128xi32, #tpu.memory_space<vmem>>
        %dma_start3A_365 = tpu.memref_squeeze %dma_start3A_364 : memref<1x128xi32, #tpu.memory_space<vmem>> -> memref<128xi32, #tpu.memory_space<vmem>>
        %dma_start3A_366 = arith.constant 0 : i32
        %dma_start3A_367 = arith.constant 0 : i32
        %dma_start3A_368 = tpu.memref_slice %arg2[%dma_start3A_366, %dma_start3A_367] : memref<100000x8xf32, #tpu.memory_space<hbm>> -> memref<100000x8xf32, #tpu.memory_space<hbm>>
        tpu.enqueue_indirect_dma source(%dma_start3A_368 : memref<100000x8xf32, #tpu.memory_space<hbm>>) target(%dma_start3A_362 : memref<128x8xf32, #tpu.memory_space<vmem>>) offsets(%dma_start3A_365 : memref<128xi32, #tpu.memory_space<vmem>>) semaphore(%arg21 : memref<!tpu.dma_semaphore, #tpu.memory_space<semaphore_mem>>)
        %dma_start3A_369 = arith.constant 16 : i32
        %dma_start3A_370 = arith.constant 1024 : i32
        %dma_start3A_371 = arith.constant 0 : i32
        %dma_start3A_372 = tpu.memref_slice %arg11[%dma_start3A_370, %dma_start3A_371] : memref<2048x8xf32, #tpu.memory_space<vmem>> -> memref<128x8xf32, #tpu.memory_space<vmem>>
        %dma_start3A_373 = arith.constant 0 : i32
        %dma_start3A_374 = tpu.memref_slice %arg8[%dma_start3A_369, %dma_start3A_373] : memref<32x128xi32, #tpu.memory_space<vmem>> -> memref<1x128xi32, #tpu.memory_space<vmem>>
        %dma_start3A_375 = tpu.memref_squeeze %dma_start3A_374 : memref<1x128xi32, #tpu.memory_space<vmem>> -> memref<128xi32, #tpu.memory_space<vmem>>
        %dma_start3A_376 = arith.constant 0 : i32
        %dma_start3A_377 = arith.constant 0 : i32
        %dma_start3A_378 = tpu.memref_slice %arg2[%dma_start3A_376, %dma_start3A_377] : memref<100000x8xf32, #tpu.memory_space<hbm>> -> memref<100000x8xf32, #tpu.memory_space<hbm>>
        tpu.enqueue_indirect_dma source(%dma_start3A_378 : memref<100000x8xf32, #tpu.memory_space<hbm>>) target(%dma_start3A_372 : memref<128x8xf32, #tpu.memory_space<vmem>>) offsets(%dma_start3A_375 : memref<128xi32, #tpu.memory_space<vmem>>) semaphore(%arg21 : memref<!tpu.dma_semaphore, #tpu.memory_space<semaphore_mem>>)
        %dma_start3A_379 = arith.constant 17 : i32
        %dma_start3A_380 = arith.constant 1024 : i32
        %dma_start3A_381 = arith.constant 0 : i32
        %dma_start3A_382 = tpu.memref_slice %arg12[%dma_start3A_380, %dma_start3A_381] : memref<2048x8xf32, #tpu.memory_space<vmem>> -> memref<128x8xf32, #tpu.memory_space<vmem>>
        %dma_start3A_383 = arith.constant 0 : i32
        %dma_start3A_384 = tpu.memref_slice %arg8[%dma_start3A_379, %dma_start3A_383] : memref<32x128xi32, #tpu.memory_space<vmem>> -> memref<1x128xi32, #tpu.memory_space<vmem>>
        %dma_start3A_385 = tpu.memref_squeeze %dma_start3A_384 : memref<1x128xi32, #tpu.memory_space<vmem>> -> memref<128xi32, #tpu.memory_space<vmem>>
        %dma_start3A_386 = arith.constant 0 : i32
        %dma_start3A_387 = arith.constant 0 : i32
        %dma_start3A_388 = tpu.memref_slice %arg2[%dma_start3A_386, %dma_start3A_387] : memref<100000x8xf32, #tpu.memory_space<hbm>> -> memref<100000x8xf32, #tpu.memory_space<hbm>>
        tpu.enqueue_indirect_dma source(%dma_start3A_388 : memref<100000x8xf32, #tpu.memory_space<hbm>>) target(%dma_start3A_382 : memref<128x8xf32, #tpu.memory_space<vmem>>) offsets(%dma_start3A_385 : memref<128xi32, #tpu.memory_space<vmem>>) semaphore(%arg21 : memref<!tpu.dma_semaphore, #tpu.memory_space<semaphore_mem>>)
        %dma_start3A_389 = arith.constant 18 : i32
        %dma_start3A_390 = arith.constant 1152 : i32
        %dma_start3A_391 = arith.constant 0 : i32
        %dma_start3A_392 = tpu.memref_slice %arg11[%dma_start3A_390, %dma_start3A_391] : memref<2048x8xf32, #tpu.memory_space<vmem>> -> memref<128x8xf32, #tpu.memory_space<vmem>>
        %dma_start3A_393 = arith.constant 0 : i32
        %dma_start3A_394 = tpu.memref_slice %arg8[%dma_start3A_389, %dma_start3A_393] : memref<32x128xi32, #tpu.memory_space<vmem>> -> memref<1x128xi32, #tpu.memory_space<vmem>>
        %dma_start3A_395 = tpu.memref_squeeze %dma_start3A_394 : memref<1x128xi32, #tpu.memory_space<vmem>> -> memref<128xi32, #tpu.memory_space<vmem>>
        %dma_start3A_396 = arith.constant 0 : i32
        %dma_start3A_397 = arith.constant 0 : i32
        %dma_start3A_398 = tpu.memref_slice %arg2[%dma_start3A_396, %dma_start3A_397] : memref<100000x8xf32, #tpu.memory_space<hbm>> -> memref<100000x8xf32, #tpu.memory_space<hbm>>
        tpu.enqueue_indirect_dma source(%dma_start3A_398 : memref<100000x8xf32, #tpu.memory_space<hbm>>) target(%dma_start3A_392 : memref<128x8xf32, #tpu.memory_space<vmem>>) offsets(%dma_start3A_395 : memref<128xi32, #tpu.memory_space<vmem>>) semaphore(%arg21 : memref<!tpu.dma_semaphore, #tpu.memory_space<semaphore_mem>>)
        %dma_start3A_399 = arith.constant 19 : i32
        %dma_start3A_400 = arith.constant 1152 : i32
        %dma_start3A_401 = arith.constant 0 : i32
        %dma_start3A_402 = tpu.memref_slice %arg12[%dma_start3A_400, %dma_start3A_401] : memref<2048x8xf32, #tpu.memory_space<vmem>> -> memref<128x8xf32, #tpu.memory_space<vmem>>
        %dma_start3A_403 = arith.constant 0 : i32
        %dma_start3A_404 = tpu.memref_slice %arg8[%dma_start3A_399, %dma_start3A_403] : memref<32x128xi32, #tpu.memory_space<vmem>> -> memref<1x128xi32, #tpu.memory_space<vmem>>
        %dma_start3A_405 = tpu.memref_squeeze %dma_start3A_404 : memref<1x128xi32, #tpu.memory_space<vmem>> -> memref<128xi32, #tpu.memory_space<vmem>>
        %dma_start3A_406 = arith.constant 0 : i32
        %dma_start3A_407 = arith.constant 0 : i32
        %dma_start3A_408 = tpu.memref_slice %arg2[%dma_start3A_406, %dma_start3A_407] : memref<100000x8xf32, #tpu.memory_space<hbm>> -> memref<100000x8xf32, #tpu.memory_space<hbm>>
        tpu.enqueue_indirect_dma source(%dma_start3A_408 : memref<100000x8xf32, #tpu.memory_space<hbm>>) target(%dma_start3A_402 : memref<128x8xf32, #tpu.memory_space<vmem>>) offsets(%dma_start3A_405 : memref<128xi32, #tpu.memory_space<vmem>>) semaphore(%arg21 : memref<!tpu.dma_semaphore, #tpu.memory_space<semaphore_mem>>)
        %dma_start3A_409 = arith.constant 20 : i32
        %dma_start3A_410 = arith.constant 1280 : i32
        %dma_start3A_411 = arith.constant 0 : i32
        %dma_start3A_412 = tpu.memref_slice %arg11[%dma_start3A_410, %dma_start3A_411] : memref<2048x8xf32, #tpu.memory_space<vmem>> -> memref<128x8xf32, #tpu.memory_space<vmem>>
        %dma_start3A_413 = arith.constant 0 : i32
        %dma_start3A_414 = tpu.memref_slice %arg8[%dma_start3A_409, %dma_start3A_413] : memref<32x128xi32, #tpu.memory_space<vmem>> -> memref<1x128xi32, #tpu.memory_space<vmem>>
        %dma_start3A_415 = tpu.memref_squeeze %dma_start3A_414 : memref<1x128xi32, #tpu.memory_space<vmem>> -> memref<128xi32, #tpu.memory_space<vmem>>
        %dma_start3A_416 = arith.constant 0 : i32
        %dma_start3A_417 = arith.constant 0 : i32
        %dma_start3A_418 = tpu.memref_slice %arg2[%dma_start3A_416, %dma_start3A_417] : memref<100000x8xf32, #tpu.memory_space<hbm>> -> memref<100000x8xf32, #tpu.memory_space<hbm>>
        tpu.enqueue_indirect_dma source(%dma_start3A_418 : memref<100000x8xf32, #tpu.memory_space<hbm>>) target(%dma_start3A_412 : memref<128x8xf32, #tpu.memory_space<vmem>>) offsets(%dma_start3A_415 : memref<128xi32, #tpu.memory_space<vmem>>) semaphore(%arg21 : memref<!tpu.dma_semaphore, #tpu.memory_space<semaphore_mem>>)
        %dma_start3A_419 = arith.constant 21 : i32
        %dma_start3A_420 = arith.constant 1280 : i32
        %dma_start3A_421 = arith.constant 0 : i32
        %dma_start3A_422 = tpu.memref_slice %arg12[%dma_start3A_420, %dma_start3A_421] : memref<2048x8xf32, #tpu.memory_space<vmem>> -> memref<128x8xf32, #tpu.memory_space<vmem>>
        %dma_start3A_423 = arith.constant 0 : i32
        %dma_start3A_424 = tpu.memref_slice %arg8[%dma_start3A_419, %dma_start3A_423] : memref<32x128xi32, #tpu.memory_space<vmem>> -> memref<1x128xi32, #tpu.memory_space<vmem>>
        %dma_start3A_425 = tpu.memref_squeeze %dma_start3A_424 : memref<1x128xi32, #tpu.memory_space<vmem>> -> memref<128xi32, #tpu.memory_space<vmem>>
        %dma_start3A_426 = arith.constant 0 : i32
        %dma_start3A_427 = arith.constant 0 : i32
        %dma_start3A_428 = tpu.memref_slice %arg2[%dma_start3A_426, %dma_start3A_427] : memref<100000x8xf32, #tpu.memory_space<hbm>> -> memref<100000x8xf32, #tpu.memory_space<hbm>>
        tpu.enqueue_indirect_dma source(%dma_start3A_428 : memref<100000x8xf32, #tpu.memory_space<hbm>>) target(%dma_start3A_422 : memref<128x8xf32, #tpu.memory_space<vmem>>) offsets(%dma_start3A_425 : memref<128xi32, #tpu.memory_space<vmem>>) semaphore(%arg21 : memref<!tpu.dma_semaphore, #tpu.memory_space<semaphore_mem>>)
        %dma_start3A_429 = arith.constant 22 : i32
        %dma_start3A_430 = arith.constant 1408 : i32
        %dma_start3A_431 = arith.constant 0 : i32
        %dma_start3A_432 = tpu.memref_slice %arg11[%dma_start3A_430, %dma_start3A_431] : memref<2048x8xf32, #tpu.memory_space<vmem>> -> memref<128x8xf32, #tpu.memory_space<vmem>>
        %dma_start3A_433 = arith.constant 0 : i32
        %dma_start3A_434 = tpu.memref_slice %arg8[%dma_start3A_429, %dma_start3A_433] : memref<32x128xi32, #tpu.memory_space<vmem>> -> memref<1x128xi32, #tpu.memory_space<vmem>>
        %dma_start3A_435 = tpu.memref_squeeze %dma_start3A_434 : memref<1x128xi32, #tpu.memory_space<vmem>> -> memref<128xi32, #tpu.memory_space<vmem>>
        %dma_start3A_436 = arith.constant 0 : i32
        %dma_start3A_437 = arith.constant 0 : i32
        %dma_start3A_438 = tpu.memref_slice %arg2[%dma_start3A_436, %dma_start3A_437] : memref<100000x8xf32, #tpu.memory_space<hbm>> -> memref<100000x8xf32, #tpu.memory_space<hbm>>
        tpu.enqueue_indirect_dma source(%dma_start3A_438 : memref<100000x8xf32, #tpu.memory_space<hbm>>) target(%dma_start3A_432 : memref<128x8xf32, #tpu.memory_space<vmem>>) offsets(%dma_start3A_435 : memref<128xi32, #tpu.memory_space<vmem>>) semaphore(%arg21 : memref<!tpu.dma_semaphore, #tpu.memory_space<semaphore_mem>>)
        %dma_start3A_439 = arith.constant 23 : i32
        %dma_start3A_440 = arith.constant 1408 : i32
        %dma_start3A_441 = arith.constant 0 : i32
        %dma_start3A_442 = tpu.memref_slice %arg12[%dma_start3A_440, %dma_start3A_441] : memref<2048x8xf32, #tpu.memory_space<vmem>> -> memref<128x8xf32, #tpu.memory_space<vmem>>
        %dma_start3A_443 = arith.constant 0 : i32
        %dma_start3A_444 = tpu.memref_slice %arg8[%dma_start3A_439, %dma_start3A_443] : memref<32x128xi32, #tpu.memory_space<vmem>> -> memref<1x128xi32, #tpu.memory_space<vmem>>
        %dma_start3A_445 = tpu.memref_squeeze %dma_start3A_444 : memref<1x128xi32, #tpu.memory_space<vmem>> -> memref<128xi32, #tpu.memory_space<vmem>>
        %dma_start3A_446 = arith.constant 0 : i32
        %dma_start3A_447 = arith.constant 0 : i32
        %dma_start3A_448 = tpu.memref_slice %arg2[%dma_start3A_446, %dma_start3A_447] : memref<100000x8xf32, #tpu.memory_space<hbm>> -> memref<100000x8xf32, #tpu.memory_space<hbm>>
        tpu.enqueue_indirect_dma source(%dma_start3A_448 : memref<100000x8xf32, #tpu.memory_space<hbm>>) target(%dma_start3A_442 : memref<128x8xf32, #tpu.memory_space<vmem>>) offsets(%dma_start3A_445 : memref<128xi32, #tpu.memory_space<vmem>>) semaphore(%arg21 : memref<!tpu.dma_semaphore, #tpu.memory_space<semaphore_mem>>)
        %dma_start3A_449 = arith.constant 24 : i32
        %dma_start3A_450 = arith.constant 1536 : i32
        %dma_start3A_451 = arith.constant 0 : i32
        %dma_start3A_452 = tpu.memref_slice %arg11[%dma_start3A_450, %dma_start3A_451] : memref<2048x8xf32, #tpu.memory_space<vmem>> -> memref<128x8xf32, #tpu.memory_space<vmem>>
        %dma_start3A_453 = arith.constant 0 : i32
        %dma_start3A_454 = tpu.memref_slice %arg8[%dma_start3A_449, %dma_start3A_453] : memref<32x128xi32, #tpu.memory_space<vmem>> -> memref<1x128xi32, #tpu.memory_space<vmem>>
        %dma_start3A_455 = tpu.memref_squeeze %dma_start3A_454 : memref<1x128xi32, #tpu.memory_space<vmem>> -> memref<128xi32, #tpu.memory_space<vmem>>
        %dma_start3A_456 = arith.constant 0 : i32
        %dma_start3A_457 = arith.constant 0 : i32
        %dma_start3A_458 = tpu.memref_slice %arg2[%dma_start3A_456, %dma_start3A_457] : memref<100000x8xf32, #tpu.memory_space<hbm>> -> memref<100000x8xf32, #tpu.memory_space<hbm>>
        tpu.enqueue_indirect_dma source(%dma_start3A_458 : memref<100000x8xf32, #tpu.memory_space<hbm>>) target(%dma_start3A_452 : memref<128x8xf32, #tpu.memory_space<vmem>>) offsets(%dma_start3A_455 : memref<128xi32, #tpu.memory_space<vmem>>) semaphore(%arg21 : memref<!tpu.dma_semaphore, #tpu.memory_space<semaphore_mem>>)
        %dma_start3A_459 = arith.constant 25 : i32
        %dma_start3A_460 = arith.constant 1536 : i32
        %dma_start3A_461 = arith.constant 0 : i32
        %dma_start3A_462 = tpu.memref_slice %arg12[%dma_start3A_460, %dma_start3A_461] : memref<2048x8xf32, #tpu.memory_space<vmem>> -> memref<128x8xf32, #tpu.memory_space<vmem>>
        %dma_start3A_463 = arith.constant 0 : i32
        %dma_start3A_464 = tpu.memref_slice %arg8[%dma_start3A_459, %dma_start3A_463] : memref<32x128xi32, #tpu.memory_space<vmem>> -> memref<1x128xi32, #tpu.memory_space<vmem>>
        %dma_start3A_465 = tpu.memref_squeeze %dma_start3A_464 : memref<1x128xi32, #tpu.memory_space<vmem>> -> memref<128xi32, #tpu.memory_space<vmem>>
        %dma_start3A_466 = arith.constant 0 : i32
        %dma_start3A_467 = arith.constant 0 : i32
        %dma_start3A_468 = tpu.memref_slice %arg2[%dma_start3A_466, %dma_start3A_467] : memref<100000x8xf32, #tpu.memory_space<hbm>> -> memref<100000x8xf32, #tpu.memory_space<hbm>>
        tpu.enqueue_indirect_dma source(%dma_start3A_468 : memref<100000x8xf32, #tpu.memory_space<hbm>>) target(%dma_start3A_462 : memref<128x8xf32, #tpu.memory_space<vmem>>) offsets(%dma_start3A_465 : memref<128xi32, #tpu.memory_space<vmem>>) semaphore(%arg21 : memref<!tpu.dma_semaphore, #tpu.memory_space<semaphore_mem>>)
        %dma_start3A_469 = arith.constant 26 : i32
        %dma_start3A_470 = arith.constant 1664 : i32
        %dma_start3A_471 = arith.constant 0 : i32
        %dma_start3A_472 = tpu.memref_slice %arg11[%dma_start3A_470, %dma_start3A_471] : memref<2048x8xf32, #tpu.memory_space<vmem>> -> memref<128x8xf32, #tpu.memory_space<vmem>>
        %dma_start3A_473 = arith.constant 0 : i32
        %dma_start3A_474 = tpu.memref_slice %arg8[%dma_start3A_469, %dma_start3A_473] : memref<32x128xi32, #tpu.memory_space<vmem>> -> memref<1x128xi32, #tpu.memory_space<vmem>>
        %dma_start3A_475 = tpu.memref_squeeze %dma_start3A_474 : memref<1x128xi32, #tpu.memory_space<vmem>> -> memref<128xi32, #tpu.memory_space<vmem>>
        %dma_start3A_476 = arith.constant 0 : i32
        %dma_start3A_477 = arith.constant 0 : i32
        %dma_start3A_478 = tpu.memref_slice %arg2[%dma_start3A_476, %dma_start3A_477] : memref<100000x8xf32, #tpu.memory_space<hbm>> -> memref<100000x8xf32, #tpu.memory_space<hbm>>
        tpu.enqueue_indirect_dma source(%dma_start3A_478 : memref<100000x8xf32, #tpu.memory_space<hbm>>) target(%dma_start3A_472 : memref<128x8xf32, #tpu.memory_space<vmem>>) offsets(%dma_start3A_475 : memref<128xi32, #tpu.memory_space<vmem>>) semaphore(%arg21 : memref<!tpu.dma_semaphore, #tpu.memory_space<semaphore_mem>>)
        %dma_start3A_479 = arith.constant 27 : i32
        %dma_start3A_480 = arith.constant 1664 : i32
        %dma_start3A_481 = arith.constant 0 : i32
        %dma_start3A_482 = tpu.memref_slice %arg12[%dma_start3A_480, %dma_start3A_481] : memref<2048x8xf32, #tpu.memory_space<vmem>> -> memref<128x8xf32, #tpu.memory_space<vmem>>
        %dma_start3A_483 = arith.constant 0 : i32
        %dma_start3A_484 = tpu.memref_slice %arg8[%dma_start3A_479, %dma_start3A_483] : memref<32x128xi32, #tpu.memory_space<vmem>> -> memref<1x128xi32, #tpu.memory_space<vmem>>
        %dma_start3A_485 = tpu.memref_squeeze %dma_start3A_484 : memref<1x128xi32, #tpu.memory_space<vmem>> -> memref<128xi32, #tpu.memory_space<vmem>>
        %dma_start3A_486 = arith.constant 0 : i32
        %dma_start3A_487 = arith.constant 0 : i32
        %dma_start3A_488 = tpu.memref_slice %arg2[%dma_start3A_486, %dma_start3A_487] : memref<100000x8xf32, #tpu.memory_space<hbm>> -> memref<100000x8xf32, #tpu.memory_space<hbm>>
        tpu.enqueue_indirect_dma source(%dma_start3A_488 : memref<100000x8xf32, #tpu.memory_space<hbm>>) target(%dma_start3A_482 : memref<128x8xf32, #tpu.memory_space<vmem>>) offsets(%dma_start3A_485 : memref<128xi32, #tpu.memory_space<vmem>>) semaphore(%arg21 : memref<!tpu.dma_semaphore, #tpu.memory_space<semaphore_mem>>)
        %dma_start3A_489 = arith.constant 28 : i32
        %dma_start3A_490 = arith.constant 1792 : i32
        %dma_start3A_491 = arith.constant 0 : i32
        %dma_start3A_492 = tpu.memref_slice %arg11[%dma_start3A_490, %dma_start3A_491] : memref<2048x8xf32, #tpu.memory_space<vmem>> -> memref<128x8xf32, #tpu.memory_space<vmem>>
        %dma_start3A_493 = arith.constant 0 : i32
        %dma_start3A_494 = tpu.memref_slice %arg8[%dma_start3A_489, %dma_start3A_493] : memref<32x128xi32, #tpu.memory_space<vmem>> -> memref<1x128xi32, #tpu.memory_space<vmem>>
        %dma_start3A_495 = tpu.memref_squeeze %dma_start3A_494 : memref<1x128xi32, #tpu.memory_space<vmem>> -> memref<128xi32, #tpu.memory_space<vmem>>
        %dma_start3A_496 = arith.constant 0 : i32
        %dma_start3A_497 = arith.constant 0 : i32
        %dma_start3A_498 = tpu.memref_slice %arg2[%dma_start3A_496, %dma_start3A_497] : memref<100000x8xf32, #tpu.memory_space<hbm>> -> memref<100000x8xf32, #tpu.memory_space<hbm>>
        tpu.enqueue_indirect_dma source(%dma_start3A_498 : memref<100000x8xf32, #tpu.memory_space<hbm>>) target(%dma_start3A_492 : memref<128x8xf32, #tpu.memory_space<vmem>>) offsets(%dma_start3A_495 : memref<128xi32, #tpu.memory_space<vmem>>) semaphore(%arg21 : memref<!tpu.dma_semaphore, #tpu.memory_space<semaphore_mem>>)
        %dma_start3A_499 = arith.constant 29 : i32
        %dma_start3A_500 = arith.constant 1792 : i32
        %dma_start3A_501 = arith.constant 0 : i32
        %dma_start3A_502 = tpu.memref_slice %arg12[%dma_start3A_500, %dma_start3A_501] : memref<2048x8xf32, #tpu.memory_space<vmem>> -> memref<128x8xf32, #tpu.memory_space<vmem>>
        %dma_start3A_503 = arith.constant 0 : i32
        %dma_start3A_504 = tpu.memref_slice %arg8[%dma_start3A_499, %dma_start3A_503] : memref<32x128xi32, #tpu.memory_space<vmem>> -> memref<1x128xi32, #tpu.memory_space<vmem>>
        %dma_start3A_505 = tpu.memref_squeeze %dma_start3A_504 : memref<1x128xi32, #tpu.memory_space<vmem>> -> memref<128xi32, #tpu.memory_space<vmem>>
        %dma_start3A_506 = arith.constant 0 : i32
        %dma_start3A_507 = arith.constant 0 : i32
        %dma_start3A_508 = tpu.memref_slice %arg2[%dma_start3A_506, %dma_start3A_507] : memref<100000x8xf32, #tpu.memory_space<hbm>> -> memref<100000x8xf32, #tpu.memory_space<hbm>>
        tpu.enqueue_indirect_dma source(%dma_start3A_508 : memref<100000x8xf32, #tpu.memory_space<hbm>>) target(%dma_start3A_502 : memref<128x8xf32, #tpu.memory_space<vmem>>) offsets(%dma_start3A_505 : memref<128xi32, #tpu.memory_space<vmem>>) semaphore(%arg21 : memref<!tpu.dma_semaphore, #tpu.memory_space<semaphore_mem>>)
        %dma_start3A_509 = arith.constant 30 : i32
        %dma_start3A_510 = arith.constant 1920 : i32
        %dma_start3A_511 = arith.constant 0 : i32
        %dma_start3A_512 = tpu.memref_slice %arg11[%dma_start3A_510, %dma_start3A_511] : memref<2048x8xf32, #tpu.memory_space<vmem>> -> memref<128x8xf32, #tpu.memory_space<vmem>>
        %dma_start3A_513 = arith.constant 0 : i32
        %dma_start3A_514 = tpu.memref_slice %arg8[%dma_start3A_509, %dma_start3A_513] : memref<32x128xi32, #tpu.memory_space<vmem>> -> memref<1x128xi32, #tpu.memory_space<vmem>>
        %dma_start3A_515 = tpu.memref_squeeze %dma_start3A_514 : memref<1x128xi32, #tpu.memory_space<vmem>> -> memref<128xi32, #tpu.memory_space<vmem>>
        %dma_start3A_516 = arith.constant 0 : i32
        %dma_start3A_517 = arith.constant 0 : i32
        %dma_start3A_518 = tpu.memref_slice %arg2[%dma_start3A_516, %dma_start3A_517] : memref<100000x8xf32, #tpu.memory_space<hbm>> -> memref<100000x8xf32, #tpu.memory_space<hbm>>
        tpu.enqueue_indirect_dma source(%dma_start3A_518 : memref<100000x8xf32, #tpu.memory_space<hbm>>) target(%dma_start3A_512 : memref<128x8xf32, #tpu.memory_space<vmem>>) offsets(%dma_start3A_515 : memref<128xi32, #tpu.memory_space<vmem>>) semaphore(%arg21 : memref<!tpu.dma_semaphore, #tpu.memory_space<semaphore_mem>>)
        %dma_start3A_519 = arith.constant 31 : i32
        %dma_start3A_520 = arith.constant 1920 : i32
        %dma_start3A_521 = arith.constant 0 : i32
        %dma_start3A_522 = tpu.memref_slice %arg12[%dma_start3A_520, %dma_start3A_521] : memref<2048x8xf32, #tpu.memory_space<vmem>> -> memref<128x8xf32, #tpu.memory_space<vmem>>
        %dma_start3A_523 = arith.constant 0 : i32
        %dma_start3A_524 = tpu.memref_slice %arg8[%dma_start3A_519, %dma_start3A_523] : memref<32x128xi32, #tpu.memory_space<vmem>> -> memref<1x128xi32, #tpu.memory_space<vmem>>
        %dma_start3A_525 = tpu.memref_squeeze %dma_start3A_524 : memref<1x128xi32, #tpu.memory_space<vmem>> -> memref<128xi32, #tpu.memory_space<vmem>>
        %dma_start3A_526 = arith.constant 0 : i32
        %dma_start3A_527 = arith.constant 0 : i32
        %dma_start3A_528 = tpu.memref_slice %arg2[%dma_start3A_526, %dma_start3A_527] : memref<100000x8xf32, #tpu.memory_space<hbm>> -> memref<100000x8xf32, #tpu.memory_space<hbm>>
        tpu.enqueue_indirect_dma source(%dma_start3A_528 : memref<100000x8xf32, #tpu.memory_space<hbm>>) target(%dma_start3A_522 : memref<128x8xf32, #tpu.memory_space<vmem>>) offsets(%dma_start3A_525 : memref<128xi32, #tpu.memory_space<vmem>>) semaphore(%arg21 : memref<!tpu.dma_semaphore, #tpu.memory_space<semaphore_mem>>)
      } else {
      }
      %lt3A_116 = arith.constant 3125 : i32
      %lt3A_117 = arith.cmpi slt, %add3A_99, %lt3A_116 : i32
      %convert_element_type3A_118 = arith.extui %lt3A_117 : i1 to i32
      %cond3A_119 = arith.constant 0 : i32
      %cond3A_120 = arith.cmpi ne, %convert_element_type3A_118, %cond3A_119 : i32
      scf.if %cond3A_120 {
        %mul3A_210 = arith.constant 2 : i32
        %mul3A_211 = arith.muli %add3A_99, %mul3A_210 : i32
        %mul3A_212 = arith.constant 16 : i32
        %mul3A_213 = arith.muli %mul3A_211, %mul3A_212 : i32
        %dma_start3A = arith.constant 0 : i32
        %dma_start3A_214 = tpu.memref_slice %arg3[%mul3A_213, %dma_start3A] : memref<100000x128xi32, #tpu.memory_space<hbm>> -> memref<32x128xi32, #tpu.memory_space<hbm>>
        %dma_start3A_215 = arith.constant 0 : i32
        %dma_start3A_216 = tpu.memref_slice %arg3[%mul3A_213, %dma_start3A_215] : memref<100000x128xi32, #tpu.memory_space<hbm>> -> memref<32x128xi32, #tpu.memory_space<hbm>>
        tpu.enqueue_dma source(%dma_start3A_216 : memref<32x128xi32, #tpu.memory_space<hbm>>) target(%arg7 : memref<32x128xi32, #tpu.memory_space<vmem>>) target_semaphore(%arg18 : memref<!tpu.dma_semaphore, #tpu.memory_space<semaphore_mem>>)
      } else {
      }
      %lt3A_121 = arith.constant 3125 : i32
      %lt3A_122 = arith.cmpi slt, %add3A_95, %lt3A_121 : i32
      %convert_element_type3A_123 = arith.extui %lt3A_122 : i1 to i32
      %cond3A_124 = arith.constant 0 : i32
      %cond3A_125 = arith.cmpi ne, %convert_element_type3A_123, %cond3A_124 : i32
      scf.if %cond3A_125 {
        %mul3A_210 = arith.constant 3 : i32
        %mul3A_211 = arith.muli %add3A_95, %mul3A_210 : i32
        %mul3A_212 = arith.constant 16 : i32
        %mul3A_213 = arith.muli %mul3A_211, %mul3A_212 : i32
        %dma_wait3A = arith.constant 0 : i32
        %dma_wait3A_214 = tpu.memref_slice %arg4[%mul3A_213, %dma_wait3A] : memref<150000x128xf32, #tpu.memory_space<hbm>> -> memref<48x128xf32, #tpu.memory_space<hbm>>
        %dma_wait3A_215 = arith.constant 0 : i32
        %dma_wait3A_216 = tpu.memref_slice %arg4[%mul3A_213, %dma_wait3A_215] : memref<150000x128xf32, #tpu.memory_space<hbm>> -> memref<48x128xf32, #tpu.memory_space<hbm>>
        tpu.wait_dma2 semaphore(%arg22 : memref<!tpu.dma_semaphore, #tpu.memory_space<semaphore_mem>>) src(%dma_wait3A_216 : memref<48x128xf32, #tpu.memory_space<hbm>>) dst(%arg13 : memref<48x128xf32, #tpu.memory_space<vmem>>)
      } else {
      }
      %ge3A_126 = arith.constant 0 : i32
      %ge3A_127 = arith.cmpi sge, %sub3A_100, %ge3A_126 : i32
      %lt3A_128 = arith.constant 3125 : i32
      %lt3A_129 = arith.cmpi slt, %sub3A_100, %lt3A_128 : i32
      %and3A_130 = arith.andi %ge3A_127, %lt3A_129 : i1
      %convert_element_type3A_131 = arith.extui %and3A_130 : i1 to i32
      %cond3A_132 = arith.constant 0 : i32
      %cond3A_133 = arith.cmpi ne, %convert_element_type3A_131, %cond3A_132 : i32
      scf.if %cond3A_133 {
        %mul3A_210 = arith.constant 4 : i32
        %mul3A_211 = arith.muli %sub3A_100, %mul3A_210 : i32
        %mul3A_212 = arith.constant 16 : i32
        %mul3A_213 = arith.muli %mul3A_211, %mul3A_212 : i32
        %dma_wait3A = arith.constant 0 : i32
        %dma_wait3A_214 = tpu.memref_slice %arg6[%mul3A_213, %dma_wait3A] : memref<200000x128xf32, #tpu.memory_space<hbm>> -> memref<64x128xf32, #tpu.memory_space<hbm>>
        %dma_wait3A_215 = arith.constant 0 : i32
        %dma_wait3A_216 = tpu.memref_slice %arg6[%mul3A_213, %dma_wait3A_215] : memref<200000x128xf32, #tpu.memory_space<hbm>> -> memref<64x128xf32, #tpu.memory_space<hbm>>
        tpu.wait_dma2 semaphore(%arg24 : memref<!tpu.dma_semaphore, #tpu.memory_space<semaphore_mem>>) src(%arg15 : memref<64x128xf32, #tpu.memory_space<vmem>>) dst(%dma_wait3A_216 : memref<64x128xf32, #tpu.memory_space<hbm>>)
      } else {
      }
      %lt3A_134 = arith.constant 3125 : i32
      %lt3A_135 = arith.cmpi slt, %add3A_95, %lt3A_134 : i32
      %convert_element_type3A_136 = arith.extui %lt3A_135 : i1 to i32
      %cond3A_137 = arith.constant 0 : i32
      %cond3A_138 = arith.cmpi ne, %convert_element_type3A_136, %cond3A_137 : i32
      scf.if %cond3A_138 {
        %scan3A_210 = arith.constant 0 : i32
        %scan3A_211 = arith.constant 0 : i32
        %scan3A_212 = arith.constant 16 : i32
        %scan3A_213 = arith.addi %scan3A_211, %scan3A_212 : i32
        %scan3A_214 = arith.constant 1 : i32
        scf.for %scan3A_216 = %scan3A_211 to %scan3A_213 step %scan3A_214  : i32 {
          %mul3A_217 = arith.constant 3 : i32
          %mul3A_218 = arith.muli %mul3A_217, %scan3A_216 : i32
          %mul3A_219 = arith.constant 4 : i32
          %mul3A_220 = arith.muli %mul3A_219, %scan3A_216 : i32
          %mul3A_221 = arith.constant 128 : i32
          %mul3A_222 = arith.muli %scan3A_216, %mul3A_221 : i32
          %add3A_223 = arith.constant 0 : i32
          %add3A_224 = arith.addi %mul3A_222, %add3A_223 : i32
          %add3A_225 = vector.broadcast %add3A_224 : i32 to vector<16xi32>
          %add3A_226 = arith.addi %add3A_225, %iota3A : vector<16xi32>
          %add3A_227 = arith.constant 0 : i32
          %add3A_228 = arith.addi %mul3A_218, %add3A_227 : i32
          %get3A = arith.index_cast %add3A_228 : i32 to index
          %get3A_229 = arith.constant 0 : index
          %get3A_230 = tpu.vector_load %arg13[%get3A, %get3A_229] {strides = array<i32>} : memref<48x128xf32, #tpu.memory_space<vmem>>, vector<16xf32>,
          %add3A_231 = arith.constant 1 : i32
          %add3A_232 = arith.addi %mul3A_218, %add3A_231 : i32
          %get3A_233 = arith.index_cast %add3A_232 : i32 to index
          %get3A_234 = arith.constant 0 : index
          %get3A_235 = tpu.vector_load %arg13[%get3A_233, %get3A_234] {strides = array<i32>} : memref<48x128xf32, #tpu.memory_space<vmem>>, vector<16xf32>,
          %add3A_236 = arith.constant 2 : i32
          %add3A_237 = arith.addi %mul3A_218, %add3A_236 : i32
          %get3A_238 = arith.index_cast %add3A_237 : i32 to index
          %get3A_239 = arith.constant 0 : index
          %get3A_240 = tpu.vector_load %arg13[%get3A_238, %get3A_239] {strides = array<i32>} : memref<48x128xf32, #tpu.memory_space<vmem>>, vector<16xf32>,
          %gather3A_241 = tpu.vector_load_idx %arg9[%add3A_226, %broadcast_in_dim3A_36] : memref<2048x8xf32, #tpu.memory_space<vmem>>[vector<16xi32>, vector<16xi32>], vector<16xf32>,
          %gather3A_242 = tpu.vector_load_idx %arg10[%add3A_226, %broadcast_in_dim3A_36] : memref<2048x8xf32, #tpu.memory_space<vmem>>[vector<16xi32>, vector<16xi32>], vector<16xf32>,
          %mul3A_243 = arith.mulf %get3A_230, %gather3A : vector<16xf32>
          %mul3A_244 = arith.mulf %get3A_235, %gather3A_15 : vector<16xf32>
          %add3A_245 = arith.addf %mul3A_243, %mul3A_244 : vector<16xf32>
          %mul3A_246 = arith.mulf %get3A_240, %gather3A_27 : vector<16xf32>
          %add3A_247 = arith.addf %add3A_245, %mul3A_246 : vector<16xf32>
          %sub3A_248 = arith.subf %gather3A_242, %gather3A_241 : vector<16xf32>
          %add3A_249 = arith.addf %sub3A_248, %add3A_247 : vector<16xf32>
          %add3A_250 = arith.constant 0 : i32
          %add3A_251 = arith.addi %mul3A_220, %add3A_250 : i32
          %swap3A = arith.index_cast %add3A_251 : i32 to index
          %swap3A_252 = arith.constant 0 : index
          %swap3A_253 = tpu.vector_load %arg15[%swap3A, %swap3A_252] {strides = array<i32>} : memref<64x128xf32, #tpu.memory_space<vmem>>, vector<16xf32>,
          tpu.vector_store %arg15[%swap3A, %swap3A_252], %add3A_249 {strides = array<i32>} : memref<64x128xf32, #tpu.memory_space<vmem>>, vector<16xf32>,
          %gather3A_254 = tpu.vector_load_idx %arg9[%add3A_226, %broadcast_in_dim3A_38] : memref<2048x8xf32, #tpu.memory_space<vmem>>[vector<16xi32>, vector<16xi32>], vector<16xf32>,
          %gather3A_255 = tpu.vector_load_idx %arg10[%add3A_226, %broadcast_in_dim3A_38] : memref<2048x8xf32, #tpu.memory_space<vmem>>[vector<16xi32>, vector<16xi32>], vector<16xf32>,
          %mul3A_256 = arith.mulf %get3A_230, %gather3A_7 : vector<16xf32>
          %mul3A_257 = arith.mulf %get3A_235, %gather3A_19 : vector<16xf32>
          %add3A_258 = arith.addf %mul3A_256, %mul3A_257 : vector<16xf32>
          %mul3A_259 = arith.mulf %get3A_240, %gather3A_31 : vector<16xf32>
          %add3A_260 = arith.addf %add3A_258, %mul3A_259 : vector<16xf32>
          %sub3A_261 = arith.subf %gather3A_255, %gather3A_254 : vector<16xf32>
          %add3A_262 = arith.addf %sub3A_261, %add3A_260 : vector<16xf32>
          %add3A_263 = arith.constant 1 : i32
          %add3A_264 = arith.addi %mul3A_220, %add3A_263 : i32
          %swap3A_265 = arith.index_cast %add3A_264 : i32 to index
          %swap3A_266 = arith.constant 0 : index
          %swap3A_267 = tpu.vector_load %arg15[%swap3A_265, %swap3A_266] {strides = array<i32>} : memref<64x128xf32, #tpu.memory_space<vmem>>, vector<16xf32>,
          tpu.vector_store %arg15[%swap3A_265, %swap3A_266], %add3A_262 {strides = array<i32>} : memref<64x128xf32, #tpu.memory_space<vmem>>, vector<16xf32>,
          %gather3A_268 = tpu.vector_load_idx %arg9[%add3A_226, %broadcast_in_dim3A_40] : memref<2048x8xf32, #tpu.memory_space<vmem>>[vector<16xi32>, vector<16xi32>], vector<16xf32>,
          %gather3A_269 = tpu.vector_load_idx %arg10[%add3A_226, %broadcast_in_dim3A_40] : memref<2048x8xf32, #tpu.memory_space<vmem>>[vector<16xi32>, vector<16xi32>], vector<16xf32>,
          %mul3A_270 = arith.mulf %get3A_230, %gather3A_11 : vector<16xf32>
          %mul3A_271 = arith.mulf %get3A_235, %gather3A_23 : vector<16xf32>
          %add3A_272 = arith.addf %mul3A_270, %mul3A_271 : vector<16xf32>
          %mul3A_273 = arith.mulf %get3A_240, %gather3A_35 : vector<16xf32>
          %add3A_274 = arith.addf %add3A_272, %mul3A_273 : vector<16xf32>
          %sub3A_275 = arith.subf %gather3A_269, %gather3A_268 : vector<16xf32>
          %add3A_276 = arith.addf %sub3A_275, %add3A_274 : vector<16xf32>
          %add3A_277 = arith.constant 2 : i32
          %add3A_278 = arith.addi %mul3A_220, %add3A_277 : i32
          %swap3A_279 = arith.index_cast %add3A_278 : i32 to index
          %swap3A_280 = arith.constant 0 : index
          %swap3A_281 = tpu.vector_load %arg15[%swap3A_279, %swap3A_280] {strides = array<i32>} : memref<64x128xf32, #tpu.memory_space<vmem>>, vector<16xf32>,
          tpu.vector_store %arg15[%swap3A_279, %swap3A_280], %add3A_276 {strides = array<i32>} : memref<64x128xf32, #tpu.memory_space<vmem>>, vector<16xf32>,
          %mul3A_282 = arith.constant 128 : i32
          %mul3A_283 = arith.muli %scan3A_216, %mul3A_282 : i32
          %add3A_284 = arith.constant 16 : i32
          %add3A_285 = arith.addi %mul3A_283, %add3A_284 : i32
          %add3A_286 = vector.broadcast %add3A_285 : i32 to vector<16xi32>
          %add3A_287 = arith.addi %add3A_286, %iota3A : vector<16xi32>
          %add3A_288 = arith.constant 0 : i32
          %add3A_289 = arith.addi %mul3A_218, %add3A_288 : i32
          %get3A_290 = arith.index_cast %add3A_289 : i32 to index
          %get3A_291 = arith.constant 16 : index
          %get3A_292 = tpu.vector_load %arg13[%get3A_290, %get3A_291] {strides = array<i32>} : memref<48x128xf32, #tpu.memory_space<vmem>>, vector<16xf32>,
          %add3A_293 = arith.constant 1 : i32
          %add3A_294 = arith.addi %mul3A_218, %add3A_293 : i32
          %get3A_295 = arith.index_cast %add3A_294 : i32 to index
          %get3A_296 = arith.constant 16 : index
          %get3A_297 = tpu.vector_load %arg13[%get3A_295, %get3A_296] {strides = array<i32>} : memref<48x128xf32, #tpu.memory_space<vmem>>, vector<16xf32>,
          %add3A_298 = arith.constant 2 : i32
          %add3A_299 = arith.addi %mul3A_218, %add3A_298 : i32
          %get3A_300 = arith.index_cast %add3A_299 : i32 to index
          %get3A_301 = arith.constant 16 : index
          %get3A_302 = tpu.vector_load %arg13[%get3A_300, %get3A_301] {strides = array<i32>} : memref<48x128xf32, #tpu.memory_space<vmem>>, vector<16xf32>,
          %gather3A_303 = tpu.vector_load_idx %arg9[%add3A_287, %broadcast_in_dim3A_36] : memref<2048x8xf32, #tpu.memory_space<vmem>>[vector<16xi32>, vector<16xi32>], vector<16xf32>,
          %gather3A_304 = tpu.vector_load_idx %arg10[%add3A_287, %broadcast_in_dim3A_36] : memref<2048x8xf32, #tpu.memory_space<vmem>>[vector<16xi32>, vector<16xi32>], vector<16xf32>,
          %mul3A_305 = arith.mulf %get3A_292, %gather3A : vector<16xf32>
          %mul3A_306 = arith.mulf %get3A_297, %gather3A_15 : vector<16xf32>
          %add3A_307 = arith.addf %mul3A_305, %mul3A_306 : vector<16xf32>
          %mul3A_308 = arith.mulf %get3A_302, %gather3A_27 : vector<16xf32>
          %add3A_309 = arith.addf %add3A_307, %mul3A_308 : vector<16xf32>
          %sub3A_310 = arith.subf %gather3A_304, %gather3A_303 : vector<16xf32>
          %add3A_311 = arith.addf %sub3A_310, %add3A_309 : vector<16xf32>
          %add3A_312 = arith.constant 0 : i32
          %add3A_313 = arith.addi %mul3A_220, %add3A_312 : i32
          %swap3A_314 = arith.index_cast %add3A_313 : i32 to index
          %swap3A_315 = arith.constant 16 : index
          %swap3A_316 = tpu.vector_load %arg15[%swap3A_314, %swap3A_315] {strides = array<i32>} : memref<64x128xf32, #tpu.memory_space<vmem>>, vector<16xf32>,
          tpu.vector_store %arg15[%swap3A_314, %swap3A_315], %add3A_311 {strides = array<i32>} : memref<64x128xf32, #tpu.memory_space<vmem>>, vector<16xf32>,
          %gather3A_317 = tpu.vector_load_idx %arg9[%add3A_287, %broadcast_in_dim3A_38] : memref<2048x8xf32, #tpu.memory_space<vmem>>[vector<16xi32>, vector<16xi32>], vector<16xf32>,
          %gather3A_318 = tpu.vector_load_idx %arg10[%add3A_287, %broadcast_in_dim3A_38] : memref<2048x8xf32, #tpu.memory_space<vmem>>[vector<16xi32>, vector<16xi32>], vector<16xf32>,
          %mul3A_319 = arith.mulf %get3A_292, %gather3A_7 : vector<16xf32>
          %mul3A_320 = arith.mulf %get3A_297, %gather3A_19 : vector<16xf32>
          %add3A_321 = arith.addf %mul3A_319, %mul3A_320 : vector<16xf32>
          %mul3A_322 = arith.mulf %get3A_302, %gather3A_31 : vector<16xf32>
          %add3A_323 = arith.addf %add3A_321, %mul3A_322 : vector<16xf32>
          %sub3A_324 = arith.subf %gather3A_318, %gather3A_317 : vector<16xf32>
          %add3A_325 = arith.addf %sub3A_324, %add3A_323 : vector<16xf32>
          %add3A_326 = arith.constant 1 : i32
          %add3A_327 = arith.addi %mul3A_220, %add3A_326 : i32
          %swap3A_328 = arith.index_cast %add3A_327 : i32 to index
          %swap3A_329 = arith.constant 16 : index
          %swap3A_330 = tpu.vector_load %arg15[%swap3A_328, %swap3A_329] {strides = array<i32>} : memref<64x128xf32, #tpu.memory_space<vmem>>, vector<16xf32>,
          tpu.vector_store %arg15[%swap3A_328, %swap3A_329], %add3A_325 {strides = array<i32>} : memref<64x128xf32, #tpu.memory_space<vmem>>, vector<16xf32>,
          %gather3A_331 = tpu.vector_load_idx %arg9[%add3A_287, %broadcast_in_dim3A_40] : memref<2048x8xf32, #tpu.memory_space<vmem>>[vector<16xi32>, vector<16xi32>], vector<16xf32>,
          %gather3A_332 = tpu.vector_load_idx %arg10[%add3A_287, %broadcast_in_dim3A_40] : memref<2048x8xf32, #tpu.memory_space<vmem>>[vector<16xi32>, vector<16xi32>], vector<16xf32>,
          %mul3A_333 = arith.mulf %get3A_292, %gather3A_11 : vector<16xf32>
          %mul3A_334 = arith.mulf %get3A_297, %gather3A_23 : vector<16xf32>
          %add3A_335 = arith.addf %mul3A_333, %mul3A_334 : vector<16xf32>
          %mul3A_336 = arith.mulf %get3A_302, %gather3A_35 : vector<16xf32>
          %add3A_337 = arith.addf %add3A_335, %mul3A_336 : vector<16xf32>
          %sub3A_338 = arith.subf %gather3A_332, %gather3A_331 : vector<16xf32>
          %add3A_339 = arith.addf %sub3A_338, %add3A_337 : vector<16xf32>
          %add3A_340 = arith.constant 2 : i32
          %add3A_341 = arith.addi %mul3A_220, %add3A_340 : i32
          %swap3A_342 = arith.index_cast %add3A_341 : i32 to index
          %swap3A_343 = arith.constant 16 : index
          %swap3A_344 = tpu.vector_load %arg15[%swap3A_342, %swap3A_343] {strides = array<i32>} : memref<64x128xf32, #tpu.memory_space<vmem>>, vector<16xf32>,
          tpu.vector_store %arg15[%swap3A_342, %swap3A_343], %add3A_339 {strides = array<i32>} : memref<64x128xf32, #tpu.memory_space<vmem>>, vector<16xf32>,
          %mul3A_345 = arith.constant 128 : i32
          %mul3A_346 = arith.muli %scan3A_216, %mul3A_345 : i32
          %add3A_347 = arith.constant 32 : i32
          %add3A_348 = arith.addi %mul3A_346, %add3A_347 : i32
          %add3A_349 = vector.broadcast %add3A_348 : i32 to vector<16xi32>
          %add3A_350 = arith.addi %add3A_349, %iota3A : vector<16xi32>
          %add3A_351 = arith.constant 0 : i32
          %add3A_352 = arith.addi %mul3A_218, %add3A_351 : i32
          %get3A_353 = arith.index_cast %add3A_352 : i32 to index
          %get3A_354 = arith.constant 32 : index
          %get3A_355 = tpu.vector_load %arg13[%get3A_353, %get3A_354] {strides = array<i32>} : memref<48x128xf32, #tpu.memory_space<vmem>>, vector<16xf32>,
          %add3A_356 = arith.constant 1 : i32
          %add3A_357 = arith.addi %mul3A_218, %add3A_356 : i32
          %get3A_358 = arith.index_cast %add3A_357 : i32 to index
          %get3A_359 = arith.constant 32 : index
          %get3A_360 = tpu.vector_load %arg13[%get3A_358, %get3A_359] {strides = array<i32>} : memref<48x128xf32, #tpu.memory_space<vmem>>, vector<16xf32>,
          %add3A_361 = arith.constant 2 : i32
          %add3A_362 = arith.addi %mul3A_218, %add3A_361 : i32
          %get3A_363 = arith.index_cast %add3A_362 : i32 to index
          %get3A_364 = arith.constant 32 : index
          %get3A_365 = tpu.vector_load %arg13[%get3A_363, %get3A_364] {strides = array<i32>} : memref<48x128xf32, #tpu.memory_space<vmem>>, vector<16xf32>,
          %gather3A_366 = tpu.vector_load_idx %arg9[%add3A_350, %broadcast_in_dim3A_36] : memref<2048x8xf32, #tpu.memory_space<vmem>>[vector<16xi32>, vector<16xi32>], vector<16xf32>,
          %gather3A_367 = tpu.vector_load_idx %arg10[%add3A_350, %broadcast_in_dim3A_36] : memref<2048x8xf32, #tpu.memory_space<vmem>>[vector<16xi32>, vector<16xi32>], vector<16xf32>,
          %mul3A_368 = arith.mulf %get3A_355, %gather3A : vector<16xf32>
          %mul3A_369 = arith.mulf %get3A_360, %gather3A_15 : vector<16xf32>
          %add3A_370 = arith.addf %mul3A_368, %mul3A_369 : vector<16xf32>
          %mul3A_371 = arith.mulf %get3A_365, %gather3A_27 : vector<16xf32>
          %add3A_372 = arith.addf %add3A_370, %mul3A_371 : vector<16xf32>
          %sub3A_373 = arith.subf %gather3A_367, %gather3A_366 : vector<16xf32>
          %add3A_374 = arith.addf %sub3A_373, %add3A_372 : vector<16xf32>
          %add3A_375 = arith.constant 0 : i32
          %add3A_376 = arith.addi %mul3A_220, %add3A_375 : i32
          %swap3A_377 = arith.index_cast %add3A_376 : i32 to index
          %swap3A_378 = arith.constant 32 : index
          %swap3A_379 = tpu.vector_load %arg15[%swap3A_377, %swap3A_378] {strides = array<i32>} : memref<64x128xf32, #tpu.memory_space<vmem>>, vector<16xf32>,
          tpu.vector_store %arg15[%swap3A_377, %swap3A_378], %add3A_374 {strides = array<i32>} : memref<64x128xf32, #tpu.memory_space<vmem>>, vector<16xf32>,
          %gather3A_380 = tpu.vector_load_idx %arg9[%add3A_350, %broadcast_in_dim3A_38] : memref<2048x8xf32, #tpu.memory_space<vmem>>[vector<16xi32>, vector<16xi32>], vector<16xf32>,
          %gather3A_381 = tpu.vector_load_idx %arg10[%add3A_350, %broadcast_in_dim3A_38] : memref<2048x8xf32, #tpu.memory_space<vmem>>[vector<16xi32>, vector<16xi32>], vector<16xf32>,
          %mul3A_382 = arith.mulf %get3A_355, %gather3A_7 : vector<16xf32>
          %mul3A_383 = arith.mulf %get3A_360, %gather3A_19 : vector<16xf32>
          %add3A_384 = arith.addf %mul3A_382, %mul3A_383 : vector<16xf32>
          %mul3A_385 = arith.mulf %get3A_365, %gather3A_31 : vector<16xf32>
          %add3A_386 = arith.addf %add3A_384, %mul3A_385 : vector<16xf32>
          %sub3A_387 = arith.subf %gather3A_381, %gather3A_380 : vector<16xf32>
          %add3A_388 = arith.addf %sub3A_387, %add3A_386 : vector<16xf32>
          %add3A_389 = arith.constant 1 : i32
          %add3A_390 = arith.addi %mul3A_220, %add3A_389 : i32
          %swap3A_391 = arith.index_cast %add3A_390 : i32 to index
          %swap3A_392 = arith.constant 32 : index
          %swap3A_393 = tpu.vector_load %arg15[%swap3A_391, %swap3A_392] {strides = array<i32>} : memref<64x128xf32, #tpu.memory_space<vmem>>, vector<16xf32>,
          tpu.vector_store %arg15[%swap3A_391, %swap3A_392], %add3A_388 {strides = array<i32>} : memref<64x128xf32, #tpu.memory_space<vmem>>, vector<16xf32>,
          %gather3A_394 = tpu.vector_load_idx %arg9[%add3A_350, %broadcast_in_dim3A_40] : memref<2048x8xf32, #tpu.memory_space<vmem>>[vector<16xi32>, vector<16xi32>], vector<16xf32>,
          %gather3A_395 = tpu.vector_load_idx %arg10[%add3A_350, %broadcast_in_dim3A_40] : memref<2048x8xf32, #tpu.memory_space<vmem>>[vector<16xi32>, vector<16xi32>], vector<16xf32>,
          %mul3A_396 = arith.mulf %get3A_355, %gather3A_11 : vector<16xf32>
          %mul3A_397 = arith.mulf %get3A_360, %gather3A_23 : vector<16xf32>
          %add3A_398 = arith.addf %mul3A_396, %mul3A_397 : vector<16xf32>
          %mul3A_399 = arith.mulf %get3A_365, %gather3A_35 : vector<16xf32>
          %add3A_400 = arith.addf %add3A_398, %mul3A_399 : vector<16xf32>
          %sub3A_401 = arith.subf %gather3A_395, %gather3A_394 : vector<16xf32>
          %add3A_402 = arith.addf %sub3A_401, %add3A_400 : vector<16xf32>
          %add3A_403 = arith.constant 2 : i32
          %add3A_404 = arith.addi %mul3A_220, %add3A_403 : i32
          %swap3A_405 = arith.index_cast %add3A_404 : i32 to index
          %swap3A_406 = arith.constant 32 : index
          %swap3A_407 = tpu.vector_load %arg15[%swap3A_405, %swap3A_406] {strides = array<i32>} : memref<64x128xf32, #tpu.memory_space<vmem>>, vector<16xf32>,
          tpu.vector_store %arg15[%swap3A_405, %swap3A_406], %add3A_402 {strides = array<i32>} : memref<64x128xf32, #tpu.memory_space<vmem>>, vector<16xf32>,
          %mul3A_408 = arith.constant 128 : i32
          %mul3A_409 = arith.muli %scan3A_216, %mul3A_408 : i32
          %add3A_410 = arith.constant 48 : i32
          %add3A_411 = arith.addi %mul3A_409, %add3A_410 : i32
          %add3A_412 = vector.broadcast %add3A_411 : i32 to vector<16xi32>
          %add3A_413 = arith.addi %add3A_412, %iota3A : vector<16xi32>
          %add3A_414 = arith.constant 0 : i32
          %add3A_415 = arith.addi %mul3A_218, %add3A_414 : i32
          %get3A_416 = arith.index_cast %add3A_415 : i32 to index
          %get3A_417 = arith.constant 48 : index
          %get3A_418 = tpu.vector_load %arg13[%get3A_416, %get3A_417] {strides = array<i32>} : memref<48x128xf32, #tpu.memory_space<vmem>>, vector<16xf32>,
          %add3A_419 = arith.constant 1 : i32
          %add3A_420 = arith.addi %mul3A_218, %add3A_419 : i32
          %get3A_421 = arith.index_cast %add3A_420 : i32 to index
          %get3A_422 = arith.constant 48 : index
          %get3A_423 = tpu.vector_load %arg13[%get3A_421, %get3A_422] {strides = array<i32>} : memref<48x128xf32, #tpu.memory_space<vmem>>, vector<16xf32>,
          %add3A_424 = arith.constant 2 : i32
          %add3A_425 = arith.addi %mul3A_218, %add3A_424 : i32
          %get3A_426 = arith.index_cast %add3A_425 : i32 to index
          %get3A_427 = arith.constant 48 : index
          %get3A_428 = tpu.vector_load %arg13[%get3A_426, %get3A_427] {strides = array<i32>} : memref<48x128xf32, #tpu.memory_space<vmem>>, vector<16xf32>,
          %gather3A_429 = tpu.vector_load_idx %arg9[%add3A_413, %broadcast_in_dim3A_36] : memref<2048x8xf32, #tpu.memory_space<vmem>>[vector<16xi32>, vector<16xi32>], vector<16xf32>,
          %gather3A_430 = tpu.vector_load_idx %arg10[%add3A_413, %broadcast_in_dim3A_36] : memref<2048x8xf32, #tpu.memory_space<vmem>>[vector<16xi32>, vector<16xi32>], vector<16xf32>,
          %mul3A_431 = arith.mulf %get3A_418, %gather3A : vector<16xf32>
          %mul3A_432 = arith.mulf %get3A_423, %gather3A_15 : vector<16xf32>
          %add3A_433 = arith.addf %mul3A_431, %mul3A_432 : vector<16xf32>
          %mul3A_434 = arith.mulf %get3A_428, %gather3A_27 : vector<16xf32>
          %add3A_435 = arith.addf %add3A_433, %mul3A_434 : vector<16xf32>
          %sub3A_436 = arith.subf %gather3A_430, %gather3A_429 : vector<16xf32>
          %add3A_437 = arith.addf %sub3A_436, %add3A_435 : vector<16xf32>
          %add3A_438 = arith.constant 0 : i32
          %add3A_439 = arith.addi %mul3A_220, %add3A_438 : i32
          %swap3A_440 = arith.index_cast %add3A_439 : i32 to index
          %swap3A_441 = arith.constant 48 : index
          %swap3A_442 = tpu.vector_load %arg15[%swap3A_440, %swap3A_441] {strides = array<i32>} : memref<64x128xf32, #tpu.memory_space<vmem>>, vector<16xf32>,
          tpu.vector_store %arg15[%swap3A_440, %swap3A_441], %add3A_437 {strides = array<i32>} : memref<64x128xf32, #tpu.memory_space<vmem>>, vector<16xf32>,
          %gather3A_443 = tpu.vector_load_idx %arg9[%add3A_413, %broadcast_in_dim3A_38] : memref<2048x8xf32, #tpu.memory_space<vmem>>[vector<16xi32>, vector<16xi32>], vector<16xf32>,
          %gather3A_444 = tpu.vector_load_idx %arg10[%add3A_413, %broadcast_in_dim3A_38] : memref<2048x8xf32, #tpu.memory_space<vmem>>[vector<16xi32>, vector<16xi32>], vector<16xf32>,
          %mul3A_445 = arith.mulf %get3A_418, %gather3A_7 : vector<16xf32>
          %mul3A_446 = arith.mulf %get3A_423, %gather3A_19 : vector<16xf32>
          %add3A_447 = arith.addf %mul3A_445, %mul3A_446 : vector<16xf32>
          %mul3A_448 = arith.mulf %get3A_428, %gather3A_31 : vector<16xf32>
          %add3A_449 = arith.addf %add3A_447, %mul3A_448 : vector<16xf32>
          %sub3A_450 = arith.subf %gather3A_444, %gather3A_443 : vector<16xf32>
          %add3A_451 = arith.addf %sub3A_450, %add3A_449 : vector<16xf32>
          %add3A_452 = arith.constant 1 : i32
          %add3A_453 = arith.addi %mul3A_220, %add3A_452 : i32
          %swap3A_454 = arith.index_cast %add3A_453 : i32 to index
          %swap3A_455 = arith.constant 48 : index
          %swap3A_456 = tpu.vector_load %arg15[%swap3A_454, %swap3A_455] {strides = array<i32>} : memref<64x128xf32, #tpu.memory_space<vmem>>, vector<16xf32>,
          tpu.vector_store %arg15[%swap3A_454, %swap3A_455], %add3A_451 {strides = array<i32>} : memref<64x128xf32, #tpu.memory_space<vmem>>, vector<16xf32>,
          %gather3A_457 = tpu.vector_load_idx %arg9[%add3A_413, %broadcast_in_dim3A_40] : memref<2048x8xf32, #tpu.memory_space<vmem>>[vector<16xi32>, vector<16xi32>], vector<16xf32>,
          %gather3A_458 = tpu.vector_load_idx %arg10[%add3A_413, %broadcast_in_dim3A_40] : memref<2048x8xf32, #tpu.memory_space<vmem>>[vector<16xi32>, vector<16xi32>], vector<16xf32>,
          %mul3A_459 = arith.mulf %get3A_418, %gather3A_11 : vector<16xf32>
          %mul3A_460 = arith.mulf %get3A_423, %gather3A_23 : vector<16xf32>
          %add3A_461 = arith.addf %mul3A_459, %mul3A_460 : vector<16xf32>
          %mul3A_462 = arith.mulf %get3A_428, %gather3A_35 : vector<16xf32>
          %add3A_463 = arith.addf %add3A_461, %mul3A_462 : vector<16xf32>
          %sub3A_464 = arith.subf %gather3A_458, %gather3A_457 : vector<16xf32>
          %add3A_465 = arith.addf %sub3A_464, %add3A_463 : vector<16xf32>
          %add3A_466 = arith.constant 2 : i32
          %add3A_467 = arith.addi %mul3A_220, %add3A_466 : i32
          %swap3A_468 = arith.index_cast %add3A_467 : i32 to index
          %swap3A_469 = arith.constant 48 : index
          %swap3A_470 = tpu.vector_load %arg15[%swap3A_468, %swap3A_469] {strides = array<i32>} : memref<64x128xf32, #tpu.memory_space<vmem>>, vector<16xf32>,
          tpu.vector_store %arg15[%swap3A_468, %swap3A_469], %add3A_465 {strides = array<i32>} : memref<64x128xf32, #tpu.memory_space<vmem>>, vector<16xf32>,
          %mul3A_471 = arith.constant 128 : i32
          %mul3A_472 = arith.muli %scan3A_216, %mul3A_471 : i32
          %add3A_473 = arith.constant 64 : i32
          %add3A_474 = arith.addi %mul3A_472, %add3A_473 : i32
          %add3A_475 = vector.broadcast %add3A_474 : i32 to vector<16xi32>
          %add3A_476 = arith.addi %add3A_475, %iota3A : vector<16xi32>
          %add3A_477 = arith.constant 0 : i32
          %add3A_478 = arith.addi %mul3A_218, %add3A_477 : i32
          %get3A_479 = arith.index_cast %add3A_478 : i32 to index
          %get3A_480 = arith.constant 64 : index
          %get3A_481 = tpu.vector_load %arg13[%get3A_479, %get3A_480] {strides = array<i32>} : memref<48x128xf32, #tpu.memory_space<vmem>>, vector<16xf32>,
          %add3A_482 = arith.constant 1 : i32
          %add3A_483 = arith.addi %mul3A_218, %add3A_482 : i32
          %get3A_484 = arith.index_cast %add3A_483 : i32 to index
          %get3A_485 = arith.constant 64 : index
          %get3A_486 = tpu.vector_load %arg13[%get3A_484, %get3A_485] {strides = array<i32>} : memref<48x128xf32, #tpu.memory_space<vmem>>, vector<16xf32>,
          %add3A_487 = arith.constant 2 : i32
          %add3A_488 = arith.addi %mul3A_218, %add3A_487 : i32
          %get3A_489 = arith.index_cast %add3A_488 : i32 to index
          %get3A_490 = arith.constant 64 : index
          %get3A_491 = tpu.vector_load %arg13[%get3A_489, %get3A_490] {strides = array<i32>} : memref<48x128xf32, #tpu.memory_space<vmem>>, vector<16xf32>,
          %gather3A_492 = tpu.vector_load_idx %arg9[%add3A_476, %broadcast_in_dim3A_36] : memref<2048x8xf32, #tpu.memory_space<vmem>>[vector<16xi32>, vector<16xi32>], vector<16xf32>,
          %gather3A_493 = tpu.vector_load_idx %arg10[%add3A_476, %broadcast_in_dim3A_36] : memref<2048x8xf32, #tpu.memory_space<vmem>>[vector<16xi32>, vector<16xi32>], vector<16xf32>,
          %mul3A_494 = arith.mulf %get3A_481, %gather3A : vector<16xf32>
          %mul3A_495 = arith.mulf %get3A_486, %gather3A_15 : vector<16xf32>
          %add3A_496 = arith.addf %mul3A_494, %mul3A_495 : vector<16xf32>
          %mul3A_497 = arith.mulf %get3A_491, %gather3A_27 : vector<16xf32>
          %add3A_498 = arith.addf %add3A_496, %mul3A_497 : vector<16xf32>
          %sub3A_499 = arith.subf %gather3A_493, %gather3A_492 : vector<16xf32>
          %add3A_500 = arith.addf %sub3A_499, %add3A_498 : vector<16xf32>
          %add3A_501 = arith.constant 0 : i32
          %add3A_502 = arith.addi %mul3A_220, %add3A_501 : i32
          %swap3A_503 = arith.index_cast %add3A_502 : i32 to index
          %swap3A_504 = arith.constant 64 : index
          %swap3A_505 = tpu.vector_load %arg15[%swap3A_503, %swap3A_504] {strides = array<i32>} : memref<64x128xf32, #tpu.memory_space<vmem>>, vector<16xf32>,
          tpu.vector_store %arg15[%swap3A_503, %swap3A_504], %add3A_500 {strides = array<i32>} : memref<64x128xf32, #tpu.memory_space<vmem>>, vector<16xf32>,
          %gather3A_506 = tpu.vector_load_idx %arg9[%add3A_476, %broadcast_in_dim3A_38] : memref<2048x8xf32, #tpu.memory_space<vmem>>[vector<16xi32>, vector<16xi32>], vector<16xf32>,
          %gather3A_507 = tpu.vector_load_idx %arg10[%add3A_476, %broadcast_in_dim3A_38] : memref<2048x8xf32, #tpu.memory_space<vmem>>[vector<16xi32>, vector<16xi32>], vector<16xf32>,
          %mul3A_508 = arith.mulf %get3A_481, %gather3A_7 : vector<16xf32>
          %mul3A_509 = arith.mulf %get3A_486, %gather3A_19 : vector<16xf32>
          %add3A_510 = arith.addf %mul3A_508, %mul3A_509 : vector<16xf32>
          %mul3A_511 = arith.mulf %get3A_491, %gather3A_31 : vector<16xf32>
          %add3A_512 = arith.addf %add3A_510, %mul3A_511 : vector<16xf32>
          %sub3A_513 = arith.subf %gather3A_507, %gather3A_506 : vector<16xf32>
          %add3A_514 = arith.addf %sub3A_513, %add3A_512 : vector<16xf32>
          %add3A_515 = arith.constant 1 : i32
          %add3A_516 = arith.addi %mul3A_220, %add3A_515 : i32
          %swap3A_517 = arith.index_cast %add3A_516 : i32 to index
          %swap3A_518 = arith.constant 64 : index
          %swap3A_519 = tpu.vector_load %arg15[%swap3A_517, %swap3A_518] {strides = array<i32>} : memref<64x128xf32, #tpu.memory_space<vmem>>, vector<16xf32>,
          tpu.vector_store %arg15[%swap3A_517, %swap3A_518], %add3A_514 {strides = array<i32>} : memref<64x128xf32, #tpu.memory_space<vmem>>, vector<16xf32>,
          %gather3A_520 = tpu.vector_load_idx %arg9[%add3A_476, %broadcast_in_dim3A_40] : memref<2048x8xf32, #tpu.memory_space<vmem>>[vector<16xi32>, vector<16xi32>], vector<16xf32>,
          %gather3A_521 = tpu.vector_load_idx %arg10[%add3A_476, %broadcast_in_dim3A_40] : memref<2048x8xf32, #tpu.memory_space<vmem>>[vector<16xi32>, vector<16xi32>], vector<16xf32>,
          %mul3A_522 = arith.mulf %get3A_481, %gather3A_11 : vector<16xf32>
          %mul3A_523 = arith.mulf %get3A_486, %gather3A_23 : vector<16xf32>
          %add3A_524 = arith.addf %mul3A_522, %mul3A_523 : vector<16xf32>
          %mul3A_525 = arith.mulf %get3A_491, %gather3A_35 : vector<16xf32>
          %add3A_526 = arith.addf %add3A_524, %mul3A_525 : vector<16xf32>
          %sub3A_527 = arith.subf %gather3A_521, %gather3A_520 : vector<16xf32>
          %add3A_528 = arith.addf %sub3A_527, %add3A_526 : vector<16xf32>
          %add3A_529 = arith.constant 2 : i32
          %add3A_530 = arith.addi %mul3A_220, %add3A_529 : i32
          %swap3A_531 = arith.index_cast %add3A_530 : i32 to index
          %swap3A_532 = arith.constant 64 : index
          %swap3A_533 = tpu.vector_load %arg15[%swap3A_531, %swap3A_532] {strides = array<i32>} : memref<64x128xf32, #tpu.memory_space<vmem>>, vector<16xf32>,
          tpu.vector_store %arg15[%swap3A_531, %swap3A_532], %add3A_528 {strides = array<i32>} : memref<64x128xf32, #tpu.memory_space<vmem>>, vector<16xf32>,
          %mul3A_534 = arith.constant 128 : i32
          %mul3A_535 = arith.muli %scan3A_216, %mul3A_534 : i32
          %add3A_536 = arith.constant 80 : i32
          %add3A_537 = arith.addi %mul3A_535, %add3A_536 : i32
          %add3A_538 = vector.broadcast %add3A_537 : i32 to vector<16xi32>
          %add3A_539 = arith.addi %add3A_538, %iota3A : vector<16xi32>
          %add3A_540 = arith.constant 0 : i32
          %add3A_541 = arith.addi %mul3A_218, %add3A_540 : i32
          %get3A_542 = arith.index_cast %add3A_541 : i32 to index
          %get3A_543 = arith.constant 80 : index
          %get3A_544 = tpu.vector_load %arg13[%get3A_542, %get3A_543] {strides = array<i32>} : memref<48x128xf32, #tpu.memory_space<vmem>>, vector<16xf32>,
          %add3A_545 = arith.constant 1 : i32
          %add3A_546 = arith.addi %mul3A_218, %add3A_545 : i32
          %get3A_547 = arith.index_cast %add3A_546 : i32 to index
          %get3A_548 = arith.constant 80 : index
          %get3A_549 = tpu.vector_load %arg13[%get3A_547, %get3A_548] {strides = array<i32>} : memref<48x128xf32, #tpu.memory_space<vmem>>, vector<16xf32>,
          %add3A_550 = arith.constant 2 : i32
          %add3A_551 = arith.addi %mul3A_218, %add3A_550 : i32
          %get3A_552 = arith.index_cast %add3A_551 : i32 to index
          %get3A_553 = arith.constant 80 : index
          %get3A_554 = tpu.vector_load %arg13[%get3A_552, %get3A_553] {strides = array<i32>} : memref<48x128xf32, #tpu.memory_space<vmem>>, vector<16xf32>,
          %gather3A_555 = tpu.vector_load_idx %arg9[%add3A_539, %broadcast_in_dim3A_36] : memref<2048x8xf32, #tpu.memory_space<vmem>>[vector<16xi32>, vector<16xi32>], vector<16xf32>,
          %gather3A_556 = tpu.vector_load_idx %arg10[%add3A_539, %broadcast_in_dim3A_36] : memref<2048x8xf32, #tpu.memory_space<vmem>>[vector<16xi32>, vector<16xi32>], vector<16xf32>,
          %mul3A_557 = arith.mulf %get3A_544, %gather3A : vector<16xf32>
          %mul3A_558 = arith.mulf %get3A_549, %gather3A_15 : vector<16xf32>
          %add3A_559 = arith.addf %mul3A_557, %mul3A_558 : vector<16xf32>
          %mul3A_560 = arith.mulf %get3A_554, %gather3A_27 : vector<16xf32>
          %add3A_561 = arith.addf %add3A_559, %mul3A_560 : vector<16xf32>
          %sub3A_562 = arith.subf %gather3A_556, %gather3A_555 : vector<16xf32>
          %add3A_563 = arith.addf %sub3A_562, %add3A_561 : vector<16xf32>
          %add3A_564 = arith.constant 0 : i32
          %add3A_565 = arith.addi %mul3A_220, %add3A_564 : i32
          %swap3A_566 = arith.index_cast %add3A_565 : i32 to index
          %swap3A_567 = arith.constant 80 : index
          %swap3A_568 = tpu.vector_load %arg15[%swap3A_566, %swap3A_567] {strides = array<i32>} : memref<64x128xf32, #tpu.memory_space<vmem>>, vector<16xf32>,
          tpu.vector_store %arg15[%swap3A_566, %swap3A_567], %add3A_563 {strides = array<i32>} : memref<64x128xf32, #tpu.memory_space<vmem>>, vector<16xf32>,
          %gather3A_569 = tpu.vector_load_idx %arg9[%add3A_539, %broadcast_in_dim3A_38] : memref<2048x8xf32, #tpu.memory_space<vmem>>[vector<16xi32>, vector<16xi32>], vector<16xf32>,
          %gather3A_570 = tpu.vector_load_idx %arg10[%add3A_539, %broadcast_in_dim3A_38] : memref<2048x8xf32, #tpu.memory_space<vmem>>[vector<16xi32>, vector<16xi32>], vector<16xf32>,
          %mul3A_571 = arith.mulf %get3A_544, %gather3A_7 : vector<16xf32>
          %mul3A_572 = arith.mulf %get3A_549, %gather3A_19 : vector<16xf32>
          %add3A_573 = arith.addf %mul3A_571, %mul3A_572 : vector<16xf32>
          %mul3A_574 = arith.mulf %get3A_554, %gather3A_31 : vector<16xf32>
          %add3A_575 = arith.addf %add3A_573, %mul3A_574 : vector<16xf32>
          %sub3A_576 = arith.subf %gather3A_570, %gather3A_569 : vector<16xf32>
          %add3A_577 = arith.addf %sub3A_576, %add3A_575 : vector<16xf32>
          %add3A_578 = arith.constant 1 : i32
          %add3A_579 = arith.addi %mul3A_220, %add3A_578 : i32
          %swap3A_580 = arith.index_cast %add3A_579 : i32 to index
          %swap3A_581 = arith.constant 80 : index
          %swap3A_582 = tpu.vector_load %arg15[%swap3A_580, %swap3A_581] {strides = array<i32>} : memref<64x128xf32, #tpu.memory_space<vmem>>, vector<16xf32>,
          tpu.vector_store %arg15[%swap3A_580, %swap3A_581], %add3A_577 {strides = array<i32>} : memref<64x128xf32, #tpu.memory_space<vmem>>, vector<16xf32>,
          %gather3A_583 = tpu.vector_load_idx %arg9[%add3A_539, %broadcast_in_dim3A_40] : memref<2048x8xf32, #tpu.memory_space<vmem>>[vector<16xi32>, vector<16xi32>], vector<16xf32>,
          %gather3A_584 = tpu.vector_load_idx %arg10[%add3A_539, %broadcast_in_dim3A_40] : memref<2048x8xf32, #tpu.memory_space<vmem>>[vector<16xi32>, vector<16xi32>], vector<16xf32>,
          %mul3A_585 = arith.mulf %get3A_544, %gather3A_11 : vector<16xf32>
          %mul3A_586 = arith.mulf %get3A_549, %gather3A_23 : vector<16xf32>
          %add3A_587 = arith.addf %mul3A_585, %mul3A_586 : vector<16xf32>
          %mul3A_588 = arith.mulf %get3A_554, %gather3A_35 : vector<16xf32>
          %add3A_589 = arith.addf %add3A_587, %mul3A_588 : vector<16xf32>
          %sub3A_590 = arith.subf %gather3A_584, %gather3A_583 : vector<16xf32>
          %add3A_591 = arith.addf %sub3A_590, %add3A_589 : vector<16xf32>
          %add3A_592 = arith.constant 2 : i32
          %add3A_593 = arith.addi %mul3A_220, %add3A_592 : i32
          %swap3A_594 = arith.index_cast %add3A_593 : i32 to index
          %swap3A_595 = arith.constant 80 : index
          %swap3A_596 = tpu.vector_load %arg15[%swap3A_594, %swap3A_595] {strides = array<i32>} : memref<64x128xf32, #tpu.memory_space<vmem>>, vector<16xf32>,
          tpu.vector_store %arg15[%swap3A_594, %swap3A_595], %add3A_591 {strides = array<i32>} : memref<64x128xf32, #tpu.memory_space<vmem>>, vector<16xf32>,
          %mul3A_597 = arith.constant 128 : i32
          %mul3A_598 = arith.muli %scan3A_216, %mul3A_597 : i32
          %add3A_599 = arith.constant 96 : i32
          %add3A_600 = arith.addi %mul3A_598, %add3A_599 : i32
          %add3A_601 = vector.broadcast %add3A_600 : i32 to vector<16xi32>
          %add3A_602 = arith.addi %add3A_601, %iota3A : vector<16xi32>
          %add3A_603 = arith.constant 0 : i32
          %add3A_604 = arith.addi %mul3A_218, %add3A_603 : i32
          %get3A_605 = arith.index_cast %add3A_604 : i32 to index
          %get3A_606 = arith.constant 96 : index
          %get3A_607 = tpu.vector_load %arg13[%get3A_605, %get3A_606] {strides = array<i32>} : memref<48x128xf32, #tpu.memory_space<vmem>>, vector<16xf32>,
          %add3A_608 = arith.constant 1 : i32
          %add3A_609 = arith.addi %mul3A_218, %add3A_608 : i32
          %get3A_610 = arith.index_cast %add3A_609 : i32 to index
          %get3A_611 = arith.constant 96 : index
          %get3A_612 = tpu.vector_load %arg13[%get3A_610, %get3A_611] {strides = array<i32>} : memref<48x128xf32, #tpu.memory_space<vmem>>, vector<16xf32>,
          %add3A_613 = arith.constant 2 : i32
          %add3A_614 = arith.addi %mul3A_218, %add3A_613 : i32
          %get3A_615 = arith.index_cast %add3A_614 : i32 to index
          %get3A_616 = arith.constant 96 : index
          %get3A_617 = tpu.vector_load %arg13[%get3A_615, %get3A_616] {strides = array<i32>} : memref<48x128xf32, #tpu.memory_space<vmem>>, vector<16xf32>,
          %gather3A_618 = tpu.vector_load_idx %arg9[%add3A_602, %broadcast_in_dim3A_36] : memref<2048x8xf32, #tpu.memory_space<vmem>>[vector<16xi32>, vector<16xi32>], vector<16xf32>,
          %gather3A_619 = tpu.vector_load_idx %arg10[%add3A_602, %broadcast_in_dim3A_36] : memref<2048x8xf32, #tpu.memory_space<vmem>>[vector<16xi32>, vector<16xi32>], vector<16xf32>,
          %mul3A_620 = arith.mulf %get3A_607, %gather3A : vector<16xf32>
          %mul3A_621 = arith.mulf %get3A_612, %gather3A_15 : vector<16xf32>
          %add3A_622 = arith.addf %mul3A_620, %mul3A_621 : vector<16xf32>
          %mul3A_623 = arith.mulf %get3A_617, %gather3A_27 : vector<16xf32>
          %add3A_624 = arith.addf %add3A_622, %mul3A_623 : vector<16xf32>
          %sub3A_625 = arith.subf %gather3A_619, %gather3A_618 : vector<16xf32>
          %add3A_626 = arith.addf %sub3A_625, %add3A_624 : vector<16xf32>
          %add3A_627 = arith.constant 0 : i32
          %add3A_628 = arith.addi %mul3A_220, %add3A_627 : i32
          %swap3A_629 = arith.index_cast %add3A_628 : i32 to index
          %swap3A_630 = arith.constant 96 : index
          %swap3A_631 = tpu.vector_load %arg15[%swap3A_629, %swap3A_630] {strides = array<i32>} : memref<64x128xf32, #tpu.memory_space<vmem>>, vector<16xf32>,
          tpu.vector_store %arg15[%swap3A_629, %swap3A_630], %add3A_626 {strides = array<i32>} : memref<64x128xf32, #tpu.memory_space<vmem>>, vector<16xf32>,
          %gather3A_632 = tpu.vector_load_idx %arg9[%add3A_602, %broadcast_in_dim3A_38] : memref<2048x8xf32, #tpu.memory_space<vmem>>[vector<16xi32>, vector<16xi32>], vector<16xf32>,
          %gather3A_633 = tpu.vector_load_idx %arg10[%add3A_602, %broadcast_in_dim3A_38] : memref<2048x8xf32, #tpu.memory_space<vmem>>[vector<16xi32>, vector<16xi32>], vector<16xf32>,
          %mul3A_634 = arith.mulf %get3A_607, %gather3A_7 : vector<16xf32>
          %mul3A_635 = arith.mulf %get3A_612, %gather3A_19 : vector<16xf32>
          %add3A_636 = arith.addf %mul3A_634, %mul3A_635 : vector<16xf32>
          %mul3A_637 = arith.mulf %get3A_617, %gather3A_31 : vector<16xf32>
          %add3A_638 = arith.addf %add3A_636, %mul3A_637 : vector<16xf32>
          %sub3A_639 = arith.subf %gather3A_633, %gather3A_632 : vector<16xf32>
          %add3A_640 = arith.addf %sub3A_639, %add3A_638 : vector<16xf32>
          %add3A_641 = arith.constant 1 : i32
          %add3A_642 = arith.addi %mul3A_220, %add3A_641 : i32
          %swap3A_643 = arith.index_cast %add3A_642 : i32 to index
          %swap3A_644 = arith.constant 96 : index
          %swap3A_645 = tpu.vector_load %arg15[%swap3A_643, %swap3A_644] {strides = array<i32>} : memref<64x128xf32, #tpu.memory_space<vmem>>, vector<16xf32>,
          tpu.vector_store %arg15[%swap3A_643, %swap3A_644], %add3A_640 {strides = array<i32>} : memref<64x128xf32, #tpu.memory_space<vmem>>, vector<16xf32>,
          %gather3A_646 = tpu.vector_load_idx %arg9[%add3A_602, %broadcast_in_dim3A_40] : memref<2048x8xf32, #tpu.memory_space<vmem>>[vector<16xi32>, vector<16xi32>], vector<16xf32>,
          %gather3A_647 = tpu.vector_load_idx %arg10[%add3A_602, %broadcast_in_dim3A_40] : memref<2048x8xf32, #tpu.memory_space<vmem>>[vector<16xi32>, vector<16xi32>], vector<16xf32>,
          %mul3A_648 = arith.mulf %get3A_607, %gather3A_11 : vector<16xf32>
          %mul3A_649 = arith.mulf %get3A_612, %gather3A_23 : vector<16xf32>
          %add3A_650 = arith.addf %mul3A_648, %mul3A_649 : vector<16xf32>
          %mul3A_651 = arith.mulf %get3A_617, %gather3A_35 : vector<16xf32>
          %add3A_652 = arith.addf %add3A_650, %mul3A_651 : vector<16xf32>
          %sub3A_653 = arith.subf %gather3A_647, %gather3A_646 : vector<16xf32>
          %add3A_654 = arith.addf %sub3A_653, %add3A_652 : vector<16xf32>
          %add3A_655 = arith.constant 2 : i32
          %add3A_656 = arith.addi %mul3A_220, %add3A_655 : i32
          %swap3A_657 = arith.index_cast %add3A_656 : i32 to index
          %swap3A_658 = arith.constant 96 : index
          %swap3A_659 = tpu.vector_load %arg15[%swap3A_657, %swap3A_658] {strides = array<i32>} : memref<64x128xf32, #tpu.memory_space<vmem>>, vector<16xf32>,
          tpu.vector_store %arg15[%swap3A_657, %swap3A_658], %add3A_654 {strides = array<i32>} : memref<64x128xf32, #tpu.memory_space<vmem>>, vector<16xf32>,
          %mul3A_660 = arith.constant 128 : i32
          %mul3A_661 = arith.muli %scan3A_216, %mul3A_660 : i32
          %add3A_662 = arith.constant 112 : i32
          %add3A_663 = arith.addi %mul3A_661, %add3A_662 : i32
          %add3A_664 = vector.broadcast %add3A_663 : i32 to vector<16xi32>
          %add3A_665 = arith.addi %add3A_664, %iota3A : vector<16xi32>
          %add3A_666 = arith.constant 0 : i32
          %add3A_667 = arith.addi %mul3A_218, %add3A_666 : i32
          %get3A_668 = arith.index_cast %add3A_667 : i32 to index
          %get3A_669 = arith.constant 112 : index
          %get3A_670 = tpu.vector_load %arg13[%get3A_668, %get3A_669] {strides = array<i32>} : memref<48x128xf32, #tpu.memory_space<vmem>>, vector<16xf32>,
          %add3A_671 = arith.constant 1 : i32
          %add3A_672 = arith.addi %mul3A_218, %add3A_671 : i32
          %get3A_673 = arith.index_cast %add3A_672 : i32 to index
          %get3A_674 = arith.constant 112 : index
          %get3A_675 = tpu.vector_load %arg13[%get3A_673, %get3A_674] {strides = array<i32>} : memref<48x128xf32, #tpu.memory_space<vmem>>, vector<16xf32>,
          %add3A_676 = arith.constant 2 : i32
          %add3A_677 = arith.addi %mul3A_218, %add3A_676 : i32
          %get3A_678 = arith.index_cast %add3A_677 : i32 to index
          %get3A_679 = arith.constant 112 : index
          %get3A_680 = tpu.vector_load %arg13[%get3A_678, %get3A_679] {strides = array<i32>} : memref<48x128xf32, #tpu.memory_space<vmem>>, vector<16xf32>,
          %gather3A_681 = tpu.vector_load_idx %arg9[%add3A_665, %broadcast_in_dim3A_36] : memref<2048x8xf32, #tpu.memory_space<vmem>>[vector<16xi32>, vector<16xi32>], vector<16xf32>,
          %gather3A_682 = tpu.vector_load_idx %arg10[%add3A_665, %broadcast_in_dim3A_36] : memref<2048x8xf32, #tpu.memory_space<vmem>>[vector<16xi32>, vector<16xi32>], vector<16xf32>,
          %mul3A_683 = arith.mulf %get3A_670, %gather3A : vector<16xf32>
          %mul3A_684 = arith.mulf %get3A_675, %gather3A_15 : vector<16xf32>
          %add3A_685 = arith.addf %mul3A_683, %mul3A_684 : vector<16xf32>
          %mul3A_686 = arith.mulf %get3A_680, %gather3A_27 : vector<16xf32>
          %add3A_687 = arith.addf %add3A_685, %mul3A_686 : vector<16xf32>
          %sub3A_688 = arith.subf %gather3A_682, %gather3A_681 : vector<16xf32>
          %add3A_689 = arith.addf %sub3A_688, %add3A_687 : vector<16xf32>
          %add3A_690 = arith.constant 0 : i32
          %add3A_691 = arith.addi %mul3A_220, %add3A_690 : i32
          %swap3A_692 = arith.index_cast %add3A_691 : i32 to index
          %swap3A_693 = arith.constant 112 : index
          %swap3A_694 = tpu.vector_load %arg15[%swap3A_692, %swap3A_693] {strides = array<i32>} : memref<64x128xf32, #tpu.memory_space<vmem>>, vector<16xf32>,
          tpu.vector_store %arg15[%swap3A_692, %swap3A_693], %add3A_689 {strides = array<i32>} : memref<64x128xf32, #tpu.memory_space<vmem>>, vector<16xf32>,
          %gather3A_695 = tpu.vector_load_idx %arg9[%add3A_665, %broadcast_in_dim3A_38] : memref<2048x8xf32, #tpu.memory_space<vmem>>[vector<16xi32>, vector<16xi32>], vector<16xf32>,
          %gather3A_696 = tpu.vector_load_idx %arg10[%add3A_665, %broadcast_in_dim3A_38] : memref<2048x8xf32, #tpu.memory_space<vmem>>[vector<16xi32>, vector<16xi32>], vector<16xf32>,
          %mul3A_697 = arith.mulf %get3A_670, %gather3A_7 : vector<16xf32>
          %mul3A_698 = arith.mulf %get3A_675, %gather3A_19 : vector<16xf32>
          %add3A_699 = arith.addf %mul3A_697, %mul3A_698 : vector<16xf32>
          %mul3A_700 = arith.mulf %get3A_680, %gather3A_31 : vector<16xf32>
          %add3A_701 = arith.addf %add3A_699, %mul3A_700 : vector<16xf32>
          %sub3A_702 = arith.subf %gather3A_696, %gather3A_695 : vector<16xf32>
          %add3A_703 = arith.addf %sub3A_702, %add3A_701 : vector<16xf32>
          %add3A_704 = arith.constant 1 : i32
          %add3A_705 = arith.addi %mul3A_220, %add3A_704 : i32
          %swap3A_706 = arith.index_cast %add3A_705 : i32 to index
          %swap3A_707 = arith.constant 112 : index
          %swap3A_708 = tpu.vector_load %arg15[%swap3A_706, %swap3A_707] {strides = array<i32>} : memref<64x128xf32, #tpu.memory_space<vmem>>, vector<16xf32>,
          tpu.vector_store %arg15[%swap3A_706, %swap3A_707], %add3A_703 {strides = array<i32>} : memref<64x128xf32, #tpu.memory_space<vmem>>, vector<16xf32>,
          %gather3A_709 = tpu.vector_load_idx %arg9[%add3A_665, %broadcast_in_dim3A_40] : memref<2048x8xf32, #tpu.memory_space<vmem>>[vector<16xi32>, vector<16xi32>], vector<16xf32>,
          %gather3A_710 = tpu.vector_load_idx %arg10[%add3A_665, %broadcast_in_dim3A_40] : memref<2048x8xf32, #tpu.memory_space<vmem>>[vector<16xi32>, vector<16xi32>], vector<16xf32>,
          %mul3A_711 = arith.mulf %get3A_670, %gather3A_11 : vector<16xf32>
          %mul3A_712 = arith.mulf %get3A_675, %gather3A_23 : vector<16xf32>
          %add3A_713 = arith.addf %mul3A_711, %mul3A_712 : vector<16xf32>
          %mul3A_714 = arith.mulf %get3A_680, %gather3A_35 : vector<16xf32>
          %add3A_715 = arith.addf %add3A_713, %mul3A_714 : vector<16xf32>
          %sub3A_716 = arith.subf %gather3A_710, %gather3A_709 : vector<16xf32>
          %add3A_717 = arith.addf %sub3A_716, %add3A_715 : vector<16xf32>
          %add3A_718 = arith.constant 2 : i32
          %add3A_719 = arith.addi %mul3A_220, %add3A_718 : i32
          %swap3A_720 = arith.index_cast %add3A_719 : i32 to index
          %swap3A_721 = arith.constant 112 : index
          %swap3A_722 = tpu.vector_load %arg15[%swap3A_720, %swap3A_721] {strides = array<i32>} : memref<64x128xf32, #tpu.memory_space<vmem>>, vector<16xf32>,
          tpu.vector_store %arg15[%swap3A_720, %swap3A_721], %add3A_717 {strides = array<i32>} : memref<64x128xf32, #tpu.memory_space<vmem>>, vector<16xf32>,
        }
        %scan3A_215 = arith.constant 16 : i32
      } else {
      }
      %lt3A_139 = arith.constant 3125 : i32
      %lt3A_140 = arith.cmpi slt, %add3A_95, %lt3A_139 : i32
      %convert_element_type3A_141 = arith.extui %lt3A_140 : i1 to i32
      %cond3A_142 = arith.constant 0 : i32
      %cond3A_143 = arith.cmpi ne, %convert_element_type3A_141, %cond3A_142 : i32
      scf.if %cond3A_143 {
        %mul3A_210 = arith.constant 4 : i32
        %mul3A_211 = arith.muli %add3A_95, %mul3A_210 : i32
        %mul3A_212 = arith.constant 16 : i32
        %mul3A_213 = arith.muli %mul3A_211, %mul3A_212 : i32
        %dma_start3A = arith.constant 0 : i32
        %dma_start3A_214 = tpu.memref_slice %arg6[%mul3A_213, %dma_start3A] : memref<200000x128xf32, #tpu.memory_space<hbm>> -> memref<64x128xf32, #tpu.memory_space<hbm>>
        %dma_start3A_215 = arith.constant 0 : i32
        %dma_start3A_216 = tpu.memref_slice %arg6[%mul3A_213, %dma_start3A_215] : memref<200000x128xf32, #tpu.memory_space<hbm>> -> memref<64x128xf32, #tpu.memory_space<hbm>>
        tpu.enqueue_dma source(%arg15 : memref<64x128xf32, #tpu.memory_space<vmem>>) target(%dma_start3A_216 : memref<64x128xf32, #tpu.memory_space<hbm>>) target_semaphore(%arg24 : memref<!tpu.dma_semaphore, #tpu.memory_space<semaphore_mem>>)
      } else {
      }
      %lt3A_144 = arith.constant 3125 : i32
      %lt3A_145 = arith.cmpi slt, %add3A_97, %lt3A_144 : i32
      %convert_element_type3A_146 = arith.extui %lt3A_145 : i1 to i32
      %cond3A_147 = arith.constant 0 : i32
      %cond3A_148 = arith.cmpi ne, %convert_element_type3A_146, %cond3A_147 : i32
      scf.if %cond3A_148 {
        %mul3A_210 = arith.constant 3 : i32
        %mul3A_211 = arith.muli %add3A_97, %mul3A_210 : i32
        %mul3A_212 = arith.constant 16 : i32
        %mul3A_213 = arith.muli %mul3A_211, %mul3A_212 : i32
        %dma_start3A = arith.constant 0 : i32
        %dma_start3A_214 = tpu.memref_slice %arg4[%mul3A_213, %dma_start3A] : memref<150000x128xf32, #tpu.memory_space<hbm>> -> memref<48x128xf32, #tpu.memory_space<hbm>>
        %dma_start3A_215 = arith.constant 0 : i32
        %dma_start3A_216 = tpu.memref_slice %arg4[%mul3A_213, %dma_start3A_215] : memref<150000x128xf32, #tpu.memory_space<hbm>> -> memref<48x128xf32, #tpu.memory_space<hbm>>
        tpu.enqueue_dma source(%dma_start3A_216 : memref<48x128xf32, #tpu.memory_space<hbm>>) target(%arg14 : memref<48x128xf32, #tpu.memory_space<vmem>>) target_semaphore(%arg23 : memref<!tpu.dma_semaphore, #tpu.memory_space<semaphore_mem>>)
      } else {
      }
      %mul3A_149 = arith.constant 2 : i32
      %mul3A_150 = arith.muli %mul3A_149, %scan3A_88 : i32
      %add3A_151 = arith.constant 1 : i32
      %add3A_152 = arith.addi %mul3A_150, %add3A_151 : i32
      %mul3A_153 = arith.constant 32 : i32
      %mul3A_154 = arith.muli %add3A_152, %mul3A_153 : i32
      %add3A_155 = arith.addi %mul3A_154, %add3A : i32
      %add3A_156 = arith.constant 32 : i32
      %add3A_157 = arith.addi %add3A_155, %add3A_156 : i32
      %add3A_158 = arith.constant 32 : i32
      %add3A_159 = arith.addi %add3A_157, %add3A_158 : i32
      %sub3A_160 = arith.constant 64 : i32
      %sub3A_161 = arith.subi %add3A_155, %sub3A_160 : i32
      %lt3A_162 = arith.constant 3125 : i32
      %lt3A_163 = arith.cmpi slt, %add3A_155, %lt3A_162 : i32
      %convert_element_type3A_164 = arith.extui %lt3A_163 : i1 to i32
      %cond3A_165 = arith.constant 0 : i32
      %cond3A_166 = arith.cmpi ne, %convert_element_type3A_164, %cond3A_165 : i32
      scf.if %cond3A_166 {
        %dma_wait3A = arith.constant 0 : i32
        %dma_wait3A_210 = arith.constant 0 : i32
        %dma_wait3A_211 = arith.constant 0 : i32
        %dma_wait3A_212 = tpu.memref_slice %arg11[%dma_wait3A_210, %dma_wait3A_211] : memref<2048x8xf32, #tpu.memory_space<vmem>> -> memref<128x8xf32, #tpu.memory_space<vmem>>
        %dma_wait3A_213 = arith.constant 0 : i32
        %dma_wait3A_214 = tpu.memref_slice %arg8[%dma_wait3A, %dma_wait3A_213] : memref<32x128xi32, #tpu.memory_space<vmem>> -> memref<1x128xi32, #tpu.memory_space<vmem>>
        %dma_wait3A_215 = tpu.memref_squeeze %dma_wait3A_214 : memref<1x128xi32, #tpu.memory_space<vmem>> -> memref<128xi32, #tpu.memory_space<vmem>>
        %dma_wait3A_216 = arith.constant 0 : i32
        %dma_wait3A_217 = arith.constant 0 : i32
        %dma_wait3A_218 = tpu.memref_slice %arg2[%dma_wait3A_216, %dma_wait3A_217] : memref<100000x8xf32, #tpu.memory_space<hbm>> -> memref<100000x8xf32, #tpu.memory_space<hbm>>
        tpu.wait_indirect_dma semaphore(%arg21 : memref<!tpu.dma_semaphore, #tpu.memory_space<semaphore_mem>>) src(%dma_wait3A_218 : memref<100000x8xf32, #tpu.memory_space<hbm>>) dst(%dma_wait3A_212 : memref<128x8xf32, #tpu.memory_space<vmem>>)
        %dma_wait3A_219 = arith.constant 1 : i32
        %dma_wait3A_220 = arith.constant 0 : i32
        %dma_wait3A_221 = arith.constant 0 : i32
        %dma_wait3A_222 = tpu.memref_slice %arg12[%dma_wait3A_220, %dma_wait3A_221] : memref<2048x8xf32, #tpu.memory_space<vmem>> -> memref<128x8xf32, #tpu.memory_space<vmem>>
        %dma_wait3A_223 = arith.constant 0 : i32
        %dma_wait3A_224 = tpu.memref_slice %arg8[%dma_wait3A_219, %dma_wait3A_223] : memref<32x128xi32, #tpu.memory_space<vmem>> -> memref<1x128xi32, #tpu.memory_space<vmem>>
        %dma_wait3A_225 = tpu.memref_squeeze %dma_wait3A_224 : memref<1x128xi32, #tpu.memory_space<vmem>> -> memref<128xi32, #tpu.memory_space<vmem>>
        %dma_wait3A_226 = arith.constant 0 : i32
        %dma_wait3A_227 = arith.constant 0 : i32
        %dma_wait3A_228 = tpu.memref_slice %arg2[%dma_wait3A_226, %dma_wait3A_227] : memref<100000x8xf32, #tpu.memory_space<hbm>> -> memref<100000x8xf32, #tpu.memory_space<hbm>>
        tpu.wait_indirect_dma semaphore(%arg21 : memref<!tpu.dma_semaphore, #tpu.memory_space<semaphore_mem>>) src(%dma_wait3A_228 : memref<100000x8xf32, #tpu.memory_space<hbm>>) dst(%dma_wait3A_222 : memref<128x8xf32, #tpu.memory_space<vmem>>)
        %dma_wait3A_229 = arith.constant 2 : i32
        %dma_wait3A_230 = arith.constant 128 : i32
        %dma_wait3A_231 = arith.constant 0 : i32
        %dma_wait3A_232 = tpu.memref_slice %arg11[%dma_wait3A_230, %dma_wait3A_231] : memref<2048x8xf32, #tpu.memory_space<vmem>> -> memref<128x8xf32, #tpu.memory_space<vmem>>
        %dma_wait3A_233 = arith.constant 0 : i32
        %dma_wait3A_234 = tpu.memref_slice %arg8[%dma_wait3A_229, %dma_wait3A_233] : memref<32x128xi32, #tpu.memory_space<vmem>> -> memref<1x128xi32, #tpu.memory_space<vmem>>
        %dma_wait3A_235 = tpu.memref_squeeze %dma_wait3A_234 : memref<1x128xi32, #tpu.memory_space<vmem>> -> memref<128xi32, #tpu.memory_space<vmem>>
        %dma_wait3A_236 = arith.constant 0 : i32
        %dma_wait3A_237 = arith.constant 0 : i32
        %dma_wait3A_238 = tpu.memref_slice %arg2[%dma_wait3A_236, %dma_wait3A_237] : memref<100000x8xf32, #tpu.memory_space<hbm>> -> memref<100000x8xf32, #tpu.memory_space<hbm>>
        tpu.wait_indirect_dma semaphore(%arg21 : memref<!tpu.dma_semaphore, #tpu.memory_space<semaphore_mem>>) src(%dma_wait3A_238 : memref<100000x8xf32, #tpu.memory_space<hbm>>) dst(%dma_wait3A_232 : memref<128x8xf32, #tpu.memory_space<vmem>>)
        %dma_wait3A_239 = arith.constant 3 : i32
        %dma_wait3A_240 = arith.constant 128 : i32
        %dma_wait3A_241 = arith.constant 0 : i32
        %dma_wait3A_242 = tpu.memref_slice %arg12[%dma_wait3A_240, %dma_wait3A_241] : memref<2048x8xf32, #tpu.memory_space<vmem>> -> memref<128x8xf32, #tpu.memory_space<vmem>>
        %dma_wait3A_243 = arith.constant 0 : i32
        %dma_wait3A_244 = tpu.memref_slice %arg8[%dma_wait3A_239, %dma_wait3A_243] : memref<32x128xi32, #tpu.memory_space<vmem>> -> memref<1x128xi32, #tpu.memory_space<vmem>>
        %dma_wait3A_245 = tpu.memref_squeeze %dma_wait3A_244 : memref<1x128xi32, #tpu.memory_space<vmem>> -> memref<128xi32, #tpu.memory_space<vmem>>
        %dma_wait3A_246 = arith.constant 0 : i32
        %dma_wait3A_247 = arith.constant 0 : i32
        %dma_wait3A_248 = tpu.memref_slice %arg2[%dma_wait3A_246, %dma_wait3A_247] : memref<100000x8xf32, #tpu.memory_space<hbm>> -> memref<100000x8xf32, #tpu.memory_space<hbm>>
        tpu.wait_indirect_dma semaphore(%arg21 : memref<!tpu.dma_semaphore, #tpu.memory_space<semaphore_mem>>) src(%dma_wait3A_248 : memref<100000x8xf32, #tpu.memory_space<hbm>>) dst(%dma_wait3A_242 : memref<128x8xf32, #tpu.memory_space<vmem>>)
        %dma_wait3A_249 = arith.constant 4 : i32
        %dma_wait3A_250 = arith.constant 256 : i32
        %dma_wait3A_251 = arith.constant 0 : i32
        %dma_wait3A_252 = tpu.memref_slice %arg11[%dma_wait3A_250, %dma_wait3A_251] : memref<2048x8xf32, #tpu.memory_space<vmem>> -> memref<128x8xf32, #tpu.memory_space<vmem>>
        %dma_wait3A_253 = arith.constant 0 : i32
        %dma_wait3A_254 = tpu.memref_slice %arg8[%dma_wait3A_249, %dma_wait3A_253] : memref<32x128xi32, #tpu.memory_space<vmem>> -> memref<1x128xi32, #tpu.memory_space<vmem>>
        %dma_wait3A_255 = tpu.memref_squeeze %dma_wait3A_254 : memref<1x128xi32, #tpu.memory_space<vmem>> -> memref<128xi32, #tpu.memory_space<vmem>>
        %dma_wait3A_256 = arith.constant 0 : i32
        %dma_wait3A_257 = arith.constant 0 : i32
        %dma_wait3A_258 = tpu.memref_slice %arg2[%dma_wait3A_256, %dma_wait3A_257] : memref<100000x8xf32, #tpu.memory_space<hbm>> -> memref<100000x8xf32, #tpu.memory_space<hbm>>
        tpu.wait_indirect_dma semaphore(%arg21 : memref<!tpu.dma_semaphore, #tpu.memory_space<semaphore_mem>>) src(%dma_wait3A_258 : memref<100000x8xf32, #tpu.memory_space<hbm>>) dst(%dma_wait3A_252 : memref<128x8xf32, #tpu.memory_space<vmem>>)
        %dma_wait3A_259 = arith.constant 5 : i32
        %dma_wait3A_260 = arith.constant 256 : i32
        %dma_wait3A_261 = arith.constant 0 : i32
        %dma_wait3A_262 = tpu.memref_slice %arg12[%dma_wait3A_260, %dma_wait3A_261] : memref<2048x8xf32, #tpu.memory_space<vmem>> -> memref<128x8xf32, #tpu.memory_space<vmem>>
        %dma_wait3A_263 = arith.constant 0 : i32
        %dma_wait3A_264 = tpu.memref_slice %arg8[%dma_wait3A_259, %dma_wait3A_263] : memref<32x128xi32, #tpu.memory_space<vmem>> -> memref<1x128xi32, #tpu.memory_space<vmem>>
        %dma_wait3A_265 = tpu.memref_squeeze %dma_wait3A_264 : memref<1x128xi32, #tpu.memory_space<vmem>> -> memref<128xi32, #tpu.memory_space<vmem>>
        %dma_wait3A_266 = arith.constant 0 : i32
        %dma_wait3A_267 = arith.constant 0 : i32
        %dma_wait3A_268 = tpu.memref_slice %arg2[%dma_wait3A_266, %dma_wait3A_267] : memref<100000x8xf32, #tpu.memory_space<hbm>> -> memref<100000x8xf32, #tpu.memory_space<hbm>>
        tpu.wait_indirect_dma semaphore(%arg21 : memref<!tpu.dma_semaphore, #tpu.memory_space<semaphore_mem>>) src(%dma_wait3A_268 : memref<100000x8xf32, #tpu.memory_space<hbm>>) dst(%dma_wait3A_262 : memref<128x8xf32, #tpu.memory_space<vmem>>)
        %dma_wait3A_269 = arith.constant 6 : i32
        %dma_wait3A_270 = arith.constant 384 : i32
        %dma_wait3A_271 = arith.constant 0 : i32
        %dma_wait3A_272 = tpu.memref_slice %arg11[%dma_wait3A_270, %dma_wait3A_271] : memref<2048x8xf32, #tpu.memory_space<vmem>> -> memref<128x8xf32, #tpu.memory_space<vmem>>
        %dma_wait3A_273 = arith.constant 0 : i32
        %dma_wait3A_274 = tpu.memref_slice %arg8[%dma_wait3A_269, %dma_wait3A_273] : memref<32x128xi32, #tpu.memory_space<vmem>> -> memref<1x128xi32, #tpu.memory_space<vmem>>
        %dma_wait3A_275 = tpu.memref_squeeze %dma_wait3A_274 : memref<1x128xi32, #tpu.memory_space<vmem>> -> memref<128xi32, #tpu.memory_space<vmem>>
        %dma_wait3A_276 = arith.constant 0 : i32
        %dma_wait3A_277 = arith.constant 0 : i32
        %dma_wait3A_278 = tpu.memref_slice %arg2[%dma_wait3A_276, %dma_wait3A_277] : memref<100000x8xf32, #tpu.memory_space<hbm>> -> memref<100000x8xf32, #tpu.memory_space<hbm>>
        tpu.wait_indirect_dma semaphore(%arg21 : memref<!tpu.dma_semaphore, #tpu.memory_space<semaphore_mem>>) src(%dma_wait3A_278 : memref<100000x8xf32, #tpu.memory_space<hbm>>) dst(%dma_wait3A_272 : memref<128x8xf32, #tpu.memory_space<vmem>>)
        %dma_wait3A_279 = arith.constant 7 : i32
        %dma_wait3A_280 = arith.constant 384 : i32
        %dma_wait3A_281 = arith.constant 0 : i32
        %dma_wait3A_282 = tpu.memref_slice %arg12[%dma_wait3A_280, %dma_wait3A_281] : memref<2048x8xf32, #tpu.memory_space<vmem>> -> memref<128x8xf32, #tpu.memory_space<vmem>>
        %dma_wait3A_283 = arith.constant 0 : i32
        %dma_wait3A_284 = tpu.memref_slice %arg8[%dma_wait3A_279, %dma_wait3A_283] : memref<32x128xi32, #tpu.memory_space<vmem>> -> memref<1x128xi32, #tpu.memory_space<vmem>>
        %dma_wait3A_285 = tpu.memref_squeeze %dma_wait3A_284 : memref<1x128xi32, #tpu.memory_space<vmem>> -> memref<128xi32, #tpu.memory_space<vmem>>
        %dma_wait3A_286 = arith.constant 0 : i32
        %dma_wait3A_287 = arith.constant 0 : i32
        %dma_wait3A_288 = tpu.memref_slice %arg2[%dma_wait3A_286, %dma_wait3A_287] : memref<100000x8xf32, #tpu.memory_space<hbm>> -> memref<100000x8xf32, #tpu.memory_space<hbm>>
        tpu.wait_indirect_dma semaphore(%arg21 : memref<!tpu.dma_semaphore, #tpu.memory_space<semaphore_mem>>) src(%dma_wait3A_288 : memref<100000x8xf32, #tpu.memory_space<hbm>>) dst(%dma_wait3A_282 : memref<128x8xf32, #tpu.memory_space<vmem>>)
        %dma_wait3A_289 = arith.constant 8 : i32
        %dma_wait3A_290 = arith.constant 512 : i32
        %dma_wait3A_291 = arith.constant 0 : i32
        %dma_wait3A_292 = tpu.memref_slice %arg11[%dma_wait3A_290, %dma_wait3A_291] : memref<2048x8xf32, #tpu.memory_space<vmem>> -> memref<128x8xf32, #tpu.memory_space<vmem>>
        %dma_wait3A_293 = arith.constant 0 : i32
        %dma_wait3A_294 = tpu.memref_slice %arg8[%dma_wait3A_289, %dma_wait3A_293] : memref<32x128xi32, #tpu.memory_space<vmem>> -> memref<1x128xi32, #tpu.memory_space<vmem>>
        %dma_wait3A_295 = tpu.memref_squeeze %dma_wait3A_294 : memref<1x128xi32, #tpu.memory_space<vmem>> -> memref<128xi32, #tpu.memory_space<vmem>>
        %dma_wait3A_296 = arith.constant 0 : i32
        %dma_wait3A_297 = arith.constant 0 : i32
        %dma_wait3A_298 = tpu.memref_slice %arg2[%dma_wait3A_296, %dma_wait3A_297] : memref<100000x8xf32, #tpu.memory_space<hbm>> -> memref<100000x8xf32, #tpu.memory_space<hbm>>
        tpu.wait_indirect_dma semaphore(%arg21 : memref<!tpu.dma_semaphore, #tpu.memory_space<semaphore_mem>>) src(%dma_wait3A_298 : memref<100000x8xf32, #tpu.memory_space<hbm>>) dst(%dma_wait3A_292 : memref<128x8xf32, #tpu.memory_space<vmem>>)
        %dma_wait3A_299 = arith.constant 9 : i32
        %dma_wait3A_300 = arith.constant 512 : i32
        %dma_wait3A_301 = arith.constant 0 : i32
        %dma_wait3A_302 = tpu.memref_slice %arg12[%dma_wait3A_300, %dma_wait3A_301] : memref<2048x8xf32, #tpu.memory_space<vmem>> -> memref<128x8xf32, #tpu.memory_space<vmem>>
        %dma_wait3A_303 = arith.constant 0 : i32
        %dma_wait3A_304 = tpu.memref_slice %arg8[%dma_wait3A_299, %dma_wait3A_303] : memref<32x128xi32, #tpu.memory_space<vmem>> -> memref<1x128xi32, #tpu.memory_space<vmem>>
        %dma_wait3A_305 = tpu.memref_squeeze %dma_wait3A_304 : memref<1x128xi32, #tpu.memory_space<vmem>> -> memref<128xi32, #tpu.memory_space<vmem>>
        %dma_wait3A_306 = arith.constant 0 : i32
        %dma_wait3A_307 = arith.constant 0 : i32
        %dma_wait3A_308 = tpu.memref_slice %arg2[%dma_wait3A_306, %dma_wait3A_307] : memref<100000x8xf32, #tpu.memory_space<hbm>> -> memref<100000x8xf32, #tpu.memory_space<hbm>>
        tpu.wait_indirect_dma semaphore(%arg21 : memref<!tpu.dma_semaphore, #tpu.memory_space<semaphore_mem>>) src(%dma_wait3A_308 : memref<100000x8xf32, #tpu.memory_space<hbm>>) dst(%dma_wait3A_302 : memref<128x8xf32, #tpu.memory_space<vmem>>)
        %dma_wait3A_309 = arith.constant 10 : i32
        %dma_wait3A_310 = arith.constant 640 : i32
        %dma_wait3A_311 = arith.constant 0 : i32
        %dma_wait3A_312 = tpu.memref_slice %arg11[%dma_wait3A_310, %dma_wait3A_311] : memref<2048x8xf32, #tpu.memory_space<vmem>> -> memref<128x8xf32, #tpu.memory_space<vmem>>
        %dma_wait3A_313 = arith.constant 0 : i32
        %dma_wait3A_314 = tpu.memref_slice %arg8[%dma_wait3A_309, %dma_wait3A_313] : memref<32x128xi32, #tpu.memory_space<vmem>> -> memref<1x128xi32, #tpu.memory_space<vmem>>
        %dma_wait3A_315 = tpu.memref_squeeze %dma_wait3A_314 : memref<1x128xi32, #tpu.memory_space<vmem>> -> memref<128xi32, #tpu.memory_space<vmem>>
        %dma_wait3A_316 = arith.constant 0 : i32
        %dma_wait3A_317 = arith.constant 0 : i32
        %dma_wait3A_318 = tpu.memref_slice %arg2[%dma_wait3A_316, %dma_wait3A_317] : memref<100000x8xf32, #tpu.memory_space<hbm>> -> memref<100000x8xf32, #tpu.memory_space<hbm>>
        tpu.wait_indirect_dma semaphore(%arg21 : memref<!tpu.dma_semaphore, #tpu.memory_space<semaphore_mem>>) src(%dma_wait3A_318 : memref<100000x8xf32, #tpu.memory_space<hbm>>) dst(%dma_wait3A_312 : memref<128x8xf32, #tpu.memory_space<vmem>>)
        %dma_wait3A_319 = arith.constant 11 : i32
        %dma_wait3A_320 = arith.constant 640 : i32
        %dma_wait3A_321 = arith.constant 0 : i32
        %dma_wait3A_322 = tpu.memref_slice %arg12[%dma_wait3A_320, %dma_wait3A_321] : memref<2048x8xf32, #tpu.memory_space<vmem>> -> memref<128x8xf32, #tpu.memory_space<vmem>>
        %dma_wait3A_323 = arith.constant 0 : i32
        %dma_wait3A_324 = tpu.memref_slice %arg8[%dma_wait3A_319, %dma_wait3A_323] : memref<32x128xi32, #tpu.memory_space<vmem>> -> memref<1x128xi32, #tpu.memory_space<vmem>>
        %dma_wait3A_325 = tpu.memref_squeeze %dma_wait3A_324 : memref<1x128xi32, #tpu.memory_space<vmem>> -> memref<128xi32, #tpu.memory_space<vmem>>
        %dma_wait3A_326 = arith.constant 0 : i32
        %dma_wait3A_327 = arith.constant 0 : i32
        %dma_wait3A_328 = tpu.memref_slice %arg2[%dma_wait3A_326, %dma_wait3A_327] : memref<100000x8xf32, #tpu.memory_space<hbm>> -> memref<100000x8xf32, #tpu.memory_space<hbm>>
        tpu.wait_indirect_dma semaphore(%arg21 : memref<!tpu.dma_semaphore, #tpu.memory_space<semaphore_mem>>) src(%dma_wait3A_328 : memref<100000x8xf32, #tpu.memory_space<hbm>>) dst(%dma_wait3A_322 : memref<128x8xf32, #tpu.memory_space<vmem>>)
        %dma_wait3A_329 = arith.constant 12 : i32
        %dma_wait3A_330 = arith.constant 768 : i32
        %dma_wait3A_331 = arith.constant 0 : i32
        %dma_wait3A_332 = tpu.memref_slice %arg11[%dma_wait3A_330, %dma_wait3A_331] : memref<2048x8xf32, #tpu.memory_space<vmem>> -> memref<128x8xf32, #tpu.memory_space<vmem>>
        %dma_wait3A_333 = arith.constant 0 : i32
        %dma_wait3A_334 = tpu.memref_slice %arg8[%dma_wait3A_329, %dma_wait3A_333] : memref<32x128xi32, #tpu.memory_space<vmem>> -> memref<1x128xi32, #tpu.memory_space<vmem>>
        %dma_wait3A_335 = tpu.memref_squeeze %dma_wait3A_334 : memref<1x128xi32, #tpu.memory_space<vmem>> -> memref<128xi32, #tpu.memory_space<vmem>>
        %dma_wait3A_336 = arith.constant 0 : i32
        %dma_wait3A_337 = arith.constant 0 : i32
        %dma_wait3A_338 = tpu.memref_slice %arg2[%dma_wait3A_336, %dma_wait3A_337] : memref<100000x8xf32, #tpu.memory_space<hbm>> -> memref<100000x8xf32, #tpu.memory_space<hbm>>
        tpu.wait_indirect_dma semaphore(%arg21 : memref<!tpu.dma_semaphore, #tpu.memory_space<semaphore_mem>>) src(%dma_wait3A_338 : memref<100000x8xf32, #tpu.memory_space<hbm>>) dst(%dma_wait3A_332 : memref<128x8xf32, #tpu.memory_space<vmem>>)
        %dma_wait3A_339 = arith.constant 13 : i32
        %dma_wait3A_340 = arith.constant 768 : i32
        %dma_wait3A_341 = arith.constant 0 : i32
        %dma_wait3A_342 = tpu.memref_slice %arg12[%dma_wait3A_340, %dma_wait3A_341] : memref<2048x8xf32, #tpu.memory_space<vmem>> -> memref<128x8xf32, #tpu.memory_space<vmem>>
        %dma_wait3A_343 = arith.constant 0 : i32
        %dma_wait3A_344 = tpu.memref_slice %arg8[%dma_wait3A_339, %dma_wait3A_343] : memref<32x128xi32, #tpu.memory_space<vmem>> -> memref<1x128xi32, #tpu.memory_space<vmem>>
        %dma_wait3A_345 = tpu.memref_squeeze %dma_wait3A_344 : memref<1x128xi32, #tpu.memory_space<vmem>> -> memref<128xi32, #tpu.memory_space<vmem>>
        %dma_wait3A_346 = arith.constant 0 : i32
        %dma_wait3A_347 = arith.constant 0 : i32
        %dma_wait3A_348 = tpu.memref_slice %arg2[%dma_wait3A_346, %dma_wait3A_347] : memref<100000x8xf32, #tpu.memory_space<hbm>> -> memref<100000x8xf32, #tpu.memory_space<hbm>>
        tpu.wait_indirect_dma semaphore(%arg21 : memref<!tpu.dma_semaphore, #tpu.memory_space<semaphore_mem>>) src(%dma_wait3A_348 : memref<100000x8xf32, #tpu.memory_space<hbm>>) dst(%dma_wait3A_342 : memref<128x8xf32, #tpu.memory_space<vmem>>)
        %dma_wait3A_349 = arith.constant 14 : i32
        %dma_wait3A_350 = arith.constant 896 : i32
        %dma_wait3A_351 = arith.constant 0 : i32
        %dma_wait3A_352 = tpu.memref_slice %arg11[%dma_wait3A_350, %dma_wait3A_351] : memref<2048x8xf32, #tpu.memory_space<vmem>> -> memref<128x8xf32, #tpu.memory_space<vmem>>
        %dma_wait3A_353 = arith.constant 0 : i32
        %dma_wait3A_354 = tpu.memref_slice %arg8[%dma_wait3A_349, %dma_wait3A_353] : memref<32x128xi32, #tpu.memory_space<vmem>> -> memref<1x128xi32, #tpu.memory_space<vmem>>
        %dma_wait3A_355 = tpu.memref_squeeze %dma_wait3A_354 : memref<1x128xi32, #tpu.memory_space<vmem>> -> memref<128xi32, #tpu.memory_space<vmem>>
        %dma_wait3A_356 = arith.constant 0 : i32
        %dma_wait3A_357 = arith.constant 0 : i32
        %dma_wait3A_358 = tpu.memref_slice %arg2[%dma_wait3A_356, %dma_wait3A_357] : memref<100000x8xf32, #tpu.memory_space<hbm>> -> memref<100000x8xf32, #tpu.memory_space<hbm>>
        tpu.wait_indirect_dma semaphore(%arg21 : memref<!tpu.dma_semaphore, #tpu.memory_space<semaphore_mem>>) src(%dma_wait3A_358 : memref<100000x8xf32, #tpu.memory_space<hbm>>) dst(%dma_wait3A_352 : memref<128x8xf32, #tpu.memory_space<vmem>>)
        %dma_wait3A_359 = arith.constant 15 : i32
        %dma_wait3A_360 = arith.constant 896 : i32
        %dma_wait3A_361 = arith.constant 0 : i32
        %dma_wait3A_362 = tpu.memref_slice %arg12[%dma_wait3A_360, %dma_wait3A_361] : memref<2048x8xf32, #tpu.memory_space<vmem>> -> memref<128x8xf32, #tpu.memory_space<vmem>>
        %dma_wait3A_363 = arith.constant 0 : i32
        %dma_wait3A_364 = tpu.memref_slice %arg8[%dma_wait3A_359, %dma_wait3A_363] : memref<32x128xi32, #tpu.memory_space<vmem>> -> memref<1x128xi32, #tpu.memory_space<vmem>>
        %dma_wait3A_365 = tpu.memref_squeeze %dma_wait3A_364 : memref<1x128xi32, #tpu.memory_space<vmem>> -> memref<128xi32, #tpu.memory_space<vmem>>
        %dma_wait3A_366 = arith.constant 0 : i32
        %dma_wait3A_367 = arith.constant 0 : i32
        %dma_wait3A_368 = tpu.memref_slice %arg2[%dma_wait3A_366, %dma_wait3A_367] : memref<100000x8xf32, #tpu.memory_space<hbm>> -> memref<100000x8xf32, #tpu.memory_space<hbm>>
        tpu.wait_indirect_dma semaphore(%arg21 : memref<!tpu.dma_semaphore, #tpu.memory_space<semaphore_mem>>) src(%dma_wait3A_368 : memref<100000x8xf32, #tpu.memory_space<hbm>>) dst(%dma_wait3A_362 : memref<128x8xf32, #tpu.memory_space<vmem>>)
        %dma_wait3A_369 = arith.constant 16 : i32
        %dma_wait3A_370 = arith.constant 1024 : i32
        %dma_wait3A_371 = arith.constant 0 : i32
        %dma_wait3A_372 = tpu.memref_slice %arg11[%dma_wait3A_370, %dma_wait3A_371] : memref<2048x8xf32, #tpu.memory_space<vmem>> -> memref<128x8xf32, #tpu.memory_space<vmem>>
        %dma_wait3A_373 = arith.constant 0 : i32
        %dma_wait3A_374 = tpu.memref_slice %arg8[%dma_wait3A_369, %dma_wait3A_373] : memref<32x128xi32, #tpu.memory_space<vmem>> -> memref<1x128xi32, #tpu.memory_space<vmem>>
        %dma_wait3A_375 = tpu.memref_squeeze %dma_wait3A_374 : memref<1x128xi32, #tpu.memory_space<vmem>> -> memref<128xi32, #tpu.memory_space<vmem>>
        %dma_wait3A_376 = arith.constant 0 : i32
        %dma_wait3A_377 = arith.constant 0 : i32
        %dma_wait3A_378 = tpu.memref_slice %arg2[%dma_wait3A_376, %dma_wait3A_377] : memref<100000x8xf32, #tpu.memory_space<hbm>> -> memref<100000x8xf32, #tpu.memory_space<hbm>>
        tpu.wait_indirect_dma semaphore(%arg21 : memref<!tpu.dma_semaphore, #tpu.memory_space<semaphore_mem>>) src(%dma_wait3A_378 : memref<100000x8xf32, #tpu.memory_space<hbm>>) dst(%dma_wait3A_372 : memref<128x8xf32, #tpu.memory_space<vmem>>)
        %dma_wait3A_379 = arith.constant 17 : i32
        %dma_wait3A_380 = arith.constant 1024 : i32
        %dma_wait3A_381 = arith.constant 0 : i32
        %dma_wait3A_382 = tpu.memref_slice %arg12[%dma_wait3A_380, %dma_wait3A_381] : memref<2048x8xf32, #tpu.memory_space<vmem>> -> memref<128x8xf32, #tpu.memory_space<vmem>>
        %dma_wait3A_383 = arith.constant 0 : i32
        %dma_wait3A_384 = tpu.memref_slice %arg8[%dma_wait3A_379, %dma_wait3A_383] : memref<32x128xi32, #tpu.memory_space<vmem>> -> memref<1x128xi32, #tpu.memory_space<vmem>>
        %dma_wait3A_385 = tpu.memref_squeeze %dma_wait3A_384 : memref<1x128xi32, #tpu.memory_space<vmem>> -> memref<128xi32, #tpu.memory_space<vmem>>
        %dma_wait3A_386 = arith.constant 0 : i32
        %dma_wait3A_387 = arith.constant 0 : i32
        %dma_wait3A_388 = tpu.memref_slice %arg2[%dma_wait3A_386, %dma_wait3A_387] : memref<100000x8xf32, #tpu.memory_space<hbm>> -> memref<100000x8xf32, #tpu.memory_space<hbm>>
        tpu.wait_indirect_dma semaphore(%arg21 : memref<!tpu.dma_semaphore, #tpu.memory_space<semaphore_mem>>) src(%dma_wait3A_388 : memref<100000x8xf32, #tpu.memory_space<hbm>>) dst(%dma_wait3A_382 : memref<128x8xf32, #tpu.memory_space<vmem>>)
        %dma_wait3A_389 = arith.constant 18 : i32
        %dma_wait3A_390 = arith.constant 1152 : i32
        %dma_wait3A_391 = arith.constant 0 : i32
        %dma_wait3A_392 = tpu.memref_slice %arg11[%dma_wait3A_390, %dma_wait3A_391] : memref<2048x8xf32, #tpu.memory_space<vmem>> -> memref<128x8xf32, #tpu.memory_space<vmem>>
        %dma_wait3A_393 = arith.constant 0 : i32
        %dma_wait3A_394 = tpu.memref_slice %arg8[%dma_wait3A_389, %dma_wait3A_393] : memref<32x128xi32, #tpu.memory_space<vmem>> -> memref<1x128xi32, #tpu.memory_space<vmem>>
        %dma_wait3A_395 = tpu.memref_squeeze %dma_wait3A_394 : memref<1x128xi32, #tpu.memory_space<vmem>> -> memref<128xi32, #tpu.memory_space<vmem>>
        %dma_wait3A_396 = arith.constant 0 : i32
        %dma_wait3A_397 = arith.constant 0 : i32
        %dma_wait3A_398 = tpu.memref_slice %arg2[%dma_wait3A_396, %dma_wait3A_397] : memref<100000x8xf32, #tpu.memory_space<hbm>> -> memref<100000x8xf32, #tpu.memory_space<hbm>>
        tpu.wait_indirect_dma semaphore(%arg21 : memref<!tpu.dma_semaphore, #tpu.memory_space<semaphore_mem>>) src(%dma_wait3A_398 : memref<100000x8xf32, #tpu.memory_space<hbm>>) dst(%dma_wait3A_392 : memref<128x8xf32, #tpu.memory_space<vmem>>)
        %dma_wait3A_399 = arith.constant 19 : i32
        %dma_wait3A_400 = arith.constant 1152 : i32
        %dma_wait3A_401 = arith.constant 0 : i32
        %dma_wait3A_402 = tpu.memref_slice %arg12[%dma_wait3A_400, %dma_wait3A_401] : memref<2048x8xf32, #tpu.memory_space<vmem>> -> memref<128x8xf32, #tpu.memory_space<vmem>>
        %dma_wait3A_403 = arith.constant 0 : i32
        %dma_wait3A_404 = tpu.memref_slice %arg8[%dma_wait3A_399, %dma_wait3A_403] : memref<32x128xi32, #tpu.memory_space<vmem>> -> memref<1x128xi32, #tpu.memory_space<vmem>>
        %dma_wait3A_405 = tpu.memref_squeeze %dma_wait3A_404 : memref<1x128xi32, #tpu.memory_space<vmem>> -> memref<128xi32, #tpu.memory_space<vmem>>
        %dma_wait3A_406 = arith.constant 0 : i32
        %dma_wait3A_407 = arith.constant 0 : i32
        %dma_wait3A_408 = tpu.memref_slice %arg2[%dma_wait3A_406, %dma_wait3A_407] : memref<100000x8xf32, #tpu.memory_space<hbm>> -> memref<100000x8xf32, #tpu.memory_space<hbm>>
        tpu.wait_indirect_dma semaphore(%arg21 : memref<!tpu.dma_semaphore, #tpu.memory_space<semaphore_mem>>) src(%dma_wait3A_408 : memref<100000x8xf32, #tpu.memory_space<hbm>>) dst(%dma_wait3A_402 : memref<128x8xf32, #tpu.memory_space<vmem>>)
        %dma_wait3A_409 = arith.constant 20 : i32
        %dma_wait3A_410 = arith.constant 1280 : i32
        %dma_wait3A_411 = arith.constant 0 : i32
        %dma_wait3A_412 = tpu.memref_slice %arg11[%dma_wait3A_410, %dma_wait3A_411] : memref<2048x8xf32, #tpu.memory_space<vmem>> -> memref<128x8xf32, #tpu.memory_space<vmem>>
        %dma_wait3A_413 = arith.constant 0 : i32
        %dma_wait3A_414 = tpu.memref_slice %arg8[%dma_wait3A_409, %dma_wait3A_413] : memref<32x128xi32, #tpu.memory_space<vmem>> -> memref<1x128xi32, #tpu.memory_space<vmem>>
        %dma_wait3A_415 = tpu.memref_squeeze %dma_wait3A_414 : memref<1x128xi32, #tpu.memory_space<vmem>> -> memref<128xi32, #tpu.memory_space<vmem>>
        %dma_wait3A_416 = arith.constant 0 : i32
        %dma_wait3A_417 = arith.constant 0 : i32
        %dma_wait3A_418 = tpu.memref_slice %arg2[%dma_wait3A_416, %dma_wait3A_417] : memref<100000x8xf32, #tpu.memory_space<hbm>> -> memref<100000x8xf32, #tpu.memory_space<hbm>>
        tpu.wait_indirect_dma semaphore(%arg21 : memref<!tpu.dma_semaphore, #tpu.memory_space<semaphore_mem>>) src(%dma_wait3A_418 : memref<100000x8xf32, #tpu.memory_space<hbm>>) dst(%dma_wait3A_412 : memref<128x8xf32, #tpu.memory_space<vmem>>)
        %dma_wait3A_419 = arith.constant 21 : i32
        %dma_wait3A_420 = arith.constant 1280 : i32
        %dma_wait3A_421 = arith.constant 0 : i32
        %dma_wait3A_422 = tpu.memref_slice %arg12[%dma_wait3A_420, %dma_wait3A_421] : memref<2048x8xf32, #tpu.memory_space<vmem>> -> memref<128x8xf32, #tpu.memory_space<vmem>>
        %dma_wait3A_423 = arith.constant 0 : i32
        %dma_wait3A_424 = tpu.memref_slice %arg8[%dma_wait3A_419, %dma_wait3A_423] : memref<32x128xi32, #tpu.memory_space<vmem>> -> memref<1x128xi32, #tpu.memory_space<vmem>>
        %dma_wait3A_425 = tpu.memref_squeeze %dma_wait3A_424 : memref<1x128xi32, #tpu.memory_space<vmem>> -> memref<128xi32, #tpu.memory_space<vmem>>
        %dma_wait3A_426 = arith.constant 0 : i32
        %dma_wait3A_427 = arith.constant 0 : i32
        %dma_wait3A_428 = tpu.memref_slice %arg2[%dma_wait3A_426, %dma_wait3A_427] : memref<100000x8xf32, #tpu.memory_space<hbm>> -> memref<100000x8xf32, #tpu.memory_space<hbm>>
        tpu.wait_indirect_dma semaphore(%arg21 : memref<!tpu.dma_semaphore, #tpu.memory_space<semaphore_mem>>) src(%dma_wait3A_428 : memref<100000x8xf32, #tpu.memory_space<hbm>>) dst(%dma_wait3A_422 : memref<128x8xf32, #tpu.memory_space<vmem>>)
        %dma_wait3A_429 = arith.constant 22 : i32
        %dma_wait3A_430 = arith.constant 1408 : i32
        %dma_wait3A_431 = arith.constant 0 : i32
        %dma_wait3A_432 = tpu.memref_slice %arg11[%dma_wait3A_430, %dma_wait3A_431] : memref<2048x8xf32, #tpu.memory_space<vmem>> -> memref<128x8xf32, #tpu.memory_space<vmem>>
        %dma_wait3A_433 = arith.constant 0 : i32
        %dma_wait3A_434 = tpu.memref_slice %arg8[%dma_wait3A_429, %dma_wait3A_433] : memref<32x128xi32, #tpu.memory_space<vmem>> -> memref<1x128xi32, #tpu.memory_space<vmem>>
        %dma_wait3A_435 = tpu.memref_squeeze %dma_wait3A_434 : memref<1x128xi32, #tpu.memory_space<vmem>> -> memref<128xi32, #tpu.memory_space<vmem>>
        %dma_wait3A_436 = arith.constant 0 : i32
        %dma_wait3A_437 = arith.constant 0 : i32
        %dma_wait3A_438 = tpu.memref_slice %arg2[%dma_wait3A_436, %dma_wait3A_437] : memref<100000x8xf32, #tpu.memory_space<hbm>> -> memref<100000x8xf32, #tpu.memory_space<hbm>>
        tpu.wait_indirect_dma semaphore(%arg21 : memref<!tpu.dma_semaphore, #tpu.memory_space<semaphore_mem>>) src(%dma_wait3A_438 : memref<100000x8xf32, #tpu.memory_space<hbm>>) dst(%dma_wait3A_432 : memref<128x8xf32, #tpu.memory_space<vmem>>)
        %dma_wait3A_439 = arith.constant 23 : i32
        %dma_wait3A_440 = arith.constant 1408 : i32
        %dma_wait3A_441 = arith.constant 0 : i32
        %dma_wait3A_442 = tpu.memref_slice %arg12[%dma_wait3A_440, %dma_wait3A_441] : memref<2048x8xf32, #tpu.memory_space<vmem>> -> memref<128x8xf32, #tpu.memory_space<vmem>>
        %dma_wait3A_443 = arith.constant 0 : i32
        %dma_wait3A_444 = tpu.memref_slice %arg8[%dma_wait3A_439, %dma_wait3A_443] : memref<32x128xi32, #tpu.memory_space<vmem>> -> memref<1x128xi32, #tpu.memory_space<vmem>>
        %dma_wait3A_445 = tpu.memref_squeeze %dma_wait3A_444 : memref<1x128xi32, #tpu.memory_space<vmem>> -> memref<128xi32, #tpu.memory_space<vmem>>
        %dma_wait3A_446 = arith.constant 0 : i32
        %dma_wait3A_447 = arith.constant 0 : i32
        %dma_wait3A_448 = tpu.memref_slice %arg2[%dma_wait3A_446, %dma_wait3A_447] : memref<100000x8xf32, #tpu.memory_space<hbm>> -> memref<100000x8xf32, #tpu.memory_space<hbm>>
        tpu.wait_indirect_dma semaphore(%arg21 : memref<!tpu.dma_semaphore, #tpu.memory_space<semaphore_mem>>) src(%dma_wait3A_448 : memref<100000x8xf32, #tpu.memory_space<hbm>>) dst(%dma_wait3A_442 : memref<128x8xf32, #tpu.memory_space<vmem>>)
        %dma_wait3A_449 = arith.constant 24 : i32
        %dma_wait3A_450 = arith.constant 1536 : i32
        %dma_wait3A_451 = arith.constant 0 : i32
        %dma_wait3A_452 = tpu.memref_slice %arg11[%dma_wait3A_450, %dma_wait3A_451] : memref<2048x8xf32, #tpu.memory_space<vmem>> -> memref<128x8xf32, #tpu.memory_space<vmem>>
        %dma_wait3A_453 = arith.constant 0 : i32
        %dma_wait3A_454 = tpu.memref_slice %arg8[%dma_wait3A_449, %dma_wait3A_453] : memref<32x128xi32, #tpu.memory_space<vmem>> -> memref<1x128xi32, #tpu.memory_space<vmem>>
        %dma_wait3A_455 = tpu.memref_squeeze %dma_wait3A_454 : memref<1x128xi32, #tpu.memory_space<vmem>> -> memref<128xi32, #tpu.memory_space<vmem>>
        %dma_wait3A_456 = arith.constant 0 : i32
        %dma_wait3A_457 = arith.constant 0 : i32
        %dma_wait3A_458 = tpu.memref_slice %arg2[%dma_wait3A_456, %dma_wait3A_457] : memref<100000x8xf32, #tpu.memory_space<hbm>> -> memref<100000x8xf32, #tpu.memory_space<hbm>>
        tpu.wait_indirect_dma semaphore(%arg21 : memref<!tpu.dma_semaphore, #tpu.memory_space<semaphore_mem>>) src(%dma_wait3A_458 : memref<100000x8xf32, #tpu.memory_space<hbm>>) dst(%dma_wait3A_452 : memref<128x8xf32, #tpu.memory_space<vmem>>)
        %dma_wait3A_459 = arith.constant 25 : i32
        %dma_wait3A_460 = arith.constant 1536 : i32
        %dma_wait3A_461 = arith.constant 0 : i32
        %dma_wait3A_462 = tpu.memref_slice %arg12[%dma_wait3A_460, %dma_wait3A_461] : memref<2048x8xf32, #tpu.memory_space<vmem>> -> memref<128x8xf32, #tpu.memory_space<vmem>>
        %dma_wait3A_463 = arith.constant 0 : i32
        %dma_wait3A_464 = tpu.memref_slice %arg8[%dma_wait3A_459, %dma_wait3A_463] : memref<32x128xi32, #tpu.memory_space<vmem>> -> memref<1x128xi32, #tpu.memory_space<vmem>>
        %dma_wait3A_465 = tpu.memref_squeeze %dma_wait3A_464 : memref<1x128xi32, #tpu.memory_space<vmem>> -> memref<128xi32, #tpu.memory_space<vmem>>
        %dma_wait3A_466 = arith.constant 0 : i32
        %dma_wait3A_467 = arith.constant 0 : i32
        %dma_wait3A_468 = tpu.memref_slice %arg2[%dma_wait3A_466, %dma_wait3A_467] : memref<100000x8xf32, #tpu.memory_space<hbm>> -> memref<100000x8xf32, #tpu.memory_space<hbm>>
        tpu.wait_indirect_dma semaphore(%arg21 : memref<!tpu.dma_semaphore, #tpu.memory_space<semaphore_mem>>) src(%dma_wait3A_468 : memref<100000x8xf32, #tpu.memory_space<hbm>>) dst(%dma_wait3A_462 : memref<128x8xf32, #tpu.memory_space<vmem>>)
        %dma_wait3A_469 = arith.constant 26 : i32
        %dma_wait3A_470 = arith.constant 1664 : i32
        %dma_wait3A_471 = arith.constant 0 : i32
        %dma_wait3A_472 = tpu.memref_slice %arg11[%dma_wait3A_470, %dma_wait3A_471] : memref<2048x8xf32, #tpu.memory_space<vmem>> -> memref<128x8xf32, #tpu.memory_space<vmem>>
        %dma_wait3A_473 = arith.constant 0 : i32
        %dma_wait3A_474 = tpu.memref_slice %arg8[%dma_wait3A_469, %dma_wait3A_473] : memref<32x128xi32, #tpu.memory_space<vmem>> -> memref<1x128xi32, #tpu.memory_space<vmem>>
        %dma_wait3A_475 = tpu.memref_squeeze %dma_wait3A_474 : memref<1x128xi32, #tpu.memory_space<vmem>> -> memref<128xi32, #tpu.memory_space<vmem>>
        %dma_wait3A_476 = arith.constant 0 : i32
        %dma_wait3A_477 = arith.constant 0 : i32
        %dma_wait3A_478 = tpu.memref_slice %arg2[%dma_wait3A_476, %dma_wait3A_477] : memref<100000x8xf32, #tpu.memory_space<hbm>> -> memref<100000x8xf32, #tpu.memory_space<hbm>>
        tpu.wait_indirect_dma semaphore(%arg21 : memref<!tpu.dma_semaphore, #tpu.memory_space<semaphore_mem>>) src(%dma_wait3A_478 : memref<100000x8xf32, #tpu.memory_space<hbm>>) dst(%dma_wait3A_472 : memref<128x8xf32, #tpu.memory_space<vmem>>)
        %dma_wait3A_479 = arith.constant 27 : i32
        %dma_wait3A_480 = arith.constant 1664 : i32
        %dma_wait3A_481 = arith.constant 0 : i32
        %dma_wait3A_482 = tpu.memref_slice %arg12[%dma_wait3A_480, %dma_wait3A_481] : memref<2048x8xf32, #tpu.memory_space<vmem>> -> memref<128x8xf32, #tpu.memory_space<vmem>>
        %dma_wait3A_483 = arith.constant 0 : i32
        %dma_wait3A_484 = tpu.memref_slice %arg8[%dma_wait3A_479, %dma_wait3A_483] : memref<32x128xi32, #tpu.memory_space<vmem>> -> memref<1x128xi32, #tpu.memory_space<vmem>>
        %dma_wait3A_485 = tpu.memref_squeeze %dma_wait3A_484 : memref<1x128xi32, #tpu.memory_space<vmem>> -> memref<128xi32, #tpu.memory_space<vmem>>
        %dma_wait3A_486 = arith.constant 0 : i32
        %dma_wait3A_487 = arith.constant 0 : i32
        %dma_wait3A_488 = tpu.memref_slice %arg2[%dma_wait3A_486, %dma_wait3A_487] : memref<100000x8xf32, #tpu.memory_space<hbm>> -> memref<100000x8xf32, #tpu.memory_space<hbm>>
        tpu.wait_indirect_dma semaphore(%arg21 : memref<!tpu.dma_semaphore, #tpu.memory_space<semaphore_mem>>) src(%dma_wait3A_488 : memref<100000x8xf32, #tpu.memory_space<hbm>>) dst(%dma_wait3A_482 : memref<128x8xf32, #tpu.memory_space<vmem>>)
        %dma_wait3A_489 = arith.constant 28 : i32
        %dma_wait3A_490 = arith.constant 1792 : i32
        %dma_wait3A_491 = arith.constant 0 : i32
        %dma_wait3A_492 = tpu.memref_slice %arg11[%dma_wait3A_490, %dma_wait3A_491] : memref<2048x8xf32, #tpu.memory_space<vmem>> -> memref<128x8xf32, #tpu.memory_space<vmem>>
        %dma_wait3A_493 = arith.constant 0 : i32
        %dma_wait3A_494 = tpu.memref_slice %arg8[%dma_wait3A_489, %dma_wait3A_493] : memref<32x128xi32, #tpu.memory_space<vmem>> -> memref<1x128xi32, #tpu.memory_space<vmem>>
        %dma_wait3A_495 = tpu.memref_squeeze %dma_wait3A_494 : memref<1x128xi32, #tpu.memory_space<vmem>> -> memref<128xi32, #tpu.memory_space<vmem>>
        %dma_wait3A_496 = arith.constant 0 : i32
        %dma_wait3A_497 = arith.constant 0 : i32
        %dma_wait3A_498 = tpu.memref_slice %arg2[%dma_wait3A_496, %dma_wait3A_497] : memref<100000x8xf32, #tpu.memory_space<hbm>> -> memref<100000x8xf32, #tpu.memory_space<hbm>>
        tpu.wait_indirect_dma semaphore(%arg21 : memref<!tpu.dma_semaphore, #tpu.memory_space<semaphore_mem>>) src(%dma_wait3A_498 : memref<100000x8xf32, #tpu.memory_space<hbm>>) dst(%dma_wait3A_492 : memref<128x8xf32, #tpu.memory_space<vmem>>)
        %dma_wait3A_499 = arith.constant 29 : i32
        %dma_wait3A_500 = arith.constant 1792 : i32
        %dma_wait3A_501 = arith.constant 0 : i32
        %dma_wait3A_502 = tpu.memref_slice %arg12[%dma_wait3A_500, %dma_wait3A_501] : memref<2048x8xf32, #tpu.memory_space<vmem>> -> memref<128x8xf32, #tpu.memory_space<vmem>>
        %dma_wait3A_503 = arith.constant 0 : i32
        %dma_wait3A_504 = tpu.memref_slice %arg8[%dma_wait3A_499, %dma_wait3A_503] : memref<32x128xi32, #tpu.memory_space<vmem>> -> memref<1x128xi32, #tpu.memory_space<vmem>>
        %dma_wait3A_505 = tpu.memref_squeeze %dma_wait3A_504 : memref<1x128xi32, #tpu.memory_space<vmem>> -> memref<128xi32, #tpu.memory_space<vmem>>
        %dma_wait3A_506 = arith.constant 0 : i32
        %dma_wait3A_507 = arith.constant 0 : i32
        %dma_wait3A_508 = tpu.memref_slice %arg2[%dma_wait3A_506, %dma_wait3A_507] : memref<100000x8xf32, #tpu.memory_space<hbm>> -> memref<100000x8xf32, #tpu.memory_space<hbm>>
        tpu.wait_indirect_dma semaphore(%arg21 : memref<!tpu.dma_semaphore, #tpu.memory_space<semaphore_mem>>) src(%dma_wait3A_508 : memref<100000x8xf32, #tpu.memory_space<hbm>>) dst(%dma_wait3A_502 : memref<128x8xf32, #tpu.memory_space<vmem>>)
        %dma_wait3A_509 = arith.constant 30 : i32
        %dma_wait3A_510 = arith.constant 1920 : i32
        %dma_wait3A_511 = arith.constant 0 : i32
        %dma_wait3A_512 = tpu.memref_slice %arg11[%dma_wait3A_510, %dma_wait3A_511] : memref<2048x8xf32, #tpu.memory_space<vmem>> -> memref<128x8xf32, #tpu.memory_space<vmem>>
        %dma_wait3A_513 = arith.constant 0 : i32
        %dma_wait3A_514 = tpu.memref_slice %arg8[%dma_wait3A_509, %dma_wait3A_513] : memref<32x128xi32, #tpu.memory_space<vmem>> -> memref<1x128xi32, #tpu.memory_space<vmem>>
        %dma_wait3A_515 = tpu.memref_squeeze %dma_wait3A_514 : memref<1x128xi32, #tpu.memory_space<vmem>> -> memref<128xi32, #tpu.memory_space<vmem>>
        %dma_wait3A_516 = arith.constant 0 : i32
        %dma_wait3A_517 = arith.constant 0 : i32
        %dma_wait3A_518 = tpu.memref_slice %arg2[%dma_wait3A_516, %dma_wait3A_517] : memref<100000x8xf32, #tpu.memory_space<hbm>> -> memref<100000x8xf32, #tpu.memory_space<hbm>>
        tpu.wait_indirect_dma semaphore(%arg21 : memref<!tpu.dma_semaphore, #tpu.memory_space<semaphore_mem>>) src(%dma_wait3A_518 : memref<100000x8xf32, #tpu.memory_space<hbm>>) dst(%dma_wait3A_512 : memref<128x8xf32, #tpu.memory_space<vmem>>)
        %dma_wait3A_519 = arith.constant 31 : i32
        %dma_wait3A_520 = arith.constant 1920 : i32
        %dma_wait3A_521 = arith.constant 0 : i32
        %dma_wait3A_522 = tpu.memref_slice %arg12[%dma_wait3A_520, %dma_wait3A_521] : memref<2048x8xf32, #tpu.memory_space<vmem>> -> memref<128x8xf32, #tpu.memory_space<vmem>>
        %dma_wait3A_523 = arith.constant 0 : i32
        %dma_wait3A_524 = tpu.memref_slice %arg8[%dma_wait3A_519, %dma_wait3A_523] : memref<32x128xi32, #tpu.memory_space<vmem>> -> memref<1x128xi32, #tpu.memory_space<vmem>>
        %dma_wait3A_525 = tpu.memref_squeeze %dma_wait3A_524 : memref<1x128xi32, #tpu.memory_space<vmem>> -> memref<128xi32, #tpu.memory_space<vmem>>
        %dma_wait3A_526 = arith.constant 0 : i32
        %dma_wait3A_527 = arith.constant 0 : i32
        %dma_wait3A_528 = tpu.memref_slice %arg2[%dma_wait3A_526, %dma_wait3A_527] : memref<100000x8xf32, #tpu.memory_space<hbm>> -> memref<100000x8xf32, #tpu.memory_space<hbm>>
        tpu.wait_indirect_dma semaphore(%arg21 : memref<!tpu.dma_semaphore, #tpu.memory_space<semaphore_mem>>) src(%dma_wait3A_528 : memref<100000x8xf32, #tpu.memory_space<hbm>>) dst(%dma_wait3A_522 : memref<128x8xf32, #tpu.memory_space<vmem>>)
      } else {
      }
      %lt3A_167 = arith.constant 3125 : i32
      %lt3A_168 = arith.cmpi slt, %add3A_157, %lt3A_167 : i32
      %convert_element_type3A_169 = arith.extui %lt3A_168 : i1 to i32
      %cond3A_170 = arith.constant 0 : i32
      %cond3A_171 = arith.cmpi ne, %convert_element_type3A_169, %cond3A_170 : i32
      scf.if %cond3A_171 {
        %mul3A_210 = arith.constant 2 : i32
        %mul3A_211 = arith.muli %add3A_157, %mul3A_210 : i32
        %mul3A_212 = arith.constant 16 : i32
        %mul3A_213 = arith.muli %mul3A_211, %mul3A_212 : i32
        %dma_wait3A = arith.constant 0 : i32
        %dma_wait3A_214 = tpu.memref_slice %arg3[%mul3A_213, %dma_wait3A] : memref<100000x128xi32, #tpu.memory_space<hbm>> -> memref<32x128xi32, #tpu.memory_space<hbm>>
        %dma_wait3A_215 = arith.constant 0 : i32
        %dma_wait3A_216 = tpu.memref_slice %arg3[%mul3A_213, %dma_wait3A_215] : memref<100000x128xi32, #tpu.memory_space<hbm>> -> memref<32x128xi32, #tpu.memory_space<hbm>>
        tpu.wait_dma2 semaphore(%arg18 : memref<!tpu.dma_semaphore, #tpu.memory_space<semaphore_mem>>) src(%dma_wait3A_216 : memref<32x128xi32, #tpu.memory_space<hbm>>) dst(%arg7 : memref<32x128xi32, #tpu.memory_space<vmem>>)
      } else {
      }
      %lt3A_172 = arith.constant 3125 : i32
      %lt3A_173 = arith.cmpi slt, %add3A_157, %lt3A_172 : i32
      %convert_element_type3A_174 = arith.extui %lt3A_173 : i1 to i32
      %cond3A_175 = arith.constant 0 : i32
      %cond3A_176 = arith.cmpi ne, %convert_element_type3A_174, %cond3A_175 : i32
      scf.if %cond3A_176 {
        %dma_start3A = arith.constant 0 : i32
        %dma_start3A_210 = arith.constant 0 : i32
        %dma_start3A_211 = arith.constant 0 : i32
        %dma_start3A_212 = tpu.memref_slice %arg9[%dma_start3A_210, %dma_start3A_211] : memref<2048x8xf32, #tpu.memory_space<vmem>> -> memref<128x8xf32, #tpu.memory_space<vmem>>
        %dma_start3A_213 = arith.constant 0 : i32
        %dma_start3A_214 = tpu.memref_slice %arg7[%dma_start3A, %dma_start3A_213] : memref<32x128xi32, #tpu.memory_space<vmem>> -> memref<1x128xi32, #tpu.memory_space<vmem>>
        %dma_start3A_215 = tpu.memref_squeeze %dma_start3A_214 : memref<1x128xi32, #tpu.memory_space<vmem>> -> memref<128xi32, #tpu.memory_space<vmem>>
        %dma_start3A_216 = arith.constant 0 : i32
        %dma_start3A_217 = arith.constant 0 : i32
        %dma_start3A_218 = tpu.memref_slice %arg2[%dma_start3A_216, %dma_start3A_217] : memref<100000x8xf32, #tpu.memory_space<hbm>> -> memref<100000x8xf32, #tpu.memory_space<hbm>>
        tpu.enqueue_indirect_dma source(%dma_start3A_218 : memref<100000x8xf32, #tpu.memory_space<hbm>>) target(%dma_start3A_212 : memref<128x8xf32, #tpu.memory_space<vmem>>) offsets(%dma_start3A_215 : memref<128xi32, #tpu.memory_space<vmem>>) semaphore(%arg20 : memref<!tpu.dma_semaphore, #tpu.memory_space<semaphore_mem>>)
        %dma_start3A_219 = arith.constant 1 : i32
        %dma_start3A_220 = arith.constant 0 : i32
        %dma_start3A_221 = arith.constant 0 : i32
        %dma_start3A_222 = tpu.memref_slice %arg10[%dma_start3A_220, %dma_start3A_221] : memref<2048x8xf32, #tpu.memory_space<vmem>> -> memref<128x8xf32, #tpu.memory_space<vmem>>
        %dma_start3A_223 = arith.constant 0 : i32
        %dma_start3A_224 = tpu.memref_slice %arg7[%dma_start3A_219, %dma_start3A_223] : memref<32x128xi32, #tpu.memory_space<vmem>> -> memref<1x128xi32, #tpu.memory_space<vmem>>
        %dma_start3A_225 = tpu.memref_squeeze %dma_start3A_224 : memref<1x128xi32, #tpu.memory_space<vmem>> -> memref<128xi32, #tpu.memory_space<vmem>>
        %dma_start3A_226 = arith.constant 0 : i32
        %dma_start3A_227 = arith.constant 0 : i32
        %dma_start3A_228 = tpu.memref_slice %arg2[%dma_start3A_226, %dma_start3A_227] : memref<100000x8xf32, #tpu.memory_space<hbm>> -> memref<100000x8xf32, #tpu.memory_space<hbm>>
        tpu.enqueue_indirect_dma source(%dma_start3A_228 : memref<100000x8xf32, #tpu.memory_space<hbm>>) target(%dma_start3A_222 : memref<128x8xf32, #tpu.memory_space<vmem>>) offsets(%dma_start3A_225 : memref<128xi32, #tpu.memory_space<vmem>>) semaphore(%arg20 : memref<!tpu.dma_semaphore, #tpu.memory_space<semaphore_mem>>)
        %dma_start3A_229 = arith.constant 2 : i32
        %dma_start3A_230 = arith.constant 128 : i32
        %dma_start3A_231 = arith.constant 0 : i32
        %dma_start3A_232 = tpu.memref_slice %arg9[%dma_start3A_230, %dma_start3A_231] : memref<2048x8xf32, #tpu.memory_space<vmem>> -> memref<128x8xf32, #tpu.memory_space<vmem>>
        %dma_start3A_233 = arith.constant 0 : i32
        %dma_start3A_234 = tpu.memref_slice %arg7[%dma_start3A_229, %dma_start3A_233] : memref<32x128xi32, #tpu.memory_space<vmem>> -> memref<1x128xi32, #tpu.memory_space<vmem>>
        %dma_start3A_235 = tpu.memref_squeeze %dma_start3A_234 : memref<1x128xi32, #tpu.memory_space<vmem>> -> memref<128xi32, #tpu.memory_space<vmem>>
        %dma_start3A_236 = arith.constant 0 : i32
        %dma_start3A_237 = arith.constant 0 : i32
        %dma_start3A_238 = tpu.memref_slice %arg2[%dma_start3A_236, %dma_start3A_237] : memref<100000x8xf32, #tpu.memory_space<hbm>> -> memref<100000x8xf32, #tpu.memory_space<hbm>>
        tpu.enqueue_indirect_dma source(%dma_start3A_238 : memref<100000x8xf32, #tpu.memory_space<hbm>>) target(%dma_start3A_232 : memref<128x8xf32, #tpu.memory_space<vmem>>) offsets(%dma_start3A_235 : memref<128xi32, #tpu.memory_space<vmem>>) semaphore(%arg20 : memref<!tpu.dma_semaphore, #tpu.memory_space<semaphore_mem>>)
        %dma_start3A_239 = arith.constant 3 : i32
        %dma_start3A_240 = arith.constant 128 : i32
        %dma_start3A_241 = arith.constant 0 : i32
        %dma_start3A_242 = tpu.memref_slice %arg10[%dma_start3A_240, %dma_start3A_241] : memref<2048x8xf32, #tpu.memory_space<vmem>> -> memref<128x8xf32, #tpu.memory_space<vmem>>
        %dma_start3A_243 = arith.constant 0 : i32
        %dma_start3A_244 = tpu.memref_slice %arg7[%dma_start3A_239, %dma_start3A_243] : memref<32x128xi32, #tpu.memory_space<vmem>> -> memref<1x128xi32, #tpu.memory_space<vmem>>
        %dma_start3A_245 = tpu.memref_squeeze %dma_start3A_244 : memref<1x128xi32, #tpu.memory_space<vmem>> -> memref<128xi32, #tpu.memory_space<vmem>>
        %dma_start3A_246 = arith.constant 0 : i32
        %dma_start3A_247 = arith.constant 0 : i32
        %dma_start3A_248 = tpu.memref_slice %arg2[%dma_start3A_246, %dma_start3A_247] : memref<100000x8xf32, #tpu.memory_space<hbm>> -> memref<100000x8xf32, #tpu.memory_space<hbm>>
        tpu.enqueue_indirect_dma source(%dma_start3A_248 : memref<100000x8xf32, #tpu.memory_space<hbm>>) target(%dma_start3A_242 : memref<128x8xf32, #tpu.memory_space<vmem>>) offsets(%dma_start3A_245 : memref<128xi32, #tpu.memory_space<vmem>>) semaphore(%arg20 : memref<!tpu.dma_semaphore, #tpu.memory_space<semaphore_mem>>)
        %dma_start3A_249 = arith.constant 4 : i32
        %dma_start3A_250 = arith.constant 256 : i32
        %dma_start3A_251 = arith.constant 0 : i32
        %dma_start3A_252 = tpu.memref_slice %arg9[%dma_start3A_250, %dma_start3A_251] : memref<2048x8xf32, #tpu.memory_space<vmem>> -> memref<128x8xf32, #tpu.memory_space<vmem>>
        %dma_start3A_253 = arith.constant 0 : i32
        %dma_start3A_254 = tpu.memref_slice %arg7[%dma_start3A_249, %dma_start3A_253] : memref<32x128xi32, #tpu.memory_space<vmem>> -> memref<1x128xi32, #tpu.memory_space<vmem>>
        %dma_start3A_255 = tpu.memref_squeeze %dma_start3A_254 : memref<1x128xi32, #tpu.memory_space<vmem>> -> memref<128xi32, #tpu.memory_space<vmem>>
        %dma_start3A_256 = arith.constant 0 : i32
        %dma_start3A_257 = arith.constant 0 : i32
        %dma_start3A_258 = tpu.memref_slice %arg2[%dma_start3A_256, %dma_start3A_257] : memref<100000x8xf32, #tpu.memory_space<hbm>> -> memref<100000x8xf32, #tpu.memory_space<hbm>>
        tpu.enqueue_indirect_dma source(%dma_start3A_258 : memref<100000x8xf32, #tpu.memory_space<hbm>>) target(%dma_start3A_252 : memref<128x8xf32, #tpu.memory_space<vmem>>) offsets(%dma_start3A_255 : memref<128xi32, #tpu.memory_space<vmem>>) semaphore(%arg20 : memref<!tpu.dma_semaphore, #tpu.memory_space<semaphore_mem>>)
        %dma_start3A_259 = arith.constant 5 : i32
        %dma_start3A_260 = arith.constant 256 : i32
        %dma_start3A_261 = arith.constant 0 : i32
        %dma_start3A_262 = tpu.memref_slice %arg10[%dma_start3A_260, %dma_start3A_261] : memref<2048x8xf32, #tpu.memory_space<vmem>> -> memref<128x8xf32, #tpu.memory_space<vmem>>
        %dma_start3A_263 = arith.constant 0 : i32
        %dma_start3A_264 = tpu.memref_slice %arg7[%dma_start3A_259, %dma_start3A_263] : memref<32x128xi32, #tpu.memory_space<vmem>> -> memref<1x128xi32, #tpu.memory_space<vmem>>
        %dma_start3A_265 = tpu.memref_squeeze %dma_start3A_264 : memref<1x128xi32, #tpu.memory_space<vmem>> -> memref<128xi32, #tpu.memory_space<vmem>>
        %dma_start3A_266 = arith.constant 0 : i32
        %dma_start3A_267 = arith.constant 0 : i32
        %dma_start3A_268 = tpu.memref_slice %arg2[%dma_start3A_266, %dma_start3A_267] : memref<100000x8xf32, #tpu.memory_space<hbm>> -> memref<100000x8xf32, #tpu.memory_space<hbm>>
        tpu.enqueue_indirect_dma source(%dma_start3A_268 : memref<100000x8xf32, #tpu.memory_space<hbm>>) target(%dma_start3A_262 : memref<128x8xf32, #tpu.memory_space<vmem>>) offsets(%dma_start3A_265 : memref<128xi32, #tpu.memory_space<vmem>>) semaphore(%arg20 : memref<!tpu.dma_semaphore, #tpu.memory_space<semaphore_mem>>)
        %dma_start3A_269 = arith.constant 6 : i32
        %dma_start3A_270 = arith.constant 384 : i32
        %dma_start3A_271 = arith.constant 0 : i32
        %dma_start3A_272 = tpu.memref_slice %arg9[%dma_start3A_270, %dma_start3A_271] : memref<2048x8xf32, #tpu.memory_space<vmem>> -> memref<128x8xf32, #tpu.memory_space<vmem>>
        %dma_start3A_273 = arith.constant 0 : i32
        %dma_start3A_274 = tpu.memref_slice %arg7[%dma_start3A_269, %dma_start3A_273] : memref<32x128xi32, #tpu.memory_space<vmem>> -> memref<1x128xi32, #tpu.memory_space<vmem>>
        %dma_start3A_275 = tpu.memref_squeeze %dma_start3A_274 : memref<1x128xi32, #tpu.memory_space<vmem>> -> memref<128xi32, #tpu.memory_space<vmem>>
        %dma_start3A_276 = arith.constant 0 : i32
        %dma_start3A_277 = arith.constant 0 : i32
        %dma_start3A_278 = tpu.memref_slice %arg2[%dma_start3A_276, %dma_start3A_277] : memref<100000x8xf32, #tpu.memory_space<hbm>> -> memref<100000x8xf32, #tpu.memory_space<hbm>>
        tpu.enqueue_indirect_dma source(%dma_start3A_278 : memref<100000x8xf32, #tpu.memory_space<hbm>>) target(%dma_start3A_272 : memref<128x8xf32, #tpu.memory_space<vmem>>) offsets(%dma_start3A_275 : memref<128xi32, #tpu.memory_space<vmem>>) semaphore(%arg20 : memref<!tpu.dma_semaphore, #tpu.memory_space<semaphore_mem>>)
        %dma_start3A_279 = arith.constant 7 : i32
        %dma_start3A_280 = arith.constant 384 : i32
        %dma_start3A_281 = arith.constant 0 : i32
        %dma_start3A_282 = tpu.memref_slice %arg10[%dma_start3A_280, %dma_start3A_281] : memref<2048x8xf32, #tpu.memory_space<vmem>> -> memref<128x8xf32, #tpu.memory_space<vmem>>
        %dma_start3A_283 = arith.constant 0 : i32
        %dma_start3A_284 = tpu.memref_slice %arg7[%dma_start3A_279, %dma_start3A_283] : memref<32x128xi32, #tpu.memory_space<vmem>> -> memref<1x128xi32, #tpu.memory_space<vmem>>
        %dma_start3A_285 = tpu.memref_squeeze %dma_start3A_284 : memref<1x128xi32, #tpu.memory_space<vmem>> -> memref<128xi32, #tpu.memory_space<vmem>>
        %dma_start3A_286 = arith.constant 0 : i32
        %dma_start3A_287 = arith.constant 0 : i32
        %dma_start3A_288 = tpu.memref_slice %arg2[%dma_start3A_286, %dma_start3A_287] : memref<100000x8xf32, #tpu.memory_space<hbm>> -> memref<100000x8xf32, #tpu.memory_space<hbm>>
        tpu.enqueue_indirect_dma source(%dma_start3A_288 : memref<100000x8xf32, #tpu.memory_space<hbm>>) target(%dma_start3A_282 : memref<128x8xf32, #tpu.memory_space<vmem>>) offsets(%dma_start3A_285 : memref<128xi32, #tpu.memory_space<vmem>>) semaphore(%arg20 : memref<!tpu.dma_semaphore, #tpu.memory_space<semaphore_mem>>)
        %dma_start3A_289 = arith.constant 8 : i32
        %dma_start3A_290 = arith.constant 512 : i32
        %dma_start3A_291 = arith.constant 0 : i32
        %dma_start3A_292 = tpu.memref_slice %arg9[%dma_start3A_290, %dma_start3A_291] : memref<2048x8xf32, #tpu.memory_space<vmem>> -> memref<128x8xf32, #tpu.memory_space<vmem>>
        %dma_start3A_293 = arith.constant 0 : i32
        %dma_start3A_294 = tpu.memref_slice %arg7[%dma_start3A_289, %dma_start3A_293] : memref<32x128xi32, #tpu.memory_space<vmem>> -> memref<1x128xi32, #tpu.memory_space<vmem>>
        %dma_start3A_295 = tpu.memref_squeeze %dma_start3A_294 : memref<1x128xi32, #tpu.memory_space<vmem>> -> memref<128xi32, #tpu.memory_space<vmem>>
        %dma_start3A_296 = arith.constant 0 : i32
        %dma_start3A_297 = arith.constant 0 : i32
        %dma_start3A_298 = tpu.memref_slice %arg2[%dma_start3A_296, %dma_start3A_297] : memref<100000x8xf32, #tpu.memory_space<hbm>> -> memref<100000x8xf32, #tpu.memory_space<hbm>>
        tpu.enqueue_indirect_dma source(%dma_start3A_298 : memref<100000x8xf32, #tpu.memory_space<hbm>>) target(%dma_start3A_292 : memref<128x8xf32, #tpu.memory_space<vmem>>) offsets(%dma_start3A_295 : memref<128xi32, #tpu.memory_space<vmem>>) semaphore(%arg20 : memref<!tpu.dma_semaphore, #tpu.memory_space<semaphore_mem>>)
        %dma_start3A_299 = arith.constant 9 : i32
        %dma_start3A_300 = arith.constant 512 : i32
        %dma_start3A_301 = arith.constant 0 : i32
        %dma_start3A_302 = tpu.memref_slice %arg10[%dma_start3A_300, %dma_start3A_301] : memref<2048x8xf32, #tpu.memory_space<vmem>> -> memref<128x8xf32, #tpu.memory_space<vmem>>
        %dma_start3A_303 = arith.constant 0 : i32
        %dma_start3A_304 = tpu.memref_slice %arg7[%dma_start3A_299, %dma_start3A_303] : memref<32x128xi32, #tpu.memory_space<vmem>> -> memref<1x128xi32, #tpu.memory_space<vmem>>
        %dma_start3A_305 = tpu.memref_squeeze %dma_start3A_304 : memref<1x128xi32, #tpu.memory_space<vmem>> -> memref<128xi32, #tpu.memory_space<vmem>>
        %dma_start3A_306 = arith.constant 0 : i32
        %dma_start3A_307 = arith.constant 0 : i32
        %dma_start3A_308 = tpu.memref_slice %arg2[%dma_start3A_306, %dma_start3A_307] : memref<100000x8xf32, #tpu.memory_space<hbm>> -> memref<100000x8xf32, #tpu.memory_space<hbm>>
        tpu.enqueue_indirect_dma source(%dma_start3A_308 : memref<100000x8xf32, #tpu.memory_space<hbm>>) target(%dma_start3A_302 : memref<128x8xf32, #tpu.memory_space<vmem>>) offsets(%dma_start3A_305 : memref<128xi32, #tpu.memory_space<vmem>>) semaphore(%arg20 : memref<!tpu.dma_semaphore, #tpu.memory_space<semaphore_mem>>)
        %dma_start3A_309 = arith.constant 10 : i32
        %dma_start3A_310 = arith.constant 640 : i32
        %dma_start3A_311 = arith.constant 0 : i32
        %dma_start3A_312 = tpu.memref_slice %arg9[%dma_start3A_310, %dma_start3A_311] : memref<2048x8xf32, #tpu.memory_space<vmem>> -> memref<128x8xf32, #tpu.memory_space<vmem>>
        %dma_start3A_313 = arith.constant 0 : i32
        %dma_start3A_314 = tpu.memref_slice %arg7[%dma_start3A_309, %dma_start3A_313] : memref<32x128xi32, #tpu.memory_space<vmem>> -> memref<1x128xi32, #tpu.memory_space<vmem>>
        %dma_start3A_315 = tpu.memref_squeeze %dma_start3A_314 : memref<1x128xi32, #tpu.memory_space<vmem>> -> memref<128xi32, #tpu.memory_space<vmem>>
        %dma_start3A_316 = arith.constant 0 : i32
        %dma_start3A_317 = arith.constant 0 : i32
        %dma_start3A_318 = tpu.memref_slice %arg2[%dma_start3A_316, %dma_start3A_317] : memref<100000x8xf32, #tpu.memory_space<hbm>> -> memref<100000x8xf32, #tpu.memory_space<hbm>>
        tpu.enqueue_indirect_dma source(%dma_start3A_318 : memref<100000x8xf32, #tpu.memory_space<hbm>>) target(%dma_start3A_312 : memref<128x8xf32, #tpu.memory_space<vmem>>) offsets(%dma_start3A_315 : memref<128xi32, #tpu.memory_space<vmem>>) semaphore(%arg20 : memref<!tpu.dma_semaphore, #tpu.memory_space<semaphore_mem>>)
        %dma_start3A_319 = arith.constant 11 : i32
        %dma_start3A_320 = arith.constant 640 : i32
        %dma_start3A_321 = arith.constant 0 : i32
        %dma_start3A_322 = tpu.memref_slice %arg10[%dma_start3A_320, %dma_start3A_321] : memref<2048x8xf32, #tpu.memory_space<vmem>> -> memref<128x8xf32, #tpu.memory_space<vmem>>
        %dma_start3A_323 = arith.constant 0 : i32
        %dma_start3A_324 = tpu.memref_slice %arg7[%dma_start3A_319, %dma_start3A_323] : memref<32x128xi32, #tpu.memory_space<vmem>> -> memref<1x128xi32, #tpu.memory_space<vmem>>
        %dma_start3A_325 = tpu.memref_squeeze %dma_start3A_324 : memref<1x128xi32, #tpu.memory_space<vmem>> -> memref<128xi32, #tpu.memory_space<vmem>>
        %dma_start3A_326 = arith.constant 0 : i32
        %dma_start3A_327 = arith.constant 0 : i32
        %dma_start3A_328 = tpu.memref_slice %arg2[%dma_start3A_326, %dma_start3A_327] : memref<100000x8xf32, #tpu.memory_space<hbm>> -> memref<100000x8xf32, #tpu.memory_space<hbm>>
        tpu.enqueue_indirect_dma source(%dma_start3A_328 : memref<100000x8xf32, #tpu.memory_space<hbm>>) target(%dma_start3A_322 : memref<128x8xf32, #tpu.memory_space<vmem>>) offsets(%dma_start3A_325 : memref<128xi32, #tpu.memory_space<vmem>>) semaphore(%arg20 : memref<!tpu.dma_semaphore, #tpu.memory_space<semaphore_mem>>)
        %dma_start3A_329 = arith.constant 12 : i32
        %dma_start3A_330 = arith.constant 768 : i32
        %dma_start3A_331 = arith.constant 0 : i32
        %dma_start3A_332 = tpu.memref_slice %arg9[%dma_start3A_330, %dma_start3A_331] : memref<2048x8xf32, #tpu.memory_space<vmem>> -> memref<128x8xf32, #tpu.memory_space<vmem>>
        %dma_start3A_333 = arith.constant 0 : i32
        %dma_start3A_334 = tpu.memref_slice %arg7[%dma_start3A_329, %dma_start3A_333] : memref<32x128xi32, #tpu.memory_space<vmem>> -> memref<1x128xi32, #tpu.memory_space<vmem>>
        %dma_start3A_335 = tpu.memref_squeeze %dma_start3A_334 : memref<1x128xi32, #tpu.memory_space<vmem>> -> memref<128xi32, #tpu.memory_space<vmem>>
        %dma_start3A_336 = arith.constant 0 : i32
        %dma_start3A_337 = arith.constant 0 : i32
        %dma_start3A_338 = tpu.memref_slice %arg2[%dma_start3A_336, %dma_start3A_337] : memref<100000x8xf32, #tpu.memory_space<hbm>> -> memref<100000x8xf32, #tpu.memory_space<hbm>>
        tpu.enqueue_indirect_dma source(%dma_start3A_338 : memref<100000x8xf32, #tpu.memory_space<hbm>>) target(%dma_start3A_332 : memref<128x8xf32, #tpu.memory_space<vmem>>) offsets(%dma_start3A_335 : memref<128xi32, #tpu.memory_space<vmem>>) semaphore(%arg20 : memref<!tpu.dma_semaphore, #tpu.memory_space<semaphore_mem>>)
        %dma_start3A_339 = arith.constant 13 : i32
        %dma_start3A_340 = arith.constant 768 : i32
        %dma_start3A_341 = arith.constant 0 : i32
        %dma_start3A_342 = tpu.memref_slice %arg10[%dma_start3A_340, %dma_start3A_341] : memref<2048x8xf32, #tpu.memory_space<vmem>> -> memref<128x8xf32, #tpu.memory_space<vmem>>
        %dma_start3A_343 = arith.constant 0 : i32
        %dma_start3A_344 = tpu.memref_slice %arg7[%dma_start3A_339, %dma_start3A_343] : memref<32x128xi32, #tpu.memory_space<vmem>> -> memref<1x128xi32, #tpu.memory_space<vmem>>
        %dma_start3A_345 = tpu.memref_squeeze %dma_start3A_344 : memref<1x128xi32, #tpu.memory_space<vmem>> -> memref<128xi32, #tpu.memory_space<vmem>>
        %dma_start3A_346 = arith.constant 0 : i32
        %dma_start3A_347 = arith.constant 0 : i32
        %dma_start3A_348 = tpu.memref_slice %arg2[%dma_start3A_346, %dma_start3A_347] : memref<100000x8xf32, #tpu.memory_space<hbm>> -> memref<100000x8xf32, #tpu.memory_space<hbm>>
        tpu.enqueue_indirect_dma source(%dma_start3A_348 : memref<100000x8xf32, #tpu.memory_space<hbm>>) target(%dma_start3A_342 : memref<128x8xf32, #tpu.memory_space<vmem>>) offsets(%dma_start3A_345 : memref<128xi32, #tpu.memory_space<vmem>>) semaphore(%arg20 : memref<!tpu.dma_semaphore, #tpu.memory_space<semaphore_mem>>)
        %dma_start3A_349 = arith.constant 14 : i32
        %dma_start3A_350 = arith.constant 896 : i32
        %dma_start3A_351 = arith.constant 0 : i32
        %dma_start3A_352 = tpu.memref_slice %arg9[%dma_start3A_350, %dma_start3A_351] : memref<2048x8xf32, #tpu.memory_space<vmem>> -> memref<128x8xf32, #tpu.memory_space<vmem>>
        %dma_start3A_353 = arith.constant 0 : i32
        %dma_start3A_354 = tpu.memref_slice %arg7[%dma_start3A_349, %dma_start3A_353] : memref<32x128xi32, #tpu.memory_space<vmem>> -> memref<1x128xi32, #tpu.memory_space<vmem>>
        %dma_start3A_355 = tpu.memref_squeeze %dma_start3A_354 : memref<1x128xi32, #tpu.memory_space<vmem>> -> memref<128xi32, #tpu.memory_space<vmem>>
        %dma_start3A_356 = arith.constant 0 : i32
        %dma_start3A_357 = arith.constant 0 : i32
        %dma_start3A_358 = tpu.memref_slice %arg2[%dma_start3A_356, %dma_start3A_357] : memref<100000x8xf32, #tpu.memory_space<hbm>> -> memref<100000x8xf32, #tpu.memory_space<hbm>>
        tpu.enqueue_indirect_dma source(%dma_start3A_358 : memref<100000x8xf32, #tpu.memory_space<hbm>>) target(%dma_start3A_352 : memref<128x8xf32, #tpu.memory_space<vmem>>) offsets(%dma_start3A_355 : memref<128xi32, #tpu.memory_space<vmem>>) semaphore(%arg20 : memref<!tpu.dma_semaphore, #tpu.memory_space<semaphore_mem>>)
        %dma_start3A_359 = arith.constant 15 : i32
        %dma_start3A_360 = arith.constant 896 : i32
        %dma_start3A_361 = arith.constant 0 : i32
        %dma_start3A_362 = tpu.memref_slice %arg10[%dma_start3A_360, %dma_start3A_361] : memref<2048x8xf32, #tpu.memory_space<vmem>> -> memref<128x8xf32, #tpu.memory_space<vmem>>
        %dma_start3A_363 = arith.constant 0 : i32
        %dma_start3A_364 = tpu.memref_slice %arg7[%dma_start3A_359, %dma_start3A_363] : memref<32x128xi32, #tpu.memory_space<vmem>> -> memref<1x128xi32, #tpu.memory_space<vmem>>
        %dma_start3A_365 = tpu.memref_squeeze %dma_start3A_364 : memref<1x128xi32, #tpu.memory_space<vmem>> -> memref<128xi32, #tpu.memory_space<vmem>>
        %dma_start3A_366 = arith.constant 0 : i32
        %dma_start3A_367 = arith.constant 0 : i32
        %dma_start3A_368 = tpu.memref_slice %arg2[%dma_start3A_366, %dma_start3A_367] : memref<100000x8xf32, #tpu.memory_space<hbm>> -> memref<100000x8xf32, #tpu.memory_space<hbm>>
        tpu.enqueue_indirect_dma source(%dma_start3A_368 : memref<100000x8xf32, #tpu.memory_space<hbm>>) target(%dma_start3A_362 : memref<128x8xf32, #tpu.memory_space<vmem>>) offsets(%dma_start3A_365 : memref<128xi32, #tpu.memory_space<vmem>>) semaphore(%arg20 : memref<!tpu.dma_semaphore, #tpu.memory_space<semaphore_mem>>)
        %dma_start3A_369 = arith.constant 16 : i32
        %dma_start3A_370 = arith.constant 1024 : i32
        %dma_start3A_371 = arith.constant 0 : i32
        %dma_start3A_372 = tpu.memref_slice %arg9[%dma_start3A_370, %dma_start3A_371] : memref<2048x8xf32, #tpu.memory_space<vmem>> -> memref<128x8xf32, #tpu.memory_space<vmem>>
        %dma_start3A_373 = arith.constant 0 : i32
        %dma_start3A_374 = tpu.memref_slice %arg7[%dma_start3A_369, %dma_start3A_373] : memref<32x128xi32, #tpu.memory_space<vmem>> -> memref<1x128xi32, #tpu.memory_space<vmem>>
        %dma_start3A_375 = tpu.memref_squeeze %dma_start3A_374 : memref<1x128xi32, #tpu.memory_space<vmem>> -> memref<128xi32, #tpu.memory_space<vmem>>
        %dma_start3A_376 = arith.constant 0 : i32
        %dma_start3A_377 = arith.constant 0 : i32
        %dma_start3A_378 = tpu.memref_slice %arg2[%dma_start3A_376, %dma_start3A_377] : memref<100000x8xf32, #tpu.memory_space<hbm>> -> memref<100000x8xf32, #tpu.memory_space<hbm>>
        tpu.enqueue_indirect_dma source(%dma_start3A_378 : memref<100000x8xf32, #tpu.memory_space<hbm>>) target(%dma_start3A_372 : memref<128x8xf32, #tpu.memory_space<vmem>>) offsets(%dma_start3A_375 : memref<128xi32, #tpu.memory_space<vmem>>) semaphore(%arg20 : memref<!tpu.dma_semaphore, #tpu.memory_space<semaphore_mem>>)
        %dma_start3A_379 = arith.constant 17 : i32
        %dma_start3A_380 = arith.constant 1024 : i32
        %dma_start3A_381 = arith.constant 0 : i32
        %dma_start3A_382 = tpu.memref_slice %arg10[%dma_start3A_380, %dma_start3A_381] : memref<2048x8xf32, #tpu.memory_space<vmem>> -> memref<128x8xf32, #tpu.memory_space<vmem>>
        %dma_start3A_383 = arith.constant 0 : i32
        %dma_start3A_384 = tpu.memref_slice %arg7[%dma_start3A_379, %dma_start3A_383] : memref<32x128xi32, #tpu.memory_space<vmem>> -> memref<1x128xi32, #tpu.memory_space<vmem>>
        %dma_start3A_385 = tpu.memref_squeeze %dma_start3A_384 : memref<1x128xi32, #tpu.memory_space<vmem>> -> memref<128xi32, #tpu.memory_space<vmem>>
        %dma_start3A_386 = arith.constant 0 : i32
        %dma_start3A_387 = arith.constant 0 : i32
        %dma_start3A_388 = tpu.memref_slice %arg2[%dma_start3A_386, %dma_start3A_387] : memref<100000x8xf32, #tpu.memory_space<hbm>> -> memref<100000x8xf32, #tpu.memory_space<hbm>>
        tpu.enqueue_indirect_dma source(%dma_start3A_388 : memref<100000x8xf32, #tpu.memory_space<hbm>>) target(%dma_start3A_382 : memref<128x8xf32, #tpu.memory_space<vmem>>) offsets(%dma_start3A_385 : memref<128xi32, #tpu.memory_space<vmem>>) semaphore(%arg20 : memref<!tpu.dma_semaphore, #tpu.memory_space<semaphore_mem>>)
        %dma_start3A_389 = arith.constant 18 : i32
        %dma_start3A_390 = arith.constant 1152 : i32
        %dma_start3A_391 = arith.constant 0 : i32
        %dma_start3A_392 = tpu.memref_slice %arg9[%dma_start3A_390, %dma_start3A_391] : memref<2048x8xf32, #tpu.memory_space<vmem>> -> memref<128x8xf32, #tpu.memory_space<vmem>>
        %dma_start3A_393 = arith.constant 0 : i32
        %dma_start3A_394 = tpu.memref_slice %arg7[%dma_start3A_389, %dma_start3A_393] : memref<32x128xi32, #tpu.memory_space<vmem>> -> memref<1x128xi32, #tpu.memory_space<vmem>>
        %dma_start3A_395 = tpu.memref_squeeze %dma_start3A_394 : memref<1x128xi32, #tpu.memory_space<vmem>> -> memref<128xi32, #tpu.memory_space<vmem>>
        %dma_start3A_396 = arith.constant 0 : i32
        %dma_start3A_397 = arith.constant 0 : i32
        %dma_start3A_398 = tpu.memref_slice %arg2[%dma_start3A_396, %dma_start3A_397] : memref<100000x8xf32, #tpu.memory_space<hbm>> -> memref<100000x8xf32, #tpu.memory_space<hbm>>
        tpu.enqueue_indirect_dma source(%dma_start3A_398 : memref<100000x8xf32, #tpu.memory_space<hbm>>) target(%dma_start3A_392 : memref<128x8xf32, #tpu.memory_space<vmem>>) offsets(%dma_start3A_395 : memref<128xi32, #tpu.memory_space<vmem>>) semaphore(%arg20 : memref<!tpu.dma_semaphore, #tpu.memory_space<semaphore_mem>>)
        %dma_start3A_399 = arith.constant 19 : i32
        %dma_start3A_400 = arith.constant 1152 : i32
        %dma_start3A_401 = arith.constant 0 : i32
        %dma_start3A_402 = tpu.memref_slice %arg10[%dma_start3A_400, %dma_start3A_401] : memref<2048x8xf32, #tpu.memory_space<vmem>> -> memref<128x8xf32, #tpu.memory_space<vmem>>
        %dma_start3A_403 = arith.constant 0 : i32
        %dma_start3A_404 = tpu.memref_slice %arg7[%dma_start3A_399, %dma_start3A_403] : memref<32x128xi32, #tpu.memory_space<vmem>> -> memref<1x128xi32, #tpu.memory_space<vmem>>
        %dma_start3A_405 = tpu.memref_squeeze %dma_start3A_404 : memref<1x128xi32, #tpu.memory_space<vmem>> -> memref<128xi32, #tpu.memory_space<vmem>>
        %dma_start3A_406 = arith.constant 0 : i32
        %dma_start3A_407 = arith.constant 0 : i32
        %dma_start3A_408 = tpu.memref_slice %arg2[%dma_start3A_406, %dma_start3A_407] : memref<100000x8xf32, #tpu.memory_space<hbm>> -> memref<100000x8xf32, #tpu.memory_space<hbm>>
        tpu.enqueue_indirect_dma source(%dma_start3A_408 : memref<100000x8xf32, #tpu.memory_space<hbm>>) target(%dma_start3A_402 : memref<128x8xf32, #tpu.memory_space<vmem>>) offsets(%dma_start3A_405 : memref<128xi32, #tpu.memory_space<vmem>>) semaphore(%arg20 : memref<!tpu.dma_semaphore, #tpu.memory_space<semaphore_mem>>)
        %dma_start3A_409 = arith.constant 20 : i32
        %dma_start3A_410 = arith.constant 1280 : i32
        %dma_start3A_411 = arith.constant 0 : i32
        %dma_start3A_412 = tpu.memref_slice %arg9[%dma_start3A_410, %dma_start3A_411] : memref<2048x8xf32, #tpu.memory_space<vmem>> -> memref<128x8xf32, #tpu.memory_space<vmem>>
        %dma_start3A_413 = arith.constant 0 : i32
        %dma_start3A_414 = tpu.memref_slice %arg7[%dma_start3A_409, %dma_start3A_413] : memref<32x128xi32, #tpu.memory_space<vmem>> -> memref<1x128xi32, #tpu.memory_space<vmem>>
        %dma_start3A_415 = tpu.memref_squeeze %dma_start3A_414 : memref<1x128xi32, #tpu.memory_space<vmem>> -> memref<128xi32, #tpu.memory_space<vmem>>
        %dma_start3A_416 = arith.constant 0 : i32
        %dma_start3A_417 = arith.constant 0 : i32
        %dma_start3A_418 = tpu.memref_slice %arg2[%dma_start3A_416, %dma_start3A_417] : memref<100000x8xf32, #tpu.memory_space<hbm>> -> memref<100000x8xf32, #tpu.memory_space<hbm>>
        tpu.enqueue_indirect_dma source(%dma_start3A_418 : memref<100000x8xf32, #tpu.memory_space<hbm>>) target(%dma_start3A_412 : memref<128x8xf32, #tpu.memory_space<vmem>>) offsets(%dma_start3A_415 : memref<128xi32, #tpu.memory_space<vmem>>) semaphore(%arg20 : memref<!tpu.dma_semaphore, #tpu.memory_space<semaphore_mem>>)
        %dma_start3A_419 = arith.constant 21 : i32
        %dma_start3A_420 = arith.constant 1280 : i32
        %dma_start3A_421 = arith.constant 0 : i32
        %dma_start3A_422 = tpu.memref_slice %arg10[%dma_start3A_420, %dma_start3A_421] : memref<2048x8xf32, #tpu.memory_space<vmem>> -> memref<128x8xf32, #tpu.memory_space<vmem>>
        %dma_start3A_423 = arith.constant 0 : i32
        %dma_start3A_424 = tpu.memref_slice %arg7[%dma_start3A_419, %dma_start3A_423] : memref<32x128xi32, #tpu.memory_space<vmem>> -> memref<1x128xi32, #tpu.memory_space<vmem>>
        %dma_start3A_425 = tpu.memref_squeeze %dma_start3A_424 : memref<1x128xi32, #tpu.memory_space<vmem>> -> memref<128xi32, #tpu.memory_space<vmem>>
        %dma_start3A_426 = arith.constant 0 : i32
        %dma_start3A_427 = arith.constant 0 : i32
        %dma_start3A_428 = tpu.memref_slice %arg2[%dma_start3A_426, %dma_start3A_427] : memref<100000x8xf32, #tpu.memory_space<hbm>> -> memref<100000x8xf32, #tpu.memory_space<hbm>>
        tpu.enqueue_indirect_dma source(%dma_start3A_428 : memref<100000x8xf32, #tpu.memory_space<hbm>>) target(%dma_start3A_422 : memref<128x8xf32, #tpu.memory_space<vmem>>) offsets(%dma_start3A_425 : memref<128xi32, #tpu.memory_space<vmem>>) semaphore(%arg20 : memref<!tpu.dma_semaphore, #tpu.memory_space<semaphore_mem>>)
        %dma_start3A_429 = arith.constant 22 : i32
        %dma_start3A_430 = arith.constant 1408 : i32
        %dma_start3A_431 = arith.constant 0 : i32
        %dma_start3A_432 = tpu.memref_slice %arg9[%dma_start3A_430, %dma_start3A_431] : memref<2048x8xf32, #tpu.memory_space<vmem>> -> memref<128x8xf32, #tpu.memory_space<vmem>>
        %dma_start3A_433 = arith.constant 0 : i32
        %dma_start3A_434 = tpu.memref_slice %arg7[%dma_start3A_429, %dma_start3A_433] : memref<32x128xi32, #tpu.memory_space<vmem>> -> memref<1x128xi32, #tpu.memory_space<vmem>>
        %dma_start3A_435 = tpu.memref_squeeze %dma_start3A_434 : memref<1x128xi32, #tpu.memory_space<vmem>> -> memref<128xi32, #tpu.memory_space<vmem>>
        %dma_start3A_436 = arith.constant 0 : i32
        %dma_start3A_437 = arith.constant 0 : i32
        %dma_start3A_438 = tpu.memref_slice %arg2[%dma_start3A_436, %dma_start3A_437] : memref<100000x8xf32, #tpu.memory_space<hbm>> -> memref<100000x8xf32, #tpu.memory_space<hbm>>
        tpu.enqueue_indirect_dma source(%dma_start3A_438 : memref<100000x8xf32, #tpu.memory_space<hbm>>) target(%dma_start3A_432 : memref<128x8xf32, #tpu.memory_space<vmem>>) offsets(%dma_start3A_435 : memref<128xi32, #tpu.memory_space<vmem>>) semaphore(%arg20 : memref<!tpu.dma_semaphore, #tpu.memory_space<semaphore_mem>>)
        %dma_start3A_439 = arith.constant 23 : i32
        %dma_start3A_440 = arith.constant 1408 : i32
        %dma_start3A_441 = arith.constant 0 : i32
        %dma_start3A_442 = tpu.memref_slice %arg10[%dma_start3A_440, %dma_start3A_441] : memref<2048x8xf32, #tpu.memory_space<vmem>> -> memref<128x8xf32, #tpu.memory_space<vmem>>
        %dma_start3A_443 = arith.constant 0 : i32
        %dma_start3A_444 = tpu.memref_slice %arg7[%dma_start3A_439, %dma_start3A_443] : memref<32x128xi32, #tpu.memory_space<vmem>> -> memref<1x128xi32, #tpu.memory_space<vmem>>
        %dma_start3A_445 = tpu.memref_squeeze %dma_start3A_444 : memref<1x128xi32, #tpu.memory_space<vmem>> -> memref<128xi32, #tpu.memory_space<vmem>>
        %dma_start3A_446 = arith.constant 0 : i32
        %dma_start3A_447 = arith.constant 0 : i32
        %dma_start3A_448 = tpu.memref_slice %arg2[%dma_start3A_446, %dma_start3A_447] : memref<100000x8xf32, #tpu.memory_space<hbm>> -> memref<100000x8xf32, #tpu.memory_space<hbm>>
        tpu.enqueue_indirect_dma source(%dma_start3A_448 : memref<100000x8xf32, #tpu.memory_space<hbm>>) target(%dma_start3A_442 : memref<128x8xf32, #tpu.memory_space<vmem>>) offsets(%dma_start3A_445 : memref<128xi32, #tpu.memory_space<vmem>>) semaphore(%arg20 : memref<!tpu.dma_semaphore, #tpu.memory_space<semaphore_mem>>)
        %dma_start3A_449 = arith.constant 24 : i32
        %dma_start3A_450 = arith.constant 1536 : i32
        %dma_start3A_451 = arith.constant 0 : i32
        %dma_start3A_452 = tpu.memref_slice %arg9[%dma_start3A_450, %dma_start3A_451] : memref<2048x8xf32, #tpu.memory_space<vmem>> -> memref<128x8xf32, #tpu.memory_space<vmem>>
        %dma_start3A_453 = arith.constant 0 : i32
        %dma_start3A_454 = tpu.memref_slice %arg7[%dma_start3A_449, %dma_start3A_453] : memref<32x128xi32, #tpu.memory_space<vmem>> -> memref<1x128xi32, #tpu.memory_space<vmem>>
        %dma_start3A_455 = tpu.memref_squeeze %dma_start3A_454 : memref<1x128xi32, #tpu.memory_space<vmem>> -> memref<128xi32, #tpu.memory_space<vmem>>
        %dma_start3A_456 = arith.constant 0 : i32
        %dma_start3A_457 = arith.constant 0 : i32
        %dma_start3A_458 = tpu.memref_slice %arg2[%dma_start3A_456, %dma_start3A_457] : memref<100000x8xf32, #tpu.memory_space<hbm>> -> memref<100000x8xf32, #tpu.memory_space<hbm>>
        tpu.enqueue_indirect_dma source(%dma_start3A_458 : memref<100000x8xf32, #tpu.memory_space<hbm>>) target(%dma_start3A_452 : memref<128x8xf32, #tpu.memory_space<vmem>>) offsets(%dma_start3A_455 : memref<128xi32, #tpu.memory_space<vmem>>) semaphore(%arg20 : memref<!tpu.dma_semaphore, #tpu.memory_space<semaphore_mem>>)
        %dma_start3A_459 = arith.constant 25 : i32
        %dma_start3A_460 = arith.constant 1536 : i32
        %dma_start3A_461 = arith.constant 0 : i32
        %dma_start3A_462 = tpu.memref_slice %arg10[%dma_start3A_460, %dma_start3A_461] : memref<2048x8xf32, #tpu.memory_space<vmem>> -> memref<128x8xf32, #tpu.memory_space<vmem>>
        %dma_start3A_463 = arith.constant 0 : i32
        %dma_start3A_464 = tpu.memref_slice %arg7[%dma_start3A_459, %dma_start3A_463] : memref<32x128xi32, #tpu.memory_space<vmem>> -> memref<1x128xi32, #tpu.memory_space<vmem>>
        %dma_start3A_465 = tpu.memref_squeeze %dma_start3A_464 : memref<1x128xi32, #tpu.memory_space<vmem>> -> memref<128xi32, #tpu.memory_space<vmem>>
        %dma_start3A_466 = arith.constant 0 : i32
        %dma_start3A_467 = arith.constant 0 : i32
        %dma_start3A_468 = tpu.memref_slice %arg2[%dma_start3A_466, %dma_start3A_467] : memref<100000x8xf32, #tpu.memory_space<hbm>> -> memref<100000x8xf32, #tpu.memory_space<hbm>>
        tpu.enqueue_indirect_dma source(%dma_start3A_468 : memref<100000x8xf32, #tpu.memory_space<hbm>>) target(%dma_start3A_462 : memref<128x8xf32, #tpu.memory_space<vmem>>) offsets(%dma_start3A_465 : memref<128xi32, #tpu.memory_space<vmem>>) semaphore(%arg20 : memref<!tpu.dma_semaphore, #tpu.memory_space<semaphore_mem>>)
        %dma_start3A_469 = arith.constant 26 : i32
        %dma_start3A_470 = arith.constant 1664 : i32
        %dma_start3A_471 = arith.constant 0 : i32
        %dma_start3A_472 = tpu.memref_slice %arg9[%dma_start3A_470, %dma_start3A_471] : memref<2048x8xf32, #tpu.memory_space<vmem>> -> memref<128x8xf32, #tpu.memory_space<vmem>>
        %dma_start3A_473 = arith.constant 0 : i32
        %dma_start3A_474 = tpu.memref_slice %arg7[%dma_start3A_469, %dma_start3A_473] : memref<32x128xi32, #tpu.memory_space<vmem>> -> memref<1x128xi32, #tpu.memory_space<vmem>>
        %dma_start3A_475 = tpu.memref_squeeze %dma_start3A_474 : memref<1x128xi32, #tpu.memory_space<vmem>> -> memref<128xi32, #tpu.memory_space<vmem>>
        %dma_start3A_476 = arith.constant 0 : i32
        %dma_start3A_477 = arith.constant 0 : i32
        %dma_start3A_478 = tpu.memref_slice %arg2[%dma_start3A_476, %dma_start3A_477] : memref<100000x8xf32, #tpu.memory_space<hbm>> -> memref<100000x8xf32, #tpu.memory_space<hbm>>
        tpu.enqueue_indirect_dma source(%dma_start3A_478 : memref<100000x8xf32, #tpu.memory_space<hbm>>) target(%dma_start3A_472 : memref<128x8xf32, #tpu.memory_space<vmem>>) offsets(%dma_start3A_475 : memref<128xi32, #tpu.memory_space<vmem>>) semaphore(%arg20 : memref<!tpu.dma_semaphore, #tpu.memory_space<semaphore_mem>>)
        %dma_start3A_479 = arith.constant 27 : i32
        %dma_start3A_480 = arith.constant 1664 : i32
        %dma_start3A_481 = arith.constant 0 : i32
        %dma_start3A_482 = tpu.memref_slice %arg10[%dma_start3A_480, %dma_start3A_481] : memref<2048x8xf32, #tpu.memory_space<vmem>> -> memref<128x8xf32, #tpu.memory_space<vmem>>
        %dma_start3A_483 = arith.constant 0 : i32
        %dma_start3A_484 = tpu.memref_slice %arg7[%dma_start3A_479, %dma_start3A_483] : memref<32x128xi32, #tpu.memory_space<vmem>> -> memref<1x128xi32, #tpu.memory_space<vmem>>
        %dma_start3A_485 = tpu.memref_squeeze %dma_start3A_484 : memref<1x128xi32, #tpu.memory_space<vmem>> -> memref<128xi32, #tpu.memory_space<vmem>>
        %dma_start3A_486 = arith.constant 0 : i32
        %dma_start3A_487 = arith.constant 0 : i32
        %dma_start3A_488 = tpu.memref_slice %arg2[%dma_start3A_486, %dma_start3A_487] : memref<100000x8xf32, #tpu.memory_space<hbm>> -> memref<100000x8xf32, #tpu.memory_space<hbm>>
        tpu.enqueue_indirect_dma source(%dma_start3A_488 : memref<100000x8xf32, #tpu.memory_space<hbm>>) target(%dma_start3A_482 : memref<128x8xf32, #tpu.memory_space<vmem>>) offsets(%dma_start3A_485 : memref<128xi32, #tpu.memory_space<vmem>>) semaphore(%arg20 : memref<!tpu.dma_semaphore, #tpu.memory_space<semaphore_mem>>)
        %dma_start3A_489 = arith.constant 28 : i32
        %dma_start3A_490 = arith.constant 1792 : i32
        %dma_start3A_491 = arith.constant 0 : i32
        %dma_start3A_492 = tpu.memref_slice %arg9[%dma_start3A_490, %dma_start3A_491] : memref<2048x8xf32, #tpu.memory_space<vmem>> -> memref<128x8xf32, #tpu.memory_space<vmem>>
        %dma_start3A_493 = arith.constant 0 : i32
        %dma_start3A_494 = tpu.memref_slice %arg7[%dma_start3A_489, %dma_start3A_493] : memref<32x128xi32, #tpu.memory_space<vmem>> -> memref<1x128xi32, #tpu.memory_space<vmem>>
        %dma_start3A_495 = tpu.memref_squeeze %dma_start3A_494 : memref<1x128xi32, #tpu.memory_space<vmem>> -> memref<128xi32, #tpu.memory_space<vmem>>
        %dma_start3A_496 = arith.constant 0 : i32
        %dma_start3A_497 = arith.constant 0 : i32
        %dma_start3A_498 = tpu.memref_slice %arg2[%dma_start3A_496, %dma_start3A_497] : memref<100000x8xf32, #tpu.memory_space<hbm>> -> memref<100000x8xf32, #tpu.memory_space<hbm>>
        tpu.enqueue_indirect_dma source(%dma_start3A_498 : memref<100000x8xf32, #tpu.memory_space<hbm>>) target(%dma_start3A_492 : memref<128x8xf32, #tpu.memory_space<vmem>>) offsets(%dma_start3A_495 : memref<128xi32, #tpu.memory_space<vmem>>) semaphore(%arg20 : memref<!tpu.dma_semaphore, #tpu.memory_space<semaphore_mem>>)
        %dma_start3A_499 = arith.constant 29 : i32
        %dma_start3A_500 = arith.constant 1792 : i32
        %dma_start3A_501 = arith.constant 0 : i32
        %dma_start3A_502 = tpu.memref_slice %arg10[%dma_start3A_500, %dma_start3A_501] : memref<2048x8xf32, #tpu.memory_space<vmem>> -> memref<128x8xf32, #tpu.memory_space<vmem>>
        %dma_start3A_503 = arith.constant 0 : i32
        %dma_start3A_504 = tpu.memref_slice %arg7[%dma_start3A_499, %dma_start3A_503] : memref<32x128xi32, #tpu.memory_space<vmem>> -> memref<1x128xi32, #tpu.memory_space<vmem>>
        %dma_start3A_505 = tpu.memref_squeeze %dma_start3A_504 : memref<1x128xi32, #tpu.memory_space<vmem>> -> memref<128xi32, #tpu.memory_space<vmem>>
        %dma_start3A_506 = arith.constant 0 : i32
        %dma_start3A_507 = arith.constant 0 : i32
        %dma_start3A_508 = tpu.memref_slice %arg2[%dma_start3A_506, %dma_start3A_507] : memref<100000x8xf32, #tpu.memory_space<hbm>> -> memref<100000x8xf32, #tpu.memory_space<hbm>>
        tpu.enqueue_indirect_dma source(%dma_start3A_508 : memref<100000x8xf32, #tpu.memory_space<hbm>>) target(%dma_start3A_502 : memref<128x8xf32, #tpu.memory_space<vmem>>) offsets(%dma_start3A_505 : memref<128xi32, #tpu.memory_space<vmem>>) semaphore(%arg20 : memref<!tpu.dma_semaphore, #tpu.memory_space<semaphore_mem>>)
        %dma_start3A_509 = arith.constant 30 : i32
        %dma_start3A_510 = arith.constant 1920 : i32
        %dma_start3A_511 = arith.constant 0 : i32
        %dma_start3A_512 = tpu.memref_slice %arg9[%dma_start3A_510, %dma_start3A_511] : memref<2048x8xf32, #tpu.memory_space<vmem>> -> memref<128x8xf32, #tpu.memory_space<vmem>>
        %dma_start3A_513 = arith.constant 0 : i32
        %dma_start3A_514 = tpu.memref_slice %arg7[%dma_start3A_509, %dma_start3A_513] : memref<32x128xi32, #tpu.memory_space<vmem>> -> memref<1x128xi32, #tpu.memory_space<vmem>>
        %dma_start3A_515 = tpu.memref_squeeze %dma_start3A_514 : memref<1x128xi32, #tpu.memory_space<vmem>> -> memref<128xi32, #tpu.memory_space<vmem>>
        %dma_start3A_516 = arith.constant 0 : i32
        %dma_start3A_517 = arith.constant 0 : i32
        %dma_start3A_518 = tpu.memref_slice %arg2[%dma_start3A_516, %dma_start3A_517] : memref<100000x8xf32, #tpu.memory_space<hbm>> -> memref<100000x8xf32, #tpu.memory_space<hbm>>
        tpu.enqueue_indirect_dma source(%dma_start3A_518 : memref<100000x8xf32, #tpu.memory_space<hbm>>) target(%dma_start3A_512 : memref<128x8xf32, #tpu.memory_space<vmem>>) offsets(%dma_start3A_515 : memref<128xi32, #tpu.memory_space<vmem>>) semaphore(%arg20 : memref<!tpu.dma_semaphore, #tpu.memory_space<semaphore_mem>>)
        %dma_start3A_519 = arith.constant 31 : i32
        %dma_start3A_520 = arith.constant 1920 : i32
        %dma_start3A_521 = arith.constant 0 : i32
        %dma_start3A_522 = tpu.memref_slice %arg10[%dma_start3A_520, %dma_start3A_521] : memref<2048x8xf32, #tpu.memory_space<vmem>> -> memref<128x8xf32, #tpu.memory_space<vmem>>
        %dma_start3A_523 = arith.constant 0 : i32
        %dma_start3A_524 = tpu.memref_slice %arg7[%dma_start3A_519, %dma_start3A_523] : memref<32x128xi32, #tpu.memory_space<vmem>> -> memref<1x128xi32, #tpu.memory_space<vmem>>
        %dma_start3A_525 = tpu.memref_squeeze %dma_start3A_524 : memref<1x128xi32, #tpu.memory_space<vmem>> -> memref<128xi32, #tpu.memory_space<vmem>>
        %dma_start3A_526 = arith.constant 0 : i32
        %dma_start3A_527 = arith.constant 0 : i32
        %dma_start3A_528 = tpu.memref_slice %arg2[%dma_start3A_526, %dma_start3A_527] : memref<100000x8xf32, #tpu.memory_space<hbm>> -> memref<100000x8xf32, #tpu.memory_space<hbm>>
        tpu.enqueue_indirect_dma source(%dma_start3A_528 : memref<100000x8xf32, #tpu.memory_space<hbm>>) target(%dma_start3A_522 : memref<128x8xf32, #tpu.memory_space<vmem>>) offsets(%dma_start3A_525 : memref<128xi32, #tpu.memory_space<vmem>>) semaphore(%arg20 : memref<!tpu.dma_semaphore, #tpu.memory_space<semaphore_mem>>)
      } else {
      }
      %lt3A_177 = arith.constant 3125 : i32
      %lt3A_178 = arith.cmpi slt, %add3A_159, %lt3A_177 : i32
      %convert_element_type3A_179 = arith.extui %lt3A_178 : i1 to i32
      %cond3A_180 = arith.constant 0 : i32
      %cond3A_181 = arith.cmpi ne, %convert_element_type3A_179, %cond3A_180 : i32
      scf.if %cond3A_181 {
        %mul3A_210 = arith.constant 2 : i32
        %mul3A_211 = arith.muli %add3A_159, %mul3A_210 : i32
        %mul3A_212 = arith.constant 16 : i32
        %mul3A_213 = arith.muli %mul3A_211, %mul3A_212 : i32
        %dma_start3A = arith.constant 0 : i32
        %dma_start3A_214 = tpu.memref_slice %arg3[%mul3A_213, %dma_start3A] : memref<100000x128xi32, #tpu.memory_space<hbm>> -> memref<32x128xi32, #tpu.memory_space<hbm>>
        %dma_start3A_215 = arith.constant 0 : i32
        %dma_start3A_216 = tpu.memref_slice %arg3[%mul3A_213, %dma_start3A_215] : memref<100000x128xi32, #tpu.memory_space<hbm>> -> memref<32x128xi32, #tpu.memory_space<hbm>>
        tpu.enqueue_dma source(%dma_start3A_216 : memref<32x128xi32, #tpu.memory_space<hbm>>) target(%arg8 : memref<32x128xi32, #tpu.memory_space<vmem>>) target_semaphore(%arg19 : memref<!tpu.dma_semaphore, #tpu.memory_space<semaphore_mem>>)
      } else {
      }
      %lt3A_182 = arith.constant 3125 : i32
      %lt3A_183 = arith.cmpi slt, %add3A_155, %lt3A_182 : i32
      %convert_element_type3A_184 = arith.extui %lt3A_183 : i1 to i32
      %cond3A_185 = arith.constant 0 : i32
      %cond3A_186 = arith.cmpi ne, %convert_element_type3A_184, %cond3A_185 : i32
      scf.if %cond3A_186 {
        %mul3A_210 = arith.constant 3 : i32
        %mul3A_211 = arith.muli %add3A_155, %mul3A_210 : i32
        %mul3A_212 = arith.constant 16 : i32
        %mul3A_213 = arith.muli %mul3A_211, %mul3A_212 : i32
        %dma_wait3A = arith.constant 0 : i32
        %dma_wait3A_214 = tpu.memref_slice %arg4[%mul3A_213, %dma_wait3A] : memref<150000x128xf32, #tpu.memory_space<hbm>> -> memref<48x128xf32, #tpu.memory_space<hbm>>
        %dma_wait3A_215 = arith.constant 0 : i32
        %dma_wait3A_216 = tpu.memref_slice %arg4[%mul3A_213, %dma_wait3A_215] : memref<150000x128xf32, #tpu.memory_space<hbm>> -> memref<48x128xf32, #tpu.memory_space<hbm>>
        tpu.wait_dma2 semaphore(%arg23 : memref<!tpu.dma_semaphore, #tpu.memory_space<semaphore_mem>>) src(%dma_wait3A_216 : memref<48x128xf32, #tpu.memory_space<hbm>>) dst(%arg14 : memref<48x128xf32, #tpu.memory_space<vmem>>)
      } else {
      }
      %ge3A_187 = arith.constant 0 : i32
      %ge3A_188 = arith.cmpi sge, %sub3A_161, %ge3A_187 : i32
      %lt3A_189 = arith.constant 3125 : i32
      %lt3A_190 = arith.cmpi slt, %sub3A_161, %lt3A_189 : i32
      %and3A_191 = arith.andi %ge3A_188, %lt3A_190 : i1
      %convert_element_type3A_192 = arith.extui %and3A_191 : i1 to i32
      %cond3A_193 = arith.constant 0 : i32
      %cond3A_194 = arith.cmpi ne, %convert_element_type3A_192, %cond3A_193 : i32
      scf.if %cond3A_194 {
        %mul3A_210 = arith.constant 4 : i32
        %mul3A_211 = arith.muli %sub3A_161, %mul3A_210 : i32
        %mul3A_212 = arith.constant 16 : i32
        %mul3A_213 = arith.muli %mul3A_211, %mul3A_212 : i32
        %dma_wait3A = arith.constant 0 : i32
        %dma_wait3A_214 = tpu.memref_slice %arg6[%mul3A_213, %dma_wait3A] : memref<200000x128xf32, #tpu.memory_space<hbm>> -> memref<64x128xf32, #tpu.memory_space<hbm>>
        %dma_wait3A_215 = arith.constant 0 : i32
        %dma_wait3A_216 = tpu.memref_slice %arg6[%mul3A_213, %dma_wait3A_215] : memref<200000x128xf32, #tpu.memory_space<hbm>> -> memref<64x128xf32, #tpu.memory_space<hbm>>
        tpu.wait_dma2 semaphore(%arg25 : memref<!tpu.dma_semaphore, #tpu.memory_space<semaphore_mem>>) src(%arg16 : memref<64x128xf32, #tpu.memory_space<vmem>>) dst(%dma_wait3A_216 : memref<64x128xf32, #tpu.memory_space<hbm>>)
      } else {
      }
      %lt3A_195 = arith.constant 3125 : i32
      %lt3A_196 = arith.cmpi slt, %add3A_155, %lt3A_195 : i32
      %convert_element_type3A_197 = arith.extui %lt3A_196 : i1 to i32
      %cond3A_198 = arith.constant 0 : i32
      %cond3A_199 = arith.cmpi ne, %convert_element_type3A_197, %cond3A_198 : i32
      scf.if %cond3A_199 {
        %scan3A_210 = arith.constant 0 : i32
        %scan3A_211 = arith.constant 0 : i32
        %scan3A_212 = arith.constant 16 : i32
        %scan3A_213 = arith.addi %scan3A_211, %scan3A_212 : i32
        %scan3A_214 = arith.constant 1 : i32
        scf.for %scan3A_216 = %scan3A_211 to %scan3A_213 step %scan3A_214  : i32 {
          %mul3A_217 = arith.constant 3 : i32
          %mul3A_218 = arith.muli %mul3A_217, %scan3A_216 : i32
          %mul3A_219 = arith.constant 4 : i32
          %mul3A_220 = arith.muli %mul3A_219, %scan3A_216 : i32
          %mul3A_221 = arith.constant 128 : i32
          %mul3A_222 = arith.muli %scan3A_216, %mul3A_221 : i32
          %add3A_223 = arith.constant 0 : i32
          %add3A_224 = arith.addi %mul3A_222, %add3A_223 : i32
          %add3A_225 = vector.broadcast %add3A_224 : i32 to vector<16xi32>
          %add3A_226 = arith.addi %add3A_225, %iota3A : vector<16xi32>
          %add3A_227 = arith.constant 0 : i32
          %add3A_228 = arith.addi %mul3A_218, %add3A_227 : i32
          %get3A = arith.index_cast %add3A_228 : i32 to index
          %get3A_229 = arith.constant 0 : index
          %get3A_230 = tpu.vector_load %arg14[%get3A, %get3A_229] {strides = array<i32>} : memref<48x128xf32, #tpu.memory_space<vmem>>, vector<16xf32>,
          %add3A_231 = arith.constant 1 : i32
          %add3A_232 = arith.addi %mul3A_218, %add3A_231 : i32
          %get3A_233 = arith.index_cast %add3A_232 : i32 to index
          %get3A_234 = arith.constant 0 : index
          %get3A_235 = tpu.vector_load %arg14[%get3A_233, %get3A_234] {strides = array<i32>} : memref<48x128xf32, #tpu.memory_space<vmem>>, vector<16xf32>,
          %add3A_236 = arith.constant 2 : i32
          %add3A_237 = arith.addi %mul3A_218, %add3A_236 : i32
          %get3A_238 = arith.index_cast %add3A_237 : i32 to index
          %get3A_239 = arith.constant 0 : index
          %get3A_240 = tpu.vector_load %arg14[%get3A_238, %get3A_239] {strides = array<i32>} : memref<48x128xf32, #tpu.memory_space<vmem>>, vector<16xf32>,
          %gather3A_241 = tpu.vector_load_idx %arg11[%add3A_226, %broadcast_in_dim3A_36] : memref<2048x8xf32, #tpu.memory_space<vmem>>[vector<16xi32>, vector<16xi32>], vector<16xf32>,
          %gather3A_242 = tpu.vector_load_idx %arg12[%add3A_226, %broadcast_in_dim3A_36] : memref<2048x8xf32, #tpu.memory_space<vmem>>[vector<16xi32>, vector<16xi32>], vector<16xf32>,
          %mul3A_243 = arith.mulf %get3A_230, %gather3A : vector<16xf32>
          %mul3A_244 = arith.mulf %get3A_235, %gather3A_15 : vector<16xf32>
          %add3A_245 = arith.addf %mul3A_243, %mul3A_244 : vector<16xf32>
          %mul3A_246 = arith.mulf %get3A_240, %gather3A_27 : vector<16xf32>
          %add3A_247 = arith.addf %add3A_245, %mul3A_246 : vector<16xf32>
          %sub3A_248 = arith.subf %gather3A_242, %gather3A_241 : vector<16xf32>
          %add3A_249 = arith.addf %sub3A_248, %add3A_247 : vector<16xf32>
          %add3A_250 = arith.constant 0 : i32
          %add3A_251 = arith.addi %mul3A_220, %add3A_250 : i32
          %swap3A = arith.index_cast %add3A_251 : i32 to index
          %swap3A_252 = arith.constant 0 : index
          %swap3A_253 = tpu.vector_load %arg16[%swap3A, %swap3A_252] {strides = array<i32>} : memref<64x128xf32, #tpu.memory_space<vmem>>, vector<16xf32>,
          tpu.vector_store %arg16[%swap3A, %swap3A_252], %add3A_249 {strides = array<i32>} : memref<64x128xf32, #tpu.memory_space<vmem>>, vector<16xf32>,
          %gather3A_254 = tpu.vector_load_idx %arg11[%add3A_226, %broadcast_in_dim3A_38] : memref<2048x8xf32, #tpu.memory_space<vmem>>[vector<16xi32>, vector<16xi32>], vector<16xf32>,
          %gather3A_255 = tpu.vector_load_idx %arg12[%add3A_226, %broadcast_in_dim3A_38] : memref<2048x8xf32, #tpu.memory_space<vmem>>[vector<16xi32>, vector<16xi32>], vector<16xf32>,
          %mul3A_256 = arith.mulf %get3A_230, %gather3A_7 : vector<16xf32>
          %mul3A_257 = arith.mulf %get3A_235, %gather3A_19 : vector<16xf32>
          %add3A_258 = arith.addf %mul3A_256, %mul3A_257 : vector<16xf32>
          %mul3A_259 = arith.mulf %get3A_240, %gather3A_31 : vector<16xf32>
          %add3A_260 = arith.addf %add3A_258, %mul3A_259 : vector<16xf32>
          %sub3A_261 = arith.subf %gather3A_255, %gather3A_254 : vector<16xf32>
          %add3A_262 = arith.addf %sub3A_261, %add3A_260 : vector<16xf32>
          %add3A_263 = arith.constant 1 : i32
          %add3A_264 = arith.addi %mul3A_220, %add3A_263 : i32
          %swap3A_265 = arith.index_cast %add3A_264 : i32 to index
          %swap3A_266 = arith.constant 0 : index
          %swap3A_267 = tpu.vector_load %arg16[%swap3A_265, %swap3A_266] {strides = array<i32>} : memref<64x128xf32, #tpu.memory_space<vmem>>, vector<16xf32>,
          tpu.vector_store %arg16[%swap3A_265, %swap3A_266], %add3A_262 {strides = array<i32>} : memref<64x128xf32, #tpu.memory_space<vmem>>, vector<16xf32>,
          %gather3A_268 = tpu.vector_load_idx %arg11[%add3A_226, %broadcast_in_dim3A_40] : memref<2048x8xf32, #tpu.memory_space<vmem>>[vector<16xi32>, vector<16xi32>], vector<16xf32>,
          %gather3A_269 = tpu.vector_load_idx %arg12[%add3A_226, %broadcast_in_dim3A_40] : memref<2048x8xf32, #tpu.memory_space<vmem>>[vector<16xi32>, vector<16xi32>], vector<16xf32>,
          %mul3A_270 = arith.mulf %get3A_230, %gather3A_11 : vector<16xf32>
          %mul3A_271 = arith.mulf %get3A_235, %gather3A_23 : vector<16xf32>
          %add3A_272 = arith.addf %mul3A_270, %mul3A_271 : vector<16xf32>
          %mul3A_273 = arith.mulf %get3A_240, %gather3A_35 : vector<16xf32>
          %add3A_274 = arith.addf %add3A_272, %mul3A_273 : vector<16xf32>
          %sub3A_275 = arith.subf %gather3A_269, %gather3A_268 : vector<16xf32>
          %add3A_276 = arith.addf %sub3A_275, %add3A_274 : vector<16xf32>
          %add3A_277 = arith.constant 2 : i32
          %add3A_278 = arith.addi %mul3A_220, %add3A_277 : i32
          %swap3A_279 = arith.index_cast %add3A_278 : i32 to index
          %swap3A_280 = arith.constant 0 : index
          %swap3A_281 = tpu.vector_load %arg16[%swap3A_279, %swap3A_280] {strides = array<i32>} : memref<64x128xf32, #tpu.memory_space<vmem>>, vector<16xf32>,
          tpu.vector_store %arg16[%swap3A_279, %swap3A_280], %add3A_276 {strides = array<i32>} : memref<64x128xf32, #tpu.memory_space<vmem>>, vector<16xf32>,
          %mul3A_282 = arith.constant 128 : i32
          %mul3A_283 = arith.muli %scan3A_216, %mul3A_282 : i32
          %add3A_284 = arith.constant 16 : i32
          %add3A_285 = arith.addi %mul3A_283, %add3A_284 : i32
          %add3A_286 = vector.broadcast %add3A_285 : i32 to vector<16xi32>
          %add3A_287 = arith.addi %add3A_286, %iota3A : vector<16xi32>
          %add3A_288 = arith.constant 0 : i32
          %add3A_289 = arith.addi %mul3A_218, %add3A_288 : i32
          %get3A_290 = arith.index_cast %add3A_289 : i32 to index
          %get3A_291 = arith.constant 16 : index
          %get3A_292 = tpu.vector_load %arg14[%get3A_290, %get3A_291] {strides = array<i32>} : memref<48x128xf32, #tpu.memory_space<vmem>>, vector<16xf32>,
          %add3A_293 = arith.constant 1 : i32
          %add3A_294 = arith.addi %mul3A_218, %add3A_293 : i32
          %get3A_295 = arith.index_cast %add3A_294 : i32 to index
          %get3A_296 = arith.constant 16 : index
          %get3A_297 = tpu.vector_load %arg14[%get3A_295, %get3A_296] {strides = array<i32>} : memref<48x128xf32, #tpu.memory_space<vmem>>, vector<16xf32>,
          %add3A_298 = arith.constant 2 : i32
          %add3A_299 = arith.addi %mul3A_218, %add3A_298 : i32
          %get3A_300 = arith.index_cast %add3A_299 : i32 to index
          %get3A_301 = arith.constant 16 : index
          %get3A_302 = tpu.vector_load %arg14[%get3A_300, %get3A_301] {strides = array<i32>} : memref<48x128xf32, #tpu.memory_space<vmem>>, vector<16xf32>,
          %gather3A_303 = tpu.vector_load_idx %arg11[%add3A_287, %broadcast_in_dim3A_36] : memref<2048x8xf32, #tpu.memory_space<vmem>>[vector<16xi32>, vector<16xi32>], vector<16xf32>,
          %gather3A_304 = tpu.vector_load_idx %arg12[%add3A_287, %broadcast_in_dim3A_36] : memref<2048x8xf32, #tpu.memory_space<vmem>>[vector<16xi32>, vector<16xi32>], vector<16xf32>,
          %mul3A_305 = arith.mulf %get3A_292, %gather3A : vector<16xf32>
          %mul3A_306 = arith.mulf %get3A_297, %gather3A_15 : vector<16xf32>
          %add3A_307 = arith.addf %mul3A_305, %mul3A_306 : vector<16xf32>
          %mul3A_308 = arith.mulf %get3A_302, %gather3A_27 : vector<16xf32>
          %add3A_309 = arith.addf %add3A_307, %mul3A_308 : vector<16xf32>
          %sub3A_310 = arith.subf %gather3A_304, %gather3A_303 : vector<16xf32>
          %add3A_311 = arith.addf %sub3A_310, %add3A_309 : vector<16xf32>
          %add3A_312 = arith.constant 0 : i32
          %add3A_313 = arith.addi %mul3A_220, %add3A_312 : i32
          %swap3A_314 = arith.index_cast %add3A_313 : i32 to index
          %swap3A_315 = arith.constant 16 : index
          %swap3A_316 = tpu.vector_load %arg16[%swap3A_314, %swap3A_315] {strides = array<i32>} : memref<64x128xf32, #tpu.memory_space<vmem>>, vector<16xf32>,
          tpu.vector_store %arg16[%swap3A_314, %swap3A_315], %add3A_311 {strides = array<i32>} : memref<64x128xf32, #tpu.memory_space<vmem>>, vector<16xf32>,
          %gather3A_317 = tpu.vector_load_idx %arg11[%add3A_287, %broadcast_in_dim3A_38] : memref<2048x8xf32, #tpu.memory_space<vmem>>[vector<16xi32>, vector<16xi32>], vector<16xf32>,
          %gather3A_318 = tpu.vector_load_idx %arg12[%add3A_287, %broadcast_in_dim3A_38] : memref<2048x8xf32, #tpu.memory_space<vmem>>[vector<16xi32>, vector<16xi32>], vector<16xf32>,
          %mul3A_319 = arith.mulf %get3A_292, %gather3A_7 : vector<16xf32>
          %mul3A_320 = arith.mulf %get3A_297, %gather3A_19 : vector<16xf32>
          %add3A_321 = arith.addf %mul3A_319, %mul3A_320 : vector<16xf32>
          %mul3A_322 = arith.mulf %get3A_302, %gather3A_31 : vector<16xf32>
          %add3A_323 = arith.addf %add3A_321, %mul3A_322 : vector<16xf32>
          %sub3A_324 = arith.subf %gather3A_318, %gather3A_317 : vector<16xf32>
          %add3A_325 = arith.addf %sub3A_324, %add3A_323 : vector<16xf32>
          %add3A_326 = arith.constant 1 : i32
          %add3A_327 = arith.addi %mul3A_220, %add3A_326 : i32
          %swap3A_328 = arith.index_cast %add3A_327 : i32 to index
          %swap3A_329 = arith.constant 16 : index
          %swap3A_330 = tpu.vector_load %arg16[%swap3A_328, %swap3A_329] {strides = array<i32>} : memref<64x128xf32, #tpu.memory_space<vmem>>, vector<16xf32>,
          tpu.vector_store %arg16[%swap3A_328, %swap3A_329], %add3A_325 {strides = array<i32>} : memref<64x128xf32, #tpu.memory_space<vmem>>, vector<16xf32>,
          %gather3A_331 = tpu.vector_load_idx %arg11[%add3A_287, %broadcast_in_dim3A_40] : memref<2048x8xf32, #tpu.memory_space<vmem>>[vector<16xi32>, vector<16xi32>], vector<16xf32>,
          %gather3A_332 = tpu.vector_load_idx %arg12[%add3A_287, %broadcast_in_dim3A_40] : memref<2048x8xf32, #tpu.memory_space<vmem>>[vector<16xi32>, vector<16xi32>], vector<16xf32>,
          %mul3A_333 = arith.mulf %get3A_292, %gather3A_11 : vector<16xf32>
          %mul3A_334 = arith.mulf %get3A_297, %gather3A_23 : vector<16xf32>
          %add3A_335 = arith.addf %mul3A_333, %mul3A_334 : vector<16xf32>
          %mul3A_336 = arith.mulf %get3A_302, %gather3A_35 : vector<16xf32>
          %add3A_337 = arith.addf %add3A_335, %mul3A_336 : vector<16xf32>
          %sub3A_338 = arith.subf %gather3A_332, %gather3A_331 : vector<16xf32>
          %add3A_339 = arith.addf %sub3A_338, %add3A_337 : vector<16xf32>
          %add3A_340 = arith.constant 2 : i32
          %add3A_341 = arith.addi %mul3A_220, %add3A_340 : i32
          %swap3A_342 = arith.index_cast %add3A_341 : i32 to index
          %swap3A_343 = arith.constant 16 : index
          %swap3A_344 = tpu.vector_load %arg16[%swap3A_342, %swap3A_343] {strides = array<i32>} : memref<64x128xf32, #tpu.memory_space<vmem>>, vector<16xf32>,
          tpu.vector_store %arg16[%swap3A_342, %swap3A_343], %add3A_339 {strides = array<i32>} : memref<64x128xf32, #tpu.memory_space<vmem>>, vector<16xf32>,
          %mul3A_345 = arith.constant 128 : i32
          %mul3A_346 = arith.muli %scan3A_216, %mul3A_345 : i32
          %add3A_347 = arith.constant 32 : i32
          %add3A_348 = arith.addi %mul3A_346, %add3A_347 : i32
          %add3A_349 = vector.broadcast %add3A_348 : i32 to vector<16xi32>
          %add3A_350 = arith.addi %add3A_349, %iota3A : vector<16xi32>
          %add3A_351 = arith.constant 0 : i32
          %add3A_352 = arith.addi %mul3A_218, %add3A_351 : i32
          %get3A_353 = arith.index_cast %add3A_352 : i32 to index
          %get3A_354 = arith.constant 32 : index
          %get3A_355 = tpu.vector_load %arg14[%get3A_353, %get3A_354] {strides = array<i32>} : memref<48x128xf32, #tpu.memory_space<vmem>>, vector<16xf32>,
          %add3A_356 = arith.constant 1 : i32
          %add3A_357 = arith.addi %mul3A_218, %add3A_356 : i32
          %get3A_358 = arith.index_cast %add3A_357 : i32 to index
          %get3A_359 = arith.constant 32 : index
          %get3A_360 = tpu.vector_load %arg14[%get3A_358, %get3A_359] {strides = array<i32>} : memref<48x128xf32, #tpu.memory_space<vmem>>, vector<16xf32>,
          %add3A_361 = arith.constant 2 : i32
          %add3A_362 = arith.addi %mul3A_218, %add3A_361 : i32
          %get3A_363 = arith.index_cast %add3A_362 : i32 to index
          %get3A_364 = arith.constant 32 : index
          %get3A_365 = tpu.vector_load %arg14[%get3A_363, %get3A_364] {strides = array<i32>} : memref<48x128xf32, #tpu.memory_space<vmem>>, vector<16xf32>,
          %gather3A_366 = tpu.vector_load_idx %arg11[%add3A_350, %broadcast_in_dim3A_36] : memref<2048x8xf32, #tpu.memory_space<vmem>>[vector<16xi32>, vector<16xi32>], vector<16xf32>,
          %gather3A_367 = tpu.vector_load_idx %arg12[%add3A_350, %broadcast_in_dim3A_36] : memref<2048x8xf32, #tpu.memory_space<vmem>>[vector<16xi32>, vector<16xi32>], vector<16xf32>,
          %mul3A_368 = arith.mulf %get3A_355, %gather3A : vector<16xf32>
          %mul3A_369 = arith.mulf %get3A_360, %gather3A_15 : vector<16xf32>
          %add3A_370 = arith.addf %mul3A_368, %mul3A_369 : vector<16xf32>
          %mul3A_371 = arith.mulf %get3A_365, %gather3A_27 : vector<16xf32>
          %add3A_372 = arith.addf %add3A_370, %mul3A_371 : vector<16xf32>
          %sub3A_373 = arith.subf %gather3A_367, %gather3A_366 : vector<16xf32>
          %add3A_374 = arith.addf %sub3A_373, %add3A_372 : vector<16xf32>
          %add3A_375 = arith.constant 0 : i32
          %add3A_376 = arith.addi %mul3A_220, %add3A_375 : i32
          %swap3A_377 = arith.index_cast %add3A_376 : i32 to index
          %swap3A_378 = arith.constant 32 : index
          %swap3A_379 = tpu.vector_load %arg16[%swap3A_377, %swap3A_378] {strides = array<i32>} : memref<64x128xf32, #tpu.memory_space<vmem>>, vector<16xf32>,
          tpu.vector_store %arg16[%swap3A_377, %swap3A_378], %add3A_374 {strides = array<i32>} : memref<64x128xf32, #tpu.memory_space<vmem>>, vector<16xf32>,
          %gather3A_380 = tpu.vector_load_idx %arg11[%add3A_350, %broadcast_in_dim3A_38] : memref<2048x8xf32, #tpu.memory_space<vmem>>[vector<16xi32>, vector<16xi32>], vector<16xf32>,
          %gather3A_381 = tpu.vector_load_idx %arg12[%add3A_350, %broadcast_in_dim3A_38] : memref<2048x8xf32, #tpu.memory_space<vmem>>[vector<16xi32>, vector<16xi32>], vector<16xf32>,
          %mul3A_382 = arith.mulf %get3A_355, %gather3A_7 : vector<16xf32>
          %mul3A_383 = arith.mulf %get3A_360, %gather3A_19 : vector<16xf32>
          %add3A_384 = arith.addf %mul3A_382, %mul3A_383 : vector<16xf32>
          %mul3A_385 = arith.mulf %get3A_365, %gather3A_31 : vector<16xf32>
          %add3A_386 = arith.addf %add3A_384, %mul3A_385 : vector<16xf32>
          %sub3A_387 = arith.subf %gather3A_381, %gather3A_380 : vector<16xf32>
          %add3A_388 = arith.addf %sub3A_387, %add3A_386 : vector<16xf32>
          %add3A_389 = arith.constant 1 : i32
          %add3A_390 = arith.addi %mul3A_220, %add3A_389 : i32
          %swap3A_391 = arith.index_cast %add3A_390 : i32 to index
          %swap3A_392 = arith.constant 32 : index
          %swap3A_393 = tpu.vector_load %arg16[%swap3A_391, %swap3A_392] {strides = array<i32>} : memref<64x128xf32, #tpu.memory_space<vmem>>, vector<16xf32>,
          tpu.vector_store %arg16[%swap3A_391, %swap3A_392], %add3A_388 {strides = array<i32>} : memref<64x128xf32, #tpu.memory_space<vmem>>, vector<16xf32>,
          %gather3A_394 = tpu.vector_load_idx %arg11[%add3A_350, %broadcast_in_dim3A_40] : memref<2048x8xf32, #tpu.memory_space<vmem>>[vector<16xi32>, vector<16xi32>], vector<16xf32>,
          %gather3A_395 = tpu.vector_load_idx %arg12[%add3A_350, %broadcast_in_dim3A_40] : memref<2048x8xf32, #tpu.memory_space<vmem>>[vector<16xi32>, vector<16xi32>], vector<16xf32>,
          %mul3A_396 = arith.mulf %get3A_355, %gather3A_11 : vector<16xf32>
          %mul3A_397 = arith.mulf %get3A_360, %gather3A_23 : vector<16xf32>
          %add3A_398 = arith.addf %mul3A_396, %mul3A_397 : vector<16xf32>
          %mul3A_399 = arith.mulf %get3A_365, %gather3A_35 : vector<16xf32>
          %add3A_400 = arith.addf %add3A_398, %mul3A_399 : vector<16xf32>
          %sub3A_401 = arith.subf %gather3A_395, %gather3A_394 : vector<16xf32>
          %add3A_402 = arith.addf %sub3A_401, %add3A_400 : vector<16xf32>
          %add3A_403 = arith.constant 2 : i32
          %add3A_404 = arith.addi %mul3A_220, %add3A_403 : i32
          %swap3A_405 = arith.index_cast %add3A_404 : i32 to index
          %swap3A_406 = arith.constant 32 : index
          %swap3A_407 = tpu.vector_load %arg16[%swap3A_405, %swap3A_406] {strides = array<i32>} : memref<64x128xf32, #tpu.memory_space<vmem>>, vector<16xf32>,
          tpu.vector_store %arg16[%swap3A_405, %swap3A_406], %add3A_402 {strides = array<i32>} : memref<64x128xf32, #tpu.memory_space<vmem>>, vector<16xf32>,
          %mul3A_408 = arith.constant 128 : i32
          %mul3A_409 = arith.muli %scan3A_216, %mul3A_408 : i32
          %add3A_410 = arith.constant 48 : i32
          %add3A_411 = arith.addi %mul3A_409, %add3A_410 : i32
          %add3A_412 = vector.broadcast %add3A_411 : i32 to vector<16xi32>
          %add3A_413 = arith.addi %add3A_412, %iota3A : vector<16xi32>
          %add3A_414 = arith.constant 0 : i32
          %add3A_415 = arith.addi %mul3A_218, %add3A_414 : i32
          %get3A_416 = arith.index_cast %add3A_415 : i32 to index
          %get3A_417 = arith.constant 48 : index
          %get3A_418 = tpu.vector_load %arg14[%get3A_416, %get3A_417] {strides = array<i32>} : memref<48x128xf32, #tpu.memory_space<vmem>>, vector<16xf32>,
          %add3A_419 = arith.constant 1 : i32
          %add3A_420 = arith.addi %mul3A_218, %add3A_419 : i32
          %get3A_421 = arith.index_cast %add3A_420 : i32 to index
          %get3A_422 = arith.constant 48 : index
          %get3A_423 = tpu.vector_load %arg14[%get3A_421, %get3A_422] {strides = array<i32>} : memref<48x128xf32, #tpu.memory_space<vmem>>, vector<16xf32>,
          %add3A_424 = arith.constant 2 : i32
          %add3A_425 = arith.addi %mul3A_218, %add3A_424 : i32
          %get3A_426 = arith.index_cast %add3A_425 : i32 to index
          %get3A_427 = arith.constant 48 : index
          %get3A_428 = tpu.vector_load %arg14[%get3A_426, %get3A_427] {strides = array<i32>} : memref<48x128xf32, #tpu.memory_space<vmem>>, vector<16xf32>,
          %gather3A_429 = tpu.vector_load_idx %arg11[%add3A_413, %broadcast_in_dim3A_36] : memref<2048x8xf32, #tpu.memory_space<vmem>>[vector<16xi32>, vector<16xi32>], vector<16xf32>,
          %gather3A_430 = tpu.vector_load_idx %arg12[%add3A_413, %broadcast_in_dim3A_36] : memref<2048x8xf32, #tpu.memory_space<vmem>>[vector<16xi32>, vector<16xi32>], vector<16xf32>,
          %mul3A_431 = arith.mulf %get3A_418, %gather3A : vector<16xf32>
          %mul3A_432 = arith.mulf %get3A_423, %gather3A_15 : vector<16xf32>
          %add3A_433 = arith.addf %mul3A_431, %mul3A_432 : vector<16xf32>
          %mul3A_434 = arith.mulf %get3A_428, %gather3A_27 : vector<16xf32>
          %add3A_435 = arith.addf %add3A_433, %mul3A_434 : vector<16xf32>
          %sub3A_436 = arith.subf %gather3A_430, %gather3A_429 : vector<16xf32>
          %add3A_437 = arith.addf %sub3A_436, %add3A_435 : vector<16xf32>
          %add3A_438 = arith.constant 0 : i32
          %add3A_439 = arith.addi %mul3A_220, %add3A_438 : i32
          %swap3A_440 = arith.index_cast %add3A_439 : i32 to index
          %swap3A_441 = arith.constant 48 : index
          %swap3A_442 = tpu.vector_load %arg16[%swap3A_440, %swap3A_441] {strides = array<i32>} : memref<64x128xf32, #tpu.memory_space<vmem>>, vector<16xf32>,
          tpu.vector_store %arg16[%swap3A_440, %swap3A_441], %add3A_437 {strides = array<i32>} : memref<64x128xf32, #tpu.memory_space<vmem>>, vector<16xf32>,
          %gather3A_443 = tpu.vector_load_idx %arg11[%add3A_413, %broadcast_in_dim3A_38] : memref<2048x8xf32, #tpu.memory_space<vmem>>[vector<16xi32>, vector<16xi32>], vector<16xf32>,
          %gather3A_444 = tpu.vector_load_idx %arg12[%add3A_413, %broadcast_in_dim3A_38] : memref<2048x8xf32, #tpu.memory_space<vmem>>[vector<16xi32>, vector<16xi32>], vector<16xf32>,
          %mul3A_445 = arith.mulf %get3A_418, %gather3A_7 : vector<16xf32>
          %mul3A_446 = arith.mulf %get3A_423, %gather3A_19 : vector<16xf32>
          %add3A_447 = arith.addf %mul3A_445, %mul3A_446 : vector<16xf32>
          %mul3A_448 = arith.mulf %get3A_428, %gather3A_31 : vector<16xf32>
          %add3A_449 = arith.addf %add3A_447, %mul3A_448 : vector<16xf32>
          %sub3A_450 = arith.subf %gather3A_444, %gather3A_443 : vector<16xf32>
          %add3A_451 = arith.addf %sub3A_450, %add3A_449 : vector<16xf32>
          %add3A_452 = arith.constant 1 : i32
          %add3A_453 = arith.addi %mul3A_220, %add3A_452 : i32
          %swap3A_454 = arith.index_cast %add3A_453 : i32 to index
          %swap3A_455 = arith.constant 48 : index
          %swap3A_456 = tpu.vector_load %arg16[%swap3A_454, %swap3A_455] {strides = array<i32>} : memref<64x128xf32, #tpu.memory_space<vmem>>, vector<16xf32>,
          tpu.vector_store %arg16[%swap3A_454, %swap3A_455], %add3A_451 {strides = array<i32>} : memref<64x128xf32, #tpu.memory_space<vmem>>, vector<16xf32>,
          %gather3A_457 = tpu.vector_load_idx %arg11[%add3A_413, %broadcast_in_dim3A_40] : memref<2048x8xf32, #tpu.memory_space<vmem>>[vector<16xi32>, vector<16xi32>], vector<16xf32>,
          %gather3A_458 = tpu.vector_load_idx %arg12[%add3A_413, %broadcast_in_dim3A_40] : memref<2048x8xf32, #tpu.memory_space<vmem>>[vector<16xi32>, vector<16xi32>], vector<16xf32>,
          %mul3A_459 = arith.mulf %get3A_418, %gather3A_11 : vector<16xf32>
          %mul3A_460 = arith.mulf %get3A_423, %gather3A_23 : vector<16xf32>
          %add3A_461 = arith.addf %mul3A_459, %mul3A_460 : vector<16xf32>
          %mul3A_462 = arith.mulf %get3A_428, %gather3A_35 : vector<16xf32>
          %add3A_463 = arith.addf %add3A_461, %mul3A_462 : vector<16xf32>
          %sub3A_464 = arith.subf %gather3A_458, %gather3A_457 : vector<16xf32>
          %add3A_465 = arith.addf %sub3A_464, %add3A_463 : vector<16xf32>
          %add3A_466 = arith.constant 2 : i32
          %add3A_467 = arith.addi %mul3A_220, %add3A_466 : i32
          %swap3A_468 = arith.index_cast %add3A_467 : i32 to index
          %swap3A_469 = arith.constant 48 : index
          %swap3A_470 = tpu.vector_load %arg16[%swap3A_468, %swap3A_469] {strides = array<i32>} : memref<64x128xf32, #tpu.memory_space<vmem>>, vector<16xf32>,
          tpu.vector_store %arg16[%swap3A_468, %swap3A_469], %add3A_465 {strides = array<i32>} : memref<64x128xf32, #tpu.memory_space<vmem>>, vector<16xf32>,
          %mul3A_471 = arith.constant 128 : i32
          %mul3A_472 = arith.muli %scan3A_216, %mul3A_471 : i32
          %add3A_473 = arith.constant 64 : i32
          %add3A_474 = arith.addi %mul3A_472, %add3A_473 : i32
          %add3A_475 = vector.broadcast %add3A_474 : i32 to vector<16xi32>
          %add3A_476 = arith.addi %add3A_475, %iota3A : vector<16xi32>
          %add3A_477 = arith.constant 0 : i32
          %add3A_478 = arith.addi %mul3A_218, %add3A_477 : i32
          %get3A_479 = arith.index_cast %add3A_478 : i32 to index
          %get3A_480 = arith.constant 64 : index
          %get3A_481 = tpu.vector_load %arg14[%get3A_479, %get3A_480] {strides = array<i32>} : memref<48x128xf32, #tpu.memory_space<vmem>>, vector<16xf32>,
          %add3A_482 = arith.constant 1 : i32
          %add3A_483 = arith.addi %mul3A_218, %add3A_482 : i32
          %get3A_484 = arith.index_cast %add3A_483 : i32 to index
          %get3A_485 = arith.constant 64 : index
          %get3A_486 = tpu.vector_load %arg14[%get3A_484, %get3A_485] {strides = array<i32>} : memref<48x128xf32, #tpu.memory_space<vmem>>, vector<16xf32>,
          %add3A_487 = arith.constant 2 : i32
          %add3A_488 = arith.addi %mul3A_218, %add3A_487 : i32
          %get3A_489 = arith.index_cast %add3A_488 : i32 to index
          %get3A_490 = arith.constant 64 : index
          %get3A_491 = tpu.vector_load %arg14[%get3A_489, %get3A_490] {strides = array<i32>} : memref<48x128xf32, #tpu.memory_space<vmem>>, vector<16xf32>,
          %gather3A_492 = tpu.vector_load_idx %arg11[%add3A_476, %broadcast_in_dim3A_36] : memref<2048x8xf32, #tpu.memory_space<vmem>>[vector<16xi32>, vector<16xi32>], vector<16xf32>,
          %gather3A_493 = tpu.vector_load_idx %arg12[%add3A_476, %broadcast_in_dim3A_36] : memref<2048x8xf32, #tpu.memory_space<vmem>>[vector<16xi32>, vector<16xi32>], vector<16xf32>,
          %mul3A_494 = arith.mulf %get3A_481, %gather3A : vector<16xf32>
          %mul3A_495 = arith.mulf %get3A_486, %gather3A_15 : vector<16xf32>
          %add3A_496 = arith.addf %mul3A_494, %mul3A_495 : vector<16xf32>
          %mul3A_497 = arith.mulf %get3A_491, %gather3A_27 : vector<16xf32>
          %add3A_498 = arith.addf %add3A_496, %mul3A_497 : vector<16xf32>
          %sub3A_499 = arith.subf %gather3A_493, %gather3A_492 : vector<16xf32>
          %add3A_500 = arith.addf %sub3A_499, %add3A_498 : vector<16xf32>
          %add3A_501 = arith.constant 0 : i32
          %add3A_502 = arith.addi %mul3A_220, %add3A_501 : i32
          %swap3A_503 = arith.index_cast %add3A_502 : i32 to index
          %swap3A_504 = arith.constant 64 : index
          %swap3A_505 = tpu.vector_load %arg16[%swap3A_503, %swap3A_504] {strides = array<i32>} : memref<64x128xf32, #tpu.memory_space<vmem>>, vector<16xf32>,
          tpu.vector_store %arg16[%swap3A_503, %swap3A_504], %add3A_500 {strides = array<i32>} : memref<64x128xf32, #tpu.memory_space<vmem>>, vector<16xf32>,
          %gather3A_506 = tpu.vector_load_idx %arg11[%add3A_476, %broadcast_in_dim3A_38] : memref<2048x8xf32, #tpu.memory_space<vmem>>[vector<16xi32>, vector<16xi32>], vector<16xf32>,
          %gather3A_507 = tpu.vector_load_idx %arg12[%add3A_476, %broadcast_in_dim3A_38] : memref<2048x8xf32, #tpu.memory_space<vmem>>[vector<16xi32>, vector<16xi32>], vector<16xf32>,
          %mul3A_508 = arith.mulf %get3A_481, %gather3A_7 : vector<16xf32>
          %mul3A_509 = arith.mulf %get3A_486, %gather3A_19 : vector<16xf32>
          %add3A_510 = arith.addf %mul3A_508, %mul3A_509 : vector<16xf32>
          %mul3A_511 = arith.mulf %get3A_491, %gather3A_31 : vector<16xf32>
          %add3A_512 = arith.addf %add3A_510, %mul3A_511 : vector<16xf32>
          %sub3A_513 = arith.subf %gather3A_507, %gather3A_506 : vector<16xf32>
          %add3A_514 = arith.addf %sub3A_513, %add3A_512 : vector<16xf32>
          %add3A_515 = arith.constant 1 : i32
          %add3A_516 = arith.addi %mul3A_220, %add3A_515 : i32
          %swap3A_517 = arith.index_cast %add3A_516 : i32 to index
          %swap3A_518 = arith.constant 64 : index
          %swap3A_519 = tpu.vector_load %arg16[%swap3A_517, %swap3A_518] {strides = array<i32>} : memref<64x128xf32, #tpu.memory_space<vmem>>, vector<16xf32>,
          tpu.vector_store %arg16[%swap3A_517, %swap3A_518], %add3A_514 {strides = array<i32>} : memref<64x128xf32, #tpu.memory_space<vmem>>, vector<16xf32>,
          %gather3A_520 = tpu.vector_load_idx %arg11[%add3A_476, %broadcast_in_dim3A_40] : memref<2048x8xf32, #tpu.memory_space<vmem>>[vector<16xi32>, vector<16xi32>], vector<16xf32>,
          %gather3A_521 = tpu.vector_load_idx %arg12[%add3A_476, %broadcast_in_dim3A_40] : memref<2048x8xf32, #tpu.memory_space<vmem>>[vector<16xi32>, vector<16xi32>], vector<16xf32>,
          %mul3A_522 = arith.mulf %get3A_481, %gather3A_11 : vector<16xf32>
          %mul3A_523 = arith.mulf %get3A_486, %gather3A_23 : vector<16xf32>
          %add3A_524 = arith.addf %mul3A_522, %mul3A_523 : vector<16xf32>
          %mul3A_525 = arith.mulf %get3A_491, %gather3A_35 : vector<16xf32>
          %add3A_526 = arith.addf %add3A_524, %mul3A_525 : vector<16xf32>
          %sub3A_527 = arith.subf %gather3A_521, %gather3A_520 : vector<16xf32>
          %add3A_528 = arith.addf %sub3A_527, %add3A_526 : vector<16xf32>
          %add3A_529 = arith.constant 2 : i32
          %add3A_530 = arith.addi %mul3A_220, %add3A_529 : i32
          %swap3A_531 = arith.index_cast %add3A_530 : i32 to index
          %swap3A_532 = arith.constant 64 : index
          %swap3A_533 = tpu.vector_load %arg16[%swap3A_531, %swap3A_532] {strides = array<i32>} : memref<64x128xf32, #tpu.memory_space<vmem>>, vector<16xf32>,
          tpu.vector_store %arg16[%swap3A_531, %swap3A_532], %add3A_528 {strides = array<i32>} : memref<64x128xf32, #tpu.memory_space<vmem>>, vector<16xf32>,
          %mul3A_534 = arith.constant 128 : i32
          %mul3A_535 = arith.muli %scan3A_216, %mul3A_534 : i32
          %add3A_536 = arith.constant 80 : i32
          %add3A_537 = arith.addi %mul3A_535, %add3A_536 : i32
          %add3A_538 = vector.broadcast %add3A_537 : i32 to vector<16xi32>
          %add3A_539 = arith.addi %add3A_538, %iota3A : vector<16xi32>
          %add3A_540 = arith.constant 0 : i32
          %add3A_541 = arith.addi %mul3A_218, %add3A_540 : i32
          %get3A_542 = arith.index_cast %add3A_541 : i32 to index
          %get3A_543 = arith.constant 80 : index
          %get3A_544 = tpu.vector_load %arg14[%get3A_542, %get3A_543] {strides = array<i32>} : memref<48x128xf32, #tpu.memory_space<vmem>>, vector<16xf32>,
          %add3A_545 = arith.constant 1 : i32
          %add3A_546 = arith.addi %mul3A_218, %add3A_545 : i32
          %get3A_547 = arith.index_cast %add3A_546 : i32 to index
          %get3A_548 = arith.constant 80 : index
          %get3A_549 = tpu.vector_load %arg14[%get3A_547, %get3A_548] {strides = array<i32>} : memref<48x128xf32, #tpu.memory_space<vmem>>, vector<16xf32>,
          %add3A_550 = arith.constant 2 : i32
          %add3A_551 = arith.addi %mul3A_218, %add3A_550 : i32
          %get3A_552 = arith.index_cast %add3A_551 : i32 to index
          %get3A_553 = arith.constant 80 : index
          %get3A_554 = tpu.vector_load %arg14[%get3A_552, %get3A_553] {strides = array<i32>} : memref<48x128xf32, #tpu.memory_space<vmem>>, vector<16xf32>,
          %gather3A_555 = tpu.vector_load_idx %arg11[%add3A_539, %broadcast_in_dim3A_36] : memref<2048x8xf32, #tpu.memory_space<vmem>>[vector<16xi32>, vector<16xi32>], vector<16xf32>,
          %gather3A_556 = tpu.vector_load_idx %arg12[%add3A_539, %broadcast_in_dim3A_36] : memref<2048x8xf32, #tpu.memory_space<vmem>>[vector<16xi32>, vector<16xi32>], vector<16xf32>,
          %mul3A_557 = arith.mulf %get3A_544, %gather3A : vector<16xf32>
          %mul3A_558 = arith.mulf %get3A_549, %gather3A_15 : vector<16xf32>
          %add3A_559 = arith.addf %mul3A_557, %mul3A_558 : vector<16xf32>
          %mul3A_560 = arith.mulf %get3A_554, %gather3A_27 : vector<16xf32>
          %add3A_561 = arith.addf %add3A_559, %mul3A_560 : vector<16xf32>
          %sub3A_562 = arith.subf %gather3A_556, %gather3A_555 : vector<16xf32>
          %add3A_563 = arith.addf %sub3A_562, %add3A_561 : vector<16xf32>
          %add3A_564 = arith.constant 0 : i32
          %add3A_565 = arith.addi %mul3A_220, %add3A_564 : i32
          %swap3A_566 = arith.index_cast %add3A_565 : i32 to index
          %swap3A_567 = arith.constant 80 : index
          %swap3A_568 = tpu.vector_load %arg16[%swap3A_566, %swap3A_567] {strides = array<i32>} : memref<64x128xf32, #tpu.memory_space<vmem>>, vector<16xf32>,
          tpu.vector_store %arg16[%swap3A_566, %swap3A_567], %add3A_563 {strides = array<i32>} : memref<64x128xf32, #tpu.memory_space<vmem>>, vector<16xf32>,
          %gather3A_569 = tpu.vector_load_idx %arg11[%add3A_539, %broadcast_in_dim3A_38] : memref<2048x8xf32, #tpu.memory_space<vmem>>[vector<16xi32>, vector<16xi32>], vector<16xf32>,
          %gather3A_570 = tpu.vector_load_idx %arg12[%add3A_539, %broadcast_in_dim3A_38] : memref<2048x8xf32, #tpu.memory_space<vmem>>[vector<16xi32>, vector<16xi32>], vector<16xf32>,
          %mul3A_571 = arith.mulf %get3A_544, %gather3A_7 : vector<16xf32>
          %mul3A_572 = arith.mulf %get3A_549, %gather3A_19 : vector<16xf32>
          %add3A_573 = arith.addf %mul3A_571, %mul3A_572 : vector<16xf32>
          %mul3A_574 = arith.mulf %get3A_554, %gather3A_31 : vector<16xf32>
          %add3A_575 = arith.addf %add3A_573, %mul3A_574 : vector<16xf32>
          %sub3A_576 = arith.subf %gather3A_570, %gather3A_569 : vector<16xf32>
          %add3A_577 = arith.addf %sub3A_576, %add3A_575 : vector<16xf32>
          %add3A_578 = arith.constant 1 : i32
          %add3A_579 = arith.addi %mul3A_220, %add3A_578 : i32
          %swap3A_580 = arith.index_cast %add3A_579 : i32 to index
          %swap3A_581 = arith.constant 80 : index
          %swap3A_582 = tpu.vector_load %arg16[%swap3A_580, %swap3A_581] {strides = array<i32>} : memref<64x128xf32, #tpu.memory_space<vmem>>, vector<16xf32>,
          tpu.vector_store %arg16[%swap3A_580, %swap3A_581], %add3A_577 {strides = array<i32>} : memref<64x128xf32, #tpu.memory_space<vmem>>, vector<16xf32>,
          %gather3A_583 = tpu.vector_load_idx %arg11[%add3A_539, %broadcast_in_dim3A_40] : memref<2048x8xf32, #tpu.memory_space<vmem>>[vector<16xi32>, vector<16xi32>], vector<16xf32>,
          %gather3A_584 = tpu.vector_load_idx %arg12[%add3A_539, %broadcast_in_dim3A_40] : memref<2048x8xf32, #tpu.memory_space<vmem>>[vector<16xi32>, vector<16xi32>], vector<16xf32>,
          %mul3A_585 = arith.mulf %get3A_544, %gather3A_11 : vector<16xf32>
          %mul3A_586 = arith.mulf %get3A_549, %gather3A_23 : vector<16xf32>
          %add3A_587 = arith.addf %mul3A_585, %mul3A_586 : vector<16xf32>
          %mul3A_588 = arith.mulf %get3A_554, %gather3A_35 : vector<16xf32>
          %add3A_589 = arith.addf %add3A_587, %mul3A_588 : vector<16xf32>
          %sub3A_590 = arith.subf %gather3A_584, %gather3A_583 : vector<16xf32>
          %add3A_591 = arith.addf %sub3A_590, %add3A_589 : vector<16xf32>
          %add3A_592 = arith.constant 2 : i32
          %add3A_593 = arith.addi %mul3A_220, %add3A_592 : i32
          %swap3A_594 = arith.index_cast %add3A_593 : i32 to index
          %swap3A_595 = arith.constant 80 : index
          %swap3A_596 = tpu.vector_load %arg16[%swap3A_594, %swap3A_595] {strides = array<i32>} : memref<64x128xf32, #tpu.memory_space<vmem>>, vector<16xf32>,
          tpu.vector_store %arg16[%swap3A_594, %swap3A_595], %add3A_591 {strides = array<i32>} : memref<64x128xf32, #tpu.memory_space<vmem>>, vector<16xf32>,
          %mul3A_597 = arith.constant 128 : i32
          %mul3A_598 = arith.muli %scan3A_216, %mul3A_597 : i32
          %add3A_599 = arith.constant 96 : i32
          %add3A_600 = arith.addi %mul3A_598, %add3A_599 : i32
          %add3A_601 = vector.broadcast %add3A_600 : i32 to vector<16xi32>
          %add3A_602 = arith.addi %add3A_601, %iota3A : vector<16xi32>
          %add3A_603 = arith.constant 0 : i32
          %add3A_604 = arith.addi %mul3A_218, %add3A_603 : i32
          %get3A_605 = arith.index_cast %add3A_604 : i32 to index
          %get3A_606 = arith.constant 96 : index
          %get3A_607 = tpu.vector_load %arg14[%get3A_605, %get3A_606] {strides = array<i32>} : memref<48x128xf32, #tpu.memory_space<vmem>>, vector<16xf32>,
          %add3A_608 = arith.constant 1 : i32
          %add3A_609 = arith.addi %mul3A_218, %add3A_608 : i32
          %get3A_610 = arith.index_cast %add3A_609 : i32 to index
          %get3A_611 = arith.constant 96 : index
          %get3A_612 = tpu.vector_load %arg14[%get3A_610, %get3A_611] {strides = array<i32>} : memref<48x128xf32, #tpu.memory_space<vmem>>, vector<16xf32>,
          %add3A_613 = arith.constant 2 : i32
          %add3A_614 = arith.addi %mul3A_218, %add3A_613 : i32
          %get3A_615 = arith.index_cast %add3A_614 : i32 to index
          %get3A_616 = arith.constant 96 : index
          %get3A_617 = tpu.vector_load %arg14[%get3A_615, %get3A_616] {strides = array<i32>} : memref<48x128xf32, #tpu.memory_space<vmem>>, vector<16xf32>,
          %gather3A_618 = tpu.vector_load_idx %arg11[%add3A_602, %broadcast_in_dim3A_36] : memref<2048x8xf32, #tpu.memory_space<vmem>>[vector<16xi32>, vector<16xi32>], vector<16xf32>,
          %gather3A_619 = tpu.vector_load_idx %arg12[%add3A_602, %broadcast_in_dim3A_36] : memref<2048x8xf32, #tpu.memory_space<vmem>>[vector<16xi32>, vector<16xi32>], vector<16xf32>,
          %mul3A_620 = arith.mulf %get3A_607, %gather3A : vector<16xf32>
          %mul3A_621 = arith.mulf %get3A_612, %gather3A_15 : vector<16xf32>
          %add3A_622 = arith.addf %mul3A_620, %mul3A_621 : vector<16xf32>
          %mul3A_623 = arith.mulf %get3A_617, %gather3A_27 : vector<16xf32>
          %add3A_624 = arith.addf %add3A_622, %mul3A_623 : vector<16xf32>
          %sub3A_625 = arith.subf %gather3A_619, %gather3A_618 : vector<16xf32>
          %add3A_626 = arith.addf %sub3A_625, %add3A_624 : vector<16xf32>
          %add3A_627 = arith.constant 0 : i32
          %add3A_628 = arith.addi %mul3A_220, %add3A_627 : i32
          %swap3A_629 = arith.index_cast %add3A_628 : i32 to index
          %swap3A_630 = arith.constant 96 : index
          %swap3A_631 = tpu.vector_load %arg16[%swap3A_629, %swap3A_630] {strides = array<i32>} : memref<64x128xf32, #tpu.memory_space<vmem>>, vector<16xf32>,
          tpu.vector_store %arg16[%swap3A_629, %swap3A_630], %add3A_626 {strides = array<i32>} : memref<64x128xf32, #tpu.memory_space<vmem>>, vector<16xf32>,
          %gather3A_632 = tpu.vector_load_idx %arg11[%add3A_602, %broadcast_in_dim3A_38] : memref<2048x8xf32, #tpu.memory_space<vmem>>[vector<16xi32>, vector<16xi32>], vector<16xf32>,
          %gather3A_633 = tpu.vector_load_idx %arg12[%add3A_602, %broadcast_in_dim3A_38] : memref<2048x8xf32, #tpu.memory_space<vmem>>[vector<16xi32>, vector<16xi32>], vector<16xf32>,
          %mul3A_634 = arith.mulf %get3A_607, %gather3A_7 : vector<16xf32>
          %mul3A_635 = arith.mulf %get3A_612, %gather3A_19 : vector<16xf32>
          %add3A_636 = arith.addf %mul3A_634, %mul3A_635 : vector<16xf32>
          %mul3A_637 = arith.mulf %get3A_617, %gather3A_31 : vector<16xf32>
          %add3A_638 = arith.addf %add3A_636, %mul3A_637 : vector<16xf32>
          %sub3A_639 = arith.subf %gather3A_633, %gather3A_632 : vector<16xf32>
          %add3A_640 = arith.addf %sub3A_639, %add3A_638 : vector<16xf32>
          %add3A_641 = arith.constant 1 : i32
          %add3A_642 = arith.addi %mul3A_220, %add3A_641 : i32
          %swap3A_643 = arith.index_cast %add3A_642 : i32 to index
          %swap3A_644 = arith.constant 96 : index
          %swap3A_645 = tpu.vector_load %arg16[%swap3A_643, %swap3A_644] {strides = array<i32>} : memref<64x128xf32, #tpu.memory_space<vmem>>, vector<16xf32>,
          tpu.vector_store %arg16[%swap3A_643, %swap3A_644], %add3A_640 {strides = array<i32>} : memref<64x128xf32, #tpu.memory_space<vmem>>, vector<16xf32>,
          %gather3A_646 = tpu.vector_load_idx %arg11[%add3A_602, %broadcast_in_dim3A_40] : memref<2048x8xf32, #tpu.memory_space<vmem>>[vector<16xi32>, vector<16xi32>], vector<16xf32>,
          %gather3A_647 = tpu.vector_load_idx %arg12[%add3A_602, %broadcast_in_dim3A_40] : memref<2048x8xf32, #tpu.memory_space<vmem>>[vector<16xi32>, vector<16xi32>], vector<16xf32>,
          %mul3A_648 = arith.mulf %get3A_607, %gather3A_11 : vector<16xf32>
          %mul3A_649 = arith.mulf %get3A_612, %gather3A_23 : vector<16xf32>
          %add3A_650 = arith.addf %mul3A_648, %mul3A_649 : vector<16xf32>
          %mul3A_651 = arith.mulf %get3A_617, %gather3A_35 : vector<16xf32>
          %add3A_652 = arith.addf %add3A_650, %mul3A_651 : vector<16xf32>
          %sub3A_653 = arith.subf %gather3A_647, %gather3A_646 : vector<16xf32>
          %add3A_654 = arith.addf %sub3A_653, %add3A_652 : vector<16xf32>
          %add3A_655 = arith.constant 2 : i32
          %add3A_656 = arith.addi %mul3A_220, %add3A_655 : i32
          %swap3A_657 = arith.index_cast %add3A_656 : i32 to index
          %swap3A_658 = arith.constant 96 : index
          %swap3A_659 = tpu.vector_load %arg16[%swap3A_657, %swap3A_658] {strides = array<i32>} : memref<64x128xf32, #tpu.memory_space<vmem>>, vector<16xf32>,
          tpu.vector_store %arg16[%swap3A_657, %swap3A_658], %add3A_654 {strides = array<i32>} : memref<64x128xf32, #tpu.memory_space<vmem>>, vector<16xf32>,
          %mul3A_660 = arith.constant 128 : i32
          %mul3A_661 = arith.muli %scan3A_216, %mul3A_660 : i32
          %add3A_662 = arith.constant 112 : i32
          %add3A_663 = arith.addi %mul3A_661, %add3A_662 : i32
          %add3A_664 = vector.broadcast %add3A_663 : i32 to vector<16xi32>
          %add3A_665 = arith.addi %add3A_664, %iota3A : vector<16xi32>
          %add3A_666 = arith.constant 0 : i32
          %add3A_667 = arith.addi %mul3A_218, %add3A_666 : i32
          %get3A_668 = arith.index_cast %add3A_667 : i32 to index
          %get3A_669 = arith.constant 112 : index
          %get3A_670 = tpu.vector_load %arg14[%get3A_668, %get3A_669] {strides = array<i32>} : memref<48x128xf32, #tpu.memory_space<vmem>>, vector<16xf32>,
          %add3A_671 = arith.constant 1 : i32
          %add3A_672 = arith.addi %mul3A_218, %add3A_671 : i32
          %get3A_673 = arith.index_cast %add3A_672 : i32 to index
          %get3A_674 = arith.constant 112 : index
          %get3A_675 = tpu.vector_load %arg14[%get3A_673, %get3A_674] {strides = array<i32>} : memref<48x128xf32, #tpu.memory_space<vmem>>, vector<16xf32>,
          %add3A_676 = arith.constant 2 : i32
          %add3A_677 = arith.addi %mul3A_218, %add3A_676 : i32
          %get3A_678 = arith.index_cast %add3A_677 : i32 to index
          %get3A_679 = arith.constant 112 : index
          %get3A_680 = tpu.vector_load %arg14[%get3A_678, %get3A_679] {strides = array<i32>} : memref<48x128xf32, #tpu.memory_space<vmem>>, vector<16xf32>,
          %gather3A_681 = tpu.vector_load_idx %arg11[%add3A_665, %broadcast_in_dim3A_36] : memref<2048x8xf32, #tpu.memory_space<vmem>>[vector<16xi32>, vector<16xi32>], vector<16xf32>,
          %gather3A_682 = tpu.vector_load_idx %arg12[%add3A_665, %broadcast_in_dim3A_36] : memref<2048x8xf32, #tpu.memory_space<vmem>>[vector<16xi32>, vector<16xi32>], vector<16xf32>,
          %mul3A_683 = arith.mulf %get3A_670, %gather3A : vector<16xf32>
          %mul3A_684 = arith.mulf %get3A_675, %gather3A_15 : vector<16xf32>
          %add3A_685 = arith.addf %mul3A_683, %mul3A_684 : vector<16xf32>
          %mul3A_686 = arith.mulf %get3A_680, %gather3A_27 : vector<16xf32>
          %add3A_687 = arith.addf %add3A_685, %mul3A_686 : vector<16xf32>
          %sub3A_688 = arith.subf %gather3A_682, %gather3A_681 : vector<16xf32>
          %add3A_689 = arith.addf %sub3A_688, %add3A_687 : vector<16xf32>
          %add3A_690 = arith.constant 0 : i32
          %add3A_691 = arith.addi %mul3A_220, %add3A_690 : i32
          %swap3A_692 = arith.index_cast %add3A_691 : i32 to index
          %swap3A_693 = arith.constant 112 : index
          %swap3A_694 = tpu.vector_load %arg16[%swap3A_692, %swap3A_693] {strides = array<i32>} : memref<64x128xf32, #tpu.memory_space<vmem>>, vector<16xf32>,
          tpu.vector_store %arg16[%swap3A_692, %swap3A_693], %add3A_689 {strides = array<i32>} : memref<64x128xf32, #tpu.memory_space<vmem>>, vector<16xf32>,
          %gather3A_695 = tpu.vector_load_idx %arg11[%add3A_665, %broadcast_in_dim3A_38] : memref<2048x8xf32, #tpu.memory_space<vmem>>[vector<16xi32>, vector<16xi32>], vector<16xf32>,
          %gather3A_696 = tpu.vector_load_idx %arg12[%add3A_665, %broadcast_in_dim3A_38] : memref<2048x8xf32, #tpu.memory_space<vmem>>[vector<16xi32>, vector<16xi32>], vector<16xf32>,
          %mul3A_697 = arith.mulf %get3A_670, %gather3A_7 : vector<16xf32>
          %mul3A_698 = arith.mulf %get3A_675, %gather3A_19 : vector<16xf32>
          %add3A_699 = arith.addf %mul3A_697, %mul3A_698 : vector<16xf32>
          %mul3A_700 = arith.mulf %get3A_680, %gather3A_31 : vector<16xf32>
          %add3A_701 = arith.addf %add3A_699, %mul3A_700 : vector<16xf32>
          %sub3A_702 = arith.subf %gather3A_696, %gather3A_695 : vector<16xf32>
          %add3A_703 = arith.addf %sub3A_702, %add3A_701 : vector<16xf32>
          %add3A_704 = arith.constant 1 : i32
          %add3A_705 = arith.addi %mul3A_220, %add3A_704 : i32
          %swap3A_706 = arith.index_cast %add3A_705 : i32 to index
          %swap3A_707 = arith.constant 112 : index
          %swap3A_708 = tpu.vector_load %arg16[%swap3A_706, %swap3A_707] {strides = array<i32>} : memref<64x128xf32, #tpu.memory_space<vmem>>, vector<16xf32>,
          tpu.vector_store %arg16[%swap3A_706, %swap3A_707], %add3A_703 {strides = array<i32>} : memref<64x128xf32, #tpu.memory_space<vmem>>, vector<16xf32>,
          %gather3A_709 = tpu.vector_load_idx %arg11[%add3A_665, %broadcast_in_dim3A_40] : memref<2048x8xf32, #tpu.memory_space<vmem>>[vector<16xi32>, vector<16xi32>], vector<16xf32>,
          %gather3A_710 = tpu.vector_load_idx %arg12[%add3A_665, %broadcast_in_dim3A_40] : memref<2048x8xf32, #tpu.memory_space<vmem>>[vector<16xi32>, vector<16xi32>], vector<16xf32>,
          %mul3A_711 = arith.mulf %get3A_670, %gather3A_11 : vector<16xf32>
          %mul3A_712 = arith.mulf %get3A_675, %gather3A_23 : vector<16xf32>
          %add3A_713 = arith.addf %mul3A_711, %mul3A_712 : vector<16xf32>
          %mul3A_714 = arith.mulf %get3A_680, %gather3A_35 : vector<16xf32>
          %add3A_715 = arith.addf %add3A_713, %mul3A_714 : vector<16xf32>
          %sub3A_716 = arith.subf %gather3A_710, %gather3A_709 : vector<16xf32>
          %add3A_717 = arith.addf %sub3A_716, %add3A_715 : vector<16xf32>
          %add3A_718 = arith.constant 2 : i32
          %add3A_719 = arith.addi %mul3A_220, %add3A_718 : i32
          %swap3A_720 = arith.index_cast %add3A_719 : i32 to index
          %swap3A_721 = arith.constant 112 : index
          %swap3A_722 = tpu.vector_load %arg16[%swap3A_720, %swap3A_721] {strides = array<i32>} : memref<64x128xf32, #tpu.memory_space<vmem>>, vector<16xf32>,
          tpu.vector_store %arg16[%swap3A_720, %swap3A_721], %add3A_717 {strides = array<i32>} : memref<64x128xf32, #tpu.memory_space<vmem>>, vector<16xf32>,
        }
        %scan3A_215 = arith.constant 16 : i32
      } else {
      }
      %lt3A_200 = arith.constant 3125 : i32
      %lt3A_201 = arith.cmpi slt, %add3A_155, %lt3A_200 : i32
      %convert_element_type3A_202 = arith.extui %lt3A_201 : i1 to i32
      %cond3A_203 = arith.constant 0 : i32
      %cond3A_204 = arith.cmpi ne, %convert_element_type3A_202, %cond3A_203 : i32
      scf.if %cond3A_204 {
        %mul3A_210 = arith.constant 4 : i32
        %mul3A_211 = arith.muli %add3A_155, %mul3A_210 : i32
        %mul3A_212 = arith.constant 16 : i32
        %mul3A_213 = arith.muli %mul3A_211, %mul3A_212 : i32
        %dma_start3A = arith.constant 0 : i32
        %dma_start3A_214 = tpu.memref_slice %arg6[%mul3A_213, %dma_start3A] : memref<200000x128xf32, #tpu.memory_space<hbm>> -> memref<64x128xf32, #tpu.memory_space<hbm>>
        %dma_start3A_215 = arith.constant 0 : i32
        %dma_start3A_216 = tpu.memref_slice %arg6[%mul3A_213, %dma_start3A_215] : memref<200000x128xf32, #tpu.memory_space<hbm>> -> memref<64x128xf32, #tpu.memory_space<hbm>>
        tpu.enqueue_dma source(%arg16 : memref<64x128xf32, #tpu.memory_space<vmem>>) target(%dma_start3A_216 : memref<64x128xf32, #tpu.memory_space<hbm>>) target_semaphore(%arg25 : memref<!tpu.dma_semaphore, #tpu.memory_space<semaphore_mem>>)
      } else {
      }
      %lt3A_205 = arith.constant 3125 : i32
      %lt3A_206 = arith.cmpi slt, %add3A_157, %lt3A_205 : i32
      %convert_element_type3A_207 = arith.extui %lt3A_206 : i1 to i32
      %cond3A_208 = arith.constant 0 : i32
      %cond3A_209 = arith.cmpi ne, %convert_element_type3A_207, %cond3A_208 : i32
      scf.if %cond3A_209 {
        %mul3A_210 = arith.constant 3 : i32
        %mul3A_211 = arith.muli %add3A_157, %mul3A_210 : i32
        %mul3A_212 = arith.constant 16 : i32
        %mul3A_213 = arith.muli %mul3A_211, %mul3A_212 : i32
        %dma_start3A = arith.constant 0 : i32
        %dma_start3A_214 = tpu.memref_slice %arg4[%mul3A_213, %dma_start3A] : memref<150000x128xf32, #tpu.memory_space<hbm>> -> memref<48x128xf32, #tpu.memory_space<hbm>>
        %dma_start3A_215 = arith.constant 0 : i32
        %dma_start3A_216 = tpu.memref_slice %arg4[%mul3A_213, %dma_start3A_215] : memref<150000x128xf32, #tpu.memory_space<hbm>> -> memref<48x128xf32, #tpu.memory_space<hbm>>
        tpu.enqueue_dma source(%dma_start3A_216 : memref<48x128xf32, #tpu.memory_space<hbm>>) target(%arg13 : memref<48x128xf32, #tpu.memory_space<vmem>>) target_semaphore(%arg22 : memref<!tpu.dma_semaphore, #tpu.memory_space<semaphore_mem>>)
      } else {
      }
    }
    %scan3A_69 = arith.constant 49 : i32
    %add3A_70 = arith.constant 3072 : i32
    %add3A_71 = arith.addi %add3A_70, %add3A : i32
    %ge3A = arith.constant 0 : i32
    %ge3A_72 = arith.cmpi sge, %add3A_71, %ge3A : i32
    %lt3A_73 = arith.constant 3125 : i32
    %lt3A_74 = arith.cmpi slt, %add3A_71, %lt3A_73 : i32
    %and3A = arith.andi %ge3A_72, %lt3A_74 : i1
    %convert_element_type3A_75 = arith.extui %and3A : i1 to i32
    %cond3A_76 = arith.constant 0 : i32
    %cond3A_77 = arith.cmpi ne, %convert_element_type3A_75, %cond3A_76 : i32
    scf.if %cond3A_77 {
      %mul3A_88 = arith.constant 4 : i32
      %mul3A_89 = arith.muli %add3A_71, %mul3A_88 : i32
      %mul3A_90 = arith.constant 16 : i32
      %mul3A_91 = arith.muli %mul3A_89, %mul3A_90 : i32
      %dma_wait3A = arith.constant 0 : i32
      %dma_wait3A_92 = tpu.memref_slice %arg6[%mul3A_91, %dma_wait3A] : memref<200000x128xf32, #tpu.memory_space<hbm>> -> memref<64x128xf32, #tpu.memory_space<hbm>>
      %dma_wait3A_93 = arith.constant 0 : i32
      %dma_wait3A_94 = tpu.memref_slice %arg6[%mul3A_91, %dma_wait3A_93] : memref<200000x128xf32, #tpu.memory_space<hbm>> -> memref<64x128xf32, #tpu.memory_space<hbm>>
      tpu.wait_dma2 semaphore(%arg24 : memref<!tpu.dma_semaphore, #tpu.memory_space<semaphore_mem>>) src(%arg15 : memref<64x128xf32, #tpu.memory_space<vmem>>) dst(%dma_wait3A_94 : memref<64x128xf32, #tpu.memory_space<hbm>>)
    } else {
    }
    %add3A_78 = arith.constant 3104 : i32
    %add3A_79 = arith.addi %add3A_78, %add3A : i32
    %ge3A_80 = arith.constant 0 : i32
    %ge3A_81 = arith.cmpi sge, %add3A_79, %ge3A_80 : i32
    %lt3A_82 = arith.constant 3125 : i32
    %lt3A_83 = arith.cmpi slt, %add3A_79, %lt3A_82 : i32
    %and3A_84 = arith.andi %ge3A_81, %lt3A_83 : i1
    %convert_element_type3A_85 = arith.extui %and3A_84 : i1 to i32
    %cond3A_86 = arith.constant 0 : i32
    %cond3A_87 = arith.cmpi ne, %convert_element_type3A_85, %cond3A_86 : i32
    scf.if %cond3A_87 {
      %mul3A_88 = arith.constant 4 : i32
      %mul3A_89 = arith.muli %add3A_79, %mul3A_88 : i32
      %mul3A_90 = arith.constant 16 : i32
      %mul3A_91 = arith.muli %mul3A_89, %mul3A_90 : i32
      %dma_wait3A = arith.constant 0 : i32
      %dma_wait3A_92 = tpu.memref_slice %arg6[%mul3A_91, %dma_wait3A] : memref<200000x128xf32, #tpu.memory_space<hbm>> -> memref<64x128xf32, #tpu.memory_space<hbm>>
      %dma_wait3A_93 = arith.constant 0 : i32
      %dma_wait3A_94 = tpu.memref_slice %arg6[%mul3A_91, %dma_wait3A_93] : memref<200000x128xf32, #tpu.memory_space<hbm>> -> memref<64x128xf32, #tpu.memory_space<hbm>>
      tpu.wait_dma2 semaphore(%arg25 : memref<!tpu.dma_semaphore, #tpu.memory_space<semaphore_mem>>) src(%arg16 : memref<64x128xf32, #tpu.memory_space<vmem>>) dst(%dma_wait3A_94 : memref<64x128xf32, #tpu.memory_space<hbm>>)
    } else {
    }
    return
  }
}

</mosaic_0001>

<sc_bundles>
// kernel: kernel.3.cloned.1.call-start
scs
__scs_entry_jumppad:
0x0: {  	(pc) =	sbr.rel $0x88, $3  }
0x1: {  	(tag) =	ssettag $0x0;
	lr =	simm.s32 $0x1  }
0x2: {  	[smem:$0x3F9D] =	sst lr;
	_ =	strace $0xD0000000  }
0x3: {  	_ = 	snop  }
0x4: {  	_ = 	snop  }
0x5: {  	_ = 	snop  }
0x6: {  	_ = 	snop  }
0x7: {  	_ = 	snop  }
__scs_overlays_trampoline_lowered:
0x8: {  	[smem:$0x3FAC] =	sst s0  }
0x9: {  	[smem:$0x3FAD] =	sst s1  }
0xa: {  	[smem:$0x3FAE] =	sst s2  }
0xb: {  	[smem:$0x3FAF] =	sst s3  }
0xc: {  	[smem:$0x3FB0] =	sst s4  }
0xd: {  	[smem:$0x3FB1] =	sst s5  }
0xe: {  	[smem:$0x3FB2] =	sst s6  }
0xf: {  	[smem:$0x3FB3] =	sst s7  }
0x10: {  	[smem:$0x3FB4] =	sst s8  }
0x11: {  	[smem:$0x3FB5] =	sst s9;
	s0 =	simm.s32 @!p0 $0x0  }
0x12: {  	s1 =	sld [smem:$0x3F9B];
	s0 =	simm.s32 @p0 $0x1  }
0x13: {  	[smem:$0x3FB6] =	sst s0;
	s0 =	simm.s32 @!p1 $0x0  }
0x14: {  	s2 =	sld [smem:$0x3F9A];
	s0 =	simm.s32 @p1 $0x1  }
0x15: {  	[smem:$0x3FB7] =	sst s0;
	s0 =	simm.s32 @!p2 $0x0  }
0x16: {  	s3 =	sld [smem:$0x3FDB];
	s0 =	simm.s32 @p2 $0x1  }
0x17: {  	s4 =	simm.s32 $0x1BF5;
	[smem:$0x3FB9] =	sst s0  }
0x18: {  	s0 =	sld [smem:$0x3F9C];
	_ =	swait.ge [sflag:s4], $0x0  }
0x19: {  	s7 =	sld [smem:$0x3F9D]  }
0x1a: {  	s8 =	sadd.s32 $0xFFFFE003, lr  }
0x1b: {  	s9 =	sadd.s32 $0xFFFFFEF7, lr;
	s5 =	simm.s32 $0xFFFFFFFF;
	p2 =	slt.u32 s8, $0xFFFFF086  }
0x1c: {  	p1 =	slt.u32 s9, $0xF7A;
	s5 =	simm.s32 @!p2 $0x0  }
0x1d: {  	s5 =	simm.s32 @p1 $0x1;
	p0 =	seq.s32 s7, s2  }
0x1e: {  	s7 =	smul.u32 @!p0 $0xF7A, s2;
	p2 =	seq.s32 @!p0 s5, $0x0  }
0x1f: {  	s9 =	smul.u32 $0xF7A, s1;
	s8 =	simm.s32 @!p0 $0x1BF5;
	p2 =	por !p2, p0  }
0x20: {  	[sflag:s8] =	ssyncset.s32 @!p0 $0xFFFFF086;
	s6 =	sadd.s32 @!p0 s3, s7;
	s7 =	simm.s32 @!p0 $0x108  }
0x21: {  	s3 =	sadd.s32 s3, s9;
	s6 =	sadd.s32 @!p0 $0x88, s6;
	s7 =	simm.s32 @p2 $0x1082  }
0x22: {  	[simem:s7], [sflag:s8] =	dma.local @!p0 [hbm:s6], $0xF7A  }
0x23: {  	s9 =	sor.u32 $0xD0000000, s2;
	s6 =	simm.s32 $0x108;
	_ =	swait.ge @!p0 [sflag:s8], $0x0  }
0x24: {  	s3 =	sadd.s32 $0x88, s3;
	s6 =	simm.s32 @!p1 $0x1082;
	[sflag:s4] =	ssyncset.s32 $0xFFFFF086  }
0x25: {  	[simem:s6], [sflag:s4] =	dma.local [hbm:s3], $0xF7A  }
0x26: {  	[smem:$0x3F9D] =	sst s1;
	(tag) =	ssettag s2;
	_ =	strace s9  }
0x27: {  	s1 =	sld [smem:$0x3FAD]  }
0x28: {  	s2 =	sld [smem:$0x3FAE]  }
0x29: {  	s4 =	sld [smem:$0x3FB0]  }
0x2a: {  	p0 =	seq.s32 s5, $0x0;
	s5 =	sld [smem:$0x3FB1]  }
0x2b: {  	s6 =	sld [smem:$0x3FB2]  }
0x2c: {  	s7 =	sld [smem:$0x3FB3]  }
0x2d: {  	s3 =	simm.s32 $0x108;
	s8 =	sld [smem:$0x3FB4]  }
0x2e: {  	s3 =	simm.s32 @!p0 $0x1082;
	s9 =	sld [smem:$0x3FB5]  }
0x2f: {  	lr =	sadd.s32 s0, s3;
	s0 =	sld [smem:$0x3FAC]  }
0x30: {  	s3 =	sld [smem:$0x3FAF]  }
0x31: {  	[smem:$0x3FB8] =	sst s10  }
0x32: {  	s10 =	sld [smem:$0x3FB6];
	_ =	sdelay $0x3  }
0x33: {  	p0 =	seq.s32 s10, $0x1;
	s10 =	sld [smem:$0x3FB8];
	_ =	sdelay $0x3  }
0x34: {  	[smem:$0x3FB8] =	sst s10  }
0x35: {  	s10 =	sld [smem:$0x3FB7];
	_ =	sdelay $0x3  }
0x36: {  	p1 =	seq.s32 s10, $0x1;
	s10 =	sld [smem:$0x3FB8];
	_ =	sdelay $0x3  }
0x37: {  	[smem:$0x3FB8] =	sst s10  }
0x38: {  	s10 =	sld [smem:$0x3FB9]  }
0x39: {  	_ = 	snop;
	(pc) =	sbr.ind lr, $3  }
0x3a: {  	_ = 	snop  }
0x3b: {  	_ = 	snop  }
0x3c: {  	p2 =	seq.s32 s10, $0x1;
	s10 =	sld [smem:$0x3FB8]  }
0x3d: {  	_ =	shalt  }
0x3e: {  	_ =	shalt  }
0x3f: {  	_ =	shalt  }
0x40: {  	_ =	shalt  }
0x41: {  	_ =	shalt  }
0x42: {  	_ =	shalt  }
0x43: {  	_ =	shalt  }
0x44: {  	_ =	shalt  }
0x45: {  	_ =	shalt  }
0x46: {  	_ =	shalt  }
0x47: {  	_ =	shalt  }
0x48: {  	_ =	shalt  }
0x49: {  	_ =	shalt  }
0x4a: {  	_ =	shalt  }
0x4b: {  	_ =	shalt  }
0x4c: {  	_ =	shalt  }
0x4d: {  	_ =	shalt  }
0x4e: {  	_ =	shalt  }
0x4f: {  	_ =	shalt  }
0x50: {  	_ =	shalt  }
0x51: {  	_ =	shalt  }
0x52: {  	_ =	shalt  }
0x53: {  	_ =	shalt  }
0x54: {  	_ =	shalt  }
0x55: {  	_ =	shalt  }
0x56: {  	_ =	shalt  }
0x57: {  	_ =	shalt  }
0x58: {  	_ =	shalt  }
0x59: {  	_ =	shalt  }
0x5a: {  	_ =	shalt  }
0x5b: {  	_ =	shalt  }
0x5c: {  	_ =	shalt  }
0x5d: {  	_ =	shalt  }
0x5e: {  	_ =	shalt  }
0x5f: {  	_ =	shalt  }
0x60: {  	_ =	shalt  }
0x61: {  	_ =	shalt  }
0x62: {  	_ =	shalt  }
0x63: {  	_ =	shalt  }
0x64: {  	_ =	shalt  }
0x65: {  	_ =	shalt  }
0x66: {  	_ =	shalt  }
0x67: {  	_ =	shalt  }
0x68: {  	_ =	shalt  }
0x69: {  	_ =	shalt  }
0x6a: {  	_ =	shalt  }
0x6b: {  	_ =	shalt  }
0x6c: {  	_ =	shalt  }
0x6d: {  	_ =	shalt  }
0x6e: {  	_ =	shalt  }
0x6f: {  	_ =	shalt  }
0x70: {  	_ =	shalt  }
0x71: {  	_ =	shalt  }
0x72: {  	_ =	shalt  }
0x73: {  	_ =	shalt  }
0x74: {  	_ =	shalt  }
0x75: {  	_ =	shalt  }
0x76: {  	_ =	shalt  }
0x77: {  	_ =	shalt  }
0x78: {  	_ =	shalt  }
0x79: {  	_ =	shalt  }
0x7a: {  	_ =	shalt  }
0x7b: {  	_ =	shalt  }
0x7c: {  	_ =	shalt  }
0x7d: {  	_ =	shalt  }
0x7e: {  	_ =	shalt  }
0x7f: {  	_ =	shalt  }
0x80: {  	_ =	shalt  }
0x81: {  	_ =	shalt  }
0x82: {  	_ =	shalt  }
0x83: {  	_ =	shalt  }
0x84: {  	_ =	shalt  }
0x85: {  	_ =	shalt  }
0x86: {  	_ =	shalt  }
0x87: {  	_ =	shalt  }
.Lfunc_end0:
.L_simem_size_0:
called_computation_lowered:
.L_overlay_start_0:
0x88: {  	s2 =	sld [smem:$0x3FD9]  }
0x89: {  	s3 =	sld [smem:$0x3FFE];
	_ =	sdelay $0x1  }
0x8a: {  	s1 =	srdreg.scid  }
0x8b: {  	s0 =	sand.u32 $0x1, s1  }
0x8c: {  	s17 =	sshll.u32 s0, $0xA;
	s2 =	sadd.s32 s3, s2  }
0x8d: {  	s2 =	sadd.s32 s2, s17  }
0x8e: {  	[smem:$0x3FC4] =	sst s2  }
0x8f: {  	_ = 	snop  }
0x90: {  	s2 =	sld [smem:$0x3FC8]  }
0x91: {  	s18 =	sld [smem:$0x3FD0];
	(tm) =	ssettm $0x1  }
0x92: {  	s4 =	sld [smem:$0x3FFB];
	_ =	sdelay $0x3  }
0x93: {  	_ =	strace s4  }
0x94: {  	s4 =	sld [smem:$0x3FFC];
	_ =	sdelay $0x3  }
0x95: {  	_ =	strace s4  }
0x96: {  	s4 =	sld [smem:$0x3FFD];
	_ =	sdelay $0x3  }
0x97: {  	_ =	strace s4  }
0x98: {  	_ =	strace $0x8FFFFFFF  }
0x99: {  	s19 =	sld [smem:$0x3FDB];
	_ =	sdelay $0x1  }
0x9a: {  	s5 =	simm.s32 $_scs_section_size  }
0x9b: {  	s6 =	simm.s32 $_size__tile_overlayer_lowered;
	s7 =	simm.s32 $_tile_overlayer_lowered  }
0x9c: {  	s22 =	simm.s32 $0x1BFF;
	s21 =	sshll.u32 s7, $0x1;
	s4 =	sadd.s32 s5, s19  }
0x9d: {  	s8 =	simm.s32 $0x0;
	s20 =	sshll.u32 s6, $0x1;
	s6 =	sadd.s32 s21, s4  }
0x9e: {  	[timem:s8], [sflag:s22] =	dma.local [hbm:s6], s20  }
0x9f: {  	_ =	swait.ge [sflag:s22], s20  }
0xa0: {  	s5 =	ssub.s32 $0x0, s20;
	[sflag:s22] =	ssyncset.done $0x0  }
0xa1: {  	[sflag:s22] =	ssyncadd.s32 s5;
	_ =	sdelay $0x1  }
0xa2: {  	s23 =	simm.s32 $0x1B8B  }
0xa3: {  	_ =	swait.ge [sflag:s23], $0x1  }
0xa4: {  	[sflag:s23] =	ssyncset.done $0x0  }
0xa5: {  	s25 =	simm.s32 $0x1B8E;
	s24 =	sld [smem:$0x3FFE];
	[sflag:s23] =	ssyncadd.s32 $0xFFFFFFFF  }
0xa6: {  	s26 =	simm.s32 $execute0_lowered;
	[smem:$0x3FD2] =	sst s25  }
0xa7: {  	s6 =	sshll.u32 s26, $0x1;
	_ =	strace $0x80000046;
	[dreg:$0x1] =	wrdreg $0xFFFFFFFF  }
0xa8: {  	s28 =	simm.s32 $_size_execute0_lowered;
	s4 =	sadd.s32 s4, s6;
	[dreg:$0x0] =	wrdreg $0x0  }
0xa9: {  	s6 =	sshll.u32 s28, $0x1;
	[dreg:$0x2] =	wrdreg s4  }
0xaa: {  	[dreg:$0x3] =	wrdreg s6  }
0xab: {  	[dreg:$0x4] =	wrdreg $0xC0  }
0xac: {  	_ =	task [dreg:s8], $0x5FFFF  }
0xad: {  	[dreg:$0x1] =	wrdreg $0xFFFFFFFF  }
0xae: {  	[dreg:$0x0] =	wrdreg $0x60  }
0xaf: {  	[dreg:$0x2] =	wrdreg s24  }
0xb0: {  	[dreg:$0x3] =	wrdreg s2  }
0xb1: {  	[dreg:$0x4] =	wrdreg s18  }
0xb2: {  	[dreg:$0x5] =	wrdreg $0x9  }
0xb3: {  	_ =	task.clear_ibuf [dreg:s8], $0x6FFFF;
	_ =	strace $0x90000046  }
0xb4: {  	s29 =	simm.s32 $0x9;
	_ =	strace $0x80000048  }
0xb5: {  	_ =	swait.ge [sflag:s29], $0x1  }
0xb6: {  	[sflag:s29] =	ssyncadd.s32 $0xFFFFFFFF  }
0xb7: {  	_ =	strace $0x90000048  }
0xb8: {  	_ =	sfence  }
0xb9: {  	s30 =	sld [smem:$0x0];
	_ =	sdelay $0x2  }
0xba: {  	s31 =	sshll.u32 s1, $0xD;
	s1 =	sshrl.u32 s1, $0x2  }
0xbb: {  	s3 =	sand.u32 $0x4000, s31;
	s1 =	sadd.s32 s1, s30  }
0xbc: {  	s0 =	sor.u32 s3, s0;
	s1 =	sshll.u32 s1, $0x11  }
0xbd: {  	s0 =	sor.u32 s1, s0  }
0xbe: {  	s0 =	sadd.s32 $0x8F2B, s0  }
0xbf: {  	[sflag:s0] =	ssyncadd.remote.s32 $0x1  }
0xc0: {  	_ =	sfence.sel $0xFFFF  }
0xc1: {  	[dreg:$0x0] =	wrdreg $0xFFFFFFFF;
	(pc) =	sbr.abs _section_cstart, $3  }
0xc2: {  	[dreg:$0x1] =	wrdreg $0xFFFFFFFF  }
0xc3: {  	_ =	task.clear_ibuf [dreg:s8], $0x2FFFF;
	_ =	strace $0x9FFFFFFF  }
0xc4: {  	(tm) =	ssettm $0x7FFFFFFF  }
0xc5: {  	_ =	shalt  }
tec
execute0_lowered:
.L_overlay_start_1:
0x0: {  	(tag) =	ssettag $0x1  }
0x1: {  	s0 =	rddreg [dreg:$0x0]  }
0x2: {  	s2 =	rddreg [dreg:$0x1]  }
0x3: {  	s1 =	rddreg [dreg:$0x2]  }
0x4: {  	s3 =	simm.s32 $0x0;
	s5 =	srdreg.scid;
	s6 =	stileid.u32  }
0x5: {  	s16 =	simm.s32 $0x1000;
	s18 =	simm.s32 $0x1;
	s19 =	simm.s32 $0x80  }
0x6: {  	s20 =	simm.s32 $0x2000;
	s21 =	simm.s32 $0x6000;
	s28 =	simm.s32 $0xA000  }
0x7: {  	s29 =	simm.s32 $0xE000;
	s30 =	simm.s32 $0x5;
	s31 =	simm.s32 $0x15000  }
0x8: {  	[smem:$0x7FF] =	sst s3;
	s4 =	sadd.s32 $0x187000, s0;
	s5 =	sand.u32 $0x1, s5  }
0x9: {  	s6 =	sshll.u32 s6, $0x1;
	s7 =	sadd.s32 $0x400, s0;
	s11 =	sadd.s32 $0x8000, s2  }
0xa: {  	s12 =	sadd.s32 $0xC000, s2;
	_ =	strace $0x80000047;
	[dreg:$0x4] =	wrdreg s7  }
0xb: {  	s8 =	ssub.s32 $0x2, s5;
	s6 =	sor.u32 s5, s6;
	s7 =	sadd.s32 $0x19F800, s0  }
0xc: {  	s23 =	sshrl.u32 s8, $0x1;
	s9 =	sshll.u32 s6, $0x9;
	s10 =	smul.u32 $0x300, s6  }
0xd: {  	p0 =	sgt.u32 s6, $0x14;
	s24 =	ssub.s32 s8, s23;
	s25 =	sadd.s32 s2, s9  }
.Ltmp0:
0xe: {  	s23 =	simm.s32 $0xF80;
	s2 =	simm.s32 $0x6;
	(pc) =	sbr.rel .LBB2_1-.Ltmp0, $4  }
0xf: {  	v0 =	vlaneseq.u32;
	s9 =	simm.s32 $0x0;
	[dreg:$0x5] =	wrdreg s25;
	s5 =	sadd.s32 $0x4000, s25  }
0x10: {  	v1 =	vor.u32 $0x10, v0;
	v2 =	vor.u32 $0x20, v0;
	v3 =	vor.u32 $0x30, v0;
	s26 =	sadd.s32 s1, s10;
	s0 =	smax.u32 s24, $0x1;
	[dreg:$0x6] =	wrdreg s5  }
0x11: {  	v4 =	vor.u32 $0x40, v0;
	v5 =	vor.u32 $0x50, v0;
	v6 =	vor.u32 $0x60, v0;
	s24 =	simm.s32 $0x9C00;
	s25 =	simm.s32 $0x3;
	[dreg:$0x7] =	wrdreg s26  }
0x12: {  	v7 =	vor.u32 $0x70, v0;
	v8 =	vor.u32 $0x80, v0;
	v9 =	vmul.u32 $0x8, v0;
	[dreg:$0x8] =	wrdreg s0;
	s26 =	simm.s32 $0x2;
	s0 =	simm.s32 $0x4  }
.LBB2_19:
0x13: {  	s5 =	simm.s32 $0x7  }
0x14: {  	_ =	swait.ge [sflag:s5], $0x2000  }
0x15: {  	[sflag:s5] =	ssyncset.done $0x0  }
0x16: {  	[sflag:s5] =	ssyncadd.s32 $0xFFFFE000;
	s5 =	simm.s32 @!p0 $0x8  }
0x17: {  	_ =	swait.ge @!p0 [sflag:s5], $0x2000  }
0x18: {  	s9 =	rddreg [dreg:$0x9]  }
0x19: {  	s8 =	rddreg [dreg:$0x8];
	s9 =	sadd.s32 $0x1, s9  }
0x1a: {  	p1 =	sne.s32 s9, s8  }
.Ltmp1:
0x1b: {  	_ = 	snop;
	(pc) =	sbr.rel @!p1 .LBB2_20-.Ltmp1, $3  }
0x1c: {  	_ =	sdelay $0x1  }
0x1d: {  	[sflag:s5] =	ssyncset.done @!p0 $0x0  }
0x1e: {  	[sflag:s5] =	ssyncadd.s32 @!p0 $0xFFFFE000  }
.LBB2_1:
0x1f: {  	[dreg:$0x9] =	wrdreg s9  }
0x20: {  	s5 =	rddreg [dreg:$0x4];
	s8 =	simm.s32 $0x19000;
	s9 =	simm.s32 $0x9  }
0x21: {  	[tilespmem:s8], [sflag:$0x9] =	stream.linear.gather [hbm4b:s5+s3], $0x90, $0x38;
	[tilespmem:$0x19090] =	vst v63  }
0x22: {  	_ =	swait.ge [sflag:s9], $0x90  }
0x23: {  	[sflag:s9] =	ssyncset.done $0x0  }
0x24: {  	[sflag:s9] =	ssyncadd.s32 $0xFFFFFF70  }
0x25: {  	v10 =	vld.idx.msk [tilespmem:v0+s8+$0x0], $0xffff  }
0x26: {  	v11 =	vld.idx.msk [tilespmem:v1+s8+$0x0], $0xffff  }
0x27: {  	v12 =	vld.idx.msk [tilespmem:v2+s8+$0x0], $0xffff  }
0x28: {  	v13 =	vld.idx.msk [tilespmem:v3+s8+$0x0], $0xffff  }
0x29: {  	v14 =	vld.idx.msk [tilespmem:v4+s8+$0x0], $0xffff  }
0x2a: {  	v15 =	vld.idx.msk [tilespmem:v5+s8+$0x0], $0xffff  }
0x2b: {  	v16 =	vld.idx.msk [tilespmem:v6+s8+$0x0], $0xffff  }
0x2c: {  	s10 =	rddreg [dreg:$0x5];
	v17 =	vld.idx.msk [tilespmem:v7+s8+$0x0], $0xffff  }
0x2d: {  	v18 =	vld.idx.msk [tilespmem:v8+s8+$0x0], $0xffff;
	[tilespmem:s3], [sflag:$0x1] =	stream.linear.gather [hbm4b:s10+s3], $0x1000, $0x38  }
0x2e: {  	s13 =	rddreg [dreg:$0x6]  }
0x2f: {  	[tilespmem:s16], [sflag:$0x2] =	stream.linear.gather [hbm4b:s13+s3], $0x1000, $0x38;
	[tilespmem:$0x19090] =	vst v63  }
0x30: {  	s15 =	simm.s32 $0x12000;
	s14 =	rddreg [dreg:$0x7]  }
0x31: {  	[tilespmem:s15], [sflag:$0x5] =	stream.linear.gather [hbm4b:s14+s3], $0x1800, $0x38;
	[tilespmem:$0x19090] =	vst v63  }
0x32: {  	_ =	swait.ge [sflag:s18], $0x1000  }
0x33: {  	[sflag:s18] =	ssyncset.done $0x0  }
0x34: {  	[sflag:s18] =	ssyncadd.s32 $0xFFFFF000  }
0x35: {  	[tilespmem:s20], [sflag:$0x3] =	stream.indirect.gather [hbm4b:s4+s19], $0x8, s3, s19, $0xb8;
	[tilespmem:$0x19090] =	vst v63  }
0x36: {  	_ = 	snop  }
0x37: {  	[tilespmem:s21], [sflag:$0x3] =	stream.indirect.gather [hbm4b:s4+s19], $0x8, s19, s19, $0xb8;
	[tilespmem:$0x19090] =	vst v63  }
0x38: {  	s17 =	simm.s32 $0x100;
	s22 =	simm.s32 $0x2400  }
0x39: {  	[tilespmem:s22], [sflag:$0x3] =	stream.indirect.gather [hbm4b:s4+s19], $0x8, s17, s19, $0xb8;
	[tilespmem:$0x19090] =	vst v63  }
0x3a: {  	s9 =	simm.s32 $0x6400;
	s8 =	simm.s32 $0x180  }
0x3b: {  	[tilespmem:s9], [sflag:$0x3] =	stream.indirect.gather [hbm4b:s4+s19], $0x8, s8, s19, $0xb8;
	[tilespmem:$0x19090] =	vst v63  }
0x3c: {  	s10 =	simm.s32 $0x200;
	s13 =	simm.s32 $0x2800  }
0x3d: {  	[tilespmem:s13], [sflag:$0x3] =	stream.indirect.gather [hbm4b:s4+s19], $0x8, s10, s19, $0xb8;
	[tilespmem:$0x19090] =	vst v63  }
0x3e: {  	s14 =	simm.s32 $0x280;
	s15 =	simm.s32 $0x6800  }
0x3f: {  	[tilespmem:s15], [sflag:$0x3] =	stream.indirect.gather [hbm4b:s4+s19], $0x8, s14, s19, $0xb8;
	[tilespmem:$0x19090] =	vst v63  }
0x40: {  	s17 =	simm.s32 $0x300;
	s22 =	simm.s32 $0x2C00  }
0x41: {  	[tilespmem:s22], [sflag:$0x3] =	stream.indirect.gather [hbm4b:s4+s19], $0x8, s17, s19, $0xb8;
	[tilespmem:$0x19090] =	vst v63  }
0x42: {  	s8 =	simm.s32 $0x380;
	s9 =	simm.s32 $0x6C00  }
0x43: {  	[tilespmem:s9], [sflag:$0x3] =	stream.indirect.gather [hbm4b:s4+s19], $0x8, s8, s19, $0xb8;
	[tilespmem:$0x19090] =	vst v63  }
0x44: {  	s10 =	simm.s32 $0x400;
	s13 =	simm.s32 $0x3000  }
0x45: {  	[tilespmem:s13], [sflag:$0x3] =	stream.indirect.gather [hbm4b:s4+s19], $0x8, s10, s19, $0xb8;
	[tilespmem:$0x19090] =	vst v63  }
0x46: {  	s14 =	simm.s32 $0x480;
	s15 =	simm.s32 $0x7000  }
0x47: {  	[tilespmem:s15], [sflag:$0x3] =	stream.indirect.gather [hbm4b:s4+s19], $0x8, s14, s19, $0xb8;
	[tilespmem:$0x19090] =	vst v63  }
0x48: {  	s17 =	simm.s32 $0x500;
	s22 =	simm.s32 $0x3400  }
0x49: {  	[tilespmem:s22], [sflag:$0x3] =	stream.indirect.gather [hbm4b:s4+s19], $0x8, s17, s19, $0xb8;
	[tilespmem:$0x19090] =	vst v63  }
0x4a: {  	s8 =	simm.s32 $0x580;
	s9 =	simm.s32 $0x7400  }
0x4b: {  	[tilespmem:s9], [sflag:$0x3] =	stream.indirect.gather [hbm4b:s4+s19], $0x8, s8, s19, $0xb8;
	[tilespmem:$0x19090] =	vst v63  }
0x4c: {  	s10 =	simm.s32 $0x600;
	s13 =	simm.s32 $0x3800  }
0x4d: {  	[tilespmem:s13], [sflag:$0x3] =	stream.indirect.gather [hbm4b:s4+s19], $0x8, s10, s19, $0xb8;
	[tilespmem:$0x19090] =	vst v63  }
0x4e: {  	s14 =	simm.s32 $0x680;
	s15 =	simm.s32 $0x7800  }
0x4f: {  	[tilespmem:s15], [sflag:$0x3] =	stream.indirect.gather [hbm4b:s4+s19], $0x8, s14, s19, $0xb8;
	[tilespmem:$0x19090] =	vst v63  }
0x50: {  	s17 =	simm.s32 $0x700;
	s22 =	simm.s32 $0x3C00  }
0x51: {  	[tilespmem:s22], [sflag:$0x3] =	stream.indirect.gather [hbm4b:s4+s19], $0x8, s17, s19, $0xb8;
	[tilespmem:$0x19090] =	vst v63  }
0x52: {  	s8 =	simm.s32 $0x780;
	s9 =	simm.s32 $0x7C00  }
0x53: {  	[tilespmem:s9], [sflag:$0x3] =	stream.indirect.gather [hbm4b:s4+s19], $0x8, s8, s19, $0xb8;
	[tilespmem:$0x19090] =	vst v63  }
0x54: {  	s10 =	simm.s32 $0x800;
	s13 =	simm.s32 $0x4000  }
0x55: {  	[tilespmem:s13], [sflag:$0x3] =	stream.indirect.gather [hbm4b:s4+s19], $0x8, s10, s19, $0xb8;
	[tilespmem:$0x19090] =	vst v63  }
0x56: {  	s14 =	simm.s32 $0x880;
	s15 =	simm.s32 $0x8000  }
0x57: {  	[tilespmem:s15], [sflag:$0x3] =	stream.indirect.gather [hbm4b:s4+s19], $0x8, s14, s19, $0xb8;
	[tilespmem:$0x19090] =	vst v63  }
0x58: {  	s17 =	simm.s32 $0x900;
	s22 =	simm.s32 $0x4400  }
0x59: {  	[tilespmem:s22], [sflag:$0x3] =	stream.indirect.gather [hbm4b:s4+s19], $0x8, s17, s19, $0xb8;
	[tilespmem:$0x19090] =	vst v63  }
0x5a: {  	s8 =	simm.s32 $0x980;
	s9 =	simm.s32 $0x8400  }
0x5b: {  	[tilespmem:s9], [sflag:$0x3] =	stream.indirect.gather [hbm4b:s4+s19], $0x8, s8, s19, $0xb8;
	[tilespmem:$0x19090] =	vst v63  }
0x5c: {  	s10 =	simm.s32 $0xA00;
	s13 =	simm.s32 $0x4800  }
0x5d: {  	[tilespmem:s13], [sflag:$0x3] =	stream.indirect.gather [hbm4b:s4+s19], $0x8, s10, s19, $0xb8;
	[tilespmem:$0x19090] =	vst v63  }
0x5e: {  	s14 =	simm.s32 $0xA80;
	s15 =	simm.s32 $0x8800  }
0x5f: {  	[tilespmem:s15], [sflag:$0x3] =	stream.indirect.gather [hbm4b:s4+s19], $0x8, s14, s19, $0xb8;
	[tilespmem:$0x19090] =	vst v63  }
0x60: {  	s17 =	simm.s32 $0xB00;
	s22 =	simm.s32 $0x4C00  }
0x61: {  	[tilespmem:s22], [sflag:$0x3] =	stream.indirect.gather [hbm4b:s4+s19], $0x8, s17, s19, $0xb8;
	[tilespmem:$0x19090] =	vst v63  }
0x62: {  	s8 =	simm.s32 $0xB80;
	s9 =	simm.s32 $0x8C00  }
0x63: {  	[tilespmem:s9], [sflag:$0x3] =	stream.indirect.gather [hbm4b:s4+s19], $0x8, s8, s19, $0xb8;
	[tilespmem:$0x19090] =	vst v63  }
0x64: {  	s10 =	simm.s32 $0xC00;
	s13 =	simm.s32 $0x5000  }
0x65: {  	[tilespmem:s13], [sflag:$0x3] =	stream.indirect.gather [hbm4b:s4+s19], $0x8, s10, s19, $0xb8;
	[tilespmem:$0x19090] =	vst v63  }
0x66: {  	s14 =	simm.s32 $0xC80;
	s15 =	simm.s32 $0x9000  }
0x67: {  	[tilespmem:s15], [sflag:$0x3] =	stream.indirect.gather [hbm4b:s4+s19], $0x8, s14, s19, $0xb8;
	[tilespmem:$0x19090] =	vst v63  }
0x68: {  	s17 =	simm.s32 $0xD00;
	s22 =	simm.s32 $0x5400  }
0x69: {  	[tilespmem:s22], [sflag:$0x3] =	stream.indirect.gather [hbm4b:s4+s19], $0x8, s17, s19, $0xb8;
	[tilespmem:$0x19090] =	vst v63  }
0x6a: {  	s8 =	simm.s32 $0xD80;
	s9 =	simm.s32 $0x9400  }
0x6b: {  	[tilespmem:s9], [sflag:$0x3] =	stream.indirect.gather [hbm4b:s4+s19], $0x8, s8, s19, $0xb8;
	[tilespmem:$0x19090] =	vst v63  }
0x6c: {  	s10 =	simm.s32 $0xE00;
	s13 =	simm.s32 $0x5800  }
0x6d: {  	[tilespmem:s13], [sflag:$0x3] =	stream.indirect.gather [hbm4b:s4+s19], $0x8, s10, s19, $0xb8;
	[tilespmem:$0x19090] =	vst v63  }
0x6e: {  	s14 =	simm.s32 $0xE80;
	s15 =	simm.s32 $0x9800  }
0x6f: {  	[tilespmem:s15], [sflag:$0x3] =	stream.indirect.gather [hbm4b:s4+s19], $0x8, s14, s19, $0xb8;
	[tilespmem:$0x19090] =	vst v63  }
.Ltmp2:
0x70: {  	_ = 	snop;
	(pc) =	sbr.rel .LBB2_2-.Ltmp2, $4  }
0x71: {  	s17 =	simm.s32 $0xF00;
	s22 =	simm.s32 $0x5C00  }
0x72: {  	[tilespmem:s22], [sflag:$0x3] =	stream.indirect.gather [hbm4b:s4+s19], $0x8, s17, s19, $0xb8;
	[tilespmem:$0x19090] =	vst v63  }
0x73: {  	s17 =	simm.s32 $0x0  }
0x74: {  	[tilespmem:s24], [sflag:$0x3] =	stream.indirect.gather [hbm4b:s4+s19], $0x8, s23, s19, $0xb8;
	[tilespmem:$0x19090] =	vst v63  }
.LBB2_18:
0x75: {  	s5 =	smul.u32 @p1 $0x1800, s5;
	_ =	sdelay $0x1  }
0x76: {  	s5 =	sshrl.u32 @p1 s5, $0x3  }
0x77: {  	s8 =	simm.s32 @p1 $0x0;
	s5 =	sadd.s32 @p1 s1, s5  }
0x78: {  	s9 =	simm.s32 @p1 $0x12000;
	s17 =	sadd.s32 $0x1, s17;
	s5 =	sadd.s32 @p1 $0xC000, s5  }
0x79: {  	[tilespmem:s9], [sflag:$0x5] =	stream.linear.gather @p1 [hbm4b:s5+s8], $0x1800, $0x38;
	[tilespmem:$0x19090] =	vst v63  }
0x7a: {  	p1 =	sne.s32 s17, $0x31  }
.Ltmp3:
0x7b: {  	_ = 	snop;
	(pc) =	sbr.rel @!p1 .LBB2_19-.Ltmp3, $1  }
0x7c: {  	_ =	sdelay $0x3  }
.LBB2_2:
0x7d: {  	_ =	swait.ge [sflag:s25], $0x400  }
0x7e: {  	[sflag:s25] =	ssyncset.done $0x0  }
0x7f: {  	[sflag:s25] =	ssyncadd.s32 $0xFFFFFC00  }
0x80: {  	_ =	swait.ge [sflag:s25], $0x400  }
0x81: {  	[sflag:s25] =	ssyncset.done $0x0  }
0x82: {  	[sflag:s25] =	ssyncadd.s32 $0xFFFFFC00  }
0x83: {  	_ =	swait.ge [sflag:s25], $0x400  }
0x84: {  	[sflag:s25] =	ssyncset.done $0x0  }
0x85: {  	[sflag:s25] =	ssyncadd.s32 $0xFFFFFC00  }
0x86: {  	_ =	swait.ge [sflag:s25], $0x400  }
0x87: {  	[sflag:s25] =	ssyncset.done $0x0  }
0x88: {  	[sflag:s25] =	ssyncadd.s32 $0xFFFFFC00  }
0x89: {  	_ =	swait.ge [sflag:s25], $0x400  }
0x8a: {  	[sflag:s25] =	ssyncset.done $0x0  }
0x8b: {  	[sflag:s25] =	ssyncadd.s32 $0xFFFFFC00  }
0x8c: {  	_ =	swait.ge [sflag:s25], $0x400  }
0x8d: {  	[sflag:s25] =	ssyncset.done $0x0  }
0x8e: {  	[sflag:s25] =	ssyncadd.s32 $0xFFFFFC00  }
0x8f: {  	_ =	swait.ge [sflag:s25], $0x400  }
0x90: {  	[sflag:s25] =	ssyncset.done $0x0  }
0x91: {  	[sflag:s25] =	ssyncadd.s32 $0xFFFFFC00  }
0x92: {  	_ =	swait.ge [sflag:s25], $0x400  }
0x93: {  	[sflag:s25] =	ssyncset.done $0x0  }
0x94: {  	[sflag:s25] =	ssyncadd.s32 $0xFFFFFC00  }
0x95: {  	_ =	swait.ge [sflag:s25], $0x400  }
0x96: {  	[sflag:s25] =	ssyncset.done $0x0  }
0x97: {  	[sflag:s25] =	ssyncadd.s32 $0xFFFFFC00  }
0x98: {  	_ =	swait.ge [sflag:s25], $0x400  }
0x99: {  	[sflag:s25] =	ssyncset.done $0x0  }
0x9a: {  	[sflag:s25] =	ssyncadd.s32 $0xFFFFFC00  }
0x9b: {  	_ =	swait.ge [sflag:s25], $0x400  }
0x9c: {  	[sflag:s25] =	ssyncset.done $0x0  }
0x9d: {  	[sflag:s25] =	ssyncadd.s32 $0xFFFFFC00  }
0x9e: {  	_ =	swait.ge [sflag:s25], $0x400  }
0x9f: {  	[sflag:s25] =	ssyncset.done $0x0  }
0xa0: {  	[sflag:s25] =	ssyncadd.s32 $0xFFFFFC00  }
0xa1: {  	_ =	swait.ge [sflag:s25], $0x400  }
0xa2: {  	[sflag:s25] =	ssyncset.done $0x0  }
0xa3: {  	[sflag:s25] =	ssyncadd.s32 $0xFFFFFC00  }
0xa4: {  	_ =	swait.ge [sflag:s25], $0x400  }
0xa5: {  	[sflag:s25] =	ssyncset.done $0x0  }
0xa6: {  	[sflag:s25] =	ssyncadd.s32 $0xFFFFFC00  }
0xa7: {  	_ =	swait.ge [sflag:s25], $0x400  }
0xa8: {  	[sflag:s25] =	ssyncset.done $0x0  }
0xa9: {  	[sflag:s25] =	ssyncadd.s32 $0xFFFFFC00  }
0xaa: {  	_ =	swait.ge [sflag:s25], $0x400  }
0xab: {  	[sflag:s25] =	ssyncset.done $0x0  }
0xac: {  	[sflag:s25] =	ssyncadd.s32 $0xFFFFFC00  }
0xad: {  	_ =	swait.ge [sflag:s25], $0x400  }
0xae: {  	[sflag:s25] =	ssyncset.done $0x0  }
0xaf: {  	[sflag:s25] =	ssyncadd.s32 $0xFFFFFC00  }
0xb0: {  	_ =	swait.ge [sflag:s25], $0x400  }
0xb1: {  	[sflag:s25] =	ssyncset.done $0x0  }
0xb2: {  	[sflag:s25] =	ssyncadd.s32 $0xFFFFFC00  }
0xb3: {  	_ =	swait.ge [sflag:s25], $0x400  }
0xb4: {  	[sflag:s25] =	ssyncset.done $0x0  }
0xb5: {  	[sflag:s25] =	ssyncadd.s32 $0xFFFFFC00  }
0xb6: {  	_ =	swait.ge [sflag:s25], $0x400  }
0xb7: {  	[sflag:s25] =	ssyncset.done $0x0  }
0xb8: {  	[sflag:s25] =	ssyncadd.s32 $0xFFFFFC00  }
0xb9: {  	_ =	swait.ge [sflag:s25], $0x400  }
0xba: {  	[sflag:s25] =	ssyncset.done $0x0  }
0xbb: {  	[sflag:s25] =	ssyncadd.s32 $0xFFFFFC00  }
0xbc: {  	_ =	swait.ge [sflag:s25], $0x400  }
0xbd: {  	[sflag:s25] =	ssyncset.done $0x0  }
0xbe: {  	[sflag:s25] =	ssyncadd.s32 $0xFFFFFC00  }
0xbf: {  	_ =	swait.ge [sflag:s25], $0x400  }
0xc0: {  	[sflag:s25] =	ssyncset.done $0x0  }
0xc1: {  	[sflag:s25] =	ssyncadd.s32 $0xFFFFFC00  }
0xc2: {  	_ =	swait.ge [sflag:s25], $0x400  }
0xc3: {  	[sflag:s25] =	ssyncset.done $0x0  }
0xc4: {  	[sflag:s25] =	ssyncadd.s32 $0xFFFFFC00  }
0xc5: {  	_ =	swait.ge [sflag:s25], $0x400  }
0xc6: {  	[sflag:s25] =	ssyncset.done $0x0  }
0xc7: {  	[sflag:s25] =	ssyncadd.s32 $0xFFFFFC00  }
0xc8: {  	_ =	swait.ge [sflag:s25], $0x400  }
0xc9: {  	[sflag:s25] =	ssyncset.done $0x0  }
0xca: {  	[sflag:s25] =	ssyncadd.s32 $0xFFFFFC00  }
0xcb: {  	_ =	swait.ge [sflag:s25], $0x400  }
0xcc: {  	[sflag:s25] =	ssyncset.done $0x0  }
0xcd: {  	[sflag:s25] =	ssyncadd.s32 $0xFFFFFC00  }
0xce: {  	_ =	swait.ge [sflag:s25], $0x400  }
0xcf: {  	[sflag:s25] =	ssyncset.done $0x0  }
0xd0: {  	[sflag:s25] =	ssyncadd.s32 $0xFFFFFC00  }
0xd1: {  	_ =	swait.ge [sflag:s25], $0x400  }
0xd2: {  	[sflag:s25] =	ssyncset.done $0x0  }
0xd3: {  	[sflag:s25] =	ssyncadd.s32 $0xFFFFFC00  }
0xd4: {  	s5 =	sshll.u32 s17, $0x6;
	_ =	swait.ge [sflag:s25], $0x400  }
0xd5: {  	s5 =	sor.u32 s6, s5;
	[sflag:s25] =	ssyncset.done $0x0  }
0xd6: {  	s9 =	sor.u32 $0x20, s5;
	[sflag:s25] =	ssyncadd.s32 $0xFFFFFC00  }
0xd7: {  	p2 =	sgt.u32 s9, $0xC34;
	_ =	swait.ge [sflag:s25], $0x400  }
.Ltmp4:
0xd8: {  	[sflag:s25] =	ssyncset.done $0x0;
	(pc) =	sbr.rel @p2 .LBB2_4-.Ltmp4, $4  }
0xd9: {  	[sflag:s25] =	ssyncadd.s32 $0xFFFFFC00  }
0xda: {  	_ =	swait.ge [sflag:s25], $0x400  }
0xdb: {  	[sflag:s25] =	ssyncset.done $0x0  }
0xdc: {  	p1 =	por $0x0, $0x0;
	[sflag:s25] =	ssyncadd.s32 $0xFFFFFC00  }
0xdd: {  	_ =	swait.ge [sflag:s26], $0x1000  }
0xde: {  	[sflag:s26] =	ssyncset.done $0x0  }
0xdf: {  	[sflag:s26] =	ssyncadd.s32 $0xFFFFF000  }
0xe0: {  	[tilespmem:s28], [sflag:$0x4] =	stream.indirect.gather [hbm4b:s4+s19], $0x8, s16, s19, $0xb8;
	[tilespmem:$0x19090] =	vst v63  }
0xe1: {  	s8 =	simm.s32 $0x1080  }
0xe2: {  	[tilespmem:s29], [sflag:$0x4] =	stream.indirect.gather [hbm4b:s4+s19], $0x8, s8, s19, $0xb8;
	[tilespmem:$0x19090] =	vst v63  }
0xe3: {  	s14 =	simm.s32 $0x1100;
	s10 =	simm.s32 $0xA400  }
0xe4: {  	[tilespmem:s10], [sflag:$0x4] =	stream.indirect.gather [hbm4b:s4+s19], $0x8, s14, s19, $0xb8;
	[tilespmem:$0x19090] =	vst v63  }
0xe5: {  	s15 =	simm.s32 $0x1180;
	s22 =	simm.s32 $0xE400  }
0xe6: {  	[tilespmem:s22], [sflag:$0x4] =	stream.indirect.gather [hbm4b:s4+s19], $0x8, s15, s19, $0xb8;
	[tilespmem:$0x19090] =	vst v63  }
0xe7: {  	s13 =	simm.s32 $0x1200;
	s14 =	simm.s32 $0xA800  }
0xe8: {  	[tilespmem:s14], [sflag:$0x4] =	stream.indirect.gather [hbm4b:s4+s19], $0x8, s13, s19, $0xb8;
	[tilespmem:$0x19090] =	vst v63  }
0xe9: {  	s15 =	simm.s32 $0x1280;
	s22 =	simm.s32 $0xE800  }
0xea: {  	[tilespmem:s22], [sflag:$0x4] =	stream.indirect.gather [hbm4b:s4+s19], $0x8, s15, s19, $0xb8;
	[tilespmem:$0x19090] =	vst v63  }
0xeb: {  	s13 =	simm.s32 $0x1300;
	s14 =	simm.s32 $0xAC00  }
0xec: {  	[tilespmem:s14], [sflag:$0x4] =	stream.indirect.gather [hbm4b:s4+s19], $0x8, s13, s19, $0xb8;
	[tilespmem:$0x19090] =	vst v63  }
0xed: {  	s15 =	simm.s32 $0x1380;
	s22 =	simm.s32 $0xEC00  }
0xee: {  	[tilespmem:s22], [sflag:$0x4] =	stream.indirect.gather [hbm4b:s4+s19], $0x8, s15, s19, $0xb8;
	[tilespmem:$0x19090] =	vst v63  }
0xef: {  	s13 =	simm.s32 $0x1400;
	s14 =	simm.s32 $0xB000  }
0xf0: {  	[tilespmem:s14], [sflag:$0x4] =	stream.indirect.gather [hbm4b:s4+s19], $0x8, s13, s19, $0xb8;
	[tilespmem:$0x19090] =	vst v63  }
0xf1: {  	s15 =	simm.s32 $0x1480;
	s22 =	simm.s32 $0xF000  }
0xf2: {  	[tilespmem:s22], [sflag:$0x4] =	stream.indirect.gather [hbm4b:s4+s19], $0x8, s15, s19, $0xb8;
	[tilespmem:$0x19090] =	vst v63  }
0xf3: {  	s13 =	simm.s32 $0x1500;
	s14 =	simm.s32 $0xB400  }
0xf4: {  	[tilespmem:s14], [sflag:$0x4] =	stream.indirect.gather [hbm4b:s4+s19], $0x8, s13, s19, $0xb8;
	[tilespmem:$0x19090] =	vst v63  }
0xf5: {  	s15 =	simm.s32 $0x1580;
	s22 =	simm.s32 $0xF400  }
0xf6: {  	[tilespmem:s22], [sflag:$0x4] =	stream.indirect.gather [hbm4b:s4+s19], $0x8, s15, s19, $0xb8;
	[tilespmem:$0x19090] =	vst v63  }
0xf7: {  	s13 =	simm.s32 $0x1600;
	s14 =	simm.s32 $0xB800  }
0xf8: {  	[tilespmem:s14], [sflag:$0x4] =	stream.indirect.gather [hbm4b:s4+s19], $0x8, s13, s19, $0xb8;
	[tilespmem:$0x19090] =	vst v63  }
0xf9: {  	s15 =	simm.s32 $0x1680;
	s22 =	simm.s32 $0xF800  }
0xfa: {  	[tilespmem:s22], [sflag:$0x4] =	stream.indirect.gather [hbm4b:s4+s19], $0x8, s15, s19, $0xb8;
	[tilespmem:$0x19090] =	vst v63  }
0xfb: {  	s13 =	simm.s32 $0x1700;
	s14 =	simm.s32 $0xBC00  }
0xfc: {  	[tilespmem:s14], [sflag:$0x4] =	stream.indirect.gather [hbm4b:s4+s19], $0x8, s13, s19, $0xb8;
	[tilespmem:$0x19090] =	vst v63  }
0xfd: {  	s15 =	simm.s32 $0x1780;
	s22 =	simm.s32 $0xFC00  }
0xfe: {  	[tilespmem:s22], [sflag:$0x4] =	stream.indirect.gather [hbm4b:s4+s19], $0x8, s15, s19, $0xb8;
	[tilespmem:$0x19090] =	vst v63  }
0xff: {  	s13 =	simm.s32 $0x1800;
	s14 =	simm.s32 $0xC000  }
0x100: {  	[tilespmem:s14], [sflag:$0x4] =	stream.indirect.gather [hbm4b:s4+s19], $0x8, s13, s19, $0xb8;
	[tilespmem:$0x19090] =	vst v63  }
0x101: {  	s15 =	simm.s32 $0x1880;
	s22 =	simm.s32 $0x10000  }
0x102: {  	[tilespmem:s22], [sflag:$0x4] =	stream.indirect.gather [hbm4b:s4+s19], $0x8, s15, s19, $0xb8;
	[tilespmem:$0x19090] =	vst v63  }
0x103: {  	s13 =	simm.s32 $0x1900;
	s14 =	simm.s32 $0xC400  }
0x104: {  	[tilespmem:s14], [sflag:$0x4] =	stream.indirect.gather [hbm4b:s4+s19], $0x8, s13, s19, $0xb8;
	[tilespmem:$0x19090] =	vst v63  }
0x105: {  	s15 =	simm.s32 $0x1980;
	s22 =	simm.s32 $0x10400  }
0x106: {  	[tilespmem:s22], [sflag:$0x4] =	stream.indirect.gather [hbm4b:s4+s19], $0x8, s15, s19, $0xb8;
	[tilespmem:$0x19090] =	vst v63  }
0x107: {  	s13 =	simm.s32 $0x1A00;
	s14 =	simm.s32 $0xC800  }
0x108: {  	[tilespmem:s14], [sflag:$0x4] =	stream.indirect.gather [hbm4b:s4+s19], $0x8, s13, s19, $0xb8;
	[tilespmem:$0x19090] =	vst v63  }
0x109: {  	s15 =	simm.s32 $0x1A80;
	s22 =	simm.s32 $0x10800  }
0x10a: {  	[tilespmem:s22], [sflag:$0x4] =	stream.indirect.gather [hbm4b:s4+s19], $0x8, s15, s19, $0xb8;
	[tilespmem:$0x19090] =	vst v63  }
0x10b: {  	s13 =	simm.s32 $0x1B00;
	s14 =	simm.s32 $0xCC00  }
0x10c: {  	[tilespmem:s14], [sflag:$0x4] =	stream.indirect.gather [hbm4b:s4+s19], $0x8, s13, s19, $0xb8;
	[tilespmem:$0x19090] =	vst v63  }
0x10d: {  	s15 =	simm.s32 $0x1B80;
	s22 =	simm.s32 $0x10C00  }
0x10e: {  	[tilespmem:s22], [sflag:$0x4] =	stream.indirect.gather [hbm4b:s4+s19], $0x8, s15, s19, $0xb8;
	[tilespmem:$0x19090] =	vst v63  }
0x10f: {  	s13 =	simm.s32 $0x1C00;
	s14 =	simm.s32 $0xD000  }
0x110: {  	[tilespmem:s14], [sflag:$0x4] =	stream.indirect.gather [hbm4b:s4+s19], $0x8, s13, s19, $0xb8;
	[tilespmem:$0x19090] =	vst v63  }
0x111: {  	s15 =	simm.s32 $0x1C80;
	s22 =	simm.s32 $0x11000  }
0x112: {  	[tilespmem:s22], [sflag:$0x4] =	stream.indirect.gather [hbm4b:s4+s19], $0x8, s15, s19, $0xb8;
	[tilespmem:$0x19090] =	vst v63  }
0x113: {  	s13 =	simm.s32 $0x1D00;
	s14 =	simm.s32 $0xD400  }
0x114: {  	[tilespmem:s14], [sflag:$0x4] =	stream.indirect.gather [hbm4b:s4+s19], $0x8, s13, s19, $0xb8;
	[tilespmem:$0x19090] =	vst v63  }
0x115: {  	s15 =	simm.s32 $0x1D80;
	s22 =	simm.s32 $0x11400  }
0x116: {  	[tilespmem:s22], [sflag:$0x4] =	stream.indirect.gather [hbm4b:s4+s19], $0x8, s15, s19, $0xb8;
	[tilespmem:$0x19090] =	vst v63  }
0x117: {  	p3 =	sgt.u32 s5, $0xBF4;
	s13 =	simm.s32 $0x1E00;
	s14 =	simm.s32 $0xD800  }
0x118: {  	[tilespmem:s14], [sflag:$0x4] =	stream.indirect.gather [hbm4b:s4+s19], $0x8, s13, s19, $0xb8;
	[tilespmem:$0x19090] =	vst v63  }
0x119: {  	p1 =	por $0x0, $0x0;
	s15 =	simm.s32 $0x1E80;
	s22 =	simm.s32 $0x11800  }
0x11a: {  	[tilespmem:s22], [sflag:$0x4] =	stream.indirect.gather [hbm4b:s4+s19], $0x8, s15, s19, $0xb8;
	[tilespmem:$0x19090] =	vst v63  }
0x11b: {  	p4 =	por @!p3 $0x1, $0x1;
	s13 =	simm.s32 $0x1F00;
	s14 =	simm.s32 $0xDC00  }
0x11c: {  	[tilespmem:s14], [sflag:$0x4] =	stream.indirect.gather [hbm4b:s4+s19], $0x8, s13, s19, $0xb8;
	[tilespmem:$0x19090] =	vst v63  }
0x11d: {  	s8 =	sshll.u32 @!p3 s5, $0x9;
	s15 =	simm.s32 $0x1F80;
	s22 =	simm.s32 $0x11C00  }
0x11e: {  	[tilespmem:s22], [sflag:$0x4] =	stream.indirect.gather [hbm4b:s4+s19], $0x8, s15, s19, $0xb8;
	[tilespmem:$0x19090] =	vst v63  }
0x11f: {  	p1 =	por @!p3 p4, p4;
	s8 =	sadd.s32 @!p3 s8, s11;
	s10 =	simm.s32 @!p3 $0x0  }
0x120: {  	[tilespmem:s10], [sflag:$0x1] =	stream.linear.gather @!p3 [hbm4b:s8+s10], $0x1000, $0x38;
	[tilespmem:$0x19090] =	vst v63  }
.LBB2_4:
0x121: {  	s8 =	sadd.s32 $0xFFFFFFC0, s5;
	_ =	swait.ge [sflag:s30], $0x1800  }
0x122: {  	[sflag:s30] =	ssyncset.done $0x0;
	p3 =	sgt.u32 s8, $0xC34  }
0x123: {  	s10 =	simm.s32 $0x0;
	[sflag:s30] =	ssyncadd.s32 $0xFFFFE800;
	s8 =	simm.s32 @!p3 $0x7  }
0x124: {  	v19 =	vmov s10;
	_ =	swait.ge @!p3 [sflag:s8], $0x2000  }
0x125: {  	v19 =	vshll.u32 v19, $0x3;
	[sflag:s8] =	ssyncset.done @!p3 $0x0  }
0x126: {  	s10 =	simm.s32 $0x120C0;
	v19 =	vor.u32 v9, v19;
	[sflag:s8] =	ssyncadd.s32 @!p3 $0xFFFFE000  }
0x127: {  	v20 =	vld [tilespmem:s10+$0xFFFFFF40]  }
0x128: {  	v21 =	vld [tilespmem:s10+$0xFFFFFFC0];
	_ =	sdelay $0x1  }
0x129: {  	v22 =	vld [tilespmem:s10+$0x40]  }
0x12a: {  	v23 =	vld.idx.msk [tilespmem:v19+s20+$0x0], $0xffff  }
0x12b: {  	v24 =	vld.idx.msk [tilespmem:v19+s21+$0x0], $0xffff  }
0x12c: {  	v25 =	vmul.f32 v20, v10;
	v26 =	vmul.f32 v21, v13;
	_ =	sdelay $0x1  }
0x12d: {  	v27 =	vmul.f32 v22, v16;
	v25 =	vadd.f32 v26, v25;
	_ =	sdelay $0x1  }
0x12e: {  	v26 =	vor.u32 $0x1, v19;
	v23 =	vsub.f32 v24, v23;
	v24 =	vadd.f32 v27, v25;
	_ =	sdelay $0x1  }
0x12f: {  	v23 =	vadd.f32 v23, v24  }
0x130: {  	s13 =	simm.s32 $0x150C0  }
0x131: {  	[tilespmem:s13+$0xFFFFFF40] =	vst v23  }
0x132: {  	v23 =	vld.idx.msk [tilespmem:v26+s20+$0x0], $0xffff  }
0x133: {  	v24 =	vld.idx.msk [tilespmem:v26+s21+$0x0], $0xffff  }
0x134: {  	v25 =	vmul.f32 v20, v11;
	v26 =	vmul.f32 v21, v14;
	_ =	sdelay $0x1  }
0x135: {  	v25 =	vadd.f32 v26, v25;
	v26 =	vmul.f32 v22, v17;
	_ =	sdelay $0x1  }
0x136: {  	v19 =	vor.u32 $0x2, v19;
	v25 =	vadd.f32 v26, v25;
	v23 =	vsub.f32 v24, v23;
	_ =	sdelay $0x1  }
0x137: {  	v23 =	vadd.f32 v23, v25;
	_ =	sdelay $0x1  }
0x138: {  	[tilespmem:s13+$0xFFFFFFC0] =	vst v23  }
0x139: {  	v23 =	vld.idx.msk [tilespmem:v19+s20+$0x0], $0xffff  }
0x13a: {  	v19 =	vld.idx.msk [tilespmem:v19+s21+$0x0], $0xffff  }
0x13b: {  	v20 =	vmul.f32 v20, v12;
	v21 =	vmul.f32 v21, v15;
	_ =	sdelay $0x1  }
0x13c: {  	v20 =	vadd.f32 v21, v20;
	v21 =	vmul.f32 v22, v18;
	_ =	sdelay $0x1  }
0x13d: {  	v20 =	vadd.f32 v21, v20;
	v19 =	vsub.f32 v19, v23  }
0x13e: {  	s22 =	simm.s32 $0x10  }
0x13f: {  	v21 =	vmov s22;
	v19 =	vadd.f32 v19, v20  }
0x140: {  	v20 =	vshll.u32 v21, $0x3  }
0x141: {  	v20 =	vor.u32 v9, v20;
	[tilespmem:s13+$0x40] =	vst v19  }
0x142: {  	v19 =	vld [tilespmem:s10+$0xFFFFFF50]  }
0x143: {  	v21 =	vld [tilespmem:s10+$0xFFFFFFD0];
	_ =	sdelay $0x1  }
0x144: {  	v22 =	vld [tilespmem:s10+$0x50]  }
0x145: {  	v23 =	vld.idx.msk [tilespmem:v20+s20+$0x0], $0xffff  }
0x146: {  	v24 =	vld.idx.msk [tilespmem:v20+s21+$0x0], $0xffff  }
0x147: {  	v25 =	vmul.f32 v19, v10;
	v26 =	vmul.f32 v21, v13;
	_ =	sdelay $0x1  }
0x148: {  	v25 =	vadd.f32 v26, v25;
	v26 =	vmul.f32 v22, v16;
	_ =	sdelay $0x1  }
0x149: {  	v23 =	vsub.f32 v24, v23;
	v24 =	vor.u32 $0x1, v20;
	v25 =	vadd.f32 v26, v25;
	_ =	sdelay $0x1  }
0x14a: {  	v23 =	vadd.f32 v23, v25;
	_ =	sdelay $0x1  }
0x14b: {  	[tilespmem:s13+$0xFFFFFF50] =	vst v23  }
0x14c: {  	v23 =	vld.idx.msk [tilespmem:v24+s20+$0x0], $0xffff  }
0x14d: {  	v24 =	vld.idx.msk [tilespmem:v24+s21+$0x0], $0xffff  }
0x14e: {  	v26 =	vmul.f32 v21, v14;
	v25 =	vmul.f32 v19, v11;
	_ =	sdelay $0x1  }
0x14f: {  	v25 =	vadd.f32 v26, v25;
	v26 =	vmul.f32 v22, v17;
	_ =	sdelay $0x1  }
0x150: {  	v20 =	vor.u32 $0x2, v20;
	v25 =	vadd.f32 v26, v25;
	v23 =	vsub.f32 v24, v23;
	_ =	sdelay $0x1  }
0x151: {  	v23 =	vadd.f32 v23, v25;
	_ =	sdelay $0x1  }
0x152: {  	[tilespmem:s13+$0xFFFFFFD0] =	vst v23  }
0x153: {  	v23 =	vld.idx.msk [tilespmem:v20+s20+$0x0], $0xffff  }
0x154: {  	v20 =	vld.idx.msk [tilespmem:v20+s21+$0x0], $0xffff  }
0x155: {  	v21 =	vmul.f32 v21, v15;
	v19 =	vmul.f32 v19, v12;
	_ =	sdelay $0x1  }
0x156: {  	v19 =	vadd.f32 v21, v19;
	v21 =	vmul.f32 v22, v18;
	_ =	sdelay $0x1  }
0x157: {  	v19 =	vadd.f32 v21, v19;
	v20 =	vsub.f32 v20, v23  }
0x158: {  	s14 =	simm.s32 $0x20  }
0x159: {  	v21 =	vmov s14;
	v19 =	vadd.f32 v20, v19  }
0x15a: {  	v20 =	vshll.u32 v21, $0x3  }
0x15b: {  	v20 =	vor.u32 v9, v20;
	[tilespmem:s13+$0x50] =	vst v19  }
0x15c: {  	v19 =	vld [tilespmem:s10+$0xFFFFFF60]  }
0x15d: {  	v21 =	vld [tilespmem:s10+$0xFFFFFFE0];
	_ =	sdelay $0x1  }
0x15e: {  	v22 =	vld [tilespmem:s10+$0x60]  }
0x15f: {  	v23 =	vld.idx.msk [tilespmem:v20+s20+$0x0], $0xffff  }
0x160: {  	v24 =	vld.idx.msk [tilespmem:v20+s21+$0x0], $0xffff  }
0x161: {  	v25 =	vmul.f32 v19, v10;
	v26 =	vmul.f32 v21, v13;
	_ =	sdelay $0x1  }
0x162: {  	v25 =	vadd.f32 v26, v25;
	v26 =	vmul.f32 v22, v16;
	_ =	sdelay $0x1  }
0x163: {  	v23 =	vsub.f32 v24, v23;
	v24 =	vor.u32 $0x1, v20;
	v25 =	vadd.f32 v26, v25;
	_ =	sdelay $0x1  }
0x164: {  	v23 =	vadd.f32 v23, v25;
	_ =	sdelay $0x1  }
0x165: {  	[tilespmem:s13+$0xFFFFFF60] =	vst v23  }
0x166: {  	v23 =	vld.idx.msk [tilespmem:v24+s20+$0x0], $0xffff  }
0x167: {  	v24 =	vld.idx.msk [tilespmem:v24+s21+$0x0], $0xffff  }
0x168: {  	v26 =	vmul.f32 v21, v14;
	v25 =	vmul.f32 v19, v11;
	_ =	sdelay $0x1  }
0x169: {  	v25 =	vadd.f32 v26, v25;
	v26 =	vmul.f32 v22, v17;
	_ =	sdelay $0x1  }
0x16a: {  	v20 =	vor.u32 $0x2, v20;
	v25 =	vadd.f32 v26, v25;
	v23 =	vsub.f32 v24, v23;
	_ =	sdelay $0x1  }
0x16b: {  	v23 =	vadd.f32 v23, v25;
	_ =	sdelay $0x1  }
0x16c: {  	[tilespmem:s13+$0xFFFFFFE0] =	vst v23  }
0x16d: {  	v23 =	vld.idx.msk [tilespmem:v20+s20+$0x0], $0xffff  }
0x16e: {  	v20 =	vld.idx.msk [tilespmem:v20+s21+$0x0], $0xffff  }
0x16f: {  	v21 =	vmul.f32 v21, v15;
	v19 =	vmul.f32 v19, v12;
	_ =	sdelay $0x1  }
0x170: {  	v19 =	vadd.f32 v21, v19;
	v21 =	vmul.f32 v22, v18;
	_ =	sdelay $0x1  }
0x171: {  	v19 =	vadd.f32 v21, v19;
	v20 =	vsub.f32 v20, v23  }
0x172: {  	s15 =	simm.s32 $0x30  }
0x173: {  	v21 =	vmov s15;
	v19 =	vadd.f32 v20, v19  }
0x174: {  	v20 =	vshll.u32 v21, $0x3  }
0x175: {  	v20 =	vor.u32 v9, v20;
	[tilespmem:s13+$0x60] =	vst v19  }
0x176: {  	v19 =	vld [tilespmem:s10+$0xFFFFFF70]  }
0x177: {  	v21 =	vld [tilespmem:s10+$0xFFFFFFF0];
	_ =	sdelay $0x1  }
0x178: {  	v22 =	vld [tilespmem:s10+$0x70]  }
0x179: {  	v23 =	vld.idx.msk [tilespmem:v20+s20+$0x0], $0xffff  }
0x17a: {  	v24 =	vld.idx.msk [tilespmem:v20+s21+$0x0], $0xffff  }
0x17b: {  	v25 =	vmul.f32 v19, v10;
	v26 =	vmul.f32 v21, v13;
	_ =	sdelay $0x1  }
0x17c: {  	v25 =	vadd.f32 v26, v25;
	v26 =	vmul.f32 v22, v16;
	_ =	sdelay $0x1  }
0x17d: {  	v23 =	vsub.f32 v24, v23;
	v24 =	vor.u32 $0x1, v20;
	v25 =	vadd.f32 v26, v25;
	_ =	sdelay $0x1  }
0x17e: {  	v23 =	vadd.f32 v23, v25;
	_ =	sdelay $0x1  }
0x17f: {  	[tilespmem:s13+$0xFFFFFF70] =	vst v23  }
0x180: {  	v23 =	vld.idx.msk [tilespmem:v24+s20+$0x0], $0xffff  }
0x181: {  	v24 =	vld.idx.msk [tilespmem:v24+s21+$0x0], $0xffff  }
0x182: {  	v26 =	vmul.f32 v21, v14;
	v25 =	vmul.f32 v19, v11;
	_ =	sdelay $0x1  }
0x183: {  	v25 =	vadd.f32 v26, v25;
	v26 =	vmul.f32 v22, v17;
	_ =	sdelay $0x1  }
0x184: {  	v20 =	vor.u32 $0x2, v20;
	v25 =	vadd.f32 v26, v25;
	v23 =	vsub.f32 v24, v23;
	_ =	sdelay $0x1  }
0x185: {  	v23 =	vadd.f32 v23, v25;
	_ =	sdelay $0x1  }
0x186: {  	[tilespmem:s13+$0xFFFFFFF0] =	vst v23  }
0x187: {  	v23 =	vld.idx.msk [tilespmem:v20+s20+$0x0], $0xffff  }
0x188: {  	v20 =	vld.idx.msk [tilespmem:v20+s21+$0x0], $0xffff  }
0x189: {  	v21 =	vmul.f32 v21, v15;
	v19 =	vmul.f32 v19, v12;
	_ =	sdelay $0x1  }
0x18a: {  	v19 =	vadd.f32 v21, v19;
	v21 =	vmul.f32 v22, v18;
	_ =	sdelay $0x1  }
0x18b: {  	v19 =	vadd.f32 v21, v19;
	v20 =	vsub.f32 v20, v23  }
0x18c: {  	s22 =	simm.s32 $0x40  }
0x18d: {  	v21 =	vmov s22;
	v19 =	vadd.f32 v20, v19  }
0x18e: {  	v20 =	vshll.u32 v21, $0x3  }
0x18f: {  	v20 =	vor.u32 v9, v20;
	[tilespmem:s13+$0x70] =	vst v19  }
0x190: {  	v19 =	vld [tilespmem:s10+$0xFFFFFF80]  }
0x191: {  	v21 =	vld [tilespmem:s10+$0x0];
	_ =	sdelay $0x1  }
0x192: {  	v22 =	vld [tilespmem:s10+$0x80]  }
0x193: {  	v23 =	vld.idx.msk [tilespmem:v20+s20+$0x0], $0xffff  }
0x194: {  	v24 =	vld.idx.msk [tilespmem:v20+s21+$0x0], $0xffff  }
0x195: {  	v25 =	vmul.f32 v19, v10;
	v26 =	vmul.f32 v21, v13;
	_ =	sdelay $0x1  }
0x196: {  	v25 =	vadd.f32 v26, v25;
	v26 =	vmul.f32 v22, v16;
	_ =	sdelay $0x1  }
0x197: {  	v23 =	vsub.f32 v24, v23;
	v24 =	vor.u32 $0x1, v20;
	v25 =	vadd.f32 v26, v25;
	_ =	sdelay $0x1  }
0x198: {  	v23 =	vadd.f32 v23, v25;
	_ =	sdelay $0x1  }
0x199: {  	[tilespmem:s13+$0xFFFFFF80] =	vst v23  }
0x19a: {  	v23 =	vld.idx.msk [tilespmem:v24+s20+$0x0], $0xffff  }
0x19b: {  	v24 =	vld.idx.msk [tilespmem:v24+s21+$0x0], $0xffff  }
0x19c: {  	v26 =	vmul.f32 v21, v14;
	v25 =	vmul.f32 v19, v11;
	_ =	sdelay $0x1  }
0x19d: {  	v25 =	vadd.f32 v26, v25;
	v26 =	vmul.f32 v22, v17;
	_ =	sdelay $0x1  }
0x19e: {  	v20 =	vor.u32 $0x2, v20;
	v25 =	vadd.f32 v26, v25;
	v23 =	vsub.f32 v24, v23;
	_ =	sdelay $0x1  }
0x19f: {  	v23 =	vadd.f32 v23, v25;
	_ =	sdelay $0x1  }
0x1a0: {  	[tilespmem:s13+$0x0] =	vst v23  }
0x1a1: {  	v23 =	vld.idx.msk [tilespmem:v20+s20+$0x0], $0xffff  }
0x1a2: {  	v20 =	vld.idx.msk [tilespmem:v20+s21+$0x0], $0xffff  }
0x1a3: {  	v21 =	vmul.f32 v21, v15;
	v19 =	vmul.f32 v19, v12;
	_ =	sdelay $0x1  }
0x1a4: {  	v19 =	vadd.f32 v21, v19;
	v21 =	vmul.f32 v22, v18;
	_ =	sdelay $0x1  }
0x1a5: {  	v19 =	vadd.f32 v21, v19;
	v20 =	vsub.f32 v20, v23  }
0x1a6: {  	s14 =	simm.s32 $0x50  }
0x1a7: {  	v21 =	vmov s14;
	v19 =	vadd.f32 v20, v19  }
0x1a8: {  	v20 =	vshll.u32 v21, $0x3  }
0x1a9: {  	v20 =	vor.u32 v9, v20;
	[tilespmem:s13+$0x80] =	vst v19  }
0x1aa: {  	v19 =	vld [tilespmem:s10+$0xFFFFFF90]  }
0x1ab: {  	v21 =	vld [tilespmem:s10+$0x10];
	_ =	sdelay $0x1  }
0x1ac: {  	v22 =	vld [tilespmem:s10+$0x90]  }
0x1ad: {  	v23 =	vld.idx.msk [tilespmem:v20+s20+$0x0], $0xffff  }
0x1ae: {  	v24 =	vld.idx.msk [tilespmem:v20+s21+$0x0], $0xffff  }
0x1af: {  	v25 =	vmul.f32 v19, v10;
	v26 =	vmul.f32 v21, v13;
	_ =	sdelay $0x1  }
0x1b0: {  	v25 =	vadd.f32 v26, v25;
	v26 =	vmul.f32 v22, v16;
	_ =	sdelay $0x1  }
0x1b1: {  	v23 =	vsub.f32 v24, v23;
	v24 =	vor.u32 $0x1, v20;
	v25 =	vadd.f32 v26, v25;
	_ =	sdelay $0x1  }
0x1b2: {  	v23 =	vadd.f32 v23, v25;
	_ =	sdelay $0x1  }
0x1b3: {  	[tilespmem:s13+$0xFFFFFF90] =	vst v23  }
0x1b4: {  	v23 =	vld.idx.msk [tilespmem:v24+s20+$0x0], $0xffff  }
0x1b5: {  	v24 =	vld.idx.msk [tilespmem:v24+s21+$0x0], $0xffff  }
0x1b6: {  	v26 =	vmul.f32 v21, v14;
	v25 =	vmul.f32 v19, v11;
	_ =	sdelay $0x1  }
0x1b7: {  	v25 =	vadd.f32 v26, v25;
	v26 =	vmul.f32 v22, v17;
	_ =	sdelay $0x1  }
0x1b8: {  	v20 =	vor.u32 $0x2, v20;
	v25 =	vadd.f32 v26, v25;
	v23 =	vsub.f32 v24, v23;
	_ =	sdelay $0x1  }
0x1b9: {  	v23 =	vadd.f32 v23, v25;
	_ =	sdelay $0x1  }
0x1ba: {  	[tilespmem:s13+$0x10] =	vst v23  }
0x1bb: {  	v23 =	vld.idx.msk [tilespmem:v20+s20+$0x0], $0xffff  }
0x1bc: {  	v20 =	vld.idx.msk [tilespmem:v20+s21+$0x0], $0xffff  }
0x1bd: {  	v21 =	vmul.f32 v21, v15;
	v19 =	vmul.f32 v19, v12;
	_ =	sdelay $0x1  }
0x1be: {  	v19 =	vadd.f32 v21, v19;
	v21 =	vmul.f32 v22, v18;
	_ =	sdelay $0x1  }
0x1bf: {  	v19 =	vadd.f32 v21, v19;
	v20 =	vsub.f32 v20, v23  }
0x1c0: {  	s15 =	simm.s32 $0x60  }
0x1c1: {  	v21 =	vmov s15;
	v19 =	vadd.f32 v20, v19  }
0x1c2: {  	v20 =	vshll.u32 v21, $0x3  }
0x1c3: {  	v20 =	vor.u32 v9, v20;
	[tilespmem:s13+$0x90] =	vst v19  }
0x1c4: {  	v19 =	vld [tilespmem:s10+$0xFFFFFFA0]  }
0x1c5: {  	v21 =	vld [tilespmem:s10+$0x20];
	_ =	sdelay $0x1  }
0x1c6: {  	v22 =	vld [tilespmem:s10+$0xA0]  }
0x1c7: {  	v23 =	vld.idx.msk [tilespmem:v20+s20+$0x0], $0xffff  }
0x1c8: {  	v24 =	vld.idx.msk [tilespmem:v20+s21+$0x0], $0xffff  }
0x1c9: {  	v25 =	vmul.f32 v19, v10;
	v26 =	vmul.f32 v21, v13;
	_ =	sdelay $0x1  }
0x1ca: {  	v25 =	vadd.f32 v26, v25;
	v26 =	vmul.f32 v22, v16;
	_ =	sdelay $0x1  }
0x1cb: {  	v23 =	vsub.f32 v24, v23;
	v24 =	vor.u32 $0x1, v20;
	v25 =	vadd.f32 v26, v25;
	_ =	sdelay $0x1  }
0x1cc: {  	v23 =	vadd.f32 v23, v25;
	_ =	sdelay $0x1  }
0x1cd: {  	[tilespmem:s13+$0xFFFFFFA0] =	vst v23  }
0x1ce: {  	v23 =	vld.idx.msk [tilespmem:v24+s20+$0x0], $0xffff  }
0x1cf: {  	v24 =	vld.idx.msk [tilespmem:v24+s21+$0x0], $0xffff  }
0x1d0: {  	v26 =	vmul.f32 v21, v14;
	v25 =	vmul.f32 v19, v11;
	_ =	sdelay $0x1  }
0x1d1: {  	v25 =	vadd.f32 v26, v25;
	v26 =	vmul.f32 v22, v17;
	_ =	sdelay $0x1  }
0x1d2: {  	v20 =	vor.u32 $0x2, v20;
	v25 =	vadd.f32 v26, v25;
	v23 =	vsub.f32 v24, v23;
	_ =	sdelay $0x1  }
0x1d3: {  	v23 =	vadd.f32 v23, v25;
	_ =	sdelay $0x1  }
0x1d4: {  	[tilespmem:s13+$0x20] =	vst v23  }
0x1d5: {  	v23 =	vld.idx.msk [tilespmem:v20+s20+$0x0], $0xffff  }
0x1d6: {  	v20 =	vld.idx.msk [tilespmem:v20+s21+$0x0], $0xffff  }
0x1d7: {  	v21 =	vmul.f32 v21, v15;
	v19 =	vmul.f32 v19, v12;
	_ =	sdelay $0x1  }
0x1d8: {  	v19 =	vadd.f32 v21, v19;
	v21 =	vmul.f32 v22, v18;
	_ =	sdelay $0x1  }
0x1d9: {  	v19 =	vadd.f32 v21, v19;
	v20 =	vsub.f32 v20, v23;
	_ =	sdelay $0x1  }
0x1da: {  	s22 =	simm.s32 $0x70;
	v19 =	vadd.f32 v20, v19  }
0x1db: {  	v20 =	vmov s22  }
0x1dc: {  	[tilespmem:s13+$0xA0] =	vst v19;
	v19 =	vshll.u32 v20, $0x3  }
0x1dd: {  	v20 =	vor.u32 v9, v19  }
0x1de: {  	v21 =	vld [tilespmem:s10+$0xFFFFFFB0]  }
0x1df: {  	v25 =	vld [tilespmem:s10+$0x30]  }
0x1e0: {  	v19 =	vld [tilespmem:s10+$0xB0];
	_ =	sdelay $0x1  }
0x1e1: {  	v24 =	vld.idx.msk [tilespmem:v20+s20+$0x0], $0xffff  }
0x1e2: {  	v27 =	vmul.f32 v21, v10;
	v23 =	vmul.f32 v21, v12;
	v26 =	vld.idx.msk [tilespmem:v20+s21+$0x0], $0xffff  }
0x1e3: {  	v29 =	vmul.f32 v25, v13;
	v22 =	vmul.f32 v25, v14  }
0x1e4: {  	s8 =	simm.s32 $0x150C0;
	s15 =	simm.s32 $0xF0;
	v28 =	vmul.f32 v19, v16;
	v25 =	vmul.f32 v25, v15  }
.LBB2_5:
0x1e5: {  	p3 =	sne.s32 s15, $0x7F0;
	v27 =	vadd.f32 v29, v27;
	s13 =	sadd.s32 $0x200, s13;
	s10 =	sadd.s32 $0x180, s10  }
0x1e6: {  	s14 =	smov.u32 s15;
	s15 =	sadd.s32 $0x80, s15;
	v23 =	vadd.f32 v25, v23  }
0x1e7: {  	v24 =	vsub.f32 v26, v24;
	v26 =	vor.u32 $0x1, v20;
	v25 =	vadd.f32 v28, v27;
	_ =	sdelay $0x1  }
0x1e8: {  	v24 =	vadd.f32 v24, v25;
	_ =	sdelay $0x1  }
0x1e9: {  	[tilespmem:s8+$0xFFFFFFB0] =	vst v24  }
0x1ea: {  	v24 =	vld.idx.msk [tilespmem:v26+s20+$0x0], $0xffff  }
0x1eb: {  	v25 =	vld.idx.msk [tilespmem:v26+s21+$0x0], $0xffff;
	_ =	sdelay $0x1  }
0x1ec: {  	v21 =	vmul.f32 v21, v11;
	_ =	sdelay $0x1  }
0x1ed: {  	v21 =	vadd.f32 v22, v21;
	v22 =	vmul.f32 v19, v17;
	_ =	sdelay $0x1  }
0x1ee: {  	v20 =	vor.u32 $0x2, v20;
	v21 =	vadd.f32 v22, v21;
	v22 =	vsub.f32 v25, v24;
	_ =	sdelay $0x1  }
0x1ef: {  	v21 =	vadd.f32 v22, v21;
	_ =	sdelay $0x1  }
0x1f0: {  	[tilespmem:s8+$0x30] =	vst v21  }
0x1f1: {  	v21 =	vld.idx.msk [tilespmem:v20+s20+$0x0], $0xffff  }
0x1f2: {  	v20 =	vld.idx.msk [tilespmem:v20+s21+$0x0], $0xffff;
	_ =	sdelay $0x2  }
0x1f3: {  	v19 =	vmul.f32 v19, v18;
	_ =	sdelay $0x1  }
0x1f4: {  	s22 =	sadd.s32 $0xFFFFFF90, s14;
	v19 =	vadd.f32 v19, v23  }
0x1f5: {  	v22 =	vmov s22;
	v20 =	vsub.f32 v20, v21  }
0x1f6: {  	v21 =	vshll.u32 v22, $0x3  }
0x1f7: {  	v21 =	vor.u32 v9, v21;
	v19 =	vadd.f32 v20, v19;
	_ =	sdelay $0x1  }
0x1f8: {  	[tilespmem:s8+$0xB0] =	vst v19;
	s8 =	smov.u32 s13  }
0x1f9: {  	v19 =	vld [tilespmem:s10+$0xFFFFFF40]  }
0x1fa: {  	v20 =	vld [tilespmem:s10+$0x40]  }
0x1fb: {  	v22 =	vld [tilespmem:s10+$0xFFFFFFC0]  }
0x1fc: {  	v23 =	vld.idx.msk [tilespmem:v21+s20+$0x0], $0xffff  }
0x1fd: {  	v24 =	vld.idx.msk [tilespmem:v21+s21+$0x0], $0xffff;
	_ =	sdelay $0x1  }
0x1fe: {  	v25 =	vmul.f32 v19, v10;
	v26 =	vmul.f32 v20, v16  }
0x1ff: {  	v28 =	vmul.f32 v19, v12;
	v27 =	vmul.f32 v22, v13  }
0x200: {  	v29 =	vmul.f32 v22, v15  }
0x201: {  	v25 =	vadd.f32 v27, v25;
	v27 =	vor.u32 $0x1, v21  }
0x202: {  	v23 =	vsub.f32 v24, v23;
	v24 =	vadd.f32 v29, v28  }
0x203: {  	v25 =	vadd.f32 v26, v25;
	_ =	sdelay $0x1  }
0x204: {  	v23 =	vadd.f32 v23, v25;
	_ =	sdelay $0x1  }
0x205: {  	v19 =	vmul.f32 v19, v11;
	v22 =	vmul.f32 v22, v14;
	[tilespmem:s13+$0xFFFFFF40] =	vst v23  }
0x206: {  	v23 =	vld.idx.msk [tilespmem:v27+s20+$0x0], $0xffff  }
0x207: {  	v19 =	vadd.f32 v22, v19;
	v22 =	vmul.f32 v20, v17;
	v25 =	vld.idx.msk [tilespmem:v27+s21+$0x0], $0xffff;
	_ =	sdelay $0x1  }
0x208: {  	v19 =	vadd.f32 v22, v19;
	_ =	sdelay $0x2  }
0x209: {  	v21 =	vor.u32 $0x2, v21  }
0x20a: {  	v22 =	vsub.f32 v25, v23;
	_ =	sdelay $0x1  }
0x20b: {  	v19 =	vadd.f32 v22, v19;
	_ =	sdelay $0x1  }
0x20c: {  	[tilespmem:s13+$0xFFFFFFC0] =	vst v19  }
0x20d: {  	v19 =	vld.idx.msk [tilespmem:v21+s20+$0x0], $0xffff  }
0x20e: {  	v21 =	vld.idx.msk [tilespmem:v21+s21+$0x0], $0xffff;
	_ =	sdelay $0x3  }
0x20f: {  	v20 =	vmul.f32 v20, v18;
	_ =	sdelay $0x1  }
0x210: {  	s22 =	sadd.s32 $0xFFFFFFA0, s14;
	v20 =	vadd.f32 v20, v24;
	v19 =	vsub.f32 v21, v19  }
0x211: {  	v21 =	vmov s22  }
0x212: {  	v19 =	vadd.f32 v19, v20;
	v20 =	vshll.u32 v21, $0x3  }
0x213: {  	v20 =	vor.u32 v9, v20  }
0x214: {  	[tilespmem:s13+$0x40] =	vst v19  }
0x215: {  	v19 =	vld [tilespmem:s10+$0xFFFFFF50]  }
0x216: {  	v21 =	vld [tilespmem:s10+$0xFFFFFFD0]  }
0x217: {  	v22 =	vld [tilespmem:s10+$0x50]  }
0x218: {  	v23 =	vld.idx.msk [tilespmem:v20+s20+$0x0], $0xffff  }
0x219: {  	v24 =	vld.idx.msk [tilespmem:v20+s21+$0x0], $0xffff  }
0x21a: {  	v25 =	vmul.f32 v19, v10;
	v26 =	vmul.f32 v19, v11  }
0x21b: {  	v27 =	vmul.f32 v21, v13;
	v28 =	vmul.f32 v21, v14  }
0x21c: {  	v19 =	vmul.f32 v19, v12;
	v21 =	vmul.f32 v21, v15  }
0x21d: {  	v25 =	vadd.f32 v27, v25;
	v27 =	vmul.f32 v22, v16;
	v26 =	vadd.f32 v28, v26  }
0x21e: {  	v19 =	vadd.f32 v21, v19  }
0x21f: {  	v23 =	vsub.f32 v24, v23;
	v24 =	vor.u32 $0x1, v20;
	v21 =	vadd.f32 v27, v25;
	_ =	sdelay $0x1  }
0x220: {  	v21 =	vadd.f32 v23, v21;
	_ =	sdelay $0x1  }
0x221: {  	[tilespmem:s13+$0xFFFFFF50] =	vst v21  }
0x222: {  	v21 =	vld.idx.msk [tilespmem:v24+s20+$0x0], $0xffff  }
0x223: {  	v23 =	vld.idx.msk [tilespmem:v24+s21+$0x0], $0xffff;
	_ =	sdelay $0x3  }
0x224: {  	v24 =	vmul.f32 v22, v17;
	_ =	sdelay $0x1  }
0x225: {  	v20 =	vor.u32 $0x2, v20;
	v24 =	vadd.f32 v24, v26;
	v21 =	vsub.f32 v23, v21;
	_ =	sdelay $0x1  }
0x226: {  	v21 =	vadd.f32 v21, v24;
	_ =	sdelay $0x1  }
0x227: {  	[tilespmem:s13+$0xFFFFFFD0] =	vst v21  }
0x228: {  	v21 =	vld.idx.msk [tilespmem:v20+s20+$0x0], $0xffff  }
0x229: {  	v20 =	vld.idx.msk [tilespmem:v20+s21+$0x0], $0xffff;
	_ =	sdelay $0x3  }
0x22a: {  	v22 =	vmul.f32 v22, v18;
	_ =	sdelay $0x1  }
0x22b: {  	s22 =	sadd.s32 $0xFFFFFFB0, s14;
	v19 =	vadd.f32 v22, v19;
	v20 =	vsub.f32 v20, v21  }
0x22c: {  	v21 =	vmov s22  }
0x22d: {  	v19 =	vadd.f32 v20, v19;
	v20 =	vshll.u32 v21, $0x3  }
0x22e: {  	v20 =	vor.u32 v9, v20  }
0x22f: {  	[tilespmem:s13+$0x50] =	vst v19  }
0x230: {  	v19 =	vld [tilespmem:s10+$0xFFFFFF60]  }
0x231: {  	v21 =	vld [tilespmem:s10+$0xFFFFFFE0]  }
0x232: {  	v22 =	vld [tilespmem:s10+$0x60]  }
0x233: {  	v23 =	vld.idx.msk [tilespmem:v20+s20+$0x0], $0xffff  }
0x234: {  	v24 =	vld.idx.msk [tilespmem:v20+s21+$0x0], $0xffff  }
0x235: {  	v25 =	vmul.f32 v19, v10;
	v26 =	vmul.f32 v19, v11  }
0x236: {  	v27 =	vmul.f32 v21, v13;
	v28 =	vmul.f32 v21, v14  }
0x237: {  	v19 =	vmul.f32 v19, v12;
	v21 =	vmul.f32 v21, v15  }
0x238: {  	v25 =	vadd.f32 v27, v25;
	v27 =	vmul.f32 v22, v16;
	v26 =	vadd.f32 v28, v26  }
0x239: {  	v19 =	vadd.f32 v21, v19  }
0x23a: {  	v23 =	vsub.f32 v24, v23;
	v24 =	vor.u32 $0x1, v20;
	v21 =	vadd.f32 v27, v25;
	_ =	sdelay $0x1  }
0x23b: {  	v21 =	vadd.f32 v23, v21;
	_ =	sdelay $0x1  }
0x23c: {  	[tilespmem:s13+$0xFFFFFF60] =	vst v21  }
0x23d: {  	v21 =	vld.idx.msk [tilespmem:v24+s20+$0x0], $0xffff;
	_ =	sdelay $0x4  }
0x23e: {  	v23 =	vld.idx.msk [tilespmem:v24+s21+$0x0], $0xffff;
	_ =	sdelay $0x3  }
0x23f: {  	v24 =	vmul.f32 v22, v17;
	_ =	sdelay $0x1  }
0x240: {  	v20 =	vor.u32 $0x2, v20;
	v24 =	vadd.f32 v24, v26;
	v21 =	vsub.f32 v23, v21;
	_ =	sdelay $0x1  }
0x241: {  	v21 =	vadd.f32 v21, v24;
	_ =	sdelay $0x1  }
0x242: {  	[tilespmem:s13+$0xFFFFFFE0] =	vst v21  }
0x243: {  	v21 =	vld.idx.msk [tilespmem:v20+s20+$0x0], $0xffff  }
0x244: {  	v20 =	vld.idx.msk [tilespmem:v20+s21+$0x0], $0xffff;
	_ =	sdelay $0x3  }
0x245: {  	v22 =	vmul.f32 v22, v18;
	_ =	sdelay $0x1  }
0x246: {  	s22 =	sadd.s32 $0xFFFFFFC0, s14;
	v19 =	vadd.f32 v22, v19;
	v20 =	vsub.f32 v20, v21  }
0x247: {  	v21 =	vmov s22  }
0x248: {  	v19 =	vadd.f32 v20, v19;
	v20 =	vshll.u32 v21, $0x3  }
0x249: {  	v20 =	vor.u32 v9, v20  }
0x24a: {  	[tilespmem:s13+$0x60] =	vst v19  }
0x24b: {  	v19 =	vld [tilespmem:s10+$0xFFFFFF70]  }
0x24c: {  	v21 =	vld [tilespmem:s10+$0xFFFFFFF0]  }
0x24d: {  	v22 =	vld [tilespmem:s10+$0x70]  }
0x24e: {  	v23 =	vld.idx.msk [tilespmem:v20+s20+$0x0], $0xffff  }
0x24f: {  	v24 =	vld.idx.msk [tilespmem:v20+s21+$0x0], $0xffff  }
0x250: {  	v25 =	vmul.f32 v19, v10;
	v26 =	vmul.f32 v19, v11  }
0x251: {  	v27 =	vmul.f32 v21, v13;
	v28 =	vmul.f32 v21, v14  }
0x252: {  	v19 =	vmul.f32 v19, v12;
	v21 =	vmul.f32 v21, v15  }
0x253: {  	v25 =	vadd.f32 v27, v25;
	v27 =	vmul.f32 v22, v16;
	v26 =	vadd.f32 v28, v26  }
0x254: {  	v19 =	vadd.f32 v21, v19  }
0x255: {  	v23 =	vsub.f32 v24, v23;
	v24 =	vor.u32 $0x1, v20;
	v21 =	vadd.f32 v27, v25;
	_ =	sdelay $0x1  }
0x256: {  	v21 =	vadd.f32 v23, v21;
	_ =	sdelay $0x1  }
0x257: {  	[tilespmem:s13+$0xFFFFFF70] =	vst v21  }
0x258: {  	v21 =	vld.idx.msk [tilespmem:v24+s20+$0x0], $0xffff  }
0x259: {  	v23 =	vld.idx.msk [tilespmem:v24+s21+$0x0], $0xffff;
	_ =	sdelay $0x3  }
0x25a: {  	v24 =	vmul.f32 v22, v17;
	_ =	sdelay $0x1  }
0x25b: {  	v20 =	vor.u32 $0x2, v20;
	v24 =	vadd.f32 v24, v26;
	v21 =	vsub.f32 v23, v21;
	_ =	sdelay $0x1  }
0x25c: {  	v21 =	vadd.f32 v21, v24;
	_ =	sdelay $0x1  }
0x25d: {  	[tilespmem:s13+$0xFFFFFFF0] =	vst v21  }
0x25e: {  	v21 =	vld.idx.msk [tilespmem:v20+s20+$0x0], $0xffff  }
0x25f: {  	v20 =	vld.idx.msk [tilespmem:v20+s21+$0x0], $0xffff;
	_ =	sdelay $0x3  }
0x260: {  	v22 =	vmul.f32 v22, v18;
	_ =	sdelay $0x1  }
0x261: {  	s22 =	sadd.s32 $0xFFFFFFD0, s14;
	v19 =	vadd.f32 v22, v19;
	v20 =	vsub.f32 v20, v21  }
0x262: {  	v21 =	vmov s22  }
0x263: {  	v19 =	vadd.f32 v20, v19;
	v20 =	vshll.u32 v21, $0x3  }
0x264: {  	v20 =	vor.u32 v9, v20  }
0x265: {  	[tilespmem:s13+$0x70] =	vst v19  }
0x266: {  	v19 =	vld [tilespmem:s10+$0xFFFFFF80]  }
0x267: {  	v21 =	vld [tilespmem:s10+$0x0]  }
0x268: {  	v22 =	vld [tilespmem:s10+$0x80]  }
0x269: {  	v23 =	vld.idx.msk [tilespmem:v20+s20+$0x0], $0xffff  }
0x26a: {  	v24 =	vld.idx.msk [tilespmem:v20+s21+$0x0], $0xffff  }
0x26b: {  	v25 =	vmul.f32 v19, v10;
	v26 =	vmul.f32 v19, v11  }
0x26c: {  	v27 =	vmul.f32 v21, v13;
	v28 =	vmul.f32 v21, v14  }
0x26d: {  	v19 =	vmul.f32 v19, v12;
	v21 =	vmul.f32 v21, v15  }
0x26e: {  	v25 =	vadd.f32 v27, v25;
	v27 =	vmul.f32 v22, v16;
	v26 =	vadd.f32 v28, v26  }
0x26f: {  	v19 =	vadd.f32 v21, v19  }
0x270: {  	v23 =	vsub.f32 v24, v23;
	v24 =	vor.u32 $0x1, v20;
	v21 =	vadd.f32 v27, v25;
	_ =	sdelay $0x1  }
0x271: {  	v21 =	vadd.f32 v23, v21;
	_ =	sdelay $0x1  }
0x272: {  	[tilespmem:s13+$0xFFFFFF80] =	vst v21  }
0x273: {  	v21 =	vld.idx.msk [tilespmem:v24+s20+$0x0], $0xffff  }
0x274: {  	v23 =	vld.idx.msk [tilespmem:v24+s21+$0x0], $0xffff;
	_ =	sdelay $0x3  }
0x275: {  	v24 =	vmul.f32 v22, v17;
	_ =	sdelay $0x1  }
0x276: {  	v20 =	vor.u32 $0x2, v20;
	v24 =	vadd.f32 v24, v26;
	v21 =	vsub.f32 v23, v21;
	_ =	sdelay $0x1  }
0x277: {  	v21 =	vadd.f32 v21, v24;
	_ =	sdelay $0x1  }
0x278: {  	[tilespmem:s13+$0x0] =	vst v21  }
0x279: {  	v21 =	vld.idx.msk [tilespmem:v20+s20+$0x0], $0xffff  }
0x27a: {  	v20 =	vld.idx.msk [tilespmem:v20+s21+$0x0], $0xffff;
	_ =	sdelay $0x3  }
0x27b: {  	v22 =	vmul.f32 v22, v18;
	_ =	sdelay $0x1  }
0x27c: {  	s22 =	sadd.s32 $0xFFFFFFE0, s14;
	v19 =	vadd.f32 v22, v19;
	v20 =	vsub.f32 v20, v21  }
0x27d: {  	v21 =	vmov s22  }
0x27e: {  	v19 =	vadd.f32 v20, v19;
	v20 =	vshll.u32 v21, $0x3  }
0x27f: {  	v20 =	vor.u32 v9, v20  }
0x280: {  	[tilespmem:s13+$0x80] =	vst v19  }
0x281: {  	v19 =	vld [tilespmem:s10+$0xFFFFFF90]  }
0x282: {  	v21 =	vld [tilespmem:s10+$0x10]  }
0x283: {  	v22 =	vld [tilespmem:s10+$0x90]  }
0x284: {  	v23 =	vld.idx.msk [tilespmem:v20+s20+$0x0], $0xffff  }
0x285: {  	v24 =	vld.idx.msk [tilespmem:v20+s21+$0x0], $0xffff  }
0x286: {  	v25 =	vmul.f32 v19, v10;
	v26 =	vmul.f32 v19, v11  }
0x287: {  	v27 =	vmul.f32 v21, v13;
	v28 =	vmul.f32 v21, v14  }
0x288: {  	v19 =	vmul.f32 v19, v12;
	v21 =	vmul.f32 v21, v15  }
0x289: {  	v25 =	vadd.f32 v27, v25;
	v27 =	vmul.f32 v22, v16;
	v26 =	vadd.f32 v28, v26  }
0x28a: {  	v19 =	vadd.f32 v21, v19  }
0x28b: {  	v23 =	vsub.f32 v24, v23;
	v24 =	vor.u32 $0x1, v20;
	v21 =	vadd.f32 v27, v25;
	_ =	sdelay $0x1  }
0x28c: {  	v21 =	vadd.f32 v23, v21;
	_ =	sdelay $0x1  }
0x28d: {  	[tilespmem:s13+$0xFFFFFF90] =	vst v21  }
0x28e: {  	v21 =	vld.idx.msk [tilespmem:v24+s20+$0x0], $0xffff  }
0x28f: {  	v23 =	vld.idx.msk [tilespmem:v24+s21+$0x0], $0xffff;
	_ =	sdelay $0x3  }
0x290: {  	v24 =	vmul.f32 v22, v17;
	_ =	sdelay $0x1  }
0x291: {  	v20 =	vor.u32 $0x2, v20;
	v24 =	vadd.f32 v24, v26;
	v21 =	vsub.f32 v23, v21;
	_ =	sdelay $0x1  }
0x292: {  	v21 =	vadd.f32 v21, v24;
	_ =	sdelay $0x1  }
0x293: {  	[tilespmem:s13+$0x10] =	vst v21  }
0x294: {  	v21 =	vld.idx.msk [tilespmem:v20+s20+$0x0], $0xffff  }
0x295: {  	v20 =	vld.idx.msk [tilespmem:v20+s21+$0x0], $0xffff;
	_ =	sdelay $0x3  }
0x296: {  	v22 =	vmul.f32 v22, v18;
	_ =	sdelay $0x1  }
0x297: {  	s22 =	sadd.s32 $0xFFFFFFF0, s14;
	v19 =	vadd.f32 v22, v19;
	v20 =	vsub.f32 v20, v21  }
0x298: {  	v21 =	vmov s22  }
0x299: {  	v19 =	vadd.f32 v20, v19;
	v20 =	vshll.u32 v21, $0x3  }
0x29a: {  	v20 =	vor.u32 v9, v20  }
0x29b: {  	[tilespmem:s13+$0x90] =	vst v19  }
0x29c: {  	v19 =	vld [tilespmem:s10+$0xFFFFFFA0]  }
0x29d: {  	v21 =	vld [tilespmem:s10+$0x20]  }
0x29e: {  	v22 =	vld [tilespmem:s10+$0xA0]  }
0x29f: {  	v23 =	vld.idx.msk [tilespmem:v20+s20+$0x0], $0xffff  }
0x2a0: {  	v24 =	vld.idx.msk [tilespmem:v20+s21+$0x0], $0xffff  }
0x2a1: {  	v25 =	vmul.f32 v19, v10;
	v26 =	vmul.f32 v19, v12  }
0x2a2: {  	v27 =	vmul.f32 v21, v13;
	v28 =	vmul.f32 v21, v15;
	_ =	sdelay $0x1  }
0x2a3: {  	v25 =	vadd.f32 v27, v25;
	v27 =	vmul.f32 v22, v16;
	v26 =	vadd.f32 v28, v26;
	_ =	sdelay $0x1  }
0x2a4: {  	v23 =	vsub.f32 v24, v23;
	v24 =	vor.u32 $0x1, v20;
	v25 =	vadd.f32 v27, v25;
	_ =	sdelay $0x1  }
0x2a5: {  	v23 =	vadd.f32 v23, v25;
	_ =	sdelay $0x1  }
0x2a6: {  	[tilespmem:s13+$0xFFFFFFA0] =	vst v23  }
0x2a7: {  	v23 =	vld.idx.msk [tilespmem:v24+s20+$0x0], $0xffff  }
0x2a8: {  	v24 =	vld.idx.msk [tilespmem:v24+s21+$0x0], $0xffff;
	_ =	sdelay $0x1  }
0x2a9: {  	v19 =	vmul.f32 v19, v11;
	v21 =	vmul.f32 v21, v14;
	_ =	sdelay $0x1  }
0x2aa: {  	v19 =	vadd.f32 v21, v19;
	v21 =	vmul.f32 v22, v17;
	_ =	sdelay $0x1  }
0x2ab: {  	v20 =	vor.u32 $0x2, v20;
	v19 =	vadd.f32 v21, v19;
	v21 =	vsub.f32 v24, v23;
	_ =	sdelay $0x1  }
0x2ac: {  	v19 =	vadd.f32 v21, v19;
	_ =	sdelay $0x1  }
0x2ad: {  	[tilespmem:s13+$0x20] =	vst v19  }
0x2ae: {  	v19 =	vld.idx.msk [tilespmem:v20+s20+$0x0], $0xffff  }
0x2af: {  	v20 =	vld.idx.msk [tilespmem:v20+s21+$0x0], $0xffff;
	_ =	sdelay $0x3  }
0x2b0: {  	v21 =	vmul.f32 v22, v18;
	_ =	sdelay $0x1  }
0x2b1: {  	v21 =	vadd.f32 v21, v26;
	v19 =	vsub.f32 v20, v19  }
0x2b2: {  	v20 =	vmov s14  }
0x2b3: {  	v20 =	vshll.u32 v20, $0x3;
	v19 =	vadd.f32 v19, v21  }
0x2b4: {  	v20 =	vor.u32 v9, v20  }
0x2b5: {  	[tilespmem:s13+$0xA0] =	vst v19  }
0x2b6: {  	v21 =	vld [tilespmem:s10+$0xFFFFFFB0]  }
0x2b7: {  	v25 =	vld [tilespmem:s10+$0x30]  }
0x2b8: {  	v19 =	vld [tilespmem:s10+$0xB0]  }
.Ltmp5:
0x2b9: {  	v24 =	vld.idx.msk [tilespmem:v20+s20+$0x0], $0xffff;
	(pc) =	sbr.rel @p3 .LBB2_5-.Ltmp5, $4  }
0x2ba: {  	v26 =	vld.idx.msk [tilespmem:v20+s21+$0x0], $0xffff  }
0x2bb: {  	v27 =	vmul.f32 v21, v10;
	v23 =	vmul.f32 v21, v12  }
0x2bc: {  	v29 =	vmul.f32 v25, v13;
	v22 =	vmul.f32 v25, v14  }
0x2bd: {  	v25 =	vmul.f32 v25, v15;
	v28 =	vmul.f32 v19, v16  }
0x2be: {  	v27 =	vadd.f32 v29, v27;
	_ =	sdelay $0x1  }
0x2bf: {  	v60 =	vor.u32 $0x1, v20;
	v24 =	vsub.f32 v26, v24;
	v27 =	vadd.f32 v28, v27;
	_ =	sdelay $0x1  }
0x2c0: {  	v24 =	vadd.f32 v24, v27;
	_ =	sdelay $0x1  }
0x2c1: {  	[tilespmem:s8+$0xFFFFFFB0] =	vst v24  }
0x2c2: {  	v24 =	vld.idx.msk [tilespmem:v60+s20+$0x0], $0xffff  }
0x2c3: {  	v26 =	vld.idx.msk [tilespmem:v60+s21+$0x0], $0xffff  }
0x2c4: {  	v21 =	vmul.f32 v21, v11;
	_ =	sdelay $0x1  }
0x2c5: {  	v61 =	vmul.f32 v19, v17;
	v21 =	vadd.f32 v22, v21;
	_ =	sdelay $0x1  }
0x2c6: {  	v20 =	vor.u32 $0x2, v20;
	v21 =	vadd.f32 v61, v21;
	v62 =	vsub.f32 v26, v24;
	_ =	sdelay $0x1  }
0x2c7: {  	v21 =	vadd.f32 v62, v21;
	_ =	sdelay $0x1  }
0x2c8: {  	[tilespmem:s8+$0x30] =	vst v21  }
0x2c9: {  	v21 =	vld.idx.msk [tilespmem:v20+s20+$0x0], $0xffff  }
0x2ca: {  	v20 =	vld.idx.msk [tilespmem:v20+s21+$0x0], $0xffff;
	_ =	sdelay $0x2  }
0x2cb: {  	v19 =	vmul.f32 v19, v18;
	v63 =	vadd.f32 v25, v23;
	_ =	sdelay $0x1  }
0x2cc: {  	v19 =	vadd.f32 v19, v63;
	v20 =	vsub.f32 v20, v21  }
.Ltmp6:
0x2cd: {  	_ = 	snop;
	(pc) =	sbr.rel @p2 .LBB2_8-.Ltmp6, $4  }
0x2ce: {  	v19 =	vadd.f32 v20, v19  }
0x2cf: {  	s10 =	sshll.u32 s5, $0xA  }
0x2d0: {  	s22 =	sadd.s32 s7, s10;
	[tilespmem:s8+$0xB0] =	vst v19  }
0x2d1: {  	[hbm4b:s22+s3] =	stream.linear.scatter [tilespmem:s31], [sflag:$0x7], $0x2000, $0x38;
	[tilespmem:$0x19090] =	vst v63  }
0x2d2: {  	s8 =	smul.u32 $0x300, s9;
	_ =	sdelay $0x1  }
0x2d3: {  	s10 =	simm.s32 $0x13800;
	s8 =	sadd.s32 s1, s8  }
0x2d4: {  	[tilespmem:s10], [sflag:$0x6] =	stream.linear.gather [hbm4b:s8+s3], $0x1800, $0x38;
	[tilespmem:$0x19090] =	vst v63  }
0x2d5: {  	_ =	swait.ge [sflag:s0], $0x400  }
0x2d6: {  	[sflag:s0] =	ssyncset.done $0x0  }
0x2d7: {  	[sflag:s0] =	ssyncadd.s32 $0xFFFFFC00  }
0x2d8: {  	_ =	swait.ge [sflag:s0], $0x400  }
0x2d9: {  	[sflag:s0] =	ssyncset.done $0x0  }
0x2da: {  	[sflag:s0] =	ssyncadd.s32 $0xFFFFFC00  }
0x2db: {  	_ =	swait.ge [sflag:s0], $0x400  }
0x2dc: {  	[sflag:s0] =	ssyncset.done $0x0  }
0x2dd: {  	[sflag:s0] =	ssyncadd.s32 $0xFFFFFC00  }
0x2de: {  	_ =	swait.ge [sflag:s0], $0x400  }
0x2df: {  	[sflag:s0] =	ssyncset.done $0x0  }
0x2e0: {  	[sflag:s0] =	ssyncadd.s32 $0xFFFFFC00  }
0x2e1: {  	_ =	swait.ge [sflag:s0], $0x400  }
0x2e2: {  	[sflag:s0] =	ssyncset.done $0x0  }
0x2e3: {  	[sflag:s0] =	ssyncadd.s32 $0xFFFFFC00  }
0x2e4: {  	_ =	swait.ge [sflag:s0], $0x400  }
0x2e5: {  	[sflag:s0] =	ssyncset.done $0x0  }
0x2e6: {  	[sflag:s0] =	ssyncadd.s32 $0xFFFFFC00  }
0x2e7: {  	_ =	swait.ge [sflag:s0], $0x400  }
0x2e8: {  	[sflag:s0] =	ssyncset.done $0x0  }
0x2e9: {  	[sflag:s0] =	ssyncadd.s32 $0xFFFFFC00  }
0x2ea: {  	_ =	swait.ge [sflag:s0], $0x400  }
0x2eb: {  	[sflag:s0] =	ssyncset.done $0x0  }
0x2ec: {  	[sflag:s0] =	ssyncadd.s32 $0xFFFFFC00  }
0x2ed: {  	_ =	swait.ge [sflag:s0], $0x400  }
0x2ee: {  	[sflag:s0] =	ssyncset.done $0x0  }
0x2ef: {  	[sflag:s0] =	ssyncadd.s32 $0xFFFFFC00  }
0x2f0: {  	_ =	swait.ge [sflag:s0], $0x400  }
0x2f1: {  	[sflag:s0] =	ssyncset.done $0x0  }
0x2f2: {  	[sflag:s0] =	ssyncadd.s32 $0xFFFFFC00  }
0x2f3: {  	_ =	swait.ge [sflag:s0], $0x400  }
0x2f4: {  	[sflag:s0] =	ssyncset.done $0x0  }
0x2f5: {  	[sflag:s0] =	ssyncadd.s32 $0xFFFFFC00  }
0x2f6: {  	_ =	swait.ge [sflag:s0], $0x400  }
0x2f7: {  	[sflag:s0] =	ssyncset.done $0x0  }
0x2f8: {  	[sflag:s0] =	ssyncadd.s32 $0xFFFFFC00  }
0x2f9: {  	_ =	swait.ge [sflag:s0], $0x400  }
0x2fa: {  	[sflag:s0] =	ssyncset.done $0x0  }
0x2fb: {  	[sflag:s0] =	ssyncadd.s32 $0xFFFFFC00  }
0x2fc: {  	_ =	swait.ge [sflag:s0], $0x400  }
0x2fd: {  	[sflag:s0] =	ssyncset.done $0x0  }
0x2fe: {  	[sflag:s0] =	ssyncadd.s32 $0xFFFFFC00  }
0x2ff: {  	_ =	swait.ge [sflag:s0], $0x400  }
0x300: {  	[sflag:s0] =	ssyncset.done $0x0  }
0x301: {  	[sflag:s0] =	ssyncadd.s32 $0xFFFFFC00  }
0x302: {  	_ =	swait.ge [sflag:s0], $0x400  }
0x303: {  	[sflag:s0] =	ssyncset.done $0x0  }
0x304: {  	[sflag:s0] =	ssyncadd.s32 $0xFFFFFC00  }
0x305: {  	_ =	swait.ge [sflag:s0], $0x400  }
0x306: {  	[sflag:s0] =	ssyncset.done $0x0  }
0x307: {  	[sflag:s0] =	ssyncadd.s32 $0xFFFFFC00  }
0x308: {  	_ =	swait.ge [sflag:s0], $0x400  }
0x309: {  	[sflag:s0] =	ssyncset.done $0x0  }
0x30a: {  	[sflag:s0] =	ssyncadd.s32 $0xFFFFFC00  }
0x30b: {  	_ =	swait.ge [sflag:s0], $0x400  }
0x30c: {  	[sflag:s0] =	ssyncset.done $0x0  }
0x30d: {  	[sflag:s0] =	ssyncadd.s32 $0xFFFFFC00  }
0x30e: {  	_ =	swait.ge [sflag:s0], $0x400  }
0x30f: {  	[sflag:s0] =	ssyncset.done $0x0  }
0x310: {  	[sflag:s0] =	ssyncadd.s32 $0xFFFFFC00  }
0x311: {  	_ =	swait.ge [sflag:s0], $0x400  }
0x312: {  	[sflag:s0] =	ssyncset.done $0x0  }
0x313: {  	[sflag:s0] =	ssyncadd.s32 $0xFFFFFC00  }
0x314: {  	_ =	swait.ge [sflag:s0], $0x400  }
0x315: {  	[sflag:s0] =	ssyncset.done $0x0  }
0x316: {  	[sflag:s0] =	ssyncadd.s32 $0xFFFFFC00  }
0x317: {  	_ =	swait.ge [sflag:s0], $0x400  }
0x318: {  	[sflag:s0] =	ssyncset.done $0x0  }
0x319: {  	[sflag:s0] =	ssyncadd.s32 $0xFFFFFC00  }
0x31a: {  	_ =	swait.ge [sflag:s0], $0x400  }
0x31b: {  	[sflag:s0] =	ssyncset.done $0x0  }
0x31c: {  	[sflag:s0] =	ssyncadd.s32 $0xFFFFFC00  }
0x31d: {  	_ =	swait.ge [sflag:s0], $0x400  }
0x31e: {  	[sflag:s0] =	ssyncset.done $0x0  }
0x31f: {  	[sflag:s0] =	ssyncadd.s32 $0xFFFFFC00  }
0x320: {  	_ =	swait.ge [sflag:s0], $0x400  }
0x321: {  	[sflag:s0] =	ssyncset.done $0x0  }
0x322: {  	[sflag:s0] =	ssyncadd.s32 $0xFFFFFC00  }
0x323: {  	_ =	swait.ge [sflag:s0], $0x400  }
0x324: {  	[sflag:s0] =	ssyncset.done $0x0  }
0x325: {  	[sflag:s0] =	ssyncadd.s32 $0xFFFFFC00  }
0x326: {  	_ =	swait.ge [sflag:s0], $0x400  }
0x327: {  	[sflag:s0] =	ssyncset.done $0x0  }
0x328: {  	[sflag:s0] =	ssyncadd.s32 $0xFFFFFC00  }
0x329: {  	_ =	swait.ge [sflag:s0], $0x400  }
0x32a: {  	[sflag:s0] =	ssyncset.done $0x0  }
0x32b: {  	[sflag:s0] =	ssyncadd.s32 $0xFFFFFC00  }
0x32c: {  	_ =	swait.ge [sflag:s0], $0x400  }
0x32d: {  	[sflag:s0] =	ssyncset.done $0x0  }
0x32e: {  	[sflag:s0] =	ssyncadd.s32 $0xFFFFFC00  }
0x32f: {  	_ =	swait.ge [sflag:s0], $0x400  }
0x330: {  	[sflag:s0] =	ssyncset.done $0x0  }
0x331: {  	[sflag:s0] =	ssyncadd.s32 $0xFFFFFC00  }
0x332: {  	_ =	swait.ge [sflag:s0], $0x400  }
0x333: {  	[sflag:s0] =	ssyncset.done $0x0  }
0x334: {  	[sflag:s0] =	ssyncadd.s32 $0xFFFFFC00  }
.LBB2_8:
.Ltmp7:
0x335: {  	(pc) =	sbr.rel @!p1 .LBB2_10-.Ltmp7, $1  }
0x336: {  	_ =	sdelay $0x3  }
0x337: {  	_ =	swait.ge [sflag:s18], $0x1000  }
0x338: {  	[sflag:s18] =	ssyncset.done $0x0  }
0x339: {  	[sflag:s18] =	ssyncadd.s32 $0xFFFFF000  }
0x33a: {  	[tilespmem:s20], [sflag:$0x3] =	stream.indirect.gather [hbm4b:s4+s19], $0x8, s3, s19, $0xb8;
	[tilespmem:$0x19090] =	vst v63  }
0x33b: {  	_ = 	snop  }
0x33c: {  	[tilespmem:s21], [sflag:$0x3] =	stream.indirect.gather [hbm4b:s4+s19], $0x8, s19, s19, $0xb8;
	[tilespmem:$0x19090] =	vst v63  }
0x33d: {  	s8 =	simm.s32 $0x100;
	s10 =	simm.s32 $0x2400  }
0x33e: {  	[tilespmem:s10], [sflag:$0x3] =	stream.indirect.gather [hbm4b:s4+s19], $0x8, s8, s19, $0xb8;
	[tilespmem:$0x19090] =	vst v63  }
0x33f: {  	s13 =	simm.s32 $0x180;
	s14 =	simm.s32 $0x6400  }
0x340: {  	[tilespmem:s14], [sflag:$0x3] =	stream.indirect.gather [hbm4b:s4+s19], $0x8, s13, s19, $0xb8;
	[tilespmem:$0x19090] =	vst v63  }
0x341: {  	s15 =	simm.s32 $0x200;
	s22 =	simm.s32 $0x2800  }
0x342: {  	[tilespmem:s22], [sflag:$0x3] =	stream.indirect.gather [hbm4b:s4+s19], $0x8, s15, s19, $0xb8;
	[tilespmem:$0x19090] =	vst v63  }
0x343: {  	s13 =	simm.s32 $0x280;
	s14 =	simm.s32 $0x6800  }
0x344: {  	[tilespmem:s14], [sflag:$0x3] =	stream.indirect.gather [hbm4b:s4+s19], $0x8, s13, s19, $0xb8;
	[tilespmem:$0x19090] =	vst v63  }
0x345: {  	s15 =	simm.s32 $0x300;
	s22 =	simm.s32 $0x2C00  }
0x346: {  	[tilespmem:s22], [sflag:$0x3] =	stream.indirect.gather [hbm4b:s4+s19], $0x8, s15, s19, $0xb8;
	[tilespmem:$0x19090] =	vst v63  }
0x347: {  	s13 =	simm.s32 $0x380;
	s14 =	simm.s32 $0x6C00  }
0x348: {  	[tilespmem:s14], [sflag:$0x3] =	stream.indirect.gather [hbm4b:s4+s19], $0x8, s13, s19, $0xb8;
	[tilespmem:$0x19090] =	vst v63  }
0x349: {  	s15 =	simm.s32 $0x400;
	s22 =	simm.s32 $0x3000  }
0x34a: {  	[tilespmem:s22], [sflag:$0x3] =	stream.indirect.gather [hbm4b:s4+s19], $0x8, s15, s19, $0xb8;
	[tilespmem:$0x19090] =	vst v63  }
0x34b: {  	s13 =	simm.s32 $0x480;
	s14 =	simm.s32 $0x7000  }
0x34c: {  	[tilespmem:s14], [sflag:$0x3] =	stream.indirect.gather [hbm4b:s4+s19], $0x8, s13, s19, $0xb8;
	[tilespmem:$0x19090] =	vst v63  }
0x34d: {  	s15 =	simm.s32 $0x500;
	s22 =	simm.s32 $0x3400  }
0x34e: {  	[tilespmem:s22], [sflag:$0x3] =	stream.indirect.gather [hbm4b:s4+s19], $0x8, s15, s19, $0xb8;
	[tilespmem:$0x19090] =	vst v63  }
0x34f: {  	s13 =	simm.s32 $0x580;
	s14 =	simm.s32 $0x7400  }
0x350: {  	[tilespmem:s14], [sflag:$0x3] =	stream.indirect.gather [hbm4b:s4+s19], $0x8, s13, s19, $0xb8;
	[tilespmem:$0x19090] =	vst v63  }
0x351: {  	s15 =	simm.s32 $0x600;
	s22 =	simm.s32 $0x3800  }
0x352: {  	[tilespmem:s22], [sflag:$0x3] =	stream.indirect.gather [hbm4b:s4+s19], $0x8, s15, s19, $0xb8;
	[tilespmem:$0x19090] =	vst v63  }
0x353: {  	s13 =	simm.s32 $0x680;
	s14 =	simm.s32 $0x7800  }
0x354: {  	[tilespmem:s14], [sflag:$0x3] =	stream.indirect.gather [hbm4b:s4+s19], $0x8, s13, s19, $0xb8;
	[tilespmem:$0x19090] =	vst v63  }
0x355: {  	s15 =	simm.s32 $0x700;
	s22 =	simm.s32 $0x3C00  }
0x356: {  	[tilespmem:s22], [sflag:$0x3] =	stream.indirect.gather [hbm4b:s4+s19], $0x8, s15, s19, $0xb8;
	[tilespmem:$0x19090] =	vst v63  }
0x357: {  	s13 =	simm.s32 $0x780;
	s14 =	simm.s32 $0x7C00  }
0x358: {  	[tilespmem:s14], [sflag:$0x3] =	stream.indirect.gather [hbm4b:s4+s19], $0x8, s13, s19, $0xb8;
	[tilespmem:$0x19090] =	vst v63  }
0x359: {  	s15 =	simm.s32 $0x800;
	s22 =	simm.s32 $0x4000  }
0x35a: {  	[tilespmem:s22], [sflag:$0x3] =	stream.indirect.gather [hbm4b:s4+s19], $0x8, s15, s19, $0xb8;
	[tilespmem:$0x19090] =	vst v63  }
0x35b: {  	s13 =	simm.s32 $0x880;
	s14 =	simm.s32 $0x8000  }
0x35c: {  	[tilespmem:s14], [sflag:$0x3] =	stream.indirect.gather [hbm4b:s4+s19], $0x8, s13, s19, $0xb8;
	[tilespmem:$0x19090] =	vst v63  }
0x35d: {  	s15 =	simm.s32 $0x900;
	s22 =	simm.s32 $0x4400  }
0x35e: {  	[tilespmem:s22], [sflag:$0x3] =	stream.indirect.gather [hbm4b:s4+s19], $0x8, s15, s19, $0xb8;
	[tilespmem:$0x19090] =	vst v63  }
0x35f: {  	s13 =	simm.s32 $0x980;
	s14 =	simm.s32 $0x8400  }
0x360: {  	[tilespmem:s14], [sflag:$0x3] =	stream.indirect.gather [hbm4b:s4+s19], $0x8, s13, s19, $0xb8;
	[tilespmem:$0x19090] =	vst v63  }
0x361: {  	s15 =	simm.s32 $0xA00;
	s22 =	simm.s32 $0x4800  }
0x362: {  	[tilespmem:s22], [sflag:$0x3] =	stream.indirect.gather [hbm4b:s4+s19], $0x8, s15, s19, $0xb8;
	[tilespmem:$0x19090] =	vst v63  }
0x363: {  	s13 =	simm.s32 $0xA80;
	s14 =	simm.s32 $0x8800  }
0x364: {  	[tilespmem:s14], [sflag:$0x3] =	stream.indirect.gather [hbm4b:s4+s19], $0x8, s13, s19, $0xb8;
	[tilespmem:$0x19090] =	vst v63  }
0x365: {  	s15 =	simm.s32 $0xB00;
	s22 =	simm.s32 $0x4C00  }
0x366: {  	[tilespmem:s22], [sflag:$0x3] =	stream.indirect.gather [hbm4b:s4+s19], $0x8, s15, s19, $0xb8;
	[tilespmem:$0x19090] =	vst v63  }
0x367: {  	s13 =	simm.s32 $0xB80;
	s14 =	simm.s32 $0x8C00  }
0x368: {  	[tilespmem:s14], [sflag:$0x3] =	stream.indirect.gather [hbm4b:s4+s19], $0x8, s13, s19, $0xb8;
	[tilespmem:$0x19090] =	vst v63  }
0x369: {  	s15 =	simm.s32 $0xC00;
	s22 =	simm.s32 $0x5000  }
0x36a: {  	[tilespmem:s22], [sflag:$0x3] =	stream.indirect.gather [hbm4b:s4+s19], $0x8, s15, s19, $0xb8;
	[tilespmem:$0x19090] =	vst v63  }
0x36b: {  	s13 =	simm.s32 $0xC80;
	s14 =	simm.s32 $0x9000  }
0x36c: {  	[tilespmem:s14], [sflag:$0x3] =	stream.indirect.gather [hbm4b:s4+s19], $0x8, s13, s19, $0xb8;
	[tilespmem:$0x19090] =	vst v63  }
0x36d: {  	s15 =	simm.s32 $0xD00;
	s22 =	simm.s32 $0x5400  }
0x36e: {  	[tilespmem:s22], [sflag:$0x3] =	stream.indirect.gather [hbm4b:s4+s19], $0x8, s15, s19, $0xb8;
	[tilespmem:$0x19090] =	vst v63  }
0x36f: {  	s13 =	simm.s32 $0xD80;
	s14 =	simm.s32 $0x9400  }
0x370: {  	[tilespmem:s14], [sflag:$0x3] =	stream.indirect.gather [hbm4b:s4+s19], $0x8, s13, s19, $0xb8;
	[tilespmem:$0x19090] =	vst v63  }
0x371: {  	s15 =	simm.s32 $0xE00;
	s22 =	simm.s32 $0x5800  }
0x372: {  	[tilespmem:s22], [sflag:$0x3] =	stream.indirect.gather [hbm4b:s4+s19], $0x8, s15, s19, $0xb8;
	[tilespmem:$0x19090] =	vst v63  }
0x373: {  	s13 =	simm.s32 $0xE80;
	s14 =	simm.s32 $0x9800  }
0x374: {  	[tilespmem:s14], [sflag:$0x3] =	stream.indirect.gather [hbm4b:s4+s19], $0x8, s13, s19, $0xb8;
	[tilespmem:$0x19090] =	vst v63  }
0x375: {  	s15 =	simm.s32 $0xF00;
	s22 =	simm.s32 $0x5C00  }
0x376: {  	[tilespmem:s22], [sflag:$0x3] =	stream.indirect.gather [hbm4b:s4+s19], $0x8, s15, s19, $0xb8;
	[tilespmem:$0x19090] =	vst v63  }
0x377: {  	_ = 	snop  }
0x378: {  	[tilespmem:s24], [sflag:$0x3] =	stream.indirect.gather [hbm4b:s4+s19], $0x8, s23, s19, $0xb8;
	[tilespmem:$0x19090] =	vst v63  }
.LBB2_10:
0x379: {  	p3 =	sgt.u32 s5, $0xBD4  }
.Ltmp8:
0x37a: {  	_ = 	snop;
	(pc) =	sbr.rel @p3 .LBB2_12-.Ltmp8, $1  }
0x37b: {  	_ =	sdelay $0x3  }
.Ltmp9:
0x37c: {  	(pc) =	sbr.rel .LBB2_13-.Ltmp9, $4  }
0x37d: {  	_ = 	snop  }
0x37e: {  	s8 =	sshll.u32 s5, $0x9  }
0x37f: {  	s8 =	sadd.s32 s8, s12  }
0x380: {  	[tilespmem:s16], [sflag:$0x2] =	stream.linear.gather [hbm4b:s8+s3], $0x1000, $0x38;
	[tilespmem:$0x19090] =	vst v63  }
.LBB2_12:
.Ltmp10:
0x381: {  	(pc) =	sbr.rel @p2 .LBB2_14-.Ltmp10, $1  }
0x382: {  	_ =	sdelay $0x3  }
.LBB2_13:
0x383: {  	_ =	swait.ge [sflag:s2], $0x1800  }
0x384: {  	[sflag:s2] =	ssyncset.done $0x0  }
0x385: {  	[sflag:s2] =	ssyncadd.s32 $0xFFFFE800  }
.LBB2_14:
0x386: {  	s8 =	sadd.s32 $0xFFFFFFE0, s5  }
.Ltmp11:
0x387: {  	p3 =	sgt.u32 s8, $0xC34;
	(pc) =	sbr.rel @p2 .LBB2_18-.Ltmp11, $4  }
0x388: {  	s8 =	simm.s32 @!p3 $0x8  }
0x389: {  	_ =	swait.ge @!p3 [sflag:s8], $0x2000  }
0x38a: {  	[sflag:s8] =	ssyncset.done @!p3 $0x0  }
0x38b: {  	[sflag:s8] =	ssyncadd.s32 @!p3 $0xFFFFE000  }
0x38c: {  	s8 =	simm.s32 $0x0  }
0x38d: {  	v19 =	vmov s8  }
0x38e: {  	v19 =	vshll.u32 v19, $0x3  }
0x38f: {  	s10 =	simm.s32 $0x138C0;
	v19 =	vor.u32 v9, v19  }
0x390: {  	v20 =	vld [tilespmem:s10+$0xFFFFFF40]  }
0x391: {  	v21 =	vld [tilespmem:s10+$0xFFFFFFC0];
	_ =	sdelay $0x1  }
0x392: {  	v22 =	vld [tilespmem:s10+$0x40]  }
0x393: {  	v23 =	vld.idx.msk [tilespmem:v19+s28+$0x0], $0xffff  }
0x394: {  	v24 =	vld.idx.msk [tilespmem:v19+s29+$0x0], $0xffff  }
0x395: {  	v25 =	vmul.f32 v20, v10;
	v26 =	vmul.f32 v21, v13;
	_ =	sdelay $0x1  }
0x396: {  	v27 =	vmul.f32 v22, v16;
	v25 =	vadd.f32 v26, v25;
	_ =	sdelay $0x1  }
0x397: {  	v26 =	vor.u32 $0x1, v19;
	v23 =	vsub.f32 v24, v23;
	v24 =	vadd.f32 v27, v25;
	_ =	sdelay $0x1  }
0x398: {  	v23 =	vadd.f32 v23, v24  }
0x399: {  	s13 =	simm.s32 $0x170C0  }
0x39a: {  	[tilespmem:s13+$0xFFFFFF40] =	vst v23  }
0x39b: {  	v23 =	vld.idx.msk [tilespmem:v26+s28+$0x0], $0xffff  }
0x39c: {  	v24 =	vld.idx.msk [tilespmem:v26+s29+$0x0], $0xffff  }
0x39d: {  	v25 =	vmul.f32 v20, v11;
	v26 =	vmul.f32 v21, v14;
	_ =	sdelay $0x1  }
0x39e: {  	v25 =	vadd.f32 v26, v25;
	v26 =	vmul.f32 v22, v17;
	_ =	sdelay $0x1  }
0x39f: {  	v19 =	vor.u32 $0x2, v19;
	v25 =	vadd.f32 v26, v25;
	v23 =	vsub.f32 v24, v23;
	_ =	sdelay $0x1  }
0x3a0: {  	v23 =	vadd.f32 v23, v25;
	_ =	sdelay $0x1  }
0x3a1: {  	[tilespmem:s13+$0xFFFFFFC0] =	vst v23  }
0x3a2: {  	v23 =	vld.idx.msk [tilespmem:v19+s28+$0x0], $0xffff  }
0x3a3: {  	v19 =	vld.idx.msk [tilespmem:v19+s29+$0x0], $0xffff  }
0x3a4: {  	v20 =	vmul.f32 v20, v12;
	v21 =	vmul.f32 v21, v15;
	_ =	sdelay $0x1  }
0x3a5: {  	v20 =	vadd.f32 v21, v20;
	v21 =	vmul.f32 v22, v18;
	_ =	sdelay $0x1  }
0x3a6: {  	v20 =	vadd.f32 v21, v20;
	v19 =	vsub.f32 v19, v23  }
0x3a7: {  	s22 =	simm.s32 $0x10  }
0x3a8: {  	v21 =	vmov s22;
	v19 =	vadd.f32 v19, v20  }
0x3a9: {  	v20 =	vshll.u32 v21, $0x3  }
0x3aa: {  	v20 =	vor.u32 v9, v20;
	[tilespmem:s13+$0x40] =	vst v19  }
0x3ab: {  	v19 =	vld [tilespmem:s10+$0xFFFFFF50]  }
0x3ac: {  	v21 =	vld [tilespmem:s10+$0xFFFFFFD0];
	_ =	sdelay $0x1  }
0x3ad: {  	v22 =	vld [tilespmem:s10+$0x50]  }
0x3ae: {  	v23 =	vld.idx.msk [tilespmem:v20+s28+$0x0], $0xffff  }
0x3af: {  	v24 =	vld.idx.msk [tilespmem:v20+s29+$0x0], $0xffff  }
0x3b0: {  	v25 =	vmul.f32 v19, v10;
	v26 =	vmul.f32 v21, v13;
	_ =	sdelay $0x1  }
0x3b1: {  	v25 =	vadd.f32 v26, v25;
	v26 =	vmul.f32 v22, v16;
	_ =	sdelay $0x1  }
0x3b2: {  	v23 =	vsub.f32 v24, v23;
	v24 =	vor.u32 $0x1, v20;
	v25 =	vadd.f32 v26, v25;
	_ =	sdelay $0x1  }
0x3b3: {  	v23 =	vadd.f32 v23, v25;
	_ =	sdelay $0x1  }
0x3b4: {  	[tilespmem:s13+$0xFFFFFF50] =	vst v23  }
0x3b5: {  	v23 =	vld.idx.msk [tilespmem:v24+s28+$0x0], $0xffff  }
0x3b6: {  	v24 =	vld.idx.msk [tilespmem:v24+s29+$0x0], $0xffff  }
0x3b7: {  	v26 =	vmul.f32 v21, v14;
	v25 =	vmul.f32 v19, v11;
	_ =	sdelay $0x1  }
0x3b8: {  	v25 =	vadd.f32 v26, v25;
	v26 =	vmul.f32 v22, v17;
	_ =	sdelay $0x1  }
0x3b9: {  	v20 =	vor.u32 $0x2, v20;
	v25 =	vadd.f32 v26, v25;
	v23 =	vsub.f32 v24, v23;
	_ =	sdelay $0x1  }
0x3ba: {  	v23 =	vadd.f32 v23, v25;
	_ =	sdelay $0x1  }
0x3bb: {  	[tilespmem:s13+$0xFFFFFFD0] =	vst v23  }
0x3bc: {  	v23 =	vld.idx.msk [tilespmem:v20+s28+$0x0], $0xffff  }
0x3bd: {  	v20 =	vld.idx.msk [tilespmem:v20+s29+$0x0], $0xffff  }
0x3be: {  	v21 =	vmul.f32 v21, v15;
	v19 =	vmul.f32 v19, v12;
	_ =	sdelay $0x1  }
0x3bf: {  	v19 =	vadd.f32 v21, v19;
	v21 =	vmul.f32 v22, v18;
	_ =	sdelay $0x1  }
0x3c0: {  	v19 =	vadd.f32 v21, v19;
	v20 =	vsub.f32 v20, v23  }
0x3c1: {  	s14 =	simm.s32 $0x20  }
0x3c2: {  	v21 =	vmov s14;
	v19 =	vadd.f32 v20, v19  }
0x3c3: {  	v20 =	vshll.u32 v21, $0x3  }
0x3c4: {  	v20 =	vor.u32 v9, v20;
	[tilespmem:s13+$0x50] =	vst v19  }
0x3c5: {  	v19 =	vld [tilespmem:s10+$0xFFFFFF60]  }
0x3c6: {  	v21 =	vld [tilespmem:s10+$0xFFFFFFE0];
	_ =	sdelay $0x1  }
0x3c7: {  	v22 =	vld [tilespmem:s10+$0x60]  }
0x3c8: {  	v23 =	vld.idx.msk [tilespmem:v20+s28+$0x0], $0xffff  }
0x3c9: {  	v24 =	vld.idx.msk [tilespmem:v20+s29+$0x0], $0xffff  }
0x3ca: {  	v25 =	vmul.f32 v19, v10;
	v26 =	vmul.f32 v21, v13;
	_ =	sdelay $0x1  }
0x3cb: {  	v25 =	vadd.f32 v26, v25;
	v26 =	vmul.f32 v22, v16;
	_ =	sdelay $0x1  }
0x3cc: {  	v23 =	vsub.f32 v24, v23;
	v24 =	vor.u32 $0x1, v20;
	v25 =	vadd.f32 v26, v25;
	_ =	sdelay $0x1  }
0x3cd: {  	v23 =	vadd.f32 v23, v25;
	_ =	sdelay $0x1  }
0x3ce: {  	[tilespmem:s13+$0xFFFFFF60] =	vst v23  }
0x3cf: {  	v23 =	vld.idx.msk [tilespmem:v24+s28+$0x0], $0xffff  }
0x3d0: {  	v24 =	vld.idx.msk [tilespmem:v24+s29+$0x0], $0xffff  }
0x3d1: {  	v26 =	vmul.f32 v21, v14;
	v25 =	vmul.f32 v19, v11;
	_ =	sdelay $0x1  }
0x3d2: {  	v25 =	vadd.f32 v26, v25;
	v26 =	vmul.f32 v22, v17;
	_ =	sdelay $0x1  }
0x3d3: {  	v20 =	vor.u32 $0x2, v20;
	v25 =	vadd.f32 v26, v25;
	v23 =	vsub.f32 v24, v23;
	_ =	sdelay $0x1  }
0x3d4: {  	v23 =	vadd.f32 v23, v25;
	_ =	sdelay $0x1  }
0x3d5: {  	[tilespmem:s13+$0xFFFFFFE0] =	vst v23  }
0x3d6: {  	v23 =	vld.idx.msk [tilespmem:v20+s28+$0x0], $0xffff  }
0x3d7: {  	v20 =	vld.idx.msk [tilespmem:v20+s29+$0x0], $0xffff  }
0x3d8: {  	v21 =	vmul.f32 v21, v15;
	v19 =	vmul.f32 v19, v12;
	_ =	sdelay $0x1  }
0x3d9: {  	v19 =	vadd.f32 v21, v19;
	v21 =	vmul.f32 v22, v18;
	_ =	sdelay $0x1  }
0x3da: {  	v19 =	vadd.f32 v21, v19;
	v20 =	vsub.f32 v20, v23  }
0x3db: {  	s15 =	simm.s32 $0x30  }
0x3dc: {  	v21 =	vmov s15;
	v19 =	vadd.f32 v20, v19  }
0x3dd: {  	v20 =	vshll.u32 v21, $0x3  }
0x3de: {  	v20 =	vor.u32 v9, v20;
	[tilespmem:s13+$0x60] =	vst v19  }
0x3df: {  	v19 =	vld [tilespmem:s10+$0xFFFFFF70]  }
0x3e0: {  	v21 =	vld [tilespmem:s10+$0xFFFFFFF0];
	_ =	sdelay $0x1  }
0x3e1: {  	v22 =	vld [tilespmem:s10+$0x70]  }
0x3e2: {  	v23 =	vld.idx.msk [tilespmem:v20+s28+$0x0], $0xffff  }
0x3e3: {  	v24 =	vld.idx.msk [tilespmem:v20+s29+$0x0], $0xffff  }
0x3e4: {  	v25 =	vmul.f32 v19, v10;
	v26 =	vmul.f32 v21, v13;
	_ =	sdelay $0x1  }
0x3e5: {  	v25 =	vadd.f32 v26, v25;
	v26 =	vmul.f32 v22, v16;
	_ =	sdelay $0x1  }
0x3e6: {  	v23 =	vsub.f32 v24, v23;
	v24 =	vor.u32 $0x1, v20;
	v25 =	vadd.f32 v26, v25;
	_ =	sdelay $0x1  }
0x3e7: {  	v23 =	vadd.f32 v23, v25;
	_ =	sdelay $0x1  }
0x3e8: {  	[tilespmem:s13+$0xFFFFFF70] =	vst v23  }
0x3e9: {  	v23 =	vld.idx.msk [tilespmem:v24+s28+$0x0], $0xffff  }
0x3ea: {  	v24 =	vld.idx.msk [tilespmem:v24+s29+$0x0], $0xffff  }
0x3eb: {  	v26 =	vmul.f32 v21, v14;
	v25 =	vmul.f32 v19, v11;
	_ =	sdelay $0x1  }
0x3ec: {  	v25 =	vadd.f32 v26, v25;
	v26 =	vmul.f32 v22, v17;
	_ =	sdelay $0x1  }
0x3ed: {  	v20 =	vor.u32 $0x2, v20;
	v25 =	vadd.f32 v26, v25;
	v23 =	vsub.f32 v24, v23;
	_ =	sdelay $0x1  }
0x3ee: {  	v23 =	vadd.f32 v23, v25;
	_ =	sdelay $0x1  }
0x3ef: {  	[tilespmem:s13+$0xFFFFFFF0] =	vst v23  }
0x3f0: {  	v23 =	vld.idx.msk [tilespmem:v20+s28+$0x0], $0xffff  }
0x3f1: {  	v20 =	vld.idx.msk [tilespmem:v20+s29+$0x0], $0xffff  }
0x3f2: {  	v21 =	vmul.f32 v21, v15;
	v19 =	vmul.f32 v19, v12;
	_ =	sdelay $0x1  }
0x3f3: {  	v19 =	vadd.f32 v21, v19;
	v21 =	vmul.f32 v22, v18;
	_ =	sdelay $0x1  }
0x3f4: {  	v19 =	vadd.f32 v21, v19;
	v20 =	vsub.f32 v20, v23  }
0x3f5: {  	s22 =	simm.s32 $0x40  }
0x3f6: {  	v21 =	vmov s22;
	v19 =	vadd.f32 v20, v19  }
0x3f7: {  	v20 =	vshll.u32 v21, $0x3  }
0x3f8: {  	v20 =	vor.u32 v9, v20;
	[tilespmem:s13+$0x70] =	vst v19  }
0x3f9: {  	v19 =	vld [tilespmem:s10+$0xFFFFFF80]  }
0x3fa: {  	v21 =	vld [tilespmem:s10+$0x0];
	_ =	sdelay $0x1  }
0x3fb: {  	v22 =	vld [tilespmem:s10+$0x80]  }
0x3fc: {  	v23 =	vld.idx.msk [tilespmem:v20+s28+$0x0], $0xffff  }
0x3fd: {  	v24 =	vld.idx.msk [tilespmem:v20+s29+$0x0], $0xffff  }
0x3fe: {  	v25 =	vmul.f32 v19, v10;
	v26 =	vmul.f32 v21, v13;
	_ =	sdelay $0x1  }
0x3ff: {  	v25 =	vadd.f32 v26, v25;
	v26 =	vmul.f32 v22, v16;
	_ =	sdelay $0x1  }
0x400: {  	v23 =	vsub.f32 v24, v23;
	v24 =	vor.u32 $0x1, v20;
	v25 =	vadd.f32 v26, v25;
	_ =	sdelay $0x1  }
0x401: {  	v23 =	vadd.f32 v23, v25;
	_ =	sdelay $0x1  }
0x402: {  	[tilespmem:s13+$0xFFFFFF80] =	vst v23  }
0x403: {  	v23 =	vld.idx.msk [tilespmem:v24+s28+$0x0], $0xffff  }
0x404: {  	v24 =	vld.idx.msk [tilespmem:v24+s29+$0x0], $0xffff  }
0x405: {  	v26 =	vmul.f32 v21, v14;
	v25 =	vmul.f32 v19, v11;
	_ =	sdelay $0x1  }
0x406: {  	v25 =	vadd.f32 v26, v25;
	v26 =	vmul.f32 v22, v17;
	_ =	sdelay $0x1  }
0x407: {  	v20 =	vor.u32 $0x2, v20;
	v25 =	vadd.f32 v26, v25;
	v23 =	vsub.f32 v24, v23;
	_ =	sdelay $0x1  }
0x408: {  	v23 =	vadd.f32 v23, v25;
	_ =	sdelay $0x1  }
0x409: {  	[tilespmem:s13+$0x0] =	vst v23  }
0x40a: {  	v23 =	vld.idx.msk [tilespmem:v20+s28+$0x0], $0xffff  }
0x40b: {  	v20 =	vld.idx.msk [tilespmem:v20+s29+$0x0], $0xffff  }
0x40c: {  	v21 =	vmul.f32 v21, v15;
	v19 =	vmul.f32 v19, v12;
	_ =	sdelay $0x1  }
0x40d: {  	v19 =	vadd.f32 v21, v19;
	v21 =	vmul.f32 v22, v18;
	_ =	sdelay $0x1  }
0x40e: {  	v19 =	vadd.f32 v21, v19;
	v20 =	vsub.f32 v20, v23  }
0x40f: {  	s14 =	simm.s32 $0x50  }
0x410: {  	v21 =	vmov s14;
	v19 =	vadd.f32 v20, v19  }
0x411: {  	v20 =	vshll.u32 v21, $0x3  }
0x412: {  	v20 =	vor.u32 v9, v20;
	[tilespmem:s13+$0x80] =	vst v19  }
0x413: {  	v19 =	vld [tilespmem:s10+$0xFFFFFF90]  }
0x414: {  	v21 =	vld [tilespmem:s10+$0x10];
	_ =	sdelay $0x1  }
0x415: {  	v22 =	vld [tilespmem:s10+$0x90]  }
0x416: {  	v23 =	vld.idx.msk [tilespmem:v20+s28+$0x0], $0xffff  }
0x417: {  	v24 =	vld.idx.msk [tilespmem:v20+s29+$0x0], $0xffff  }
0x418: {  	v25 =	vmul.f32 v19, v10;
	v26 =	vmul.f32 v21, v13;
	_ =	sdelay $0x1  }
0x419: {  	v25 =	vadd.f32 v26, v25;
	v26 =	vmul.f32 v22, v16;
	_ =	sdelay $0x1  }
0x41a: {  	v23 =	vsub.f32 v24, v23;
	v24 =	vor.u32 $0x1, v20;
	v25 =	vadd.f32 v26, v25;
	_ =	sdelay $0x1  }
0x41b: {  	v23 =	vadd.f32 v23, v25;
	_ =	sdelay $0x1  }
0x41c: {  	[tilespmem:s13+$0xFFFFFF90] =	vst v23  }
0x41d: {  	v23 =	vld.idx.msk [tilespmem:v24+s28+$0x0], $0xffff  }
0x41e: {  	v24 =	vld.idx.msk [tilespmem:v24+s29+$0x0], $0xffff  }
0x41f: {  	v26 =	vmul.f32 v21, v14;
	v25 =	vmul.f32 v19, v11;
	_ =	sdelay $0x1  }
0x420: {  	v25 =	vadd.f32 v26, v25;
	v26 =	vmul.f32 v22, v17;
	_ =	sdelay $0x1  }
0x421: {  	v20 =	vor.u32 $0x2, v20;
	v25 =	vadd.f32 v26, v25;
	v23 =	vsub.f32 v24, v23;
	_ =	sdelay $0x1  }
0x422: {  	v23 =	vadd.f32 v23, v25;
	_ =	sdelay $0x1  }
0x423: {  	[tilespmem:s13+$0x10] =	vst v23  }
0x424: {  	v23 =	vld.idx.msk [tilespmem:v20+s28+$0x0], $0xffff  }
0x425: {  	v20 =	vld.idx.msk [tilespmem:v20+s29+$0x0], $0xffff  }
0x426: {  	v21 =	vmul.f32 v21, v15;
	v19 =	vmul.f32 v19, v12;
	_ =	sdelay $0x1  }
0x427: {  	v19 =	vadd.f32 v21, v19;
	v21 =	vmul.f32 v22, v18;
	_ =	sdelay $0x1  }
0x428: {  	v19 =	vadd.f32 v21, v19;
	v20 =	vsub.f32 v20, v23  }
0x429: {  	s15 =	simm.s32 $0x60  }
0x42a: {  	v21 =	vmov s15;
	v19 =	vadd.f32 v20, v19  }
0x42b: {  	v20 =	vshll.u32 v21, $0x3  }
0x42c: {  	v20 =	vor.u32 v9, v20;
	[tilespmem:s13+$0x90] =	vst v19  }
0x42d: {  	v19 =	vld [tilespmem:s10+$0xFFFFFFA0]  }
0x42e: {  	v21 =	vld [tilespmem:s10+$0x20];
	_ =	sdelay $0x1  }
0x42f: {  	v22 =	vld [tilespmem:s10+$0xA0]  }
0x430: {  	v23 =	vld.idx.msk [tilespmem:v20+s28+$0x0], $0xffff  }
0x431: {  	v24 =	vld.idx.msk [tilespmem:v20+s29+$0x0], $0xffff  }
0x432: {  	v25 =	vmul.f32 v19, v10;
	v26 =	vmul.f32 v21, v13;
	_ =	sdelay $0x1  }
0x433: {  	v25 =	vadd.f32 v26, v25;
	v26 =	vmul.f32 v22, v16;
	_ =	sdelay $0x1  }
0x434: {  	v23 =	vsub.f32 v24, v23;
	v24 =	vor.u32 $0x1, v20;
	v25 =	vadd.f32 v26, v25;
	_ =	sdelay $0x1  }
0x435: {  	v23 =	vadd.f32 v23, v25;
	_ =	sdelay $0x1  }
0x436: {  	[tilespmem:s13+$0xFFFFFFA0] =	vst v23  }
0x437: {  	v23 =	vld.idx.msk [tilespmem:v24+s28+$0x0], $0xffff  }
0x438: {  	v24 =	vld.idx.msk [tilespmem:v24+s29+$0x0], $0xffff  }
0x439: {  	v26 =	vmul.f32 v21, v14;
	v25 =	vmul.f32 v19, v11;
	_ =	sdelay $0x1  }
0x43a: {  	v25 =	vadd.f32 v26, v25;
	v26 =	vmul.f32 v22, v17;
	_ =	sdelay $0x1  }
0x43b: {  	v20 =	vor.u32 $0x2, v20;
	v25 =	vadd.f32 v26, v25;
	v23 =	vsub.f32 v24, v23;
	_ =	sdelay $0x1  }
0x43c: {  	v23 =	vadd.f32 v23, v25;
	_ =	sdelay $0x1  }
0x43d: {  	[tilespmem:s13+$0x20] =	vst v23  }
0x43e: {  	v23 =	vld.idx.msk [tilespmem:v20+s28+$0x0], $0xffff  }
0x43f: {  	v20 =	vld.idx.msk [tilespmem:v20+s29+$0x0], $0xffff  }
0x440: {  	v21 =	vmul.f32 v21, v15;
	v19 =	vmul.f32 v19, v12;
	_ =	sdelay $0x1  }
0x441: {  	v19 =	vadd.f32 v21, v19;
	v21 =	vmul.f32 v22, v18;
	_ =	sdelay $0x1  }
0x442: {  	v19 =	vadd.f32 v21, v19;
	v20 =	vsub.f32 v20, v23;
	_ =	sdelay $0x1  }
0x443: {  	s22 =	simm.s32 $0x70;
	v19 =	vadd.f32 v20, v19  }
0x444: {  	v20 =	vmov s22  }
0x445: {  	[tilespmem:s13+$0xA0] =	vst v19;
	v19 =	vshll.u32 v20, $0x3  }
0x446: {  	v20 =	vor.u32 v9, v19  }
0x447: {  	v21 =	vld [tilespmem:s10+$0xFFFFFFB0]  }
0x448: {  	v25 =	vld [tilespmem:s10+$0x30]  }
0x449: {  	v19 =	vld [tilespmem:s10+$0xB0];
	_ =	sdelay $0x1  }
0x44a: {  	v24 =	vld.idx.msk [tilespmem:v20+s28+$0x0], $0xffff  }
0x44b: {  	v27 =	vmul.f32 v21, v10;
	v23 =	vmul.f32 v21, v12;
	v26 =	vld.idx.msk [tilespmem:v20+s29+$0x0], $0xffff  }
0x44c: {  	v29 =	vmul.f32 v25, v13;
	v22 =	vmul.f32 v25, v14  }
0x44d: {  	s8 =	simm.s32 $0x170C0;
	s15 =	simm.s32 $0xF0;
	v28 =	vmul.f32 v19, v16;
	v25 =	vmul.f32 v25, v15  }
.LBB2_16:
0x44e: {  	p2 =	sne.s32 s15, $0x7F0;
	v27 =	vadd.f32 v29, v27;
	s13 =	sadd.s32 $0x200, s13;
	s10 =	sadd.s32 $0x180, s10  }
0x44f: {  	s14 =	smov.u32 s15;
	s15 =	sadd.s32 $0x80, s15;
	v23 =	vadd.f32 v25, v23  }
0x450: {  	v24 =	vsub.f32 v26, v24;
	v26 =	vor.u32 $0x1, v20;
	v25 =	vadd.f32 v28, v27;
	_ =	sdelay $0x1  }
0x451: {  	v24 =	vadd.f32 v24, v25;
	_ =	sdelay $0x1  }
0x452: {  	[tilespmem:s8+$0xFFFFFFB0] =	vst v24  }
0x453: {  	v24 =	vld.idx.msk [tilespmem:v26+s28+$0x0], $0xffff  }
0x454: {  	v25 =	vld.idx.msk [tilespmem:v26+s29+$0x0], $0xffff;
	_ =	sdelay $0x1  }
0x455: {  	v21 =	vmul.f32 v21, v11;
	_ =	sdelay $0x1  }
0x456: {  	v21 =	vadd.f32 v22, v21;
	v22 =	vmul.f32 v19, v17;
	_ =	sdelay $0x1  }
0x457: {  	v20 =	vor.u32 $0x2, v20;
	v21 =	vadd.f32 v22, v21;
	v22 =	vsub.f32 v25, v24;
	_ =	sdelay $0x1  }
0x458: {  	v21 =	vadd.f32 v22, v21;
	_ =	sdelay $0x1  }
0x459: {  	[tilespmem:s8+$0x30] =	vst v21  }
0x45a: {  	v21 =	vld.idx.msk [tilespmem:v20+s28+$0x0], $0xffff  }
0x45b: {  	v20 =	vld.idx.msk [tilespmem:v20+s29+$0x0], $0xffff;
	_ =	sdelay $0x2  }
0x45c: {  	v19 =	vmul.f32 v19, v18;
	_ =	sdelay $0x1  }
0x45d: {  	s22 =	sadd.s32 $0xFFFFFF90, s14;
	v19 =	vadd.f32 v19, v23  }
0x45e: {  	v22 =	vmov s22;
	v20 =	vsub.f32 v20, v21  }
0x45f: {  	v21 =	vshll.u32 v22, $0x3  }
0x460: {  	v21 =	vor.u32 v9, v21;
	v19 =	vadd.f32 v20, v19;
	_ =	sdelay $0x1  }
0x461: {  	[tilespmem:s8+$0xB0] =	vst v19;
	s8 =	smov.u32 s13  }
0x462: {  	v19 =	vld [tilespmem:s10+$0xFFFFFF40]  }
0x463: {  	v20 =	vld [tilespmem:s10+$0x40]  }
0x464: {  	v22 =	vld [tilespmem:s10+$0xFFFFFFC0]  }
0x465: {  	v23 =	vld.idx.msk [tilespmem:v21+s28+$0x0], $0xffff  }
0x466: {  	v24 =	vld.idx.msk [tilespmem:v21+s29+$0x0], $0xffff;
	_ =	sdelay $0x1  }
0x467: {  	v25 =	vmul.f32 v19, v10;
	v26 =	vmul.f32 v20, v16  }
0x468: {  	v28 =	vmul.f32 v19, v12;
	v27 =	vmul.f32 v22, v13  }
0x469: {  	v29 =	vmul.f32 v22, v15  }
0x46a: {  	v25 =	vadd.f32 v27, v25;
	v27 =	vor.u32 $0x1, v21  }
0x46b: {  	v23 =	vsub.f32 v24, v23;
	v24 =	vadd.f32 v29, v28  }
0x46c: {  	v25 =	vadd.f32 v26, v25;
	_ =	sdelay $0x1  }
0x46d: {  	v23 =	vadd.f32 v23, v25;
	_ =	sdelay $0x1  }
0x46e: {  	v19 =	vmul.f32 v19, v11;
	v22 =	vmul.f32 v22, v14;
	[tilespmem:s13+$0xFFFFFF40] =	vst v23  }
0x46f: {  	v23 =	vld.idx.msk [tilespmem:v27+s28+$0x0], $0xffff  }
0x470: {  	v19 =	vadd.f32 v22, v19;
	v22 =	vmul.f32 v20, v17;
	v25 =	vld.idx.msk [tilespmem:v27+s29+$0x0], $0xffff;
	_ =	sdelay $0x1  }
0x471: {  	v19 =	vadd.f32 v22, v19;
	_ =	sdelay $0x2  }
0x472: {  	v21 =	vor.u32 $0x2, v21  }
0x473: {  	v22 =	vsub.f32 v25, v23;
	_ =	sdelay $0x1  }
0x474: {  	v19 =	vadd.f32 v22, v19;
	_ =	sdelay $0x1  }
0x475: {  	[tilespmem:s13+$0xFFFFFFC0] =	vst v19  }
0x476: {  	v19 =	vld.idx.msk [tilespmem:v21+s28+$0x0], $0xffff  }
0x477: {  	v21 =	vld.idx.msk [tilespmem:v21+s29+$0x0], $0xffff;
	_ =	sdelay $0x3  }
0x478: {  	v20 =	vmul.f32 v20, v18;
	_ =	sdelay $0x1  }
0x479: {  	s22 =	sadd.s32 $0xFFFFFFA0, s14;
	v20 =	vadd.f32 v20, v24;
	v19 =	vsub.f32 v21, v19  }
0x47a: {  	v21 =	vmov s22  }
0x47b: {  	v19 =	vadd.f32 v19, v20;
	v20 =	vshll.u32 v21, $0x3  }
0x47c: {  	v20 =	vor.u32 v9, v20  }
0x47d: {  	[tilespmem:s13+$0x40] =	vst v19  }
0x47e: {  	v19 =	vld [tilespmem:s10+$0xFFFFFF50]  }
0x47f: {  	v21 =	vld [tilespmem:s10+$0xFFFFFFD0]  }
0x480: {  	v22 =	vld [tilespmem:s10+$0x50]  }
0x481: {  	v23 =	vld.idx.msk [tilespmem:v20+s28+$0x0], $0xffff  }
0x482: {  	v24 =	vld.idx.msk [tilespmem:v20+s29+$0x0], $0xffff  }
0x483: {  	v25 =	vmul.f32 v19, v10;
	v26 =	vmul.f32 v19, v11  }
0x484: {  	v27 =	vmul.f32 v21, v13;
	v28 =	vmul.f32 v21, v14  }
0x485: {  	v19 =	vmul.f32 v19, v12;
	v21 =	vmul.f32 v21, v15  }
0x486: {  	v25 =	vadd.f32 v27, v25;
	v27 =	vmul.f32 v22, v16;
	v26 =	vadd.f32 v28, v26  }
0x487: {  	v19 =	vadd.f32 v21, v19  }
0x488: {  	v23 =	vsub.f32 v24, v23;
	v24 =	vor.u32 $0x1, v20;
	v21 =	vadd.f32 v27, v25;
	_ =	sdelay $0x1  }
0x489: {  	v21 =	vadd.f32 v23, v21;
	_ =	sdelay $0x1  }
0x48a: {  	[tilespmem:s13+$0xFFFFFF50] =	vst v21  }
0x48b: {  	v21 =	vld.idx.msk [tilespmem:v24+s28+$0x0], $0xffff  }
0x48c: {  	v23 =	vld.idx.msk [tilespmem:v24+s29+$0x0], $0xffff;
	_ =	sdelay $0x3  }
0x48d: {  	v24 =	vmul.f32 v22, v17;
	_ =	sdelay $0x1  }
0x48e: {  	v20 =	vor.u32 $0x2, v20;
	v24 =	vadd.f32 v24, v26;
	v21 =	vsub.f32 v23, v21;
	_ =	sdelay $0x1  }
0x48f: {  	v21 =	vadd.f32 v21, v24;
	_ =	sdelay $0x1  }
0x490: {  	[tilespmem:s13+$0xFFFFFFD0] =	vst v21  }
0x491: {  	v21 =	vld.idx.msk [tilespmem:v20+s28+$0x0], $0xffff  }
0x492: {  	v20 =	vld.idx.msk [tilespmem:v20+s29+$0x0], $0xffff;
	_ =	sdelay $0x3  }
0x493: {  	v22 =	vmul.f32 v22, v18;
	_ =	sdelay $0x1  }
0x494: {  	s22 =	sadd.s32 $0xFFFFFFB0, s14;
	v19 =	vadd.f32 v22, v19;
	v20 =	vsub.f32 v20, v21  }
0x495: {  	v21 =	vmov s22  }
0x496: {  	v19 =	vadd.f32 v20, v19;
	v20 =	vshll.u32 v21, $0x3  }
0x497: {  	v20 =	vor.u32 v9, v20  }
0x498: {  	[tilespmem:s13+$0x50] =	vst v19  }
0x499: {  	v19 =	vld [tilespmem:s10+$0xFFFFFF60]  }
0x49a: {  	v21 =	vld [tilespmem:s10+$0xFFFFFFE0]  }
0x49b: {  	v22 =	vld [tilespmem:s10+$0x60]  }
0x49c: {  	v23 =	vld.idx.msk [tilespmem:v20+s28+$0x0], $0xffff  }
0x49d: {  	v24 =	vld.idx.msk [tilespmem:v20+s29+$0x0], $0xffff  }
0x49e: {  	v25 =	vmul.f32 v19, v10;
	v26 =	vmul.f32 v19, v11  }
0x49f: {  	v27 =	vmul.f32 v21, v13;
	v28 =	vmul.f32 v21, v14  }
0x4a0: {  	v19 =	vmul.f32 v19, v12;
	v21 =	vmul.f32 v21, v15  }
0x4a1: {  	v25 =	vadd.f32 v27, v25;
	v27 =	vmul.f32 v22, v16;
	v26 =	vadd.f32 v28, v26  }
0x4a2: {  	v19 =	vadd.f32 v21, v19  }
0x4a3: {  	v23 =	vsub.f32 v24, v23;
	v24 =	vor.u32 $0x1, v20;
	v21 =	vadd.f32 v27, v25;
	_ =	sdelay $0x1  }
0x4a4: {  	v21 =	vadd.f32 v23, v21;
	_ =	sdelay $0x1  }
0x4a5: {  	[tilespmem:s13+$0xFFFFFF60] =	vst v21  }
0x4a6: {  	v21 =	vld.idx.msk [tilespmem:v24+s28+$0x0], $0xffff;
	_ =	sdelay $0x4  }
0x4a7: {  	v23 =	vld.idx.msk [tilespmem:v24+s29+$0x0], $0xffff;
	_ =	sdelay $0x3  }
0x4a8: {  	v24 =	vmul.f32 v22, v17;
	_ =	sdelay $0x1  }
0x4a9: {  	v20 =	vor.u32 $0x2, v20;
	v24 =	vadd.f32 v24, v26;
	v21 =	vsub.f32 v23, v21;
	_ =	sdelay $0x1  }
0x4aa: {  	v21 =	vadd.f32 v21, v24;
	_ =	sdelay $0x1  }
0x4ab: {  	[tilespmem:s13+$0xFFFFFFE0] =	vst v21  }
0x4ac: {  	v21 =	vld.idx.msk [tilespmem:v20+s28+$0x0], $0xffff  }
0x4ad: {  	v20 =	vld.idx.msk [tilespmem:v20+s29+$0x0], $0xffff;
	_ =	sdelay $0x3  }
0x4ae: {  	v22 =	vmul.f32 v22, v18;
	_ =	sdelay $0x1  }
0x4af: {  	s22 =	sadd.s32 $0xFFFFFFC0, s14;
	v19 =	vadd.f32 v22, v19;
	v20 =	vsub.f32 v20, v21  }
0x4b0: {  	v21 =	vmov s22  }
0x4b1: {  	v19 =	vadd.f32 v20, v19;
	v20 =	vshll.u32 v21, $0x3  }
0x4b2: {  	v20 =	vor.u32 v9, v20  }
0x4b3: {  	[tilespmem:s13+$0x60] =	vst v19  }
0x4b4: {  	v19 =	vld [tilespmem:s10+$0xFFFFFF70]  }
0x4b5: {  	v21 =	vld [tilespmem:s10+$0xFFFFFFF0]  }
0x4b6: {  	v22 =	vld [tilespmem:s10+$0x70]  }
0x4b7: {  	v23 =	vld.idx.msk [tilespmem:v20+s28+$0x0], $0xffff  }
0x4b8: {  	v24 =	vld.idx.msk [tilespmem:v20+s29+$0x0], $0xffff  }
0x4b9: {  	v25 =	vmul.f32 v19, v10;
	v26 =	vmul.f32 v19, v11  }
0x4ba: {  	v27 =	vmul.f32 v21, v13;
	v28 =	vmul.f32 v21, v14  }
0x4bb: {  	v19 =	vmul.f32 v19, v12;
	v21 =	vmul.f32 v21, v15  }
0x4bc: {  	v25 =	vadd.f32 v27, v25;
	v27 =	vmul.f32 v22, v16;
	v26 =	vadd.f32 v28, v26  }
0x4bd: {  	v19 =	vadd.f32 v21, v19  }
0x4be: {  	v23 =	vsub.f32 v24, v23;
	v24 =	vor.u32 $0x1, v20;
	v21 =	vadd.f32 v27, v25;
	_ =	sdelay $0x1  }
0x4bf: {  	v21 =	vadd.f32 v23, v21;
	_ =	sdelay $0x1  }
0x4c0: {  	[tilespmem:s13+$0xFFFFFF70] =	vst v21  }
0x4c1: {  	v21 =	vld.idx.msk [tilespmem:v24+s28+$0x0], $0xffff  }
0x4c2: {  	v23 =	vld.idx.msk [tilespmem:v24+s29+$0x0], $0xffff;
	_ =	sdelay $0x3  }
0x4c3: {  	v24 =	vmul.f32 v22, v17;
	_ =	sdelay $0x1  }
0x4c4: {  	v20 =	vor.u32 $0x2, v20;
	v24 =	vadd.f32 v24, v26;
	v21 =	vsub.f32 v23, v21;
	_ =	sdelay $0x1  }
0x4c5: {  	v21 =	vadd.f32 v21, v24;
	_ =	sdelay $0x1  }
0x4c6: {  	[tilespmem:s13+$0xFFFFFFF0] =	vst v21  }
0x4c7: {  	v21 =	vld.idx.msk [tilespmem:v20+s28+$0x0], $0xffff  }
0x4c8: {  	v20 =	vld.idx.msk [tilespmem:v20+s29+$0x0], $0xffff;
	_ =	sdelay $0x3  }
0x4c9: {  	v22 =	vmul.f32 v22, v18;
	_ =	sdelay $0x1  }
0x4ca: {  	s22 =	sadd.s32 $0xFFFFFFD0, s14;
	v19 =	vadd.f32 v22, v19;
	v20 =	vsub.f32 v20, v21  }
0x4cb: {  	v21 =	vmov s22  }
0x4cc: {  	v19 =	vadd.f32 v20, v19;
	v20 =	vshll.u32 v21, $0x3  }
0x4cd: {  	v20 =	vor.u32 v9, v20  }
0x4ce: {  	[tilespmem:s13+$0x70] =	vst v19  }
0x4cf: {  	v19 =	vld [tilespmem:s10+$0xFFFFFF80]  }
0x4d0: {  	v21 =	vld [tilespmem:s10+$0x0]  }
0x4d1: {  	v22 =	vld [tilespmem:s10+$0x80]  }
0x4d2: {  	v23 =	vld.idx.msk [tilespmem:v20+s28+$0x0], $0xffff  }
0x4d3: {  	v24 =	vld.idx.msk [tilespmem:v20+s29+$0x0], $0xffff  }
0x4d4: {  	v25 =	vmul.f32 v19, v10;
	v26 =	vmul.f32 v19, v11  }
0x4d5: {  	v27 =	vmul.f32 v21, v13;
	v28 =	vmul.f32 v21, v14  }
0x4d6: {  	v19 =	vmul.f32 v19, v12;
	v21 =	vmul.f32 v21, v15  }
0x4d7: {  	v25 =	vadd.f32 v27, v25;
	v27 =	vmul.f32 v22, v16;
	v26 =	vadd.f32 v28, v26  }
0x4d8: {  	v19 =	vadd.f32 v21, v19  }
0x4d9: {  	v23 =	vsub.f32 v24, v23;
	v24 =	vor.u32 $0x1, v20;
	v21 =	vadd.f32 v27, v25;
	_ =	sdelay $0x1  }
0x4da: {  	v21 =	vadd.f32 v23, v21;
	_ =	sdelay $0x1  }
0x4db: {  	[tilespmem:s13+$0xFFFFFF80] =	vst v21  }
0x4dc: {  	v21 =	vld.idx.msk [tilespmem:v24+s28+$0x0], $0xffff  }
0x4dd: {  	v23 =	vld.idx.msk [tilespmem:v24+s29+$0x0], $0xffff;
	_ =	sdelay $0x3  }
0x4de: {  	v24 =	vmul.f32 v22, v17;
	_ =	sdelay $0x1  }
0x4df: {  	v20 =	vor.u32 $0x2, v20;
	v24 =	vadd.f32 v24, v26;
	v21 =	vsub.f32 v23, v21;
	_ =	sdelay $0x1  }
0x4e0: {  	v21 =	vadd.f32 v21, v24;
	_ =	sdelay $0x1  }
0x4e1: {  	[tilespmem:s13+$0x0] =	vst v21  }
0x4e2: {  	v21 =	vld.idx.msk [tilespmem:v20+s28+$0x0], $0xffff  }
0x4e3: {  	v20 =	vld.idx.msk [tilespmem:v20+s29+$0x0], $0xffff;
	_ =	sdelay $0x3  }
0x4e4: {  	v22 =	vmul.f32 v22, v18;
	_ =	sdelay $0x1  }
0x4e5: {  	s22 =	sadd.s32 $0xFFFFFFE0, s14;
	v19 =	vadd.f32 v22, v19;
	v20 =	vsub.f32 v20, v21  }
0x4e6: {  	v21 =	vmov s22  }
0x4e7: {  	v19 =	vadd.f32 v20, v19;
	v20 =	vshll.u32 v21, $0x3  }
0x4e8: {  	v20 =	vor.u32 v9, v20  }
0x4e9: {  	[tilespmem:s13+$0x80] =	vst v19  }
0x4ea: {  	v19 =	vld [tilespmem:s10+$0xFFFFFF90]  }
0x4eb: {  	v21 =	vld [tilespmem:s10+$0x10]  }
0x4ec: {  	v22 =	vld [tilespmem:s10+$0x90]  }
0x4ed: {  	v23 =	vld.idx.msk [tilespmem:v20+s28+$0x0], $0xffff  }
0x4ee: {  	v24 =	vld.idx.msk [tilespmem:v20+s29+$0x0], $0xffff  }
0x4ef: {  	v25 =	vmul.f32 v19, v10;
	v26 =	vmul.f32 v19, v11  }
0x4f0: {  	v27 =	vmul.f32 v21, v13;
	v28 =	vmul.f32 v21, v14  }
0x4f1: {  	v19 =	vmul.f32 v19, v12;
	v21 =	vmul.f32 v21, v15  }
0x4f2: {  	v25 =	vadd.f32 v27, v25;
	v27 =	vmul.f32 v22, v16;
	v26 =	vadd.f32 v28, v26  }
0x4f3: {  	v19 =	vadd.f32 v21, v19  }
0x4f4: {  	v23 =	vsub.f32 v24, v23;
	v24 =	vor.u32 $0x1, v20;
	v21 =	vadd.f32 v27, v25;
	_ =	sdelay $0x1  }
0x4f5: {  	v21 =	vadd.f32 v23, v21;
	_ =	sdelay $0x1  }
0x4f6: {  	[tilespmem:s13+$0xFFFFFF90] =	vst v21  }
0x4f7: {  	v21 =	vld.idx.msk [tilespmem:v24+s28+$0x0], $0xffff  }
0x4f8: {  	v23 =	vld.idx.msk [tilespmem:v24+s29+$0x0], $0xffff;
	_ =	sdelay $0x3  }
0x4f9: {  	v24 =	vmul.f32 v22, v17;
	_ =	sdelay $0x1  }
0x4fa: {  	v20 =	vor.u32 $0x2, v20;
	v24 =	vadd.f32 v24, v26;
	v21 =	vsub.f32 v23, v21;
	_ =	sdelay $0x1  }
0x4fb: {  	v21 =	vadd.f32 v21, v24;
	_ =	sdelay $0x1  }
0x4fc: {  	[tilespmem:s13+$0x10] =	vst v21  }
0x4fd: {  	v21 =	vld.idx.msk [tilespmem:v20+s28+$0x0], $0xffff  }
0x4fe: {  	v20 =	vld.idx.msk [tilespmem:v20+s29+$0x0], $0xffff;
	_ =	sdelay $0x3  }
0x4ff: {  	v22 =	vmul.f32 v22, v18;
	_ =	sdelay $0x1  }
0x500: {  	s22 =	sadd.s32 $0xFFFFFFF0, s14;
	v19 =	vadd.f32 v22, v19;
	v20 =	vsub.f32 v20, v21  }
0x501: {  	v21 =	vmov s22  }
0x502: {  	v19 =	vadd.f32 v20, v19;
	v20 =	vshll.u32 v21, $0x3  }
0x503: {  	v20 =	vor.u32 v9, v20  }
0x504: {  	[tilespmem:s13+$0x90] =	vst v19  }
0x505: {  	v19 =	vld [tilespmem:s10+$0xFFFFFFA0]  }
0x506: {  	v21 =	vld [tilespmem:s10+$0x20]  }
0x507: {  	v22 =	vld [tilespmem:s10+$0xA0]  }
0x508: {  	v23 =	vld.idx.msk [tilespmem:v20+s28+$0x0], $0xffff  }
0x509: {  	v24 =	vld.idx.msk [tilespmem:v20+s29+$0x0], $0xffff  }
0x50a: {  	v25 =	vmul.f32 v19, v10;
	v26 =	vmul.f32 v19, v12  }
0x50b: {  	v27 =	vmul.f32 v21, v13;
	v28 =	vmul.f32 v21, v15;
	_ =	sdelay $0x1  }
0x50c: {  	v25 =	vadd.f32 v27, v25;
	v27 =	vmul.f32 v22, v16;
	v26 =	vadd.f32 v28, v26;
	_ =	sdelay $0x1  }
0x50d: {  	v23 =	vsub.f32 v24, v23;
	v24 =	vor.u32 $0x1, v20;
	v25 =	vadd.f32 v27, v25;
	_ =	sdelay $0x1  }
0x50e: {  	v23 =	vadd.f32 v23, v25;
	_ =	sdelay $0x1  }
0x50f: {  	[tilespmem:s13+$0xFFFFFFA0] =	vst v23  }
0x510: {  	v23 =	vld.idx.msk [tilespmem:v24+s28+$0x0], $0xffff  }
0x511: {  	v24 =	vld.idx.msk [tilespmem:v24+s29+$0x0], $0xffff;
	_ =	sdelay $0x1  }
0x512: {  	v19 =	vmul.f32 v19, v11;
	v21 =	vmul.f32 v21, v14;
	_ =	sdelay $0x1  }
0x513: {  	v19 =	vadd.f32 v21, v19;
	v21 =	vmul.f32 v22, v17;
	_ =	sdelay $0x1  }
0x514: {  	v20 =	vor.u32 $0x2, v20;
	v19 =	vadd.f32 v21, v19;
	v21 =	vsub.f32 v24, v23;
	_ =	sdelay $0x1  }
0x515: {  	v19 =	vadd.f32 v21, v19;
	_ =	sdelay $0x1  }
0x516: {  	[tilespmem:s13+$0x20] =	vst v19  }
0x517: {  	v19 =	vld.idx.msk [tilespmem:v20+s28+$0x0], $0xffff  }
0x518: {  	v20 =	vld.idx.msk [tilespmem:v20+s29+$0x0], $0xffff;
	_ =	sdelay $0x3  }
0x519: {  	v21 =	vmul.f32 v22, v18;
	_ =	sdelay $0x1  }
0x51a: {  	v21 =	vadd.f32 v21, v26;
	v19 =	vsub.f32 v20, v19  }
0x51b: {  	v20 =	vmov s14  }
0x51c: {  	v20 =	vshll.u32 v20, $0x3;
	v19 =	vadd.f32 v19, v21  }
0x51d: {  	v20 =	vor.u32 v9, v20  }
0x51e: {  	[tilespmem:s13+$0xA0] =	vst v19  }
0x51f: {  	v21 =	vld [tilespmem:s10+$0xFFFFFFB0]  }
0x520: {  	v25 =	vld [tilespmem:s10+$0x30]  }
0x521: {  	v19 =	vld [tilespmem:s10+$0xB0]  }
.Ltmp12:
0x522: {  	v24 =	vld.idx.msk [tilespmem:v20+s28+$0x0], $0xffff;
	(pc) =	sbr.rel @p2 .LBB2_16-.Ltmp12, $4  }
0x523: {  	v26 =	vld.idx.msk [tilespmem:v20+s29+$0x0], $0xffff  }
0x524: {  	v27 =	vmul.f32 v21, v10;
	v23 =	vmul.f32 v21, v12  }
0x525: {  	v29 =	vmul.f32 v25, v13;
	v22 =	vmul.f32 v25, v14  }
0x526: {  	v25 =	vmul.f32 v25, v15;
	v28 =	vmul.f32 v19, v16  }
0x527: {  	v27 =	vadd.f32 v29, v27;
	_ =	sdelay $0x1  }
0x528: {  	v60 =	vor.u32 $0x1, v20;
	v24 =	vsub.f32 v26, v24;
	v27 =	vadd.f32 v28, v27;
	_ =	sdelay $0x1  }
0x529: {  	v24 =	vadd.f32 v24, v27;
	_ =	sdelay $0x1  }
0x52a: {  	[tilespmem:s8+$0xFFFFFFB0] =	vst v24  }
0x52b: {  	v24 =	vld.idx.msk [tilespmem:v60+s28+$0x0], $0xffff  }
0x52c: {  	v26 =	vld.idx.msk [tilespmem:v60+s29+$0x0], $0xffff  }
0x52d: {  	v21 =	vmul.f32 v21, v11;
	_ =	sdelay $0x1  }
0x52e: {  	v61 =	vmul.f32 v19, v17;
	v21 =	vadd.f32 v22, v21;
	_ =	sdelay $0x1  }
0x52f: {  	v20 =	vor.u32 $0x2, v20;
	v21 =	vadd.f32 v61, v21;
	v62 =	vsub.f32 v26, v24;
	_ =	sdelay $0x1  }
0x530: {  	v21 =	vadd.f32 v62, v21;
	_ =	sdelay $0x1  }
0x531: {  	[tilespmem:s8+$0x30] =	vst v21  }
0x532: {  	v21 =	vld.idx.msk [tilespmem:v20+s28+$0x0], $0xffff  }
0x533: {  	v20 =	vld.idx.msk [tilespmem:v20+s29+$0x0], $0xffff;
	_ =	sdelay $0x2  }
0x534: {  	v19 =	vmul.f32 v19, v18;
	v63 =	vadd.f32 v25, v23;
	_ =	sdelay $0x1  }
0x535: {  	v19 =	vadd.f32 v19, v63;
	v20 =	vsub.f32 v20, v21  }
.Ltmp13:
0x536: {  	_ = 	snop;
	(pc) =	sbr.rel .LBB2_18-.Ltmp13, $4  }
0x537: {  	v19 =	vadd.f32 v20, v19  }
0x538: {  	s9 =	sshll.u32 s9, $0xA  }
0x539: {  	s22 =	simm.s32 $0x17000;
	s15 =	sadd.s32 s7, s9;
	[tilespmem:s8+$0xB0] =	vst v19  }
0x53a: {  	[hbm4b:s15+s3] =	stream.linear.scatter [tilespmem:s22], [sflag:$0x8], $0x2000, $0x38;
	[tilespmem:$0x19090] =	vst v63  }
.LBB2_20:
0x53b: {  	_ =	sfence.sel $0x180000  }
0x53c: {  	[bflag:$0x0] =	sbarrier.arrive $0xFFFF  }
0x53d: {  	_ =	strace $0x90000047  }
0x53e: {  	s0 =	stileid.u32;
	[bflag:$0x2] =	sbarrier.arrive $0xFFFF  }
0x53f: {  	p0 =	sne.s32 s0, $0x0;
	s0 =	rddreg [dreg:$0x3]  }
0x540: {  	s0 =	sadd.s32 @!p0 $0x100000, s0  }
0x541: {  	[sflag:s0] =	ssyncadd.tile.s32 @!p0 $0x1;
	_ =	shalt  }
.Lfunc_end2:
_tile_overlayer_lowered:
.L_overlay_start_2:
0x542: {  	(tag) =	ssettag $0x2  }
0x543: {  	s0 =	rddreg [dreg:$0x0];
	s2 =	stileid.u32  }
0x544: {  	s1 =	rddreg [dreg:$0x1];
	p0 =	sne.s32 s2, $0x0  }
0x545: {  	s3 =	rddreg [dreg:$0x2];
	[bflag:$0x3] =	sbarrier.arrive $0xFFFF;
	s2 =	simm.s32 @!p0 $0x1C09  }
0x546: {  	[timem:s3], [sflag:s2] =	dma.local @!p0 [hbm:s0], s1  }
0x547: {  	s0 =	simm.s32 @!p0 $0x9  }
0x548: {  	_ =	swait.ge @!p0 [sflag:s0], s1  }
0x549: {  	s1 =	ssub.s32 @!p0 $0x0, s1;
	[sflag:s0] =	ssyncset.done @!p0 $0x0  }
0x54a: {  	[sflag:s0] =	ssyncadd.s32 @!p0 s1  }
0x54b: {  	[bflag:$0x3] =	sbarrier.arrive $0xFFFF  }
0x54c: {  	_ =	shalt  }

</sc_bundles>
